<compile_context>
chip_gen: v7x
topology: tpu7x:2x2x1
jax: 0.10.2.dev20260603
libtpu: 0.0.44.dev20260713+nightly
codegen_flags: <defaults>
</compile_context>

<pallas_src>
import functools

import jax
import jax.numpy as jnp
from jax import lax
from jax.experimental import pallas as pl
from jax.experimental.pallas import tpu as pltpu
from jax.experimental.pallas import tpu_sc as plsc

N = 10000
D = 128
NP = 10240
ACC = 10240
NB = NP // 128
NW = 32


def _fill(ref, rows, cols, value):
    v = jnp.full((16,), value, jnp.float32)

    def body(i, c):
        r = i // (cols // 16)
        j = i % (cols // 16)
        ref[r, pl.ds(j * 16, 16)] = v
        return c

    lax.fori_loop(0, rows * (cols // 16), body, 0)


def _seg_body(y, src2d, dst2d, out, sidxb, didx0, didx1, rows0, rows1, acc,
              gs0, gs1, ds0, ds1, ss):
    cid = lax.axis_index("c")
    sid = lax.axis_index("s")
    wid = sid * 2 + cid
    _fill(rows0, 128, 128, 0.0)

    @pl.loop(0, ACC // 16 // 128)
    def _(j):
        pltpu.async_copy(
            rows0, acc.at[pl.ds(sid * (ACC // 16) + j * 128, 128)],
            ss).wait()

    plsc.subcore_barrier()

    nchunk = src2d.shape[0] // 128 // NW
    hc = sidxb.shape[0] // 128
    base = wid * nchunk

    def gather(b, j, rbuf, gsem):
        pltpu.async_copy(y.at[sidxb.at[pl.ds(j * 128, 128)]], rbuf, gsem)
        pltpu.async_copy(dst2d.at[b + j], didx0 if rbuf is rows0 else didx1,
                         ds0 if rbuf is rows0 else ds1)

    def scatter(b, rbuf, gsem, dsem, dbuf):
        pltpu.make_async_copy(y.at[sidxb.at[pl.ds(0, 128)]], rbuf,
                              gsem).wait()
        pltpu.make_async_copy(dst2d.at[b], dbuf, dsem).wait()
        pltpu.async_copy(rbuf, acc.at[dbuf], ss, add=True).wait()

    @pl.loop(0, nchunk // hc)
    def _(h):
        hb = base + h * hc
        pltpu.async_copy(src2d.at[pl.ds(hb * 128, hc * 128)], sidxb,
                         ss).wait()
        gather(hb, 0, rows0, gs0)

        @pl.loop(0, hc // 2 - 1)
        def _(t):
            gather(hb, 2 * t + 1, rows1, gs1)
            scatter(hb, rows0, gs0, ds0, didx0)
            gather(hb, 2 * t + 2, rows0, gs0)
            scatter(hb, rows1, gs1, ds1, didx1)

        gather(hb, hc - 1, rows1, gs1)
        scatter(hb, rows0, gs0, ds0, didx0)
        scatter(hb, rows1, gs1, ds1, didx1)

    plsc.subcore_barrier()

    @pl.loop(0, ACC // 16 // 128)
    def _(j):
        r0 = sid * (ACC // 16) + j * 128
        pltpu.async_copy(acc.at[pl.ds(r0, 128)], rows0, ss).wait()
        pltpu.async_copy(rows0, out.at[cid, pl.ds(r0, 128)], ss).wait()


def _seg_call(y, src2d, dst2d):
    hc = src2d.shape[0] // NW // 2
    k = functools.partial(
        pl.kernel,
        out_type=jax.ShapeDtypeStruct((2, NP, D), jnp.float32),
        mesh=plsc.VectorSubcoreMesh(core_axis_name="c", subcore_axis_name="s"),
        scratch_types=[
            pltpu.VMEM((hc * 128,), jnp.int32),
            pltpu.VMEM((128,), jnp.int32),
            pltpu.VMEM((128,), jnp.int32),
            pltpu.VMEM((128, D), jnp.float32),
            pltpu.VMEM((128, D), jnp.float32),
            pltpu.VMEM_SHARED((ACC, D), jnp.float32),
            pltpu.SemaphoreType.DMA,
            pltpu.SemaphoreType.DMA,
            pltpu.SemaphoreType.DMA,
            pltpu.SemaphoreType.DMA,
            pltpu.SemaphoreType.DMA,
        ],
    )(_seg_body)
    return k(y, src2d.reshape(-1), dst2d)


def _dinv_body(s_ref, o_ref):
    deg = s_ref[0, :, 0:1] + s_ref[1, :, 0:1] + 1.0
    o_ref[...] = lax.rsqrt(deg)


def _dinv_call(S):
    return pl.pallas_call(
        _dinv_body,
        grid=(NB,),
        in_specs=[pl.BlockSpec((2, 128, D), lambda g: (0, g, 0))],
        out_specs=pl.BlockSpec((128, 1), lambda g: (g, 0)),
        out_shape=jax.ShapeDtypeStruct((NP, 1), jnp.float32),
    )(S)


def _k1_body(x_ref, w_ref, dinv_ref, o_ref):
    o_ref[...] = jnp.dot(x_ref[...], w_ref[...],
                         preferred_element_type=jnp.float32) * dinv_ref[...]


def _k1_call(xpad, W, dinv):
    return pl.pallas_call(
        _k1_body,
        grid=(NB,),
        in_specs=[
            pl.BlockSpec((128, D), lambda g: (g, 0)),
            pl.BlockSpec((D, D), lambda g: (0, 0)),
            pl.BlockSpec((128, 1), lambda g: (g, 0)),
        ],
        out_specs=pl.BlockSpec((128, D), lambda g: (g, 0)),
        out_shape=jax.ShapeDtypeStruct((NP, D), jnp.float32),
    )(xpad, W, dinv)


def _k2_body(y_ref, s_ref, dinv_ref, b_ref, w_ref, o_ref):
    s = s_ref[0] + s_ref[1]
    dinv = dinv_ref[...]
    h = jnp.maximum(dinv * (y_ref[...] + s) + b_ref[...], 0.0)
    o_ref[...] = jnp.dot(h, w_ref[...],
                         preferred_element_type=jnp.float32) * dinv


def _k2_call(y, S, dinv, b, W2):
    return pl.pallas_call(
        _k2_body,
        grid=(NB,),
        in_specs=[
            pl.BlockSpec((128, D), lambda g: (g, 0)),
            pl.BlockSpec((2, 128, D), lambda g: (0, g, 0)),
            pl.BlockSpec((128, 1), lambda g: (g, 0)),
            pl.BlockSpec((1, D), lambda g: (0, 0)),
            pl.BlockSpec((D, D), lambda g: (0, 0)),
        ],
        out_specs=pl.BlockSpec((128, D), lambda g: (g, 0)),
        out_shape=jax.ShapeDtypeStruct((NP, D), jnp.float32),
    )(y, S, dinv, b.reshape(1, D), W2)


def _k3_body(y_ref, s_ref, dinv_ref, b_ref, o_ref):
    g = pl.program_id(0)
    s = s_ref[0] + s_ref[1]
    h = jnp.maximum(dinv_ref[...] * (y_ref[...] + s) + b_ref[...], 0.0)
    r = g * 128 + lax.broadcasted_iota(jnp.int32, (128, 1), 0)
    h = jnp.where(r < N, h, 0.0)
    part = jnp.sum(h, axis=0, keepdims=True)

    @pl.when(g == 0)
    def _():
        o_ref[...] = part

    @pl.when(g > 0)
    def _():
        o_ref[...] = o_ref[...] + part


def _k3_call(y2, S2, dinv, b):
    return pl.pallas_call(
        _k3_body,
        grid=(NB,),
        in_specs=[
            pl.BlockSpec((128, D), lambda g: (g, 0)),
            pl.BlockSpec((2, 128, D), lambda g: (0, g, 0)),
            pl.BlockSpec((128, 1), lambda g: (g, 0)),
            pl.BlockSpec((1, D), lambda g: (0, 0)),
        ],
        out_specs=pl.BlockSpec((1, D), lambda g: (0, 0)),
        out_shape=jax.ShapeDtypeStruct((1, D), jnp.float32),
    )(y2, S2, dinv, b.reshape(1, D))


def _k4_body(pp_ref, pd_ref, w1_ref, b1_ref, w2_ref, b2_ref, o_ref):
    inv_n = jnp.float32(1.0 / N)
    z = (jnp.dot(pp_ref[...] * inv_n, w1_ref[0],
                 preferred_element_type=jnp.float32)
         + jnp.dot(pd_ref[...] * inv_n, w1_ref[1],
                   preferred_element_type=jnp.float32)
         + b1_ref[...])
    h = jnp.maximum(z, 0.0)
    o_ref[...] = jnp.dot(h, w2_ref[...],
                         preferred_element_type=jnp.float32) + b2_ref[...]


def _pad_edges(e, mult, trash):
    src = e[0].astype(jnp.int32)
    dst = e[1].astype(jnp.int32)
    ne = src.shape[0]
    npad = -ne % mult
    src = jnp.concatenate([src, jnp.zeros((npad,), jnp.int32)])
    dst = jnp.concatenate([dst, jnp.full((npad,), trash, jnp.int32)])
    return src.reshape(-1, 128), dst.reshape(-1, 128)


def kernel(protein_x, protein_edge_index, drug_x, drug_edge_index,
           Wp1, bp1, Wp2, bp2, Wd1, bd1, Wd2, bd2, Wfc1, bfc1, Wfc2, bfc2):
    psrc, pdst = _pad_edges(protein_edge_index, NW * 128, N + 16)
    dsrc, ddst = _pad_edges(drug_edge_index, NW * 128, N + 16)
    xp = jnp.pad(protein_x, ((0, NP - N), (0, 0)))
    xd = jnp.pad(drug_x, ((0, NP - N), (0, 0)))
    ones = jnp.ones((NP, D), jnp.float32)

    dinv_p = _dinv_call(_seg_call(ones, psrc, pdst))
    dinv_d = _dinv_call(_seg_call(ones, dsrc, ddst))

    y1p = _k1_call(xp, Wp1, dinv_p)
    S1p = _seg_call(y1p, psrc, pdst)
    y2p = _k2_call(y1p, S1p, dinv_p, bp1, Wp2)
    S2p = _seg_call(y2p, psrc, pdst)
    pp = _k3_call(y2p, S2p, dinv_p, bp2)

    y1d = _k1_call(xd, Wd1, dinv_d)
    S1d = _seg_call(y1d, dsrc, ddst)
    y2d = _k2_call(y1d, S1d, dinv_d, bd1, Wd2)
    S2d = _seg_call(y2d, dsrc, ddst)
    pd = _k3_call(y2d, S2d, dinv_d, bd2)

    out = pl.pallas_call(
        _k4_body,
        out_shape=jax.ShapeDtypeStruct((1, 1), jnp.float32),
    )(pp, pd, Wfc1.reshape(2, D, D), bfc1.reshape(1, D), Wfc2,
      bfc2.reshape(1, 1))
    return out.reshape(1)

# --- scband reference (transcript-rebuilt; emitter-appended) ---
"""Pipeline reference for scband-gsf-dta-44487271252216 (READ-ONLY COPY).

The authoritative reference and input builder live on the scoring server;
editing this copy changes nothing except your own understanding.
"""

import jax, jax.numpy as jnp
import numpy as np

N_P = 10000
E_P = 320000
N_D = 10000
E_D = 160000
D_IN = 128
D_H = 128
D_OUT = 1


def gcn_conv(x, edge_index, W, b, num_nodes):
    # Faithful PyG GCNConv: add self-loops, symmetric normalization, linear, scatter-add, bias
    src = edge_index[0]
    dst = edge_index[1]
    loop = jnp.arange(num_nodes, dtype=src.dtype)
    src = jnp.concatenate([src, loop])
    dst = jnp.concatenate([dst, loop])
    xw = x @ W
    deg = jnp.zeros((num_nodes,), dtype=x.dtype).at[dst].add(1.0)
    dinv = jax.lax.rsqrt(jnp.maximum(deg, 1.0))
    norm = dinv[src] * dinv[dst]
    msg = jnp.take(xw, src, axis=0) * norm[:, None]
    out = jax.ops.segment_sum(msg, dst, num_segments=num_nodes)
    return out + b


def setup_inputs(seed: int = 0) -> dict:
    key = jax.random.key(seed)
    ks = jax.random.split(key, 20)
    protein_x = jax.random.normal(ks[0], (N_P, D_IN), dtype=jnp.float32)
    protein_edge_index = jax.random.randint(ks[1], (2, E_P), 0, N_P, dtype=jnp.int64)
    drug_x = jax.random.normal(ks[2], (N_D, D_IN), dtype=jnp.float32)
    drug_edge_index = jax.random.randint(ks[3], (2, E_D), 0, N_D, dtype=jnp.int64)
    s = 1.0 / np.sqrt(D_IN)
    sh = 1.0 / np.sqrt(D_H)
    s2h = 1.0 / np.sqrt(2 * D_H)
    Wp1 = jax.random.uniform(ks[4], (D_IN, D_H), jnp.float32, -s, s)
    bp1 = jnp.zeros((D_H,), jnp.float32)
    Wp2 = jax.random.uniform(ks[5], (D_H, D_H), jnp.float32, -sh, sh)
    bp2 = jnp.zeros((D_H,), jnp.float32)
    Wd1 = jax.random.uniform(ks[6], (D_IN, D_H), jnp.float32, -s, s)
    bd1 = jnp.zeros((D_H,), jnp.float32)
    Wd2 = jax.random.uniform(ks[7], (D_H, D_H), jnp.float32, -sh, sh)
    bd2 = jnp.zeros((D_H,), jnp.float32)
    Wfc1 = jax.random.uniform(ks[8], (2 * D_H, D_H), jnp.float32, -s2h, s2h)
    bfc1 = jax.random.uniform(ks[9], (D_H,), jnp.float32, -s2h, s2h)
    Wfc2 = jax.random.uniform(ks[10], (D_H, D_OUT), jnp.float32, -sh, sh)
    bfc2 = jax.random.uniform(ks[11], (D_OUT,), jnp.float32, -sh, sh)
    return {"protein_x": protein_x, "protein_edge_index": protein_edge_index,
            "drug_x": drug_x, "drug_edge_index": drug_edge_index,
            "Wp1": Wp1, "bp1": bp1, "Wp2": Wp2, "bp2": bp2,
            "Wd1": Wd1, "bd1": bd1, "Wd2": Wd2, "bd2": bd2,
            "Wfc1": Wfc1, "bfc1": bfc1, "Wfc2": Wfc2, "bfc2": bfc2}


def reference(protein_x, protein_edge_index, drug_x, drug_edge_index,
              Wp1, bp1, Wp2, bp2, Wd1, bd1, Wd2, bd2, Wfc1, bfc1, Wfc2, bfc2):
    px = gcn_conv(protein_x, protein_edge_index, Wp1, bp1, N_P)
    px = jax.nn.relu(px)
    px = gcn_conv(px, protein_edge_index, Wp2, bp2, N_P)
    px = jax.nn.relu(px)
    px = px.mean(axis=0)
    dx = gcn_conv(drug_x, drug_edge_index, Wd1, bd1, N_D)
    dx = jax.nn.relu(dx)
    dx = gcn_conv(dx, drug_edge_index, Wd2, bd2, N_D)
    dx = jax.nn.relu(dx)
    dx = dx.mean(axis=0)
    combined = jnp.concatenate([px, dx], axis=0)
    h = jax.nn.relu(combined @ Wfc1 + bfc1)
    out = h @ Wfc2 + bfc2
    return out

if __name__ == "__main__":
    import jax
    _d = setup_inputs()
    print(jax.jit(kernel)(*tuple(_d.values())))

</pallas_src>

<mosaic_0001>
#map = affine_map<(d0, d1) -> (0, 0)>
#map1 = affine_map<(d0, d1) -> (0)>
#map2 = affine_map<(d0, d1) -> (0, 0, 0)>
module attributes {stable_mosaic.version = 14 : i64} {
  func.func @_seg_body(%arg0: i32, %arg1: i32, %arg2: memref<10240x128xf32, #tpu.memory_space<hbm>>, %arg3: memref<323584xi32, #tpu.memory_space<hbm>>, %arg4: memref<2528x128xi32, #tpu.memory_space<hbm>>, %arg5: memref<2x10240x128xf32, #tpu.memory_space<hbm>>, %arg6: memref<4992xi32, #tpu.memory_space<vmem>>, %arg7: memref<128xi32, #tpu.memory_space<vmem>>, %arg8: memref<128xi32, #tpu.memory_space<vmem>>, %arg9: memref<128x128xf32, #tpu.memory_space<vmem>>, %arg10: memref<128x128xf32, #tpu.memory_space<vmem>>, %arg11: memref<10240x128xf32, #tpu.memory_space<vmem_shared>>, %arg12: memref<!tpu.dma_semaphore, #tpu.memory_space<semaphore_mem>>, %arg13: memref<!tpu.dma_semaphore, #tpu.memory_space<semaphore_mem>>, %arg14: memref<!tpu.dma_semaphore, #tpu.memory_space<semaphore_mem>>, %arg15: memref<!tpu.dma_semaphore, #tpu.memory_space<semaphore_mem>>, %arg16: memref<!tpu.dma_semaphore, #tpu.memory_space<semaphore_mem>>) attributes {dimension_semantics = [#tpu.dimension_semantics<core_parallel>, #tpu.dimension_semantics<subcore_parallel>], iteration_bounds = array<i64: 2, 16>, scalar_prefetch = 0 : i64, scratch_operands = 11 : i64, tpu.core_type = #tpu.core_type<sc_vector_subcore>, window_params = [{transform_indices = #map}, {transform_indices = #map1}, {transform_indices = #map}, {transform_indices = #map2}]} {
    %mul3A = arith.constant 2 : i32
    %mul3A_0 = arith.muli %arg1, %mul3A : i32
    %add3A = arith.addi %mul3A_0, %arg0 : i32
    %broadcast_in_dim3A = arith.constant 0.000000e+00 : f32
    %broadcast_in_dim3A_1 = vector.broadcast %broadcast_in_dim3A : f32 to vector<16xf32>
    %scan3A = arith.constant 0 : i32
    %scan3A_2 = arith.constant 0 : i32
    %scan3A_3 = arith.constant 1024 : i32
    %scan3A_4 = arith.addi %scan3A_2, %scan3A_3 : i32
    %scan3A_5 = arith.constant 1 : i32
    scf.for %scan3A_25 = %scan3A_2 to %scan3A_4 step %scan3A_5  : i32 {
      %jit3A = arith.constant 8 : i32
      %div3A = arith.divsi %scan3A_25, %jit3A : i32
      %sign3A = arith.constant 0 : i32
      %sign3A_26 = arith.cmpi sgt, %scan3A_25, %sign3A : i32
      %sign3A_27 = arith.extui %sign3A_26 : i1 to i32
      %sign3A_28 = arith.constant 0 : i32
      %sign3A_29 = arith.cmpi slt, %scan3A_25, %sign3A_28 : i32
      %sign3A_30 = arith.extui %sign3A_29 : i1 to i32
      %sign3A_31 = arith.subi %sign3A_27, %sign3A_30 : i32
      %sign3A_32 = arith.constant 0 : i32
      %sign3A_33 = arith.cmpi sgt, %jit3A, %sign3A_32 : i32
      %sign3A_34 = arith.extui %sign3A_33 : i1 to i32
      %sign3A_35 = arith.constant 0 : i32
      %sign3A_36 = arith.cmpi slt, %jit3A, %sign3A_35 : i32
      %sign3A_37 = arith.extui %sign3A_36 : i1 to i32
      %sign3A_38 = arith.subi %sign3A_34, %sign3A_37 : i32
      %ne3A = arith.cmpi ne, %sign3A_31, %sign3A_38 : i32
      %rem3A = arith.remsi %scan3A_25, %jit3A : i32
      %ne3A_39 = arith.constant 0 : i32
      %ne3A_40 = arith.cmpi ne, %rem3A, %ne3A_39 : i32
      %and3A = arith.andi %ne3A, %ne3A_40 : i1
      %sub3A = arith.constant 1 : i32
      %sub3A_41 = arith.subi %div3A, %sub3A : i32
      %select_n3A = arith.select %and3A, %sub3A_41, %div3A : i32
      %jit3A_42 = arith.constant 8 : i32
      %eq3A = arith.constant 0 : i32
      %eq3A_43 = arith.cmpi eq, %jit3A_42, %eq3A : i32
      %jit3A_44 = arith.constant 1 : i32
      %select_n3A_45 = arith.select %eq3A_43, %jit3A_44, %jit3A_42 : i32
      %rem3A_46 = arith.remsi %scan3A_25, %select_n3A_45 : i32
      %ne3A_47 = arith.constant 0 : i32
      %ne3A_48 = arith.cmpi ne, %rem3A_46, %ne3A_47 : i32
      %lt3A = arith.constant 0 : i32
      %lt3A_49 = arith.cmpi slt, %rem3A_46, %lt3A : i32
      %lt3A_50 = arith.constant 0 : i32
      %lt3A_51 = arith.cmpi slt, %select_n3A_45, %lt3A_50 : i32
      %ne3A_52 = arith.xori %lt3A_49, %lt3A_51 : i1
      %and3A_53 = arith.andi %ne3A_52, %ne3A_48 : i1
      %add3A_54 = arith.addi %rem3A_46, %select_n3A_45 : i32
      %select_n3A_55 = arith.select %and3A_53, %add3A_54, %rem3A_46 : i32
      %mul3A_56 = arith.constant 16 : i32
      %mul3A_57 = arith.muli %select_n3A_55, %mul3A_56 : i32
      %swap3A = arith.index_cast %select_n3A : i32 to index
      %swap3A_58 = arith.index_cast %mul3A_57 : i32 to index
      %swap3A_59 = tpu.vector_load %arg9[%swap3A, %swap3A_58] {strides = array<i32>} : memref<128x128xf32, #tpu.memory_space<vmem>>, vector<1x16xf32>,
      %swap3A_60 = vector.shape_cast %swap3A_59 : vector<1x16xf32> to vector<16xf32>
      %swap3A_61 = vector.shape_cast %broadcast_in_dim3A_1 : vector<16xf32> to vector<1x16xf32>
      tpu.vector_store %arg9[%swap3A, %swap3A_58], %swap3A_61 {strides = array<i32>} : memref<128x128xf32, #tpu.memory_space<vmem>>, vector<1x16xf32>,
    }
    %scan3A_6 = arith.constant 1024 : i32
    %scan3A_7 = arith.constant 0 : i32
    %scan3A_8 = arith.constant 5 : i32
    %scan3A_9 = arith.addi %scan3A_7, %scan3A_8 : i32
    %scan3A_10 = arith.constant 1 : i32
    scf.for %scan3A_25 = %scan3A_7 to %scan3A_9 step %scan3A_10  : i32 {
      %mul3A_26 = arith.constant 1 : i32
      %mul3A_27 = arith.muli %scan3A_25, %mul3A_26 : i32
      %add3A_28 = arith.constant 0 : i32
      %add3A_29 = arith.addi %add3A_28, %mul3A_27 : i32
      %mul3A_30 = arith.constant 640 : i32
      %mul3A_31 = arith.muli %arg1, %mul3A_30 : i32
      %mul3A_32 = arith.constant 128 : i32
      %mul3A_33 = arith.muli %add3A_29, %mul3A_32 : i32
      %add3A_34 = arith.addi %mul3A_31, %mul3A_33 : i32
      %dma_start3A = arith.constant 0 : i32
      %dma_start3A_35 = tpu.memref_slice %arg11[%add3A_34, %dma_start3A] : memref<10240x128xf32, #tpu.memory_space<vmem_shared>> -> memref<128x128xf32, #tpu.memory_space<vmem_shared>>
      %dma_start3A_36 = arith.constant 0 : i32
      %dma_start3A_37 = tpu.memref_slice %arg11[%add3A_34, %dma_start3A_36] : memref<10240x128xf32, #tpu.memory_space<vmem_shared>> -> memref<128x128xf32, #tpu.memory_space<vmem_shared>>
      tpu.enqueue_dma source(%arg9 : memref<128x128xf32, #tpu.memory_space<vmem>>) target(%dma_start3A_37 : memref<128x128xf32, #tpu.memory_space<vmem_shared>>) target_semaphore(%arg16 : memref<!tpu.dma_semaphore, #tpu.memory_space<semaphore_mem>>)
      %dma_wait3A = arith.constant 0 : i32
      %dma_wait3A_38 = tpu.memref_slice %arg11[%add3A_34, %dma_wait3A] : memref<10240x128xf32, #tpu.memory_space<vmem_shared>> -> memref<128x128xf32, #tpu.memory_space<vmem_shared>>
      %dma_wait3A_39 = arith.constant 0 : i32
      %dma_wait3A_40 = tpu.memref_slice %arg11[%add3A_34, %dma_wait3A_39] : memref<10240x128xf32, #tpu.memory_space<vmem_shared>> -> memref<128x128xf32, #tpu.memory_space<vmem_shared>>
      tpu.wait_dma2 semaphore(%arg16 : memref<!tpu.dma_semaphore, #tpu.memory_space<semaphore_mem>>) src(%arg9 : memref<128x128xf32, #tpu.memory_space<vmem>>) dst(%dma_wait3A_40 : memref<128x128xf32, #tpu.memory_space<vmem_shared>>)
    }
    %scan3A_11 = arith.constant 5 : i32
    %barrier3A = arith.constant 0 : index
    tpu.barrier barrier_id(%barrier3A)
    %mul3A_12 = arith.constant 79 : i32
    %mul3A_13 = arith.muli %add3A, %mul3A_12 : i32
    %scan3A_14 = arith.constant 0 : i32
    %scan3A_15 = arith.constant 2 : i32
    %scan3A_16 = arith.addi %scan3A_14, %scan3A_15 : i32
    %scan3A_17 = arith.constant 1 : i32
    scf.for %scan3A_25 = %scan3A_14 to %scan3A_16 step %scan3A_17  : i32 {
      %mul3A_26 = arith.constant 1 : i32
      %mul3A_27 = arith.muli %scan3A_25, %mul3A_26 : i32
      %add3A_28 = arith.constant 0 : i32
      %add3A_29 = arith.addi %add3A_28, %mul3A_27 : i32
      %mul3A_30 = arith.constant 39 : i32
      %mul3A_31 = arith.muli %add3A_29, %mul3A_30 : i32
      %add3A_32 = arith.addi %mul3A_13, %mul3A_31 : i32
      %mul3A_33 = arith.constant 128 : i32
      %mul3A_34 = arith.muli %add3A_32, %mul3A_33 : i32
      %dma_start3A = tpu.memref_slice %arg3[%mul3A_34] : memref<323584xi32, #tpu.memory_space<hbm>> -> memref<4992xi32, #tpu.memory_space<hbm>>
      %dma_start3A_35 = tpu.memref_slice %arg3[%mul3A_34] : memref<323584xi32, #tpu.memory_space<hbm>> -> memref<4992xi32, #tpu.memory_space<hbm>>
      tpu.enqueue_dma source(%dma_start3A_35 : memref<4992xi32, #tpu.memory_space<hbm>>) target(%arg6 : memref<4992xi32, #tpu.memory_space<vmem>>) target_semaphore(%arg16 : memref<!tpu.dma_semaphore, #tpu.memory_space<semaphore_mem>>)
      %dma_wait3A = tpu.memref_slice %arg3[%mul3A_34] : memref<323584xi32, #tpu.memory_space<hbm>> -> memref<4992xi32, #tpu.memory_space<hbm>>
      %dma_wait3A_36 = tpu.memref_slice %arg3[%mul3A_34] : memref<323584xi32, #tpu.memory_space<hbm>> -> memref<4992xi32, #tpu.memory_space<hbm>>
      tpu.wait_dma2 semaphore(%arg16 : memref<!tpu.dma_semaphore, #tpu.memory_space<semaphore_mem>>) src(%dma_wait3A_36 : memref<4992xi32, #tpu.memory_space<hbm>>) dst(%arg6 : memref<4992xi32, #tpu.memory_space<vmem>>)
      %dma_start3A_37 = arith.constant 0 : i32
      %dma_start3A_38 = tpu.memref_slice %arg6[%dma_start3A_37] : memref<4992xi32, #tpu.memory_space<vmem>> -> memref<128xi32, #tpu.memory_space<vmem>>
      %dma_start3A_39 = arith.constant 0 : i32
      %dma_start3A_40 = arith.constant 0 : i32
      %dma_start3A_41 = tpu.memref_slice %arg2[%dma_start3A_39, %dma_start3A_40] : memref<10240x128xf32, #tpu.memory_space<hbm>> -> memref<10240x128xf32, #tpu.memory_space<hbm>>
      tpu.enqueue_indirect_dma source(%dma_start3A_41 : memref<10240x128xf32, #tpu.memory_space<hbm>>) target(%arg9 : memref<128x128xf32, #tpu.memory_space<vmem>>) offsets(%dma_start3A_38 : memref<128xi32, #tpu.memory_space<vmem>>) semaphore(%arg12 : memref<!tpu.dma_semaphore, #tpu.memory_space<semaphore_mem>>)
      %add3A_42 = arith.constant 0 : i32
      %add3A_43 = arith.addi %add3A_32, %add3A_42 : i32
      %dma_start3A_44 = arith.constant 0 : i32
      %dma_start3A_45 = tpu.memref_slice %arg4[%add3A_43, %dma_start3A_44] : memref<2528x128xi32, #tpu.memory_space<hbm>> -> memref<1x128xi32, #tpu.memory_space<hbm>>
      %dma_start3A_46 = tpu.memref_squeeze %dma_start3A_45 : memref<1x128xi32, #tpu.memory_space<hbm>> -> memref<128xi32, #tpu.memory_space<hbm>>
      %dma_start3A_47 = arith.constant 0 : i32
      %dma_start3A_48 = tpu.memref_slice %arg4[%add3A_43, %dma_start3A_47] : memref<2528x128xi32, #tpu.memory_space<hbm>> -> memref<1x128xi32, #tpu.memory_space<hbm>>
      %dma_start3A_49 = tpu.memref_squeeze %dma_start3A_48 : memref<1x128xi32, #tpu.memory_space<hbm>> -> memref<128xi32, #tpu.memory_space<hbm>>
      tpu.enqueue_dma source(%dma_start3A_49 : memref<128xi32, #tpu.memory_space<hbm>>) target(%arg7 : memref<128xi32, #tpu.memory_space<vmem>>) target_semaphore(%arg14 : memref<!tpu.dma_semaphore, #tpu.memory_space<semaphore_mem>>)
      %scan3A_50 = arith.constant 0 : i32
      %scan3A_51 = arith.constant 18 : i32
      %scan3A_52 = arith.addi %scan3A_50, %scan3A_51 : i32
      %scan3A_53 = arith.constant 1 : i32
      scf.for %scan3A_102 = %scan3A_50 to %scan3A_52 step %scan3A_53  : i32 {
        %mul3A_103 = arith.constant 1 : i32
        %mul3A_104 = arith.muli %scan3A_102, %mul3A_103 : i32
        %add3A_105 = arith.constant 0 : i32
        %add3A_106 = arith.addi %add3A_105, %mul3A_104 : i32
        %mul3A_107 = arith.constant 2 : i32
        %mul3A_108 = arith.muli %mul3A_107, %add3A_106 : i32
        %add3A_109 = arith.constant 1 : i32
        %add3A_110 = arith.addi %mul3A_108, %add3A_109 : i32
        %mul3A_111 = arith.constant 128 : i32
        %mul3A_112 = arith.muli %add3A_110, %mul3A_111 : i32
        %dma_start3A_113 = tpu.memref_slice %arg6[%mul3A_112] : memref<4992xi32, #tpu.memory_space<vmem>> -> memref<128xi32, #tpu.memory_space<vmem>>
        %dma_start3A_114 = arith.constant 0 : i32
        %dma_start3A_115 = arith.constant 0 : i32
        %dma_start3A_116 = tpu.memref_slice %arg2[%dma_start3A_114, %dma_start3A_115] : memref<10240x128xf32, #tpu.memory_space<hbm>> -> memref<10240x128xf32, #tpu.memory_space<hbm>>
        tpu.enqueue_indirect_dma source(%dma_start3A_116 : memref<10240x128xf32, #tpu.memory_space<hbm>>) target(%arg10 : memref<128x128xf32, #tpu.memory_space<vmem>>) offsets(%dma_start3A_113 : memref<128xi32, #tpu.memory_space<vmem>>) semaphore(%arg13 : memref<!tpu.dma_semaphore, #tpu.memory_space<semaphore_mem>>)
        %add3A_117 = arith.addi %add3A_32, %add3A_110 : i32
        %dma_start3A_118 = arith.constant 0 : i32
        %dma_start3A_119 = tpu.memref_slice %arg4[%add3A_117, %dma_start3A_118] : memref<2528x128xi32, #tpu.memory_space<hbm>> -> memref<1x128xi32, #tpu.memory_space<hbm>>
        %dma_start3A_120 = tpu.memref_squeeze %dma_start3A_119 : memref<1x128xi32, #tpu.memory_space<hbm>> -> memref<128xi32, #tpu.memory_space<hbm>>
        %dma_start3A_121 = arith.constant 0 : i32
        %dma_start3A_122 = tpu.memref_slice %arg4[%add3A_117, %dma_start3A_121] : memref<2528x128xi32, #tpu.memory_space<hbm>> -> memref<1x128xi32, #tpu.memory_space<hbm>>
        %dma_start3A_123 = tpu.memref_squeeze %dma_start3A_122 : memref<1x128xi32, #tpu.memory_space<hbm>> -> memref<128xi32, #tpu.memory_space<hbm>>
        tpu.enqueue_dma source(%dma_start3A_123 : memref<128xi32, #tpu.memory_space<hbm>>) target(%arg8 : memref<128xi32, #tpu.memory_space<vmem>>) target_semaphore(%arg15 : memref<!tpu.dma_semaphore, #tpu.memory_space<semaphore_mem>>)
        %dma_wait3A_124 = arith.constant 0 : i32
        %dma_wait3A_125 = tpu.memref_slice %arg6[%dma_wait3A_124] : memref<4992xi32, #tpu.memory_space<vmem>> -> memref<128xi32, #tpu.memory_space<vmem>>
        %dma_wait3A_126 = arith.constant 0 : i32
        %dma_wait3A_127 = arith.constant 0 : i32
        %dma_wait3A_128 = tpu.memref_slice %arg2[%dma_wait3A_126, %dma_wait3A_127] : memref<10240x128xf32, #tpu.memory_space<hbm>> -> memref<10240x128xf32, #tpu.memory_space<hbm>>
        tpu.wait_indirect_dma semaphore(%arg12 : memref<!tpu.dma_semaphore, #tpu.memory_space<semaphore_mem>>) src(%dma_wait3A_128 : memref<10240x128xf32, #tpu.memory_space<hbm>>) dst(%arg9 : memref<128x128xf32, #tpu.memory_space<vmem>>)
        %dma_wait3A_129 = arith.constant 0 : i32
        %dma_wait3A_130 = tpu.memref_slice %arg4[%add3A_32, %dma_wait3A_129] : memref<2528x128xi32, #tpu.memory_space<hbm>> -> memref<1x128xi32, #tpu.memory_space<hbm>>
        %dma_wait3A_131 = tpu.memref_squeeze %dma_wait3A_130 : memref<1x128xi32, #tpu.memory_space<hbm>> -> memref<128xi32, #tpu.memory_space<hbm>>
        %dma_wait3A_132 = arith.constant 0 : i32
        %dma_wait3A_133 = tpu.memref_slice %arg4[%add3A_32, %dma_wait3A_132] : memref<2528x128xi32, #tpu.memory_space<hbm>> -> memref<1x128xi32, #tpu.memory_space<hbm>>
        %dma_wait3A_134 = tpu.memref_squeeze %dma_wait3A_133 : memref<1x128xi32, #tpu.memory_space<hbm>> -> memref<128xi32, #tpu.memory_space<hbm>>
        tpu.wait_dma2 semaphore(%arg14 : memref<!tpu.dma_semaphore, #tpu.memory_space<semaphore_mem>>) src(%dma_wait3A_134 : memref<128xi32, #tpu.memory_space<hbm>>) dst(%arg7 : memref<128xi32, #tpu.memory_space<vmem>>)
        %dma_start3A_135 = arith.constant 0 : i32
        %dma_start3A_136 = arith.constant 0 : i32
        %dma_start3A_137 = tpu.memref_slice %arg11[%dma_start3A_135, %dma_start3A_136] : memref<10240x128xf32, #tpu.memory_space<vmem_shared>> -> memref<10240x128xf32, #tpu.memory_space<vmem_shared>>
        tpu.enqueue_indirect_dma source(%arg9 : memref<128x128xf32, #tpu.memory_space<vmem>>) target(%dma_start3A_137 : memref<10240x128xf32, #tpu.memory_space<vmem_shared>>) offsets(%arg7 : memref<128xi32, #tpu.memory_space<vmem>>) semaphore(%arg16 : memref<!tpu.dma_semaphore, #tpu.memory_space<semaphore_mem>>) {add = true}
        %dma_wait3A_138 = arith.constant 0 : i32
        %dma_wait3A_139 = arith.constant 0 : i32
        %dma_wait3A_140 = tpu.memref_slice %arg11[%dma_wait3A_138, %dma_wait3A_139] : memref<10240x128xf32, #tpu.memory_space<vmem_shared>> -> memref<10240x128xf32, #tpu.memory_space<vmem_shared>>
        tpu.wait_indirect_dma semaphore(%arg16 : memref<!tpu.dma_semaphore, #tpu.memory_space<semaphore_mem>>) src(%arg9 : memref<128x128xf32, #tpu.memory_space<vmem>>) dst(%dma_wait3A_140 : memref<10240x128xf32, #tpu.memory_space<vmem_shared>>)
        %mul3A_141 = arith.constant 2 : i32
        %mul3A_142 = arith.muli %mul3A_141, %add3A_106 : i32
        %add3A_143 = arith.constant 2 : i32
        %add3A_144 = arith.addi %mul3A_142, %add3A_143 : i32
        %mul3A_145 = arith.constant 128 : i32
        %mul3A_146 = arith.muli %add3A_144, %mul3A_145 : i32
        %dma_start3A_147 = tpu.memref_slice %arg6[%mul3A_146] : memref<4992xi32, #tpu.memory_space<vmem>> -> memref<128xi32, #tpu.memory_space<vmem>>
        %dma_start3A_148 = arith.constant 0 : i32
        %dma_start3A_149 = arith.constant 0 : i32
        %dma_start3A_150 = tpu.memref_slice %arg2[%dma_start3A_148, %dma_start3A_149] : memref<10240x128xf32, #tpu.memory_space<hbm>> -> memref<10240x128xf32, #tpu.memory_space<hbm>>
        tpu.enqueue_indirect_dma source(%dma_start3A_150 : memref<10240x128xf32, #tpu.memory_space<hbm>>) target(%arg9 : memref<128x128xf32, #tpu.memory_space<vmem>>) offsets(%dma_start3A_147 : memref<128xi32, #tpu.memory_space<vmem>>) semaphore(%arg12 : memref<!tpu.dma_semaphore, #tpu.memory_space<semaphore_mem>>)
        %add3A_151 = arith.addi %add3A_32, %add3A_144 : i32
        %dma_start3A_152 = arith.constant 0 : i32
        %dma_start3A_153 = tpu.memref_slice %arg4[%add3A_151, %dma_start3A_152] : memref<2528x128xi32, #tpu.memory_space<hbm>> -> memref<1x128xi32, #tpu.memory_space<hbm>>
        %dma_start3A_154 = tpu.memref_squeeze %dma_start3A_153 : memref<1x128xi32, #tpu.memory_space<hbm>> -> memref<128xi32, #tpu.memory_space<hbm>>
        %dma_start3A_155 = arith.constant 0 : i32
        %dma_start3A_156 = tpu.memref_slice %arg4[%add3A_151, %dma_start3A_155] : memref<2528x128xi32, #tpu.memory_space<hbm>> -> memref<1x128xi32, #tpu.memory_space<hbm>>
        %dma_start3A_157 = tpu.memref_squeeze %dma_start3A_156 : memref<1x128xi32, #tpu.memory_space<hbm>> -> memref<128xi32, #tpu.memory_space<hbm>>
        tpu.enqueue_dma source(%dma_start3A_157 : memref<128xi32, #tpu.memory_space<hbm>>) target(%arg7 : memref<128xi32, #tpu.memory_space<vmem>>) target_semaphore(%arg14 : memref<!tpu.dma_semaphore, #tpu.memory_space<semaphore_mem>>)
        %dma_wait3A_158 = arith.constant 0 : i32
        %dma_wait3A_159 = tpu.memref_slice %arg6[%dma_wait3A_158] : memref<4992xi32, #tpu.memory_space<vmem>> -> memref<128xi32, #tpu.memory_space<vmem>>
        %dma_wait3A_160 = arith.constant 0 : i32
        %dma_wait3A_161 = arith.constant 0 : i32
        %dma_wait3A_162 = tpu.memref_slice %arg2[%dma_wait3A_160, %dma_wait3A_161] : memref<10240x128xf32, #tpu.memory_space<hbm>> -> memref<10240x128xf32, #tpu.memory_space<hbm>>
        tpu.wait_indirect_dma semaphore(%arg13 : memref<!tpu.dma_semaphore, #tpu.memory_space<semaphore_mem>>) src(%dma_wait3A_162 : memref<10240x128xf32, #tpu.memory_space<hbm>>) dst(%arg10 : memref<128x128xf32, #tpu.memory_space<vmem>>)
        %dma_wait3A_163 = arith.constant 0 : i32
        %dma_wait3A_164 = tpu.memref_slice %arg4[%add3A_32, %dma_wait3A_163] : memref<2528x128xi32, #tpu.memory_space<hbm>> -> memref<1x128xi32, #tpu.memory_space<hbm>>
        %dma_wait3A_165 = tpu.memref_squeeze %dma_wait3A_164 : memref<1x128xi32, #tpu.memory_space<hbm>> -> memref<128xi32, #tpu.memory_space<hbm>>
        %dma_wait3A_166 = arith.constant 0 : i32
        %dma_wait3A_167 = tpu.memref_slice %arg4[%add3A_32, %dma_wait3A_166] : memref<2528x128xi32, #tpu.memory_space<hbm>> -> memref<1x128xi32, #tpu.memory_space<hbm>>
        %dma_wait3A_168 = tpu.memref_squeeze %dma_wait3A_167 : memref<1x128xi32, #tpu.memory_space<hbm>> -> memref<128xi32, #tpu.memory_space<hbm>>
        tpu.wait_dma2 semaphore(%arg15 : memref<!tpu.dma_semaphore, #tpu.memory_space<semaphore_mem>>) src(%dma_wait3A_168 : memref<128xi32, #tpu.memory_space<hbm>>) dst(%arg8 : memref<128xi32, #tpu.memory_space<vmem>>)
        %dma_start3A_169 = arith.constant 0 : i32
        %dma_start3A_170 = arith.constant 0 : i32
        %dma_start3A_171 = tpu.memref_slice %arg11[%dma_start3A_169, %dma_start3A_170] : memref<10240x128xf32, #tpu.memory_space<vmem_shared>> -> memref<10240x128xf32, #tpu.memory_space<vmem_shared>>
        tpu.enqueue_indirect_dma source(%arg10 : memref<128x128xf32, #tpu.memory_space<vmem>>) target(%dma_start3A_171 : memref<10240x128xf32, #tpu.memory_space<vmem_shared>>) offsets(%arg8 : memref<128xi32, #tpu.memory_space<vmem>>) semaphore(%arg16 : memref<!tpu.dma_semaphore, #tpu.memory_space<semaphore_mem>>) {add = true}
        %dma_wait3A_172 = arith.constant 0 : i32
        %dma_wait3A_173 = arith.constant 0 : i32
        %dma_wait3A_174 = tpu.memref_slice %arg11[%dma_wait3A_172, %dma_wait3A_173] : memref<10240x128xf32, #tpu.memory_space<vmem_shared>> -> memref<10240x128xf32, #tpu.memory_space<vmem_shared>>
        tpu.wait_indirect_dma semaphore(%arg16 : memref<!tpu.dma_semaphore, #tpu.memory_space<semaphore_mem>>) src(%arg10 : memref<128x128xf32, #tpu.memory_space<vmem>>) dst(%dma_wait3A_174 : memref<10240x128xf32, #tpu.memory_space<vmem_shared>>)
      }
      %scan3A_54 = arith.constant 18 : i32
      %dma_start3A_55 = arith.constant 4864 : i32
      %dma_start3A_56 = tpu.memref_slice %arg6[%dma_start3A_55] : memref<4992xi32, #tpu.memory_space<vmem>> -> memref<128xi32, #tpu.memory_space<vmem>>
      %dma_start3A_57 = arith.constant 0 : i32
      %dma_start3A_58 = arith.constant 0 : i32
      %dma_start3A_59 = tpu.memref_slice %arg2[%dma_start3A_57, %dma_start3A_58] : memref<10240x128xf32, #tpu.memory_space<hbm>> -> memref<10240x128xf32, #tpu.memory_space<hbm>>
      tpu.enqueue_indirect_dma source(%dma_start3A_59 : memref<10240x128xf32, #tpu.memory_space<hbm>>) target(%arg10 : memref<128x128xf32, #tpu.memory_space<vmem>>) offsets(%dma_start3A_56 : memref<128xi32, #tpu.memory_space<vmem>>) semaphore(%arg13 : memref<!tpu.dma_semaphore, #tpu.memory_space<semaphore_mem>>)
      %add3A_60 = arith.constant 38 : i32
      %add3A_61 = arith.addi %add3A_32, %add3A_60 : i32
      %dma_start3A_62 = arith.constant 0 : i32
      %dma_start3A_63 = tpu.memref_slice %arg4[%add3A_61, %dma_start3A_62] : memref<2528x128xi32, #tpu.memory_space<hbm>> -> memref<1x128xi32, #tpu.memory_space<hbm>>
      %dma_start3A_64 = tpu.memref_squeeze %dma_start3A_63 : memref<1x128xi32, #tpu.memory_space<hbm>> -> memref<128xi32, #tpu.memory_space<hbm>>
      %dma_start3A_65 = arith.constant 0 : i32
      %dma_start3A_66 = tpu.memref_slice %arg4[%add3A_61, %dma_start3A_65] : memref<2528x128xi32, #tpu.memory_space<hbm>> -> memref<1x128xi32, #tpu.memory_space<hbm>>
      %dma_start3A_67 = tpu.memref_squeeze %dma_start3A_66 : memref<1x128xi32, #tpu.memory_space<hbm>> -> memref<128xi32, #tpu.memory_space<hbm>>
      tpu.enqueue_dma source(%dma_start3A_67 : memref<128xi32, #tpu.memory_space<hbm>>) target(%arg8 : memref<128xi32, #tpu.memory_space<vmem>>) target_semaphore(%arg15 : memref<!tpu.dma_semaphore, #tpu.memory_space<semaphore_mem>>)
      %dma_wait3A_68 = arith.constant 0 : i32
      %dma_wait3A_69 = tpu.memref_slice %arg6[%dma_wait3A_68] : memref<4992xi32, #tpu.memory_space<vmem>> -> memref<128xi32, #tpu.memory_space<vmem>>
      %dma_wait3A_70 = arith.constant 0 : i32
      %dma_wait3A_71 = arith.constant 0 : i32
      %dma_wait3A_72 = tpu.memref_slice %arg2[%dma_wait3A_70, %dma_wait3A_71] : memref<10240x128xf32, #tpu.memory_space<hbm>> -> memref<10240x128xf32, #tpu.memory_space<hbm>>
      tpu.wait_indirect_dma semaphore(%arg12 : memref<!tpu.dma_semaphore, #tpu.memory_space<semaphore_mem>>) src(%dma_wait3A_72 : memref<10240x128xf32, #tpu.memory_space<hbm>>) dst(%arg9 : memref<128x128xf32, #tpu.memory_space<vmem>>)
      %dma_wait3A_73 = arith.constant 0 : i32
      %dma_wait3A_74 = tpu.memref_slice %arg4[%add3A_32, %dma_wait3A_73] : memref<2528x128xi32, #tpu.memory_space<hbm>> -> memref<1x128xi32, #tpu.memory_space<hbm>>
      %dma_wait3A_75 = tpu.memref_squeeze %dma_wait3A_74 : memref<1x128xi32, #tpu.memory_space<hbm>> -> memref<128xi32, #tpu.memory_space<hbm>>
      %dma_wait3A_76 = arith.constant 0 : i32
      %dma_wait3A_77 = tpu.memref_slice %arg4[%add3A_32, %dma_wait3A_76] : memref<2528x128xi32, #tpu.memory_space<hbm>> -> memref<1x128xi32, #tpu.memory_space<hbm>>
      %dma_wait3A_78 = tpu.memref_squeeze %dma_wait3A_77 : memref<1x128xi32, #tpu.memory_space<hbm>> -> memref<128xi32, #tpu.memory_space<hbm>>
      tpu.wait_dma2 semaphore(%arg14 : memref<!tpu.dma_semaphore, #tpu.memory_space<semaphore_mem>>) src(%dma_wait3A_78 : memref<128xi32, #tpu.memory_space<hbm>>) dst(%arg7 : memref<128xi32, #tpu.memory_space<vmem>>)
      %dma_start3A_79 = arith.constant 0 : i32
      %dma_start3A_80 = arith.constant 0 : i32
      %dma_start3A_81 = tpu.memref_slice %arg11[%dma_start3A_79, %dma_start3A_80] : memref<10240x128xf32, #tpu.memory_space<vmem_shared>> -> memref<10240x128xf32, #tpu.memory_space<vmem_shared>>
      tpu.enqueue_indirect_dma source(%arg9 : memref<128x128xf32, #tpu.memory_space<vmem>>) target(%dma_start3A_81 : memref<10240x128xf32, #tpu.memory_space<vmem_shared>>) offsets(%arg7 : memref<128xi32, #tpu.memory_space<vmem>>) semaphore(%arg16 : memref<!tpu.dma_semaphore, #tpu.memory_space<semaphore_mem>>) {add = true}
      %dma_wait3A_82 = arith.constant 0 : i32
      %dma_wait3A_83 = arith.constant 0 : i32
      %dma_wait3A_84 = tpu.memref_slice %arg11[%dma_wait3A_82, %dma_wait3A_83] : memref<10240x128xf32, #tpu.memory_space<vmem_shared>> -> memref<10240x128xf32, #tpu.memory_space<vmem_shared>>
      tpu.wait_indirect_dma semaphore(%arg16 : memref<!tpu.dma_semaphore, #tpu.memory_space<semaphore_mem>>) src(%arg9 : memref<128x128xf32, #tpu.memory_space<vmem>>) dst(%dma_wait3A_84 : memref<10240x128xf32, #tpu.memory_space<vmem_shared>>)
      %dma_wait3A_85 = arith.constant 0 : i32
      %dma_wait3A_86 = tpu.memref_slice %arg6[%dma_wait3A_85] : memref<4992xi32, #tpu.memory_space<vmem>> -> memref<128xi32, #tpu.memory_space<vmem>>
      %dma_wait3A_87 = arith.constant 0 : i32
      %dma_wait3A_88 = arith.constant 0 : i32
      %dma_wait3A_89 = tpu.memref_slice %arg2[%dma_wait3A_87, %dma_wait3A_88] : memref<10240x128xf32, #tpu.memory_space<hbm>> -> memref<10240x128xf32, #tpu.memory_space<hbm>>
      tpu.wait_indirect_dma semaphore(%arg13 : memref<!tpu.dma_semaphore, #tpu.memory_space<semaphore_mem>>) src(%dma_wait3A_89 : memref<10240x128xf32, #tpu.memory_space<hbm>>) dst(%arg10 : memref<128x128xf32, #tpu.memory_space<vmem>>)
      %dma_wait3A_90 = arith.constant 0 : i32
      %dma_wait3A_91 = tpu.memref_slice %arg4[%add3A_32, %dma_wait3A_90] : memref<2528x128xi32, #tpu.memory_space<hbm>> -> memref<1x128xi32, #tpu.memory_space<hbm>>
      %dma_wait3A_92 = tpu.memref_squeeze %dma_wait3A_91 : memref<1x128xi32, #tpu.memory_space<hbm>> -> memref<128xi32, #tpu.memory_space<hbm>>
      %dma_wait3A_93 = arith.constant 0 : i32
      %dma_wait3A_94 = tpu.memref_slice %arg4[%add3A_32, %dma_wait3A_93] : memref<2528x128xi32, #tpu.memory_space<hbm>> -> memref<1x128xi32, #tpu.memory_space<hbm>>
      %dma_wait3A_95 = tpu.memref_squeeze %dma_wait3A_94 : memref<1x128xi32, #tpu.memory_space<hbm>> -> memref<128xi32, #tpu.memory_space<hbm>>
      tpu.wait_dma2 semaphore(%arg15 : memref<!tpu.dma_semaphore, #tpu.memory_space<semaphore_mem>>) src(%dma_wait3A_95 : memref<128xi32, #tpu.memory_space<hbm>>) dst(%arg8 : memref<128xi32, #tpu.memory_space<vmem>>)
      %dma_start3A_96 = arith.constant 0 : i32
      %dma_start3A_97 = arith.constant 0 : i32
      %dma_start3A_98 = tpu.memref_slice %arg11[%dma_start3A_96, %dma_start3A_97] : memref<10240x128xf32, #tpu.memory_space<vmem_shared>> -> memref<10240x128xf32, #tpu.memory_space<vmem_shared>>
      tpu.enqueue_indirect_dma source(%arg10 : memref<128x128xf32, #tpu.memory_space<vmem>>) target(%dma_start3A_98 : memref<10240x128xf32, #tpu.memory_space<vmem_shared>>) offsets(%arg8 : memref<128xi32, #tpu.memory_space<vmem>>) semaphore(%arg16 : memref<!tpu.dma_semaphore, #tpu.memory_space<semaphore_mem>>) {add = true}
      %dma_wait3A_99 = arith.constant 0 : i32
      %dma_wait3A_100 = arith.constant 0 : i32
      %dma_wait3A_101 = tpu.memref_slice %arg11[%dma_wait3A_99, %dma_wait3A_100] : memref<10240x128xf32, #tpu.memory_space<vmem_shared>> -> memref<10240x128xf32, #tpu.memory_space<vmem_shared>>
      tpu.wait_indirect_dma semaphore(%arg16 : memref<!tpu.dma_semaphore, #tpu.memory_space<semaphore_mem>>) src(%arg10 : memref<128x128xf32, #tpu.memory_space<vmem>>) dst(%dma_wait3A_101 : memref<10240x128xf32, #tpu.memory_space<vmem_shared>>)
    }
    %scan3A_18 = arith.constant 2 : i32
    %barrier3A_19 = arith.constant 0 : index
    tpu.barrier barrier_id(%barrier3A_19)
    %scan3A_20 = arith.constant 0 : i32
    %scan3A_21 = arith.constant 5 : i32
    %scan3A_22 = arith.addi %scan3A_20, %scan3A_21 : i32
    %scan3A_23 = arith.constant 1 : i32
    scf.for %scan3A_25 = %scan3A_20 to %scan3A_22 step %scan3A_23  : i32 {
      %mul3A_26 = arith.constant 1 : i32
      %mul3A_27 = arith.muli %scan3A_25, %mul3A_26 : i32
      %add3A_28 = arith.constant 0 : i32
      %add3A_29 = arith.addi %add3A_28, %mul3A_27 : i32
      %mul3A_30 = arith.constant 640 : i32
      %mul3A_31 = arith.muli %arg1, %mul3A_30 : i32
      %mul3A_32 = arith.constant 128 : i32
      %mul3A_33 = arith.muli %add3A_29, %mul3A_32 : i32
      %add3A_34 = arith.addi %mul3A_31, %mul3A_33 : i32
      %dma_start3A = arith.constant 0 : i32
      %dma_start3A_35 = tpu.memref_slice %arg11[%add3A_34, %dma_start3A] : memref<10240x128xf32, #tpu.memory_space<vmem_shared>> -> memref<128x128xf32, #tpu.memory_space<vmem_shared>>
      %dma_start3A_36 = arith.constant 0 : i32
      %dma_start3A_37 = tpu.memref_slice %arg11[%add3A_34, %dma_start3A_36] : memref<10240x128xf32, #tpu.memory_space<vmem_shared>> -> memref<128x128xf32, #tpu.memory_space<vmem_shared>>
      tpu.enqueue_dma source(%dma_start3A_37 : memref<128x128xf32, #tpu.memory_space<vmem_shared>>) target(%arg9 : memref<128x128xf32, #tpu.memory_space<vmem>>) target_semaphore(%arg16 : memref<!tpu.dma_semaphore, #tpu.memory_space<semaphore_mem>>)
      %dma_wait3A = arith.constant 0 : i32
      %dma_wait3A_38 = tpu.memref_slice %arg11[%add3A_34, %dma_wait3A] : memref<10240x128xf32, #tpu.memory_space<vmem_shared>> -> memref<128x128xf32, #tpu.memory_space<vmem_shared>>
      %dma_wait3A_39 = arith.constant 0 : i32
      %dma_wait3A_40 = tpu.memref_slice %arg11[%add3A_34, %dma_wait3A_39] : memref<10240x128xf32, #tpu.memory_space<vmem_shared>> -> memref<128x128xf32, #tpu.memory_space<vmem_shared>>
      tpu.wait_dma2 semaphore(%arg16 : memref<!tpu.dma_semaphore, #tpu.memory_space<semaphore_mem>>) src(%dma_wait3A_40 : memref<128x128xf32, #tpu.memory_space<vmem_shared>>) dst(%arg9 : memref<128x128xf32, #tpu.memory_space<vmem>>)
      %dma_start3A_41 = arith.constant 0 : i32
      %dma_start3A_42 = tpu.memref_slice %arg5[%arg0, %add3A_34, %dma_start3A_41] : memref<2x10240x128xf32, #tpu.memory_space<hbm>> -> memref<1x128x128xf32, #tpu.memory_space<hbm>>
      %dma_start3A_43 = tpu.memref_squeeze %dma_start3A_42 : memref<1x128x128xf32, #tpu.memory_space<hbm>> -> memref<128x128xf32, #tpu.memory_space<hbm>>
      %dma_start3A_44 = arith.constant 0 : i32
      %dma_start3A_45 = tpu.memref_slice %arg5[%arg0, %add3A_34, %dma_start3A_44] : memref<2x10240x128xf32, #tpu.memory_space<hbm>> -> memref<1x128x128xf32, #tpu.memory_space<hbm>>
      %dma_start3A_46 = tpu.memref_squeeze %dma_start3A_45 : memref<1x128x128xf32, #tpu.memory_space<hbm>> -> memref<128x128xf32, #tpu.memory_space<hbm>>
      tpu.enqueue_dma source(%arg9 : memref<128x128xf32, #tpu.memory_space<vmem>>) target(%dma_start3A_46 : memref<128x128xf32, #tpu.memory_space<hbm>>) target_semaphore(%arg16 : memref<!tpu.dma_semaphore, #tpu.memory_space<semaphore_mem>>)
      %dma_wait3A_47 = arith.constant 0 : i32
      %dma_wait3A_48 = tpu.memref_slice %arg5[%arg0, %add3A_34, %dma_wait3A_47] : memref<2x10240x128xf32, #tpu.memory_space<hbm>> -> memref<1x128x128xf32, #tpu.memory_space<hbm>>
      %dma_wait3A_49 = tpu.memref_squeeze %dma_wait3A_48 : memref<1x128x128xf32, #tpu.memory_space<hbm>> -> memref<128x128xf32, #tpu.memory_space<hbm>>
      %dma_wait3A_50 = arith.constant 0 : i32
      %dma_wait3A_51 = tpu.memref_slice %arg5[%arg0, %add3A_34, %dma_wait3A_50] : memref<2x10240x128xf32, #tpu.memory_space<hbm>> -> memref<1x128x128xf32, #tpu.memory_space<hbm>>
      %dma_wait3A_52 = tpu.memref_squeeze %dma_wait3A_51 : memref<1x128x128xf32, #tpu.memory_space<hbm>> -> memref<128x128xf32, #tpu.memory_space<hbm>>
      tpu.wait_dma2 semaphore(%arg16 : memref<!tpu.dma_semaphore, #tpu.memory_space<semaphore_mem>>) src(%arg9 : memref<128x128xf32, #tpu.memory_space<vmem>>) dst(%dma_wait3A_52 : memref<128x128xf32, #tpu.memory_space<hbm>>)
    }
    %scan3A_24 = arith.constant 5 : i32
    return
  }
}

#map = affine_map<(d0, d1) -> (0, 0)>
#map1 = affine_map<(d0, d1) -> (0)>
#map2 = affine_map<(d0, d1) -> (0, 0, 0)>
module attributes {stable_mosaic.version = 14 : i64} {
  func.func @_seg_body(%arg0: i32, %arg1: i32, %arg2: memref<10240x128xf32, #tpu.memory_space<hbm>>, %arg3: memref<163840xi32, #tpu.memory_space<hbm>>, %arg4: memref<1280x128xi32, #tpu.memory_space<hbm>>, %arg5: memref<2x10240x128xf32, #tpu.memory_space<hbm>>, %arg6: memref<2560xi32, #tpu.memory_space<vmem>>, %arg7: memref<128xi32, #tpu.memory_space<vmem>>, %arg8: memref<128xi32, #tpu.memory_space<vmem>>, %arg9: memref<128x128xf32, #tpu.memory_space<vmem>>, %arg10: memref<128x128xf32, #tpu.memory_space<vmem>>, %arg11: memref<10240x128xf32, #tpu.memory_space<vmem_shared>>, %arg12: memref<!tpu.dma_semaphore, #tpu.memory_space<semaphore_mem>>, %arg13: memref<!tpu.dma_semaphore, #tpu.memory_space<semaphore_mem>>, %arg14: memref<!tpu.dma_semaphore, #tpu.memory_space<semaphore_mem>>, %arg15: memref<!tpu.dma_semaphore, #tpu.memory_space<semaphore_mem>>, %arg16: memref<!tpu.dma_semaphore, #tpu.memory_space<semaphore_mem>>) attributes {dimension_semantics = [#tpu.dimension_semantics<core_parallel>, #tpu.dimension_semantics<subcore_parallel>], iteration_bounds = array<i64: 2, 16>, scalar_prefetch = 0 : i64, scratch_operands = 11 : i64, tpu.core_type = #tpu.core_type<sc_vector_subcore>, window_params = [{transform_indices = #map}, {transform_indices = #map1}, {transform_indices = #map}, {transform_indices = #map2}]} {
    %mul3A = arith.constant 2 : i32
    %mul3A_0 = arith.muli %arg1, %mul3A : i32
    %add3A = arith.addi %mul3A_0, %arg0 : i32
    %broadcast_in_dim3A = arith.constant 0.000000e+00 : f32
    %broadcast_in_dim3A_1 = vector.broadcast %broadcast_in_dim3A : f32 to vector<16xf32>
    %scan3A = arith.constant 0 : i32
    %scan3A_2 = arith.constant 0 : i32
    %scan3A_3 = arith.constant 1024 : i32
    %scan3A_4 = arith.addi %scan3A_2, %scan3A_3 : i32
    %scan3A_5 = arith.constant 1 : i32
    scf.for %scan3A_25 = %scan3A_2 to %scan3A_4 step %scan3A_5  : i32 {
      %jit3A = arith.constant 8 : i32
      %div3A = arith.divsi %scan3A_25, %jit3A : i32
      %sign3A = arith.constant 0 : i32
      %sign3A_26 = arith.cmpi sgt, %scan3A_25, %sign3A : i32
      %sign3A_27 = arith.extui %sign3A_26 : i1 to i32
      %sign3A_28 = arith.constant 0 : i32
      %sign3A_29 = arith.cmpi slt, %scan3A_25, %sign3A_28 : i32
      %sign3A_30 = arith.extui %sign3A_29 : i1 to i32
      %sign3A_31 = arith.subi %sign3A_27, %sign3A_30 : i32
      %sign3A_32 = arith.constant 0 : i32
      %sign3A_33 = arith.cmpi sgt, %jit3A, %sign3A_32 : i32
      %sign3A_34 = arith.extui %sign3A_33 : i1 to i32
      %sign3A_35 = arith.constant 0 : i32
      %sign3A_36 = arith.cmpi slt, %jit3A, %sign3A_35 : i32
      %sign3A_37 = arith.extui %sign3A_36 : i1 to i32
      %sign3A_38 = arith.subi %sign3A_34, %sign3A_37 : i32
      %ne3A = arith.cmpi ne, %sign3A_31, %sign3A_38 : i32
      %rem3A = arith.remsi %scan3A_25, %jit3A : i32
      %ne3A_39 = arith.constant 0 : i32
      %ne3A_40 = arith.cmpi ne, %rem3A, %ne3A_39 : i32
      %and3A = arith.andi %ne3A, %ne3A_40 : i1
      %sub3A = arith.constant 1 : i32
      %sub3A_41 = arith.subi %div3A, %sub3A : i32
      %select_n3A = arith.select %and3A, %sub3A_41, %div3A : i32
      %jit3A_42 = arith.constant 8 : i32
      %eq3A = arith.constant 0 : i32
      %eq3A_43 = arith.cmpi eq, %jit3A_42, %eq3A : i32
      %jit3A_44 = arith.constant 1 : i32
      %select_n3A_45 = arith.select %eq3A_43, %jit3A_44, %jit3A_42 : i32
      %rem3A_46 = arith.remsi %scan3A_25, %select_n3A_45 : i32
      %ne3A_47 = arith.constant 0 : i32
      %ne3A_48 = arith.cmpi ne, %rem3A_46, %ne3A_47 : i32
      %lt3A = arith.constant 0 : i32
      %lt3A_49 = arith.cmpi slt, %rem3A_46, %lt3A : i32
      %lt3A_50 = arith.constant 0 : i32
      %lt3A_51 = arith.cmpi slt, %select_n3A_45, %lt3A_50 : i32
      %ne3A_52 = arith.xori %lt3A_49, %lt3A_51 : i1
      %and3A_53 = arith.andi %ne3A_52, %ne3A_48 : i1
      %add3A_54 = arith.addi %rem3A_46, %select_n3A_45 : i32
      %select_n3A_55 = arith.select %and3A_53, %add3A_54, %rem3A_46 : i32
      %mul3A_56 = arith.constant 16 : i32
      %mul3A_57 = arith.muli %select_n3A_55, %mul3A_56 : i32
      %swap3A = arith.index_cast %select_n3A : i32 to index
      %swap3A_58 = arith.index_cast %mul3A_57 : i32 to index
      %swap3A_59 = tpu.vector_load %arg9[%swap3A, %swap3A_58] {strides = array<i32>} : memref<128x128xf32, #tpu.memory_space<vmem>>, vector<1x16xf32>,
      %swap3A_60 = vector.shape_cast %swap3A_59 : vector<1x16xf32> to vector<16xf32>
      %swap3A_61 = vector.shape_cast %broadcast_in_dim3A_1 : vector<16xf32> to vector<1x16xf32>
      tpu.vector_store %arg9[%swap3A, %swap3A_58], %swap3A_61 {strides = array<i32>} : memref<128x128xf32, #tpu.memory_space<vmem>>, vector<1x16xf32>,
    }
    %scan3A_6 = arith.constant 1024 : i32
    %scan3A_7 = arith.constant 0 : i32
    %scan3A_8 = arith.constant 5 : i32
    %scan3A_9 = arith.addi %scan3A_7, %scan3A_8 : i32
    %scan3A_10 = arith.constant 1 : i32
    scf.for %scan3A_25 = %scan3A_7 to %scan3A_9 step %scan3A_10  : i32 {
      %mul3A_26 = arith.constant 1 : i32
      %mul3A_27 = arith.muli %scan3A_25, %mul3A_26 : i32
      %add3A_28 = arith.constant 0 : i32
      %add3A_29 = arith.addi %add3A_28, %mul3A_27 : i32
      %mul3A_30 = arith.constant 640 : i32
      %mul3A_31 = arith.muli %arg1, %mul3A_30 : i32
      %mul3A_32 = arith.constant 128 : i32
      %mul3A_33 = arith.muli %add3A_29, %mul3A_32 : i32
      %add3A_34 = arith.addi %mul3A_31, %mul3A_33 : i32
      %dma_start3A = arith.constant 0 : i32
      %dma_start3A_35 = tpu.memref_slice %arg11[%add3A_34, %dma_start3A] : memref<10240x128xf32, #tpu.memory_space<vmem_shared>> -> memref<128x128xf32, #tpu.memory_space<vmem_shared>>
      %dma_start3A_36 = arith.constant 0 : i32
      %dma_start3A_37 = tpu.memref_slice %arg11[%add3A_34, %dma_start3A_36] : memref<10240x128xf32, #tpu.memory_space<vmem_shared>> -> memref<128x128xf32, #tpu.memory_space<vmem_shared>>
      tpu.enqueue_dma source(%arg9 : memref<128x128xf32, #tpu.memory_space<vmem>>) target(%dma_start3A_37 : memref<128x128xf32, #tpu.memory_space<vmem_shared>>) target_semaphore(%arg16 : memref<!tpu.dma_semaphore, #tpu.memory_space<semaphore_mem>>)
      %dma_wait3A = arith.constant 0 : i32
      %dma_wait3A_38 = tpu.memref_slice %arg11[%add3A_34, %dma_wait3A] : memref<10240x128xf32, #tpu.memory_space<vmem_shared>> -> memref<128x128xf32, #tpu.memory_space<vmem_shared>>
      %dma_wait3A_39 = arith.constant 0 : i32
      %dma_wait3A_40 = tpu.memref_slice %arg11[%add3A_34, %dma_wait3A_39] : memref<10240x128xf32, #tpu.memory_space<vmem_shared>> -> memref<128x128xf32, #tpu.memory_space<vmem_shared>>
      tpu.wait_dma2 semaphore(%arg16 : memref<!tpu.dma_semaphore, #tpu.memory_space<semaphore_mem>>) src(%arg9 : memref<128x128xf32, #tpu.memory_space<vmem>>) dst(%dma_wait3A_40 : memref<128x128xf32, #tpu.memory_space<vmem_shared>>)
    }
    %scan3A_11 = arith.constant 5 : i32
    %barrier3A = arith.constant 0 : index
    tpu.barrier barrier_id(%barrier3A)
    %mul3A_12 = arith.constant 40 : i32
    %mul3A_13 = arith.muli %add3A, %mul3A_12 : i32
    %scan3A_14 = arith.constant 0 : i32
    %scan3A_15 = arith.constant 2 : i32
    %scan3A_16 = arith.addi %scan3A_14, %scan3A_15 : i32
    %scan3A_17 = arith.constant 1 : i32
    scf.for %scan3A_25 = %scan3A_14 to %scan3A_16 step %scan3A_17  : i32 {
      %mul3A_26 = arith.constant 1 : i32
      %mul3A_27 = arith.muli %scan3A_25, %mul3A_26 : i32
      %add3A_28 = arith.constant 0 : i32
      %add3A_29 = arith.addi %add3A_28, %mul3A_27 : i32
      %mul3A_30 = arith.constant 20 : i32
      %mul3A_31 = arith.muli %add3A_29, %mul3A_30 : i32
      %add3A_32 = arith.addi %mul3A_13, %mul3A_31 : i32
      %mul3A_33 = arith.constant 128 : i32
      %mul3A_34 = arith.muli %add3A_32, %mul3A_33 : i32
      %dma_start3A = tpu.memref_slice %arg3[%mul3A_34] : memref<163840xi32, #tpu.memory_space<hbm>> -> memref<2560xi32, #tpu.memory_space<hbm>>
      %dma_start3A_35 = tpu.memref_slice %arg3[%mul3A_34] : memref<163840xi32, #tpu.memory_space<hbm>> -> memref<2560xi32, #tpu.memory_space<hbm>>
      tpu.enqueue_dma source(%dma_start3A_35 : memref<2560xi32, #tpu.memory_space<hbm>>) target(%arg6 : memref<2560xi32, #tpu.memory_space<vmem>>) target_semaphore(%arg16 : memref<!tpu.dma_semaphore, #tpu.memory_space<semaphore_mem>>)
      %dma_wait3A = tpu.memref_slice %arg3[%mul3A_34] : memref<163840xi32, #tpu.memory_space<hbm>> -> memref<2560xi32, #tpu.memory_space<hbm>>
      %dma_wait3A_36 = tpu.memref_slice %arg3[%mul3A_34] : memref<163840xi32, #tpu.memory_space<hbm>> -> memref<2560xi32, #tpu.memory_space<hbm>>
      tpu.wait_dma2 semaphore(%arg16 : memref<!tpu.dma_semaphore, #tpu.memory_space<semaphore_mem>>) src(%dma_wait3A_36 : memref<2560xi32, #tpu.memory_space<hbm>>) dst(%arg6 : memref<2560xi32, #tpu.memory_space<vmem>>)
      %dma_start3A_37 = arith.constant 0 : i32
      %dma_start3A_38 = tpu.memref_slice %arg6[%dma_start3A_37] : memref<2560xi32, #tpu.memory_space<vmem>> -> memref<128xi32, #tpu.memory_space<vmem>>
      %dma_start3A_39 = arith.constant 0 : i32
      %dma_start3A_40 = arith.constant 0 : i32
      %dma_start3A_41 = tpu.memref_slice %arg2[%dma_start3A_39, %dma_start3A_40] : memref<10240x128xf32, #tpu.memory_space<hbm>> -> memref<10240x128xf32, #tpu.memory_space<hbm>>
      tpu.enqueue_indirect_dma source(%dma_start3A_41 : memref<10240x128xf32, #tpu.memory_space<hbm>>) target(%arg9 : memref<128x128xf32, #tpu.memory_space<vmem>>) offsets(%dma_start3A_38 : memref<128xi32, #tpu.memory_space<vmem>>) semaphore(%arg12 : memref<!tpu.dma_semaphore, #tpu.memory_space<semaphore_mem>>)
      %add3A_42 = arith.constant 0 : i32
      %add3A_43 = arith.addi %add3A_32, %add3A_42 : i32
      %dma_start3A_44 = arith.constant 0 : i32
      %dma_start3A_45 = tpu.memref_slice %arg4[%add3A_43, %dma_start3A_44] : memref<1280x128xi32, #tpu.memory_space<hbm>> -> memref<1x128xi32, #tpu.memory_space<hbm>>
      %dma_start3A_46 = tpu.memref_squeeze %dma_start3A_45 : memref<1x128xi32, #tpu.memory_space<hbm>> -> memref<128xi32, #tpu.memory_space<hbm>>
      %dma_start3A_47 = arith.constant 0 : i32
      %dma_start3A_48 = tpu.memref_slice %arg4[%add3A_43, %dma_start3A_47] : memref<1280x128xi32, #tpu.memory_space<hbm>> -> memref<1x128xi32, #tpu.memory_space<hbm>>
      %dma_start3A_49 = tpu.memref_squeeze %dma_start3A_48 : memref<1x128xi32, #tpu.memory_space<hbm>> -> memref<128xi32, #tpu.memory_space<hbm>>
      tpu.enqueue_dma source(%dma_start3A_49 : memref<128xi32, #tpu.memory_space<hbm>>) target(%arg7 : memref<128xi32, #tpu.memory_space<vmem>>) target_semaphore(%arg14 : memref<!tpu.dma_semaphore, #tpu.memory_space<semaphore_mem>>)
      %scan3A_50 = arith.constant 0 : i32
      %scan3A_51 = arith.constant 9 : i32
      %scan3A_52 = arith.addi %scan3A_50, %scan3A_51 : i32
      %scan3A_53 = arith.constant 1 : i32
      scf.for %scan3A_102 = %scan3A_50 to %scan3A_52 step %scan3A_53  : i32 {
        %mul3A_103 = arith.constant 1 : i32
        %mul3A_104 = arith.muli %scan3A_102, %mul3A_103 : i32
        %add3A_105 = arith.constant 0 : i32
        %add3A_106 = arith.addi %add3A_105, %mul3A_104 : i32
        %mul3A_107 = arith.constant 2 : i32
        %mul3A_108 = arith.muli %mul3A_107, %add3A_106 : i32
        %add3A_109 = arith.constant 1 : i32
        %add3A_110 = arith.addi %mul3A_108, %add3A_109 : i32
        %mul3A_111 = arith.constant 128 : i32
        %mul3A_112 = arith.muli %add3A_110, %mul3A_111 : i32
        %dma_start3A_113 = tpu.memref_slice %arg6[%mul3A_112] : memref<2560xi32, #tpu.memory_space<vmem>> -> memref<128xi32, #tpu.memory_space<vmem>>
        %dma_start3A_114 = arith.constant 0 : i32
        %dma_start3A_115 = arith.constant 0 : i32
        %dma_start3A_116 = tpu.memref_slice %arg2[%dma_start3A_114, %dma_start3A_115] : memref<10240x128xf32, #tpu.memory_space<hbm>> -> memref<10240x128xf32, #tpu.memory_space<hbm>>
        tpu.enqueue_indirect_dma source(%dma_start3A_116 : memref<10240x128xf32, #tpu.memory_space<hbm>>) target(%arg10 : memref<128x128xf32, #tpu.memory_space<vmem>>) offsets(%dma_start3A_113 : memref<128xi32, #tpu.memory_space<vmem>>) semaphore(%arg13 : memref<!tpu.dma_semaphore, #tpu.memory_space<semaphore_mem>>)
        %add3A_117 = arith.addi %add3A_32, %add3A_110 : i32
        %dma_start3A_118 = arith.constant 0 : i32
        %dma_start3A_119 = tpu.memref_slice %arg4[%add3A_117, %dma_start3A_118] : memref<1280x128xi32, #tpu.memory_space<hbm>> -> memref<1x128xi32, #tpu.memory_space<hbm>>
        %dma_start3A_120 = tpu.memref_squeeze %dma_start3A_119 : memref<1x128xi32, #tpu.memory_space<hbm>> -> memref<128xi32, #tpu.memory_space<hbm>>
        %dma_start3A_121 = arith.constant 0 : i32
        %dma_start3A_122 = tpu.memref_slice %arg4[%add3A_117, %dma_start3A_121] : memref<1280x128xi32, #tpu.memory_space<hbm>> -> memref<1x128xi32, #tpu.memory_space<hbm>>
        %dma_start3A_123 = tpu.memref_squeeze %dma_start3A_122 : memref<1x128xi32, #tpu.memory_space<hbm>> -> memref<128xi32, #tpu.memory_space<hbm>>
        tpu.enqueue_dma source(%dma_start3A_123 : memref<128xi32, #tpu.memory_space<hbm>>) target(%arg8 : memref<128xi32, #tpu.memory_space<vmem>>) target_semaphore(%arg15 : memref<!tpu.dma_semaphore, #tpu.memory_space<semaphore_mem>>)
        %dma_wait3A_124 = arith.constant 0 : i32
        %dma_wait3A_125 = tpu.memref_slice %arg6[%dma_wait3A_124] : memref<2560xi32, #tpu.memory_space<vmem>> -> memref<128xi32, #tpu.memory_space<vmem>>
        %dma_wait3A_126 = arith.constant 0 : i32
        %dma_wait3A_127 = arith.constant 0 : i32
        %dma_wait3A_128 = tpu.memref_slice %arg2[%dma_wait3A_126, %dma_wait3A_127] : memref<10240x128xf32, #tpu.memory_space<hbm>> -> memref<10240x128xf32, #tpu.memory_space<hbm>>
        tpu.wait_indirect_dma semaphore(%arg12 : memref<!tpu.dma_semaphore, #tpu.memory_space<semaphore_mem>>) src(%dma_wait3A_128 : memref<10240x128xf32, #tpu.memory_space<hbm>>) dst(%arg9 : memref<128x128xf32, #tpu.memory_space<vmem>>)
        %dma_wait3A_129 = arith.constant 0 : i32
        %dma_wait3A_130 = tpu.memref_slice %arg4[%add3A_32, %dma_wait3A_129] : memref<1280x128xi32, #tpu.memory_space<hbm>> -> memref<1x128xi32, #tpu.memory_space<hbm>>
        %dma_wait3A_131 = tpu.memref_squeeze %dma_wait3A_130 : memref<1x128xi32, #tpu.memory_space<hbm>> -> memref<128xi32, #tpu.memory_space<hbm>>
        %dma_wait3A_132 = arith.constant 0 : i32
        %dma_wait3A_133 = tpu.memref_slice %arg4[%add3A_32, %dma_wait3A_132] : memref<1280x128xi32, #tpu.memory_space<hbm>> -> memref<1x128xi32, #tpu.memory_space<hbm>>
        %dma_wait3A_134 = tpu.memref_squeeze %dma_wait3A_133 : memref<1x128xi32, #tpu.memory_space<hbm>> -> memref<128xi32, #tpu.memory_space<hbm>>
        tpu.wait_dma2 semaphore(%arg14 : memref<!tpu.dma_semaphore, #tpu.memory_space<semaphore_mem>>) src(%dma_wait3A_134 : memref<128xi32, #tpu.memory_space<hbm>>) dst(%arg7 : memref<128xi32, #tpu.memory_space<vmem>>)
        %dma_start3A_135 = arith.constant 0 : i32
        %dma_start3A_136 = arith.constant 0 : i32
        %dma_start3A_137 = tpu.memref_slice %arg11[%dma_start3A_135, %dma_start3A_136] : memref<10240x128xf32, #tpu.memory_space<vmem_shared>> -> memref<10240x128xf32, #tpu.memory_space<vmem_shared>>
        tpu.enqueue_indirect_dma source(%arg9 : memref<128x128xf32, #tpu.memory_space<vmem>>) target(%dma_start3A_137 : memref<10240x128xf32, #tpu.memory_space<vmem_shared>>) offsets(%arg7 : memref<128xi32, #tpu.memory_space<vmem>>) semaphore(%arg16 : memref<!tpu.dma_semaphore, #tpu.memory_space<semaphore_mem>>) {add = true}
        %dma_wait3A_138 = arith.constant 0 : i32
        %dma_wait3A_139 = arith.constant 0 : i32
        %dma_wait3A_140 = tpu.memref_slice %arg11[%dma_wait3A_138, %dma_wait3A_139] : memref<10240x128xf32, #tpu.memory_space<vmem_shared>> -> memref<10240x128xf32, #tpu.memory_space<vmem_shared>>
        tpu.wait_indirect_dma semaphore(%arg16 : memref<!tpu.dma_semaphore, #tpu.memory_space<semaphore_mem>>) src(%arg9 : memref<128x128xf32, #tpu.memory_space<vmem>>) dst(%dma_wait3A_140 : memref<10240x128xf32, #tpu.memory_space<vmem_shared>>)
        %mul3A_141 = arith.constant 2 : i32
        %mul3A_142 = arith.muli %mul3A_141, %add3A_106 : i32
        %add3A_143 = arith.constant 2 : i32
        %add3A_144 = arith.addi %mul3A_142, %add3A_143 : i32
        %mul3A_145 = arith.constant 128 : i32
        %mul3A_146 = arith.muli %add3A_144, %mul3A_145 : i32
        %dma_start3A_147 = tpu.memref_slice %arg6[%mul3A_146] : memref<2560xi32, #tpu.memory_space<vmem>> -> memref<128xi32, #tpu.memory_space<vmem>>
        %dma_start3A_148 = arith.constant 0 : i32
        %dma_start3A_149 = arith.constant 0 : i32
        %dma_start3A_150 = tpu.memref_slice %arg2[%dma_start3A_148, %dma_start3A_149] : memref<10240x128xf32, #tpu.memory_space<hbm>> -> memref<10240x128xf32, #tpu.memory_space<hbm>>
        tpu.enqueue_indirect_dma source(%dma_start3A_150 : memref<10240x128xf32, #tpu.memory_space<hbm>>) target(%arg9 : memref<128x128xf32, #tpu.memory_space<vmem>>) offsets(%dma_start3A_147 : memref<128xi32, #tpu.memory_space<vmem>>) semaphore(%arg12 : memref<!tpu.dma_semaphore, #tpu.memory_space<semaphore_mem>>)
        %add3A_151 = arith.addi %add3A_32, %add3A_144 : i32
        %dma_start3A_152 = arith.constant 0 : i32
        %dma_start3A_153 = tpu.memref_slice %arg4[%add3A_151, %dma_start3A_152] : memref<1280x128xi32, #tpu.memory_space<hbm>> -> memref<1x128xi32, #tpu.memory_space<hbm>>
        %dma_start3A_154 = tpu.memref_squeeze %dma_start3A_153 : memref<1x128xi32, #tpu.memory_space<hbm>> -> memref<128xi32, #tpu.memory_space<hbm>>
        %dma_start3A_155 = arith.constant 0 : i32
        %dma_start3A_156 = tpu.memref_slice %arg4[%add3A_151, %dma_start3A_155] : memref<1280x128xi32, #tpu.memory_space<hbm>> -> memref<1x128xi32, #tpu.memory_space<hbm>>
        %dma_start3A_157 = tpu.memref_squeeze %dma_start3A_156 : memref<1x128xi32, #tpu.memory_space<hbm>> -> memref<128xi32, #tpu.memory_space<hbm>>
        tpu.enqueue_dma source(%dma_start3A_157 : memref<128xi32, #tpu.memory_space<hbm>>) target(%arg7 : memref<128xi32, #tpu.memory_space<vmem>>) target_semaphore(%arg14 : memref<!tpu.dma_semaphore, #tpu.memory_space<semaphore_mem>>)
        %dma_wait3A_158 = arith.constant 0 : i32
        %dma_wait3A_159 = tpu.memref_slice %arg6[%dma_wait3A_158] : memref<2560xi32, #tpu.memory_space<vmem>> -> memref<128xi32, #tpu.memory_space<vmem>>
        %dma_wait3A_160 = arith.constant 0 : i32
        %dma_wait3A_161 = arith.constant 0 : i32
        %dma_wait3A_162 = tpu.memref_slice %arg2[%dma_wait3A_160, %dma_wait3A_161] : memref<10240x128xf32, #tpu.memory_space<hbm>> -> memref<10240x128xf32, #tpu.memory_space<hbm>>
        tpu.wait_indirect_dma semaphore(%arg13 : memref<!tpu.dma_semaphore, #tpu.memory_space<semaphore_mem>>) src(%dma_wait3A_162 : memref<10240x128xf32, #tpu.memory_space<hbm>>) dst(%arg10 : memref<128x128xf32, #tpu.memory_space<vmem>>)
        %dma_wait3A_163 = arith.constant 0 : i32
        %dma_wait3A_164 = tpu.memref_slice %arg4[%add3A_32, %dma_wait3A_163] : memref<1280x128xi32, #tpu.memory_space<hbm>> -> memref<1x128xi32, #tpu.memory_space<hbm>>
        %dma_wait3A_165 = tpu.memref_squeeze %dma_wait3A_164 : memref<1x128xi32, #tpu.memory_space<hbm>> -> memref<128xi32, #tpu.memory_space<hbm>>
        %dma_wait3A_166 = arith.constant 0 : i32
        %dma_wait3A_167 = tpu.memref_slice %arg4[%add3A_32, %dma_wait3A_166] : memref<1280x128xi32, #tpu.memory_space<hbm>> -> memref<1x128xi32, #tpu.memory_space<hbm>>
        %dma_wait3A_168 = tpu.memref_squeeze %dma_wait3A_167 : memref<1x128xi32, #tpu.memory_space<hbm>> -> memref<128xi32, #tpu.memory_space<hbm>>
        tpu.wait_dma2 semaphore(%arg15 : memref<!tpu.dma_semaphore, #tpu.memory_space<semaphore_mem>>) src(%dma_wait3A_168 : memref<128xi32, #tpu.memory_space<hbm>>) dst(%arg8 : memref<128xi32, #tpu.memory_space<vmem>>)
        %dma_start3A_169 = arith.constant 0 : i32
        %dma_start3A_170 = arith.constant 0 : i32
        %dma_start3A_171 = tpu.memref_slice %arg11[%dma_start3A_169, %dma_start3A_170] : memref<10240x128xf32, #tpu.memory_space<vmem_shared>> -> memref<10240x128xf32, #tpu.memory_space<vmem_shared>>
        tpu.enqueue_indirect_dma source(%arg10 : memref<128x128xf32, #tpu.memory_space<vmem>>) target(%dma_start3A_171 : memref<10240x128xf32, #tpu.memory_space<vmem_shared>>) offsets(%arg8 : memref<128xi32, #tpu.memory_space<vmem>>) semaphore(%arg16 : memref<!tpu.dma_semaphore, #tpu.memory_space<semaphore_mem>>) {add = true}
        %dma_wait3A_172 = arith.constant 0 : i32
        %dma_wait3A_173 = arith.constant 0 : i32
        %dma_wait3A_174 = tpu.memref_slice %arg11[%dma_wait3A_172, %dma_wait3A_173] : memref<10240x128xf32, #tpu.memory_space<vmem_shared>> -> memref<10240x128xf32, #tpu.memory_space<vmem_shared>>
        tpu.wait_indirect_dma semaphore(%arg16 : memref<!tpu.dma_semaphore, #tpu.memory_space<semaphore_mem>>) src(%arg10 : memref<128x128xf32, #tpu.memory_space<vmem>>) dst(%dma_wait3A_174 : memref<10240x128xf32, #tpu.memory_space<vmem_shared>>)
      }
      %scan3A_54 = arith.constant 9 : i32
      %dma_start3A_55 = arith.constant 2432 : i32
      %dma_start3A_56 = tpu.memref_slice %arg6[%dma_start3A_55] : memref<2560xi32, #tpu.memory_space<vmem>> -> memref<128xi32, #tpu.memory_space<vmem>>
      %dma_start3A_57 = arith.constant 0 : i32
      %dma_start3A_58 = arith.constant 0 : i32
      %dma_start3A_59 = tpu.memref_slice %arg2[%dma_start3A_57, %dma_start3A_58] : memref<10240x128xf32, #tpu.memory_space<hbm>> -> memref<10240x128xf32, #tpu.memory_space<hbm>>
      tpu.enqueue_indirect_dma source(%dma_start3A_59 : memref<10240x128xf32, #tpu.memory_space<hbm>>) target(%arg10 : memref<128x128xf32, #tpu.memory_space<vmem>>) offsets(%dma_start3A_56 : memref<128xi32, #tpu.memory_space<vmem>>) semaphore(%arg13 : memref<!tpu.dma_semaphore, #tpu.memory_space<semaphore_mem>>)
      %add3A_60 = arith.constant 19 : i32
      %add3A_61 = arith.addi %add3A_32, %add3A_60 : i32
      %dma_start3A_62 = arith.constant 0 : i32
      %dma_start3A_63 = tpu.memref_slice %arg4[%add3A_61, %dma_start3A_62] : memref<1280x128xi32, #tpu.memory_space<hbm>> -> memref<1x128xi32, #tpu.memory_space<hbm>>
      %dma_start3A_64 = tpu.memref_squeeze %dma_start3A_63 : memref<1x128xi32, #tpu.memory_space<hbm>> -> memref<128xi32, #tpu.memory_space<hbm>>
      %dma_start3A_65 = arith.constant 0 : i32
      %dma_start3A_66 = tpu.memref_slice %arg4[%add3A_61, %dma_start3A_65] : memref<1280x128xi32, #tpu.memory_space<hbm>> -> memref<1x128xi32, #tpu.memory_space<hbm>>
      %dma_start3A_67 = tpu.memref_squeeze %dma_start3A_66 : memref<1x128xi32, #tpu.memory_space<hbm>> -> memref<128xi32, #tpu.memory_space<hbm>>
      tpu.enqueue_dma source(%dma_start3A_67 : memref<128xi32, #tpu.memory_space<hbm>>) target(%arg8 : memref<128xi32, #tpu.memory_space<vmem>>) target_semaphore(%arg15 : memref<!tpu.dma_semaphore, #tpu.memory_space<semaphore_mem>>)
      %dma_wait3A_68 = arith.constant 0 : i32
      %dma_wait3A_69 = tpu.memref_slice %arg6[%dma_wait3A_68] : memref<2560xi32, #tpu.memory_space<vmem>> -> memref<128xi32, #tpu.memory_space<vmem>>
      %dma_wait3A_70 = arith.constant 0 : i32
      %dma_wait3A_71 = arith.constant 0 : i32
      %dma_wait3A_72 = tpu.memref_slice %arg2[%dma_wait3A_70, %dma_wait3A_71] : memref<10240x128xf32, #tpu.memory_space<hbm>> -> memref<10240x128xf32, #tpu.memory_space<hbm>>
      tpu.wait_indirect_dma semaphore(%arg12 : memref<!tpu.dma_semaphore, #tpu.memory_space<semaphore_mem>>) src(%dma_wait3A_72 : memref<10240x128xf32, #tpu.memory_space<hbm>>) dst(%arg9 : memref<128x128xf32, #tpu.memory_space<vmem>>)
      %dma_wait3A_73 = arith.constant 0 : i32
      %dma_wait3A_74 = tpu.memref_slice %arg4[%add3A_32, %dma_wait3A_73] : memref<1280x128xi32, #tpu.memory_space<hbm>> -> memref<1x128xi32, #tpu.memory_space<hbm>>
      %dma_wait3A_75 = tpu.memref_squeeze %dma_wait3A_74 : memref<1x128xi32, #tpu.memory_space<hbm>> -> memref<128xi32, #tpu.memory_space<hbm>>
      %dma_wait3A_76 = arith.constant 0 : i32
      %dma_wait3A_77 = tpu.memref_slice %arg4[%add3A_32, %dma_wait3A_76] : memref<1280x128xi32, #tpu.memory_space<hbm>> -> memref<1x128xi32, #tpu.memory_space<hbm>>
      %dma_wait3A_78 = tpu.memref_squeeze %dma_wait3A_77 : memref<1x128xi32, #tpu.memory_space<hbm>> -> memref<128xi32, #tpu.memory_space<hbm>>
      tpu.wait_dma2 semaphore(%arg14 : memref<!tpu.dma_semaphore, #tpu.memory_space<semaphore_mem>>) src(%dma_wait3A_78 : memref<128xi32, #tpu.memory_space<hbm>>) dst(%arg7 : memref<128xi32, #tpu.memory_space<vmem>>)
      %dma_start3A_79 = arith.constant 0 : i32
      %dma_start3A_80 = arith.constant 0 : i32
      %dma_start3A_81 = tpu.memref_slice %arg11[%dma_start3A_79, %dma_start3A_80] : memref<10240x128xf32, #tpu.memory_space<vmem_shared>> -> memref<10240x128xf32, #tpu.memory_space<vmem_shared>>
      tpu.enqueue_indirect_dma source(%arg9 : memref<128x128xf32, #tpu.memory_space<vmem>>) target(%dma_start3A_81 : memref<10240x128xf32, #tpu.memory_space<vmem_shared>>) offsets(%arg7 : memref<128xi32, #tpu.memory_space<vmem>>) semaphore(%arg16 : memref<!tpu.dma_semaphore, #tpu.memory_space<semaphore_mem>>) {add = true}
      %dma_wait3A_82 = arith.constant 0 : i32
      %dma_wait3A_83 = arith.constant 0 : i32
      %dma_wait3A_84 = tpu.memref_slice %arg11[%dma_wait3A_82, %dma_wait3A_83] : memref<10240x128xf32, #tpu.memory_space<vmem_shared>> -> memref<10240x128xf32, #tpu.memory_space<vmem_shared>>
      tpu.wait_indirect_dma semaphore(%arg16 : memref<!tpu.dma_semaphore, #tpu.memory_space<semaphore_mem>>) src(%arg9 : memref<128x128xf32, #tpu.memory_space<vmem>>) dst(%dma_wait3A_84 : memref<10240x128xf32, #tpu.memory_space<vmem_shared>>)
      %dma_wait3A_85 = arith.constant 0 : i32
      %dma_wait3A_86 = tpu.memref_slice %arg6[%dma_wait3A_85] : memref<2560xi32, #tpu.memory_space<vmem>> -> memref<128xi32, #tpu.memory_space<vmem>>
      %dma_wait3A_87 = arith.constant 0 : i32
      %dma_wait3A_88 = arith.constant 0 : i32
      %dma_wait3A_89 = tpu.memref_slice %arg2[%dma_wait3A_87, %dma_wait3A_88] : memref<10240x128xf32, #tpu.memory_space<hbm>> -> memref<10240x128xf32, #tpu.memory_space<hbm>>
      tpu.wait_indirect_dma semaphore(%arg13 : memref<!tpu.dma_semaphore, #tpu.memory_space<semaphore_mem>>) src(%dma_wait3A_89 : memref<10240x128xf32, #tpu.memory_space<hbm>>) dst(%arg10 : memref<128x128xf32, #tpu.memory_space<vmem>>)
      %dma_wait3A_90 = arith.constant 0 : i32
      %dma_wait3A_91 = tpu.memref_slice %arg4[%add3A_32, %dma_wait3A_90] : memref<1280x128xi32, #tpu.memory_space<hbm>> -> memref<1x128xi32, #tpu.memory_space<hbm>>
      %dma_wait3A_92 = tpu.memref_squeeze %dma_wait3A_91 : memref<1x128xi32, #tpu.memory_space<hbm>> -> memref<128xi32, #tpu.memory_space<hbm>>
      %dma_wait3A_93 = arith.constant 0 : i32
      %dma_wait3A_94 = tpu.memref_slice %arg4[%add3A_32, %dma_wait3A_93] : memref<1280x128xi32, #tpu.memory_space<hbm>> -> memref<1x128xi32, #tpu.memory_space<hbm>>
      %dma_wait3A_95 = tpu.memref_squeeze %dma_wait3A_94 : memref<1x128xi32, #tpu.memory_space<hbm>> -> memref<128xi32, #tpu.memory_space<hbm>>
      tpu.wait_dma2 semaphore(%arg15 : memref<!tpu.dma_semaphore, #tpu.memory_space<semaphore_mem>>) src(%dma_wait3A_95 : memref<128xi32, #tpu.memory_space<hbm>>) dst(%arg8 : memref<128xi32, #tpu.memory_space<vmem>>)
      %dma_start3A_96 = arith.constant 0 : i32
      %dma_start3A_97 = arith.constant 0 : i32
      %dma_start3A_98 = tpu.memref_slice %arg11[%dma_start3A_96, %dma_start3A_97] : memref<10240x128xf32, #tpu.memory_space<vmem_shared>> -> memref<10240x128xf32, #tpu.memory_space<vmem_shared>>
      tpu.enqueue_indirect_dma source(%arg10 : memref<128x128xf32, #tpu.memory_space<vmem>>) target(%dma_start3A_98 : memref<10240x128xf32, #tpu.memory_space<vmem_shared>>) offsets(%arg8 : memref<128xi32, #tpu.memory_space<vmem>>) semaphore(%arg16 : memref<!tpu.dma_semaphore, #tpu.memory_space<semaphore_mem>>) {add = true}
      %dma_wait3A_99 = arith.constant 0 : i32
      %dma_wait3A_100 = arith.constant 0 : i32
      %dma_wait3A_101 = tpu.memref_slice %arg11[%dma_wait3A_99, %dma_wait3A_100] : memref<10240x128xf32, #tpu.memory_space<vmem_shared>> -> memref<10240x128xf32, #tpu.memory_space<vmem_shared>>
      tpu.wait_indirect_dma semaphore(%arg16 : memref<!tpu.dma_semaphore, #tpu.memory_space<semaphore_mem>>) src(%arg10 : memref<128x128xf32, #tpu.memory_space<vmem>>) dst(%dma_wait3A_101 : memref<10240x128xf32, #tpu.memory_space<vmem_shared>>)
    }
    %scan3A_18 = arith.constant 2 : i32
    %barrier3A_19 = arith.constant 0 : index
    tpu.barrier barrier_id(%barrier3A_19)
    %scan3A_20 = arith.constant 0 : i32
    %scan3A_21 = arith.constant 5 : i32
    %scan3A_22 = arith.addi %scan3A_20, %scan3A_21 : i32
    %scan3A_23 = arith.constant 1 : i32
    scf.for %scan3A_25 = %scan3A_20 to %scan3A_22 step %scan3A_23  : i32 {
      %mul3A_26 = arith.constant 1 : i32
      %mul3A_27 = arith.muli %scan3A_25, %mul3A_26 : i32
      %add3A_28 = arith.constant 0 : i32
      %add3A_29 = arith.addi %add3A_28, %mul3A_27 : i32
      %mul3A_30 = arith.constant 640 : i32
      %mul3A_31 = arith.muli %arg1, %mul3A_30 : i32
      %mul3A_32 = arith.constant 128 : i32
      %mul3A_33 = arith.muli %add3A_29, %mul3A_32 : i32
      %add3A_34 = arith.addi %mul3A_31, %mul3A_33 : i32
      %dma_start3A = arith.constant 0 : i32
      %dma_start3A_35 = tpu.memref_slice %arg11[%add3A_34, %dma_start3A] : memref<10240x128xf32, #tpu.memory_space<vmem_shared>> -> memref<128x128xf32, #tpu.memory_space<vmem_shared>>
      %dma_start3A_36 = arith.constant 0 : i32
      %dma_start3A_37 = tpu.memref_slice %arg11[%add3A_34, %dma_start3A_36] : memref<10240x128xf32, #tpu.memory_space<vmem_shared>> -> memref<128x128xf32, #tpu.memory_space<vmem_shared>>
      tpu.enqueue_dma source(%dma_start3A_37 : memref<128x128xf32, #tpu.memory_space<vmem_shared>>) target(%arg9 : memref<128x128xf32, #tpu.memory_space<vmem>>) target_semaphore(%arg16 : memref<!tpu.dma_semaphore, #tpu.memory_space<semaphore_mem>>)
      %dma_wait3A = arith.constant 0 : i32
      %dma_wait3A_38 = tpu.memref_slice %arg11[%add3A_34, %dma_wait3A] : memref<10240x128xf32, #tpu.memory_space<vmem_shared>> -> memref<128x128xf32, #tpu.memory_space<vmem_shared>>
      %dma_wait3A_39 = arith.constant 0 : i32
      %dma_wait3A_40 = tpu.memref_slice %arg11[%add3A_34, %dma_wait3A_39] : memref<10240x128xf32, #tpu.memory_space<vmem_shared>> -> memref<128x128xf32, #tpu.memory_space<vmem_shared>>
      tpu.wait_dma2 semaphore(%arg16 : memref<!tpu.dma_semaphore, #tpu.memory_space<semaphore_mem>>) src(%dma_wait3A_40 : memref<128x128xf32, #tpu.memory_space<vmem_shared>>) dst(%arg9 : memref<128x128xf32, #tpu.memory_space<vmem>>)
      %dma_start3A_41 = arith.constant 0 : i32
      %dma_start3A_42 = tpu.memref_slice %arg5[%arg0, %add3A_34, %dma_start3A_41] : memref<2x10240x128xf32, #tpu.memory_space<hbm>> -> memref<1x128x128xf32, #tpu.memory_space<hbm>>
      %dma_start3A_43 = tpu.memref_squeeze %dma_start3A_42 : memref<1x128x128xf32, #tpu.memory_space<hbm>> -> memref<128x128xf32, #tpu.memory_space<hbm>>
      %dma_start3A_44 = arith.constant 0 : i32
      %dma_start3A_45 = tpu.memref_slice %arg5[%arg0, %add3A_34, %dma_start3A_44] : memref<2x10240x128xf32, #tpu.memory_space<hbm>> -> memref<1x128x128xf32, #tpu.memory_space<hbm>>
      %dma_start3A_46 = tpu.memref_squeeze %dma_start3A_45 : memref<1x128x128xf32, #tpu.memory_space<hbm>> -> memref<128x128xf32, #tpu.memory_space<hbm>>
      tpu.enqueue_dma source(%arg9 : memref<128x128xf32, #tpu.memory_space<vmem>>) target(%dma_start3A_46 : memref<128x128xf32, #tpu.memory_space<hbm>>) target_semaphore(%arg16 : memref<!tpu.dma_semaphore, #tpu.memory_space<semaphore_mem>>)
      %dma_wait3A_47 = arith.constant 0 : i32
      %dma_wait3A_48 = tpu.memref_slice %arg5[%arg0, %add3A_34, %dma_wait3A_47] : memref<2x10240x128xf32, #tpu.memory_space<hbm>> -> memref<1x128x128xf32, #tpu.memory_space<hbm>>
      %dma_wait3A_49 = tpu.memref_squeeze %dma_wait3A_48 : memref<1x128x128xf32, #tpu.memory_space<hbm>> -> memref<128x128xf32, #tpu.memory_space<hbm>>
      %dma_wait3A_50 = arith.constant 0 : i32
      %dma_wait3A_51 = tpu.memref_slice %arg5[%arg0, %add3A_34, %dma_wait3A_50] : memref<2x10240x128xf32, #tpu.memory_space<hbm>> -> memref<1x128x128xf32, #tpu.memory_space<hbm>>
      %dma_wait3A_52 = tpu.memref_squeeze %dma_wait3A_51 : memref<1x128x128xf32, #tpu.memory_space<hbm>> -> memref<128x128xf32, #tpu.memory_space<hbm>>
      tpu.wait_dma2 semaphore(%arg16 : memref<!tpu.dma_semaphore, #tpu.memory_space<semaphore_mem>>) src(%arg9 : memref<128x128xf32, #tpu.memory_space<vmem>>) dst(%dma_wait3A_52 : memref<128x128xf32, #tpu.memory_space<hbm>>)
    }
    %scan3A_24 = arith.constant 5 : i32
    return
  }
}

#map = affine_map<(d0, d1) -> (0, 0)>
#map1 = affine_map<(d0, d1) -> (0)>
#map2 = affine_map<(d0, d1) -> (0, 0, 0)>
module attributes {stable_mosaic.version = 14 : i64} {
  func.func @_seg_body(%arg0: i32, %arg1: i32, %arg2: memref<10240x128xf32, #tpu.memory_space<hbm>>, %arg3: memref<323584xi32, #tpu.memory_space<hbm>>, %arg4: memref<2528x128xi32, #tpu.memory_space<hbm>>, %arg5: memref<2x10240x128xf32, #tpu.memory_space<hbm>>, %arg6: memref<4992xi32, #tpu.memory_space<vmem>>, %arg7: memref<128xi32, #tpu.memory_space<vmem>>, %arg8: memref<128xi32, #tpu.memory_space<vmem>>, %arg9: memref<128x128xf32, #tpu.memory_space<vmem>>, %arg10: memref<128x128xf32, #tpu.memory_space<vmem>>, %arg11: memref<10240x128xf32, #tpu.memory_space<vmem_shared>>, %arg12: memref<!tpu.dma_semaphore, #tpu.memory_space<semaphore_mem>>, %arg13: memref<!tpu.dma_semaphore, #tpu.memory_space<semaphore_mem>>, %arg14: memref<!tpu.dma_semaphore, #tpu.memory_space<semaphore_mem>>, %arg15: memref<!tpu.dma_semaphore, #tpu.memory_space<semaphore_mem>>, %arg16: memref<!tpu.dma_semaphore, #tpu.memory_space<semaphore_mem>>) attributes {dimension_semantics = [#tpu.dimension_semantics<core_parallel>, #tpu.dimension_semantics<subcore_parallel>], iteration_bounds = array<i64: 2, 16>, scalar_prefetch = 0 : i64, scratch_operands = 11 : i64, tpu.core_type = #tpu.core_type<sc_vector_subcore>, window_params = [{transform_indices = #map}, {transform_indices = #map1}, {transform_indices = #map}, {transform_indices = #map2}]} {
    %mul3A = arith.constant 2 : i32
    %mul3A_0 = arith.muli %arg1, %mul3A : i32
    %add3A = arith.addi %mul3A_0, %arg0 : i32
    %broadcast_in_dim3A = arith.constant 0.000000e+00 : f32
    %broadcast_in_dim3A_1 = vector.broadcast %broadcast_in_dim3A : f32 to vector<16xf32>
    %scan3A = arith.constant 0 : i32
    %scan3A_2 = arith.constant 0 : i32
    %scan3A_3 = arith.constant 1024 : i32
    %scan3A_4 = arith.addi %scan3A_2, %scan3A_3 : i32
    %scan3A_5 = arith.constant 1 : i32
    scf.for %scan3A_25 = %scan3A_2 to %scan3A_4 step %scan3A_5  : i32 {
      %jit3A = arith.constant 8 : i32
      %div3A = arith.divsi %scan3A_25, %jit3A : i32
      %sign3A = arith.constant 0 : i32
      %sign3A_26 = arith.cmpi sgt, %scan3A_25, %sign3A : i32
      %sign3A_27 = arith.extui %sign3A_26 : i1 to i32
      %sign3A_28 = arith.constant 0 : i32
      %sign3A_29 = arith.cmpi slt, %scan3A_25, %sign3A_28 : i32
      %sign3A_30 = arith.extui %sign3A_29 : i1 to i32
      %sign3A_31 = arith.subi %sign3A_27, %sign3A_30 : i32
      %sign3A_32 = arith.constant 0 : i32
      %sign3A_33 = arith.cmpi sgt, %jit3A, %sign3A_32 : i32
      %sign3A_34 = arith.extui %sign3A_33 : i1 to i32
      %sign3A_35 = arith.constant 0 : i32
      %sign3A_36 = arith.cmpi slt, %jit3A, %sign3A_35 : i32
      %sign3A_37 = arith.extui %sign3A_36 : i1 to i32
      %sign3A_38 = arith.subi %sign3A_34, %sign3A_37 : i32
      %ne3A = arith.cmpi ne, %sign3A_31, %sign3A_38 : i32
      %rem3A = arith.remsi %scan3A_25, %jit3A : i32
      %ne3A_39 = arith.constant 0 : i32
      %ne3A_40 = arith.cmpi ne, %rem3A, %ne3A_39 : i32
      %and3A = arith.andi %ne3A, %ne3A_40 : i1
      %sub3A = arith.constant 1 : i32
      %sub3A_41 = arith.subi %div3A, %sub3A : i32
      %select_n3A = arith.select %and3A, %sub3A_41, %div3A : i32
      %jit3A_42 = arith.constant 8 : i32
      %eq3A = arith.constant 0 : i32
      %eq3A_43 = arith.cmpi eq, %jit3A_42, %eq3A : i32
      %jit3A_44 = arith.constant 1 : i32
      %select_n3A_45 = arith.select %eq3A_43, %jit3A_44, %jit3A_42 : i32
      %rem3A_46 = arith.remsi %scan3A_25, %select_n3A_45 : i32
      %ne3A_47 = arith.constant 0 : i32
      %ne3A_48 = arith.cmpi ne, %rem3A_46, %ne3A_47 : i32
      %lt3A = arith.constant 0 : i32
      %lt3A_49 = arith.cmpi slt, %rem3A_46, %lt3A : i32
      %lt3A_50 = arith.constant 0 : i32
      %lt3A_51 = arith.cmpi slt, %select_n3A_45, %lt3A_50 : i32
      %ne3A_52 = arith.xori %lt3A_49, %lt3A_51 : i1
      %and3A_53 = arith.andi %ne3A_52, %ne3A_48 : i1
      %add3A_54 = arith.addi %rem3A_46, %select_n3A_45 : i32
      %select_n3A_55 = arith.select %and3A_53, %add3A_54, %rem3A_46 : i32
      %mul3A_56 = arith.constant 16 : i32
      %mul3A_57 = arith.muli %select_n3A_55, %mul3A_56 : i32
      %swap3A = arith.index_cast %select_n3A : i32 to index
      %swap3A_58 = arith.index_cast %mul3A_57 : i32 to index
      %swap3A_59 = tpu.vector_load %arg9[%swap3A, %swap3A_58] {strides = array<i32>} : memref<128x128xf32, #tpu.memory_space<vmem>>, vector<1x16xf32>,
      %swap3A_60 = vector.shape_cast %swap3A_59 : vector<1x16xf32> to vector<16xf32>
      %swap3A_61 = vector.shape_cast %broadcast_in_dim3A_1 : vector<16xf32> to vector<1x16xf32>
      tpu.vector_store %arg9[%swap3A, %swap3A_58], %swap3A_61 {strides = array<i32>} : memref<128x128xf32, #tpu.memory_space<vmem>>, vector<1x16xf32>,
    }
    %scan3A_6 = arith.constant 1024 : i32
    %scan3A_7 = arith.constant 0 : i32
    %scan3A_8 = arith.constant 5 : i32
    %scan3A_9 = arith.addi %scan3A_7, %scan3A_8 : i32
    %scan3A_10 = arith.constant 1 : i32
    scf.for %scan3A_25 = %scan3A_7 to %scan3A_9 step %scan3A_10  : i32 {
      %mul3A_26 = arith.constant 1 : i32
      %mul3A_27 = arith.muli %scan3A_25, %mul3A_26 : i32
      %add3A_28 = arith.constant 0 : i32
      %add3A_29 = arith.addi %add3A_28, %mul3A_27 : i32
      %mul3A_30 = arith.constant 640 : i32
      %mul3A_31 = arith.muli %arg1, %mul3A_30 : i32
      %mul3A_32 = arith.constant 128 : i32
      %mul3A_33 = arith.muli %add3A_29, %mul3A_32 : i32
      %add3A_34 = arith.addi %mul3A_31, %mul3A_33 : i32
      %dma_start3A = arith.constant 0 : i32
      %dma_start3A_35 = tpu.memref_slice %arg11[%add3A_34, %dma_start3A] : memref<10240x128xf32, #tpu.memory_space<vmem_shared>> -> memref<128x128xf32, #tpu.memory_space<vmem_shared>>
      %dma_start3A_36 = arith.constant 0 : i32
      %dma_start3A_37 = tpu.memref_slice %arg11[%add3A_34, %dma_start3A_36] : memref<10240x128xf32, #tpu.memory_space<vmem_shared>> -> memref<128x128xf32, #tpu.memory_space<vmem_shared>>
      tpu.enqueue_dma source(%arg9 : memref<128x128xf32, #tpu.memory_space<vmem>>) target(%dma_start3A_37 : memref<128x128xf32, #tpu.memory_space<vmem_shared>>) target_semaphore(%arg16 : memref<!tpu.dma_semaphore, #tpu.memory_space<semaphore_mem>>)
      %dma_wait3A = arith.constant 0 : i32
      %dma_wait3A_38 = tpu.memref_slice %arg11[%add3A_34, %dma_wait3A] : memref<10240x128xf32, #tpu.memory_space<vmem_shared>> -> memref<128x128xf32, #tpu.memory_space<vmem_shared>>
      %dma_wait3A_39 = arith.constant 0 : i32
      %dma_wait3A_40 = tpu.memref_slice %arg11[%add3A_34, %dma_wait3A_39] : memref<10240x128xf32, #tpu.memory_space<vmem_shared>> -> memref<128x128xf32, #tpu.memory_space<vmem_shared>>
      tpu.wait_dma2 semaphore(%arg16 : memref<!tpu.dma_semaphore, #tpu.memory_space<semaphore_mem>>) src(%arg9 : memref<128x128xf32, #tpu.memory_space<vmem>>) dst(%dma_wait3A_40 : memref<128x128xf32, #tpu.memory_space<vmem_shared>>)
    }
    %scan3A_11 = arith.constant 5 : i32
    %barrier3A = arith.constant 0 : index
    tpu.barrier barrier_id(%barrier3A)
    %mul3A_12 = arith.constant 79 : i32
    %mul3A_13 = arith.muli %add3A, %mul3A_12 : i32
    %scan3A_14 = arith.constant 0 : i32
    %scan3A_15 = arith.constant 2 : i32
    %scan3A_16 = arith.addi %scan3A_14, %scan3A_15 : i32
    %scan3A_17 = arith.constant 1 : i32
    scf.for %scan3A_25 = %scan3A_14 to %scan3A_16 step %scan3A_17  : i32 {
      %mul3A_26 = arith.constant 1 : i32
      %mul3A_27 = arith.muli %scan3A_25, %mul3A_26 : i32
      %add3A_28 = arith.constant 0 : i32
      %add3A_29 = arith.addi %add3A_28, %mul3A_27 : i32
      %mul3A_30 = arith.constant 39 : i32
      %mul3A_31 = arith.muli %add3A_29, %mul3A_30 : i32
      %add3A_32 = arith.addi %mul3A_13, %mul3A_31 : i32
      %mul3A_33 = arith.constant 128 : i32
      %mul3A_34 = arith.muli %add3A_32, %mul3A_33 : i32
      %dma_start3A = tpu.memref_slice %arg3[%mul3A_34] : memref<323584xi32, #tpu.memory_space<hbm>> -> memref<4992xi32, #tpu.memory_space<hbm>>
      %dma_start3A_35 = tpu.memref_slice %arg3[%mul3A_34] : memref<323584xi32, #tpu.memory_space<hbm>> -> memref<4992xi32, #tpu.memory_space<hbm>>
      tpu.enqueue_dma source(%dma_start3A_35 : memref<4992xi32, #tpu.memory_space<hbm>>) target(%arg6 : memref<4992xi32, #tpu.memory_space<vmem>>) target_semaphore(%arg16 : memref<!tpu.dma_semaphore, #tpu.memory_space<semaphore_mem>>)
      %dma_wait3A = tpu.memref_slice %arg3[%mul3A_34] : memref<323584xi32, #tpu.memory_space<hbm>> -> memref<4992xi32, #tpu.memory_space<hbm>>
      %dma_wait3A_36 = tpu.memref_slice %arg3[%mul3A_34] : memref<323584xi32, #tpu.memory_space<hbm>> -> memref<4992xi32, #tpu.memory_space<hbm>>
      tpu.wait_dma2 semaphore(%arg16 : memref<!tpu.dma_semaphore, #tpu.memory_space<semaphore_mem>>) src(%dma_wait3A_36 : memref<4992xi32, #tpu.memory_space<hbm>>) dst(%arg6 : memref<4992xi32, #tpu.memory_space<vmem>>)
      %dma_start3A_37 = arith.constant 0 : i32
      %dma_start3A_38 = tpu.memref_slice %arg6[%dma_start3A_37] : memref<4992xi32, #tpu.memory_space<vmem>> -> memref<128xi32, #tpu.memory_space<vmem>>
      %dma_start3A_39 = arith.constant 0 : i32
      %dma_start3A_40 = arith.constant 0 : i32
      %dma_start3A_41 = tpu.memref_slice %arg2[%dma_start3A_39, %dma_start3A_40] : memref<10240x128xf32, #tpu.memory_space<hbm>> -> memref<10240x128xf32, #tpu.memory_space<hbm>>
      tpu.enqueue_indirect_dma source(%dma_start3A_41 : memref<10240x128xf32, #tpu.memory_space<hbm>>) target(%arg9 : memref<128x128xf32, #tpu.memory_space<vmem>>) offsets(%dma_start3A_38 : memref<128xi32, #tpu.memory_space<vmem>>) semaphore(%arg12 : memref<!tpu.dma_semaphore, #tpu.memory_space<semaphore_mem>>)
      %add3A_42 = arith.constant 0 : i32
      %add3A_43 = arith.addi %add3A_32, %add3A_42 : i32
      %dma_start3A_44 = arith.constant 0 : i32
      %dma_start3A_45 = tpu.memref_slice %arg4[%add3A_43, %dma_start3A_44] : memref<2528x128xi32, #tpu.memory_space<hbm>> -> memref<1x128xi32, #tpu.memory_space<hbm>>
      %dma_start3A_46 = tpu.memref_squeeze %dma_start3A_45 : memref<1x128xi32, #tpu.memory_space<hbm>> -> memref<128xi32, #tpu.memory_space<hbm>>
      %dma_start3A_47 = arith.constant 0 : i32
      %dma_start3A_48 = tpu.memref_slice %arg4[%add3A_43, %dma_start3A_47] : memref<2528x128xi32, #tpu.memory_space<hbm>> -> memref<1x128xi32, #tpu.memory_space<hbm>>
      %dma_start3A_49 = tpu.memref_squeeze %dma_start3A_48 : memref<1x128xi32, #tpu.memory_space<hbm>> -> memref<128xi32, #tpu.memory_space<hbm>>
      tpu.enqueue_dma source(%dma_start3A_49 : memref<128xi32, #tpu.memory_space<hbm>>) target(%arg7 : memref<128xi32, #tpu.memory_space<vmem>>) target_semaphore(%arg14 : memref<!tpu.dma_semaphore, #tpu.memory_space<semaphore_mem>>)
      %scan3A_50 = arith.constant 0 : i32
      %scan3A_51 = arith.constant 18 : i32
      %scan3A_52 = arith.addi %scan3A_50, %scan3A_51 : i32
      %scan3A_53 = arith.constant 1 : i32
      scf.for %scan3A_102 = %scan3A_50 to %scan3A_52 step %scan3A_53  : i32 {
        %mul3A_103 = arith.constant 1 : i32
        %mul3A_104 = arith.muli %scan3A_102, %mul3A_103 : i32
        %add3A_105 = arith.constant 0 : i32
        %add3A_106 = arith.addi %add3A_105, %mul3A_104 : i32
        %mul3A_107 = arith.constant 2 : i32
        %mul3A_108 = arith.muli %mul3A_107, %add3A_106 : i32
        %add3A_109 = arith.constant 1 : i32
        %add3A_110 = arith.addi %mul3A_108, %add3A_109 : i32
        %mul3A_111 = arith.constant 128 : i32
        %mul3A_112 = arith.muli %add3A_110, %mul3A_111 : i32
        %dma_start3A_113 = tpu.memref_slice %arg6[%mul3A_112] : memref<4992xi32, #tpu.memory_space<vmem>> -> memref<128xi32, #tpu.memory_space<vmem>>
        %dma_start3A_114 = arith.constant 0 : i32
        %dma_start3A_115 = arith.constant 0 : i32
        %dma_start3A_116 = tpu.memref_slice %arg2[%dma_start3A_114, %dma_start3A_115] : memref<10240x128xf32, #tpu.memory_space<hbm>> -> memref<10240x128xf32, #tpu.memory_space<hbm>>
        tpu.enqueue_indirect_dma source(%dma_start3A_116 : memref<10240x128xf32, #tpu.memory_space<hbm>>) target(%arg10 : memref<128x128xf32, #tpu.memory_space<vmem>>) offsets(%dma_start3A_113 : memref<128xi32, #tpu.memory_space<vmem>>) semaphore(%arg13 : memref<!tpu.dma_semaphore, #tpu.memory_space<semaphore_mem>>)
        %add3A_117 = arith.addi %add3A_32, %add3A_110 : i32
        %dma_start3A_118 = arith.constant 0 : i32
        %dma_start3A_119 = tpu.memref_slice %arg4[%add3A_117, %dma_start3A_118] : memref<2528x128xi32, #tpu.memory_space<hbm>> -> memref<1x128xi32, #tpu.memory_space<hbm>>
        %dma_start3A_120 = tpu.memref_squeeze %dma_start3A_119 : memref<1x128xi32, #tpu.memory_space<hbm>> -> memref<128xi32, #tpu.memory_space<hbm>>
        %dma_start3A_121 = arith.constant 0 : i32
        %dma_start3A_122 = tpu.memref_slice %arg4[%add3A_117, %dma_start3A_121] : memref<2528x128xi32, #tpu.memory_space<hbm>> -> memref<1x128xi32, #tpu.memory_space<hbm>>
        %dma_start3A_123 = tpu.memref_squeeze %dma_start3A_122 : memref<1x128xi32, #tpu.memory_space<hbm>> -> memref<128xi32, #tpu.memory_space<hbm>>
        tpu.enqueue_dma source(%dma_start3A_123 : memref<128xi32, #tpu.memory_space<hbm>>) target(%arg8 : memref<128xi32, #tpu.memory_space<vmem>>) target_semaphore(%arg15 : memref<!tpu.dma_semaphore, #tpu.memory_space<semaphore_mem>>)
        %dma_wait3A_124 = arith.constant 0 : i32
        %dma_wait3A_125 = tpu.memref_slice %arg6[%dma_wait3A_124] : memref<4992xi32, #tpu.memory_space<vmem>> -> memref<128xi32, #tpu.memory_space<vmem>>
        %dma_wait3A_126 = arith.constant 0 : i32
        %dma_wait3A_127 = arith.constant 0 : i32
        %dma_wait3A_128 = tpu.memref_slice %arg2[%dma_wait3A_126, %dma_wait3A_127] : memref<10240x128xf32, #tpu.memory_space<hbm>> -> memref<10240x128xf32, #tpu.memory_space<hbm>>
        tpu.wait_indirect_dma semaphore(%arg12 : memref<!tpu.dma_semaphore, #tpu.memory_space<semaphore_mem>>) src(%dma_wait3A_128 : memref<10240x128xf32, #tpu.memory_space<hbm>>) dst(%arg9 : memref<128x128xf32, #tpu.memory_space<vmem>>)
        %dma_wait3A_129 = arith.constant 0 : i32
        %dma_wait3A_130 = tpu.memref_slice %arg4[%add3A_32, %dma_wait3A_129] : memref<2528x128xi32, #tpu.memory_space<hbm>> -> memref<1x128xi32, #tpu.memory_space<hbm>>
        %dma_wait3A_131 = tpu.memref_squeeze %dma_wait3A_130 : memref<1x128xi32, #tpu.memory_space<hbm>> -> memref<128xi32, #tpu.memory_space<hbm>>
        %dma_wait3A_132 = arith.constant 0 : i32
        %dma_wait3A_133 = tpu.memref_slice %arg4[%add3A_32, %dma_wait3A_132] : memref<2528x128xi32, #tpu.memory_space<hbm>> -> memref<1x128xi32, #tpu.memory_space<hbm>>
        %dma_wait3A_134 = tpu.memref_squeeze %dma_wait3A_133 : memref<1x128xi32, #tpu.memory_space<hbm>> -> memref<128xi32, #tpu.memory_space<hbm>>
        tpu.wait_dma2 semaphore(%arg14 : memref<!tpu.dma_semaphore, #tpu.memory_space<semaphore_mem>>) src(%dma_wait3A_134 : memref<128xi32, #tpu.memory_space<hbm>>) dst(%arg7 : memref<128xi32, #tpu.memory_space<vmem>>)
        %dma_start3A_135 = arith.constant 0 : i32
        %dma_start3A_136 = arith.constant 0 : i32
        %dma_start3A_137 = tpu.memref_slice %arg11[%dma_start3A_135, %dma_start3A_136] : memref<10240x128xf32, #tpu.memory_space<vmem_shared>> -> memref<10240x128xf32, #tpu.memory_space<vmem_shared>>
        tpu.enqueue_indirect_dma source(%arg9 : memref<128x128xf32, #tpu.memory_space<vmem>>) target(%dma_start3A_137 : memref<10240x128xf32, #tpu.memory_space<vmem_shared>>) offsets(%arg7 : memref<128xi32, #tpu.memory_space<vmem>>) semaphore(%arg16 : memref<!tpu.dma_semaphore, #tpu.memory_space<semaphore_mem>>) {add = true}
        %dma_wait3A_138 = arith.constant 0 : i32
        %dma_wait3A_139 = arith.constant 0 : i32
        %dma_wait3A_140 = tpu.memref_slice %arg11[%dma_wait3A_138, %dma_wait3A_139] : memref<10240x128xf32, #tpu.memory_space<vmem_shared>> -> memref<10240x128xf32, #tpu.memory_space<vmem_shared>>
        tpu.wait_indirect_dma semaphore(%arg16 : memref<!tpu.dma_semaphore, #tpu.memory_space<semaphore_mem>>) src(%arg9 : memref<128x128xf32, #tpu.memory_space<vmem>>) dst(%dma_wait3A_140 : memref<10240x128xf32, #tpu.memory_space<vmem_shared>>)
        %mul3A_141 = arith.constant 2 : i32
        %mul3A_142 = arith.muli %mul3A_141, %add3A_106 : i32
        %add3A_143 = arith.constant 2 : i32
        %add3A_144 = arith.addi %mul3A_142, %add3A_143 : i32
        %mul3A_145 = arith.constant 128 : i32
        %mul3A_146 = arith.muli %add3A_144, %mul3A_145 : i32
        %dma_start3A_147 = tpu.memref_slice %arg6[%mul3A_146] : memref<4992xi32, #tpu.memory_space<vmem>> -> memref<128xi32, #tpu.memory_space<vmem>>
        %dma_start3A_148 = arith.constant 0 : i32
        %dma_start3A_149 = arith.constant 0 : i32
        %dma_start3A_150 = tpu.memref_slice %arg2[%dma_start3A_148, %dma_start3A_149] : memref<10240x128xf32, #tpu.memory_space<hbm>> -> memref<10240x128xf32, #tpu.memory_space<hbm>>
        tpu.enqueue_indirect_dma source(%dma_start3A_150 : memref<10240x128xf32, #tpu.memory_space<hbm>>) target(%arg9 : memref<128x128xf32, #tpu.memory_space<vmem>>) offsets(%dma_start3A_147 : memref<128xi32, #tpu.memory_space<vmem>>) semaphore(%arg12 : memref<!tpu.dma_semaphore, #tpu.memory_space<semaphore_mem>>)
        %add3A_151 = arith.addi %add3A_32, %add3A_144 : i32
        %dma_start3A_152 = arith.constant 0 : i32
        %dma_start3A_153 = tpu.memref_slice %arg4[%add3A_151, %dma_start3A_152] : memref<2528x128xi32, #tpu.memory_space<hbm>> -> memref<1x128xi32, #tpu.memory_space<hbm>>
        %dma_start3A_154 = tpu.memref_squeeze %dma_start3A_153 : memref<1x128xi32, #tpu.memory_space<hbm>> -> memref<128xi32, #tpu.memory_space<hbm>>
        %dma_start3A_155 = arith.constant 0 : i32
        %dma_start3A_156 = tpu.memref_slice %arg4[%add3A_151, %dma_start3A_155] : memref<2528x128xi32, #tpu.memory_space<hbm>> -> memref<1x128xi32, #tpu.memory_space<hbm>>
        %dma_start3A_157 = tpu.memref_squeeze %dma_start3A_156 : memref<1x128xi32, #tpu.memory_space<hbm>> -> memref<128xi32, #tpu.memory_space<hbm>>
        tpu.enqueue_dma source(%dma_start3A_157 : memref<128xi32, #tpu.memory_space<hbm>>) target(%arg7 : memref<128xi32, #tpu.memory_space<vmem>>) target_semaphore(%arg14 : memref<!tpu.dma_semaphore, #tpu.memory_space<semaphore_mem>>)
        %dma_wait3A_158 = arith.constant 0 : i32
        %dma_wait3A_159 = tpu.memref_slice %arg6[%dma_wait3A_158] : memref<4992xi32, #tpu.memory_space<vmem>> -> memref<128xi32, #tpu.memory_space<vmem>>
        %dma_wait3A_160 = arith.constant 0 : i32
        %dma_wait3A_161 = arith.constant 0 : i32
        %dma_wait3A_162 = tpu.memref_slice %arg2[%dma_wait3A_160, %dma_wait3A_161] : memref<10240x128xf32, #tpu.memory_space<hbm>> -> memref<10240x128xf32, #tpu.memory_space<hbm>>
        tpu.wait_indirect_dma semaphore(%arg13 : memref<!tpu.dma_semaphore, #tpu.memory_space<semaphore_mem>>) src(%dma_wait3A_162 : memref<10240x128xf32, #tpu.memory_space<hbm>>) dst(%arg10 : memref<128x128xf32, #tpu.memory_space<vmem>>)
        %dma_wait3A_163 = arith.constant 0 : i32
        %dma_wait3A_164 = tpu.memref_slice %arg4[%add3A_32, %dma_wait3A_163] : memref<2528x128xi32, #tpu.memory_space<hbm>> -> memref<1x128xi32, #tpu.memory_space<hbm>>
        %dma_wait3A_165 = tpu.memref_squeeze %dma_wait3A_164 : memref<1x128xi32, #tpu.memory_space<hbm>> -> memref<128xi32, #tpu.memory_space<hbm>>
        %dma_wait3A_166 = arith.constant 0 : i32
        %dma_wait3A_167 = tpu.memref_slice %arg4[%add3A_32, %dma_wait3A_166] : memref<2528x128xi32, #tpu.memory_space<hbm>> -> memref<1x128xi32, #tpu.memory_space<hbm>>
        %dma_wait3A_168 = tpu.memref_squeeze %dma_wait3A_167 : memref<1x128xi32, #tpu.memory_space<hbm>> -> memref<128xi32, #tpu.memory_space<hbm>>
        tpu.wait_dma2 semaphore(%arg15 : memref<!tpu.dma_semaphore, #tpu.memory_space<semaphore_mem>>) src(%dma_wait3A_168 : memref<128xi32, #tpu.memory_space<hbm>>) dst(%arg8 : memref<128xi32, #tpu.memory_space<vmem>>)
        %dma_start3A_169 = arith.constant 0 : i32
        %dma_start3A_170 = arith.constant 0 : i32
        %dma_start3A_171 = tpu.memref_slice %arg11[%dma_start3A_169, %dma_start3A_170] : memref<10240x128xf32, #tpu.memory_space<vmem_shared>> -> memref<10240x128xf32, #tpu.memory_space<vmem_shared>>
        tpu.enqueue_indirect_dma source(%arg10 : memref<128x128xf32, #tpu.memory_space<vmem>>) target(%dma_start3A_171 : memref<10240x128xf32, #tpu.memory_space<vmem_shared>>) offsets(%arg8 : memref<128xi32, #tpu.memory_space<vmem>>) semaphore(%arg16 : memref<!tpu.dma_semaphore, #tpu.memory_space<semaphore_mem>>) {add = true}
        %dma_wait3A_172 = arith.constant 0 : i32
        %dma_wait3A_173 = arith.constant 0 : i32
        %dma_wait3A_174 = tpu.memref_slice %arg11[%dma_wait3A_172, %dma_wait3A_173] : memref<10240x128xf32, #tpu.memory_space<vmem_shared>> -> memref<10240x128xf32, #tpu.memory_space<vmem_shared>>
        tpu.wait_indirect_dma semaphore(%arg16 : memref<!tpu.dma_semaphore, #tpu.memory_space<semaphore_mem>>) src(%arg10 : memref<128x128xf32, #tpu.memory_space<vmem>>) dst(%dma_wait3A_174 : memref<10240x128xf32, #tpu.memory_space<vmem_shared>>)
      }
      %scan3A_54 = arith.constant 18 : i32
      %dma_start3A_55 = arith.constant 4864 : i32
      %dma_start3A_56 = tpu.memref_slice %arg6[%dma_start3A_55] : memref<4992xi32, #tpu.memory_space<vmem>> -> memref<128xi32, #tpu.memory_space<vmem>>
      %dma_start3A_57 = arith.constant 0 : i32
      %dma_start3A_58 = arith.constant 0 : i32
      %dma_start3A_59 = tpu.memref_slice %arg2[%dma_start3A_57, %dma_start3A_58] : memref<10240x128xf32, #tpu.memory_space<hbm>> -> memref<10240x128xf32, #tpu.memory_space<hbm>>
      tpu.enqueue_indirect_dma source(%dma_start3A_59 : memref<10240x128xf32, #tpu.memory_space<hbm>>) target(%arg10 : memref<128x128xf32, #tpu.memory_space<vmem>>) offsets(%dma_start3A_56 : memref<128xi32, #tpu.memory_space<vmem>>) semaphore(%arg13 : memref<!tpu.dma_semaphore, #tpu.memory_space<semaphore_mem>>)
      %add3A_60 = arith.constant 38 : i32
      %add3A_61 = arith.addi %add3A_32, %add3A_60 : i32
      %dma_start3A_62 = arith.constant 0 : i32
      %dma_start3A_63 = tpu.memref_slice %arg4[%add3A_61, %dma_start3A_62] : memref<2528x128xi32, #tpu.memory_space<hbm>> -> memref<1x128xi32, #tpu.memory_space<hbm>>
      %dma_start3A_64 = tpu.memref_squeeze %dma_start3A_63 : memref<1x128xi32, #tpu.memory_space<hbm>> -> memref<128xi32, #tpu.memory_space<hbm>>
      %dma_start3A_65 = arith.constant 0 : i32
      %dma_start3A_66 = tpu.memref_slice %arg4[%add3A_61, %dma_start3A_65] : memref<2528x128xi32, #tpu.memory_space<hbm>> -> memref<1x128xi32, #tpu.memory_space<hbm>>
      %dma_start3A_67 = tpu.memref_squeeze %dma_start3A_66 : memref<1x128xi32, #tpu.memory_space<hbm>> -> memref<128xi32, #tpu.memory_space<hbm>>
      tpu.enqueue_dma source(%dma_start3A_67 : memref<128xi32, #tpu.memory_space<hbm>>) target(%arg8 : memref<128xi32, #tpu.memory_space<vmem>>) target_semaphore(%arg15 : memref<!tpu.dma_semaphore, #tpu.memory_space<semaphore_mem>>)
      %dma_wait3A_68 = arith.constant 0 : i32
      %dma_wait3A_69 = tpu.memref_slice %arg6[%dma_wait3A_68] : memref<4992xi32, #tpu.memory_space<vmem>> -> memref<128xi32, #tpu.memory_space<vmem>>
      %dma_wait3A_70 = arith.constant 0 : i32
      %dma_wait3A_71 = arith.constant 0 : i32
      %dma_wait3A_72 = tpu.memref_slice %arg2[%dma_wait3A_70, %dma_wait3A_71] : memref<10240x128xf32, #tpu.memory_space<hbm>> -> memref<10240x128xf32, #tpu.memory_space<hbm>>
      tpu.wait_indirect_dma semaphore(%arg12 : memref<!tpu.dma_semaphore, #tpu.memory_space<semaphore_mem>>) src(%dma_wait3A_72 : memref<10240x128xf32, #tpu.memory_space<hbm>>) dst(%arg9 : memref<128x128xf32, #tpu.memory_space<vmem>>)
      %dma_wait3A_73 = arith.constant 0 : i32
      %dma_wait3A_74 = tpu.memref_slice %arg4[%add3A_32, %dma_wait3A_73] : memref<2528x128xi32, #tpu.memory_space<hbm>> -> memref<1x128xi32, #tpu.memory_space<hbm>>
      %dma_wait3A_75 = tpu.memref_squeeze %dma_wait3A_74 : memref<1x128xi32, #tpu.memory_space<hbm>> -> memref<128xi32, #tpu.memory_space<hbm>>
      %dma_wait3A_76 = arith.constant 0 : i32
      %dma_wait3A_77 = tpu.memref_slice %arg4[%add3A_32, %dma_wait3A_76] : memref<2528x128xi32, #tpu.memory_space<hbm>> -> memref<1x128xi32, #tpu.memory_space<hbm>>
      %dma_wait3A_78 = tpu.memref_squeeze %dma_wait3A_77 : memref<1x128xi32, #tpu.memory_space<hbm>> -> memref<128xi32, #tpu.memory_space<hbm>>
      tpu.wait_dma2 semaphore(%arg14 : memref<!tpu.dma_semaphore, #tpu.memory_space<semaphore_mem>>) src(%dma_wait3A_78 : memref<128xi32, #tpu.memory_space<hbm>>) dst(%arg7 : memref<128xi32, #tpu.memory_space<vmem>>)
      %dma_start3A_79 = arith.constant 0 : i32
      %dma_start3A_80 = arith.constant 0 : i32
      %dma_start3A_81 = tpu.memref_slice %arg11[%dma_start3A_79, %dma_start3A_80] : memref<10240x128xf32, #tpu.memory_space<vmem_shared>> -> memref<10240x128xf32, #tpu.memory_space<vmem_shared>>
      tpu.enqueue_indirect_dma source(%arg9 : memref<128x128xf32, #tpu.memory_space<vmem>>) target(%dma_start3A_81 : memref<10240x128xf32, #tpu.memory_space<vmem_shared>>) offsets(%arg7 : memref<128xi32, #tpu.memory_space<vmem>>) semaphore(%arg16 : memref<!tpu.dma_semaphore, #tpu.memory_space<semaphore_mem>>) {add = true}
      %dma_wait3A_82 = arith.constant 0 : i32
      %dma_wait3A_83 = arith.constant 0 : i32
      %dma_wait3A_84 = tpu.memref_slice %arg11[%dma_wait3A_82, %dma_wait3A_83] : memref<10240x128xf32, #tpu.memory_space<vmem_shared>> -> memref<10240x128xf32, #tpu.memory_space<vmem_shared>>
      tpu.wait_indirect_dma semaphore(%arg16 : memref<!tpu.dma_semaphore, #tpu.memory_space<semaphore_mem>>) src(%arg9 : memref<128x128xf32, #tpu.memory_space<vmem>>) dst(%dma_wait3A_84 : memref<10240x128xf32, #tpu.memory_space<vmem_shared>>)
      %dma_wait3A_85 = arith.constant 0 : i32
      %dma_wait3A_86 = tpu.memref_slice %arg6[%dma_wait3A_85] : memref<4992xi32, #tpu.memory_space<vmem>> -> memref<128xi32, #tpu.memory_space<vmem>>
      %dma_wait3A_87 = arith.constant 0 : i32
      %dma_wait3A_88 = arith.constant 0 : i32
      %dma_wait3A_89 = tpu.memref_slice %arg2[%dma_wait3A_87, %dma_wait3A_88] : memref<10240x128xf32, #tpu.memory_space<hbm>> -> memref<10240x128xf32, #tpu.memory_space<hbm>>
      tpu.wait_indirect_dma semaphore(%arg13 : memref<!tpu.dma_semaphore, #tpu.memory_space<semaphore_mem>>) src(%dma_wait3A_89 : memref<10240x128xf32, #tpu.memory_space<hbm>>) dst(%arg10 : memref<128x128xf32, #tpu.memory_space<vmem>>)
      %dma_wait3A_90 = arith.constant 0 : i32
      %dma_wait3A_91 = tpu.memref_slice %arg4[%add3A_32, %dma_wait3A_90] : memref<2528x128xi32, #tpu.memory_space<hbm>> -> memref<1x128xi32, #tpu.memory_space<hbm>>
      %dma_wait3A_92 = tpu.memref_squeeze %dma_wait3A_91 : memref<1x128xi32, #tpu.memory_space<hbm>> -> memref<128xi32, #tpu.memory_space<hbm>>
      %dma_wait3A_93 = arith.constant 0 : i32
      %dma_wait3A_94 = tpu.memref_slice %arg4[%add3A_32, %dma_wait3A_93] : memref<2528x128xi32, #tpu.memory_space<hbm>> -> memref<1x128xi32, #tpu.memory_space<hbm>>
      %dma_wait3A_95 = tpu.memref_squeeze %dma_wait3A_94 : memref<1x128xi32, #tpu.memory_space<hbm>> -> memref<128xi32, #tpu.memory_space<hbm>>
      tpu.wait_dma2 semaphore(%arg15 : memref<!tpu.dma_semaphore, #tpu.memory_space<semaphore_mem>>) src(%dma_wait3A_95 : memref<128xi32, #tpu.memory_space<hbm>>) dst(%arg8 : memref<128xi32, #tpu.memory_space<vmem>>)
      %dma_start3A_96 = arith.constant 0 : i32
      %dma_start3A_97 = arith.constant 0 : i32
      %dma_start3A_98 = tpu.memref_slice %arg11[%dma_start3A_96, %dma_start3A_97] : memref<10240x128xf32, #tpu.memory_space<vmem_shared>> -> memref<10240x128xf32, #tpu.memory_space<vmem_shared>>
      tpu.enqueue_indirect_dma source(%arg10 : memref<128x128xf32, #tpu.memory_space<vmem>>) target(%dma_start3A_98 : memref<10240x128xf32, #tpu.memory_space<vmem_shared>>) offsets(%arg8 : memref<128xi32, #tpu.memory_space<vmem>>) semaphore(%arg16 : memref<!tpu.dma_semaphore, #tpu.memory_space<semaphore_mem>>) {add = true}
      %dma_wait3A_99 = arith.constant 0 : i32
      %dma_wait3A_100 = arith.constant 0 : i32
      %dma_wait3A_101 = tpu.memref_slice %arg11[%dma_wait3A_99, %dma_wait3A_100] : memref<10240x128xf32, #tpu.memory_space<vmem_shared>> -> memref<10240x128xf32, #tpu.memory_space<vmem_shared>>
      tpu.wait_indirect_dma semaphore(%arg16 : memref<!tpu.dma_semaphore, #tpu.memory_space<semaphore_mem>>) src(%arg10 : memref<128x128xf32, #tpu.memory_space<vmem>>) dst(%dma_wait3A_101 : memref<10240x128xf32, #tpu.memory_space<vmem_shared>>)
    }
    %scan3A_18 = arith.constant 2 : i32
    %barrier3A_19 = arith.constant 0 : index
    tpu.barrier barrier_id(%barrier3A_19)
    %scan3A_20 = arith.constant 0 : i32
    %scan3A_21 = arith.constant 5 : i32
    %scan3A_22 = arith.addi %scan3A_20, %scan3A_21 : i32
    %scan3A_23 = arith.constant 1 : i32
    scf.for %scan3A_25 = %scan3A_20 to %scan3A_22 step %scan3A_23  : i32 {
      %mul3A_26 = arith.constant 1 : i32
      %mul3A_27 = arith.muli %scan3A_25, %mul3A_26 : i32
      %add3A_28 = arith.constant 0 : i32
      %add3A_29 = arith.addi %add3A_28, %mul3A_27 : i32
      %mul3A_30 = arith.constant 640 : i32
      %mul3A_31 = arith.muli %arg1, %mul3A_30 : i32
      %mul3A_32 = arith.constant 128 : i32
      %mul3A_33 = arith.muli %add3A_29, %mul3A_32 : i32
      %add3A_34 = arith.addi %mul3A_31, %mul3A_33 : i32
      %dma_start3A = arith.constant 0 : i32
      %dma_start3A_35 = tpu.memref_slice %arg11[%add3A_34, %dma_start3A] : memref<10240x128xf32, #tpu.memory_space<vmem_shared>> -> memref<128x128xf32, #tpu.memory_space<vmem_shared>>
      %dma_start3A_36 = arith.constant 0 : i32
      %dma_start3A_37 = tpu.memref_slice %arg11[%add3A_34, %dma_start3A_36] : memref<10240x128xf32, #tpu.memory_space<vmem_shared>> -> memref<128x128xf32, #tpu.memory_space<vmem_shared>>
      tpu.enqueue_dma source(%dma_start3A_37 : memref<128x128xf32, #tpu.memory_space<vmem_shared>>) target(%arg9 : memref<128x128xf32, #tpu.memory_space<vmem>>) target_semaphore(%arg16 : memref<!tpu.dma_semaphore, #tpu.memory_space<semaphore_mem>>)
      %dma_wait3A = arith.constant 0 : i32
      %dma_wait3A_38 = tpu.memref_slice %arg11[%add3A_34, %dma_wait3A] : memref<10240x128xf32, #tpu.memory_space<vmem_shared>> -> memref<128x128xf32, #tpu.memory_space<vmem_shared>>
      %dma_wait3A_39 = arith.constant 0 : i32
      %dma_wait3A_40 = tpu.memref_slice %arg11[%add3A_34, %dma_wait3A_39] : memref<10240x128xf32, #tpu.memory_space<vmem_shared>> -> memref<128x128xf32, #tpu.memory_space<vmem_shared>>
      tpu.wait_dma2 semaphore(%arg16 : memref<!tpu.dma_semaphore, #tpu.memory_space<semaphore_mem>>) src(%dma_wait3A_40 : memref<128x128xf32, #tpu.memory_space<vmem_shared>>) dst(%arg9 : memref<128x128xf32, #tpu.memory_space<vmem>>)
      %dma_start3A_41 = arith.constant 0 : i32
      %dma_start3A_42 = tpu.memref_slice %arg5[%arg0, %add3A_34, %dma_start3A_41] : memref<2x10240x128xf32, #tpu.memory_space<hbm>> -> memref<1x128x128xf32, #tpu.memory_space<hbm>>
      %dma_start3A_43 = tpu.memref_squeeze %dma_start3A_42 : memref<1x128x128xf32, #tpu.memory_space<hbm>> -> memref<128x128xf32, #tpu.memory_space<hbm>>
      %dma_start3A_44 = arith.constant 0 : i32
      %dma_start3A_45 = tpu.memref_slice %arg5[%arg0, %add3A_34, %dma_start3A_44] : memref<2x10240x128xf32, #tpu.memory_space<hbm>> -> memref<1x128x128xf32, #tpu.memory_space<hbm>>
      %dma_start3A_46 = tpu.memref_squeeze %dma_start3A_45 : memref<1x128x128xf32, #tpu.memory_space<hbm>> -> memref<128x128xf32, #tpu.memory_space<hbm>>
      tpu.enqueue_dma source(%arg9 : memref<128x128xf32, #tpu.memory_space<vmem>>) target(%dma_start3A_46 : memref<128x128xf32, #tpu.memory_space<hbm>>) target_semaphore(%arg16 : memref<!tpu.dma_semaphore, #tpu.memory_space<semaphore_mem>>)
      %dma_wait3A_47 = arith.constant 0 : i32
      %dma_wait3A_48 = tpu.memref_slice %arg5[%arg0, %add3A_34, %dma_wait3A_47] : memref<2x10240x128xf32, #tpu.memory_space<hbm>> -> memref<1x128x128xf32, #tpu.memory_space<hbm>>
      %dma_wait3A_49 = tpu.memref_squeeze %dma_wait3A_48 : memref<1x128x128xf32, #tpu.memory_space<hbm>> -> memref<128x128xf32, #tpu.memory_space<hbm>>
      %dma_wait3A_50 = arith.constant 0 : i32
      %dma_wait3A_51 = tpu.memref_slice %arg5[%arg0, %add3A_34, %dma_wait3A_50] : memref<2x10240x128xf32, #tpu.memory_space<hbm>> -> memref<1x128x128xf32, #tpu.memory_space<hbm>>
      %dma_wait3A_52 = tpu.memref_squeeze %dma_wait3A_51 : memref<1x128x128xf32, #tpu.memory_space<hbm>> -> memref<128x128xf32, #tpu.memory_space<hbm>>
      tpu.wait_dma2 semaphore(%arg16 : memref<!tpu.dma_semaphore, #tpu.memory_space<semaphore_mem>>) src(%arg9 : memref<128x128xf32, #tpu.memory_space<vmem>>) dst(%dma_wait3A_52 : memref<128x128xf32, #tpu.memory_space<hbm>>)
    }
    %scan3A_24 = arith.constant 5 : i32
    return
  }
}

#map = affine_map<(d0, d1) -> (0, 0)>
#map1 = affine_map<(d0, d1) -> (0)>
#map2 = affine_map<(d0, d1) -> (0, 0, 0)>
module attributes {stable_mosaic.version = 14 : i64} {
  func.func @_seg_body(%arg0: i32, %arg1: i32, %arg2: memref<10240x128xf32, #tpu.memory_space<hbm>>, %arg3: memref<163840xi32, #tpu.memory_space<hbm>>, %arg4: memref<1280x128xi32, #tpu.memory_space<hbm>>, %arg5: memref<2x10240x128xf32, #tpu.memory_space<hbm>>, %arg6: memref<2560xi32, #tpu.memory_space<vmem>>, %arg7: memref<128xi32, #tpu.memory_space<vmem>>, %arg8: memref<128xi32, #tpu.memory_space<vmem>>, %arg9: memref<128x128xf32, #tpu.memory_space<vmem>>, %arg10: memref<128x128xf32, #tpu.memory_space<vmem>>, %arg11: memref<10240x128xf32, #tpu.memory_space<vmem_shared>>, %arg12: memref<!tpu.dma_semaphore, #tpu.memory_space<semaphore_mem>>, %arg13: memref<!tpu.dma_semaphore, #tpu.memory_space<semaphore_mem>>, %arg14: memref<!tpu.dma_semaphore, #tpu.memory_space<semaphore_mem>>, %arg15: memref<!tpu.dma_semaphore, #tpu.memory_space<semaphore_mem>>, %arg16: memref<!tpu.dma_semaphore, #tpu.memory_space<semaphore_mem>>) attributes {dimension_semantics = [#tpu.dimension_semantics<core_parallel>, #tpu.dimension_semantics<subcore_parallel>], iteration_bounds = array<i64: 2, 16>, scalar_prefetch = 0 : i64, scratch_operands = 11 : i64, tpu.core_type = #tpu.core_type<sc_vector_subcore>, window_params = [{transform_indices = #map}, {transform_indices = #map1}, {transform_indices = #map}, {transform_indices = #map2}]} {
    %mul3A = arith.constant 2 : i32
    %mul3A_0 = arith.muli %arg1, %mul3A : i32
    %add3A = arith.addi %mul3A_0, %arg0 : i32
    %broadcast_in_dim3A = arith.constant 0.000000e+00 : f32
    %broadcast_in_dim3A_1 = vector.broadcast %broadcast_in_dim3A : f32 to vector<16xf32>
    %scan3A = arith.constant 0 : i32
    %scan3A_2 = arith.constant 0 : i32
    %scan3A_3 = arith.constant 1024 : i32
    %scan3A_4 = arith.addi %scan3A_2, %scan3A_3 : i32
    %scan3A_5 = arith.constant 1 : i32
    scf.for %scan3A_25 = %scan3A_2 to %scan3A_4 step %scan3A_5  : i32 {
      %jit3A = arith.constant 8 : i32
      %div3A = arith.divsi %scan3A_25, %jit3A : i32
      %sign3A = arith.constant 0 : i32
      %sign3A_26 = arith.cmpi sgt, %scan3A_25, %sign3A : i32
      %sign3A_27 = arith.extui %sign3A_26 : i1 to i32
      %sign3A_28 = arith.constant 0 : i32
      %sign3A_29 = arith.cmpi slt, %scan3A_25, %sign3A_28 : i32
      %sign3A_30 = arith.extui %sign3A_29 : i1 to i32
      %sign3A_31 = arith.subi %sign3A_27, %sign3A_30 : i32
      %sign3A_32 = arith.constant 0 : i32
      %sign3A_33 = arith.cmpi sgt, %jit3A, %sign3A_32 : i32
      %sign3A_34 = arith.extui %sign3A_33 : i1 to i32
      %sign3A_35 = arith.constant 0 : i32
      %sign3A_36 = arith.cmpi slt, %jit3A, %sign3A_35 : i32
      %sign3A_37 = arith.extui %sign3A_36 : i1 to i32
      %sign3A_38 = arith.subi %sign3A_34, %sign3A_37 : i32
      %ne3A = arith.cmpi ne, %sign3A_31, %sign3A_38 : i32
      %rem3A = arith.remsi %scan3A_25, %jit3A : i32
      %ne3A_39 = arith.constant 0 : i32
      %ne3A_40 = arith.cmpi ne, %rem3A, %ne3A_39 : i32
      %and3A = arith.andi %ne3A, %ne3A_40 : i1
      %sub3A = arith.constant 1 : i32
      %sub3A_41 = arith.subi %div3A, %sub3A : i32
      %select_n3A = arith.select %and3A, %sub3A_41, %div3A : i32
      %jit3A_42 = arith.constant 8 : i32
      %eq3A = arith.constant 0 : i32
      %eq3A_43 = arith.cmpi eq, %jit3A_42, %eq3A : i32
      %jit3A_44 = arith.constant 1 : i32
      %select_n3A_45 = arith.select %eq3A_43, %jit3A_44, %jit3A_42 : i32
      %rem3A_46 = arith.remsi %scan3A_25, %select_n3A_45 : i32
      %ne3A_47 = arith.constant 0 : i32
      %ne3A_48 = arith.cmpi ne, %rem3A_46, %ne3A_47 : i32
      %lt3A = arith.constant 0 : i32
      %lt3A_49 = arith.cmpi slt, %rem3A_46, %lt3A : i32
      %lt3A_50 = arith.constant 0 : i32
      %lt3A_51 = arith.cmpi slt, %select_n3A_45, %lt3A_50 : i32
      %ne3A_52 = arith.xori %lt3A_49, %lt3A_51 : i1
      %and3A_53 = arith.andi %ne3A_52, %ne3A_48 : i1
      %add3A_54 = arith.addi %rem3A_46, %select_n3A_45 : i32
      %select_n3A_55 = arith.select %and3A_53, %add3A_54, %rem3A_46 : i32
      %mul3A_56 = arith.constant 16 : i32
      %mul3A_57 = arith.muli %select_n3A_55, %mul3A_56 : i32
      %swap3A = arith.index_cast %select_n3A : i32 to index
      %swap3A_58 = arith.index_cast %mul3A_57 : i32 to index
      %swap3A_59 = tpu.vector_load %arg9[%swap3A, %swap3A_58] {strides = array<i32>} : memref<128x128xf32, #tpu.memory_space<vmem>>, vector<1x16xf32>,
      %swap3A_60 = vector.shape_cast %swap3A_59 : vector<1x16xf32> to vector<16xf32>
      %swap3A_61 = vector.shape_cast %broadcast_in_dim3A_1 : vector<16xf32> to vector<1x16xf32>
      tpu.vector_store %arg9[%swap3A, %swap3A_58], %swap3A_61 {strides = array<i32>} : memref<128x128xf32, #tpu.memory_space<vmem>>, vector<1x16xf32>,
    }
    %scan3A_6 = arith.constant 1024 : i32
    %scan3A_7 = arith.constant 0 : i32
    %scan3A_8 = arith.constant 5 : i32
    %scan3A_9 = arith.addi %scan3A_7, %scan3A_8 : i32
    %scan3A_10 = arith.constant 1 : i32
    scf.for %scan3A_25 = %scan3A_7 to %scan3A_9 step %scan3A_10  : i32 {
      %mul3A_26 = arith.constant 1 : i32
      %mul3A_27 = arith.muli %scan3A_25, %mul3A_26 : i32
      %add3A_28 = arith.constant 0 : i32
      %add3A_29 = arith.addi %add3A_28, %mul3A_27 : i32
      %mul3A_30 = arith.constant 640 : i32
      %mul3A_31 = arith.muli %arg1, %mul3A_30 : i32
      %mul3A_32 = arith.constant 128 : i32
      %mul3A_33 = arith.muli %add3A_29, %mul3A_32 : i32
      %add3A_34 = arith.addi %mul3A_31, %mul3A_33 : i32
      %dma_start3A = arith.constant 0 : i32
      %dma_start3A_35 = tpu.memref_slice %arg11[%add3A_34, %dma_start3A] : memref<10240x128xf32, #tpu.memory_space<vmem_shared>> -> memref<128x128xf32, #tpu.memory_space<vmem_shared>>
      %dma_start3A_36 = arith.constant 0 : i32
      %dma_start3A_37 = tpu.memref_slice %arg11[%add3A_34, %dma_start3A_36] : memref<10240x128xf32, #tpu.memory_space<vmem_shared>> -> memref<128x128xf32, #tpu.memory_space<vmem_shared>>
      tpu.enqueue_dma source(%arg9 : memref<128x128xf32, #tpu.memory_space<vmem>>) target(%dma_start3A_37 : memref<128x128xf32, #tpu.memory_space<vmem_shared>>) target_semaphore(%arg16 : memref<!tpu.dma_semaphore, #tpu.memory_space<semaphore_mem>>)
      %dma_wait3A = arith.constant 0 : i32
      %dma_wait3A_38 = tpu.memref_slice %arg11[%add3A_34, %dma_wait3A] : memref<10240x128xf32, #tpu.memory_space<vmem_shared>> -> memref<128x128xf32, #tpu.memory_space<vmem_shared>>
      %dma_wait3A_39 = arith.constant 0 : i32
      %dma_wait3A_40 = tpu.memref_slice %arg11[%add3A_34, %dma_wait3A_39] : memref<10240x128xf32, #tpu.memory_space<vmem_shared>> -> memref<128x128xf32, #tpu.memory_space<vmem_shared>>
      tpu.wait_dma2 semaphore(%arg16 : memref<!tpu.dma_semaphore, #tpu.memory_space<semaphore_mem>>) src(%arg9 : memref<128x128xf32, #tpu.memory_space<vmem>>) dst(%dma_wait3A_40 : memref<128x128xf32, #tpu.memory_space<vmem_shared>>)
    }
    %scan3A_11 = arith.constant 5 : i32
    %barrier3A = arith.constant 0 : index
    tpu.barrier barrier_id(%barrier3A)
    %mul3A_12 = arith.constant 40 : i32
    %mul3A_13 = arith.muli %add3A, %mul3A_12 : i32
    %scan3A_14 = arith.constant 0 : i32
    %scan3A_15 = arith.constant 2 : i32
    %scan3A_16 = arith.addi %scan3A_14, %scan3A_15 : i32
    %scan3A_17 = arith.constant 1 : i32
    scf.for %scan3A_25 = %scan3A_14 to %scan3A_16 step %scan3A_17  : i32 {
      %mul3A_26 = arith.constant 1 : i32
      %mul3A_27 = arith.muli %scan3A_25, %mul3A_26 : i32
      %add3A_28 = arith.constant 0 : i32
      %add3A_29 = arith.addi %add3A_28, %mul3A_27 : i32
      %mul3A_30 = arith.constant 20 : i32
      %mul3A_31 = arith.muli %add3A_29, %mul3A_30 : i32
      %add3A_32 = arith.addi %mul3A_13, %mul3A_31 : i32
      %mul3A_33 = arith.constant 128 : i32
      %mul3A_34 = arith.muli %add3A_32, %mul3A_33 : i32
      %dma_start3A = tpu.memref_slice %arg3[%mul3A_34] : memref<163840xi32, #tpu.memory_space<hbm>> -> memref<2560xi32, #tpu.memory_space<hbm>>
      %dma_start3A_35 = tpu.memref_slice %arg3[%mul3A_34] : memref<163840xi32, #tpu.memory_space<hbm>> -> memref<2560xi32, #tpu.memory_space<hbm>>
      tpu.enqueue_dma source(%dma_start3A_35 : memref<2560xi32, #tpu.memory_space<hbm>>) target(%arg6 : memref<2560xi32, #tpu.memory_space<vmem>>) target_semaphore(%arg16 : memref<!tpu.dma_semaphore, #tpu.memory_space<semaphore_mem>>)
      %dma_wait3A = tpu.memref_slice %arg3[%mul3A_34] : memref<163840xi32, #tpu.memory_space<hbm>> -> memref<2560xi32, #tpu.memory_space<hbm>>
      %dma_wait3A_36 = tpu.memref_slice %arg3[%mul3A_34] : memref<163840xi32, #tpu.memory_space<hbm>> -> memref<2560xi32, #tpu.memory_space<hbm>>
      tpu.wait_dma2 semaphore(%arg16 : memref<!tpu.dma_semaphore, #tpu.memory_space<semaphore_mem>>) src(%dma_wait3A_36 : memref<2560xi32, #tpu.memory_space<hbm>>) dst(%arg6 : memref<2560xi32, #tpu.memory_space<vmem>>)
      %dma_start3A_37 = arith.constant 0 : i32
      %dma_start3A_38 = tpu.memref_slice %arg6[%dma_start3A_37] : memref<2560xi32, #tpu.memory_space<vmem>> -> memref<128xi32, #tpu.memory_space<vmem>>
      %dma_start3A_39 = arith.constant 0 : i32
      %dma_start3A_40 = arith.constant 0 : i32
      %dma_start3A_41 = tpu.memref_slice %arg2[%dma_start3A_39, %dma_start3A_40] : memref<10240x128xf32, #tpu.memory_space<hbm>> -> memref<10240x128xf32, #tpu.memory_space<hbm>>
      tpu.enqueue_indirect_dma source(%dma_start3A_41 : memref<10240x128xf32, #tpu.memory_space<hbm>>) target(%arg9 : memref<128x128xf32, #tpu.memory_space<vmem>>) offsets(%dma_start3A_38 : memref<128xi32, #tpu.memory_space<vmem>>) semaphore(%arg12 : memref<!tpu.dma_semaphore, #tpu.memory_space<semaphore_mem>>)
      %add3A_42 = arith.constant 0 : i32
      %add3A_43 = arith.addi %add3A_32, %add3A_42 : i32
      %dma_start3A_44 = arith.constant 0 : i32
      %dma_start3A_45 = tpu.memref_slice %arg4[%add3A_43, %dma_start3A_44] : memref<1280x128xi32, #tpu.memory_space<hbm>> -> memref<1x128xi32, #tpu.memory_space<hbm>>
      %dma_start3A_46 = tpu.memref_squeeze %dma_start3A_45 : memref<1x128xi32, #tpu.memory_space<hbm>> -> memref<128xi32, #tpu.memory_space<hbm>>
      %dma_start3A_47 = arith.constant 0 : i32
      %dma_start3A_48 = tpu.memref_slice %arg4[%add3A_43, %dma_start3A_47] : memref<1280x128xi32, #tpu.memory_space<hbm>> -> memref<1x128xi32, #tpu.memory_space<hbm>>
      %dma_start3A_49 = tpu.memref_squeeze %dma_start3A_48 : memref<1x128xi32, #tpu.memory_space<hbm>> -> memref<128xi32, #tpu.memory_space<hbm>>
      tpu.enqueue_dma source(%dma_start3A_49 : memref<128xi32, #tpu.memory_space<hbm>>) target(%arg7 : memref<128xi32, #tpu.memory_space<vmem>>) target_semaphore(%arg14 : memref<!tpu.dma_semaphore, #tpu.memory_space<semaphore_mem>>)
      %scan3A_50 = arith.constant 0 : i32
      %scan3A_51 = arith.constant 9 : i32
      %scan3A_52 = arith.addi %scan3A_50, %scan3A_51 : i32
      %scan3A_53 = arith.constant 1 : i32
      scf.for %scan3A_102 = %scan3A_50 to %scan3A_52 step %scan3A_53  : i32 {
        %mul3A_103 = arith.constant 1 : i32
        %mul3A_104 = arith.muli %scan3A_102, %mul3A_103 : i32
        %add3A_105 = arith.constant 0 : i32
        %add3A_106 = arith.addi %add3A_105, %mul3A_104 : i32
        %mul3A_107 = arith.constant 2 : i32
        %mul3A_108 = arith.muli %mul3A_107, %add3A_106 : i32
        %add3A_109 = arith.constant 1 : i32
        %add3A_110 = arith.addi %mul3A_108, %add3A_109 : i32
        %mul3A_111 = arith.constant 128 : i32
        %mul3A_112 = arith.muli %add3A_110, %mul3A_111 : i32
        %dma_start3A_113 = tpu.memref_slice %arg6[%mul3A_112] : memref<2560xi32, #tpu.memory_space<vmem>> -> memref<128xi32, #tpu.memory_space<vmem>>
        %dma_start3A_114 = arith.constant 0 : i32
        %dma_start3A_115 = arith.constant 0 : i32
        %dma_start3A_116 = tpu.memref_slice %arg2[%dma_start3A_114, %dma_start3A_115] : memref<10240x128xf32, #tpu.memory_space<hbm>> -> memref<10240x128xf32, #tpu.memory_space<hbm>>
        tpu.enqueue_indirect_dma source(%dma_start3A_116 : memref<10240x128xf32, #tpu.memory_space<hbm>>) target(%arg10 : memref<128x128xf32, #tpu.memory_space<vmem>>) offsets(%dma_start3A_113 : memref<128xi32, #tpu.memory_space<vmem>>) semaphore(%arg13 : memref<!tpu.dma_semaphore, #tpu.memory_space<semaphore_mem>>)
        %add3A_117 = arith.addi %add3A_32, %add3A_110 : i32
        %dma_start3A_118 = arith.constant 0 : i32
        %dma_start3A_119 = tpu.memref_slice %arg4[%add3A_117, %dma_start3A_118] : memref<1280x128xi32, #tpu.memory_space<hbm>> -> memref<1x128xi32, #tpu.memory_space<hbm>>
        %dma_start3A_120 = tpu.memref_squeeze %dma_start3A_119 : memref<1x128xi32, #tpu.memory_space<hbm>> -> memref<128xi32, #tpu.memory_space<hbm>>
        %dma_start3A_121 = arith.constant 0 : i32
        %dma_start3A_122 = tpu.memref_slice %arg4[%add3A_117, %dma_start3A_121] : memref<1280x128xi32, #tpu.memory_space<hbm>> -> memref<1x128xi32, #tpu.memory_space<hbm>>
        %dma_start3A_123 = tpu.memref_squeeze %dma_start3A_122 : memref<1x128xi32, #tpu.memory_space<hbm>> -> memref<128xi32, #tpu.memory_space<hbm>>
        tpu.enqueue_dma source(%dma_start3A_123 : memref<128xi32, #tpu.memory_space<hbm>>) target(%arg8 : memref<128xi32, #tpu.memory_space<vmem>>) target_semaphore(%arg15 : memref<!tpu.dma_semaphore, #tpu.memory_space<semaphore_mem>>)
        %dma_wait3A_124 = arith.constant 0 : i32
        %dma_wait3A_125 = tpu.memref_slice %arg6[%dma_wait3A_124] : memref<2560xi32, #tpu.memory_space<vmem>> -> memref<128xi32, #tpu.memory_space<vmem>>
        %dma_wait3A_126 = arith.constant 0 : i32
        %dma_wait3A_127 = arith.constant 0 : i32
        %dma_wait3A_128 = tpu.memref_slice %arg2[%dma_wait3A_126, %dma_wait3A_127] : memref<10240x128xf32, #tpu.memory_space<hbm>> -> memref<10240x128xf32, #tpu.memory_space<hbm>>
        tpu.wait_indirect_dma semaphore(%arg12 : memref<!tpu.dma_semaphore, #tpu.memory_space<semaphore_mem>>) src(%dma_wait3A_128 : memref<10240x128xf32, #tpu.memory_space<hbm>>) dst(%arg9 : memref<128x128xf32, #tpu.memory_space<vmem>>)
        %dma_wait3A_129 = arith.constant 0 : i32
        %dma_wait3A_130 = tpu.memref_slice %arg4[%add3A_32, %dma_wait3A_129] : memref<1280x128xi32, #tpu.memory_space<hbm>> -> memref<1x128xi32, #tpu.memory_space<hbm>>
        %dma_wait3A_131 = tpu.memref_squeeze %dma_wait3A_130 : memref<1x128xi32, #tpu.memory_space<hbm>> -> memref<128xi32, #tpu.memory_space<hbm>>
        %dma_wait3A_132 = arith.constant 0 : i32
        %dma_wait3A_133 = tpu.memref_slice %arg4[%add3A_32, %dma_wait3A_132] : memref<1280x128xi32, #tpu.memory_space<hbm>> -> memref<1x128xi32, #tpu.memory_space<hbm>>
        %dma_wait3A_134 = tpu.memref_squeeze %dma_wait3A_133 : memref<1x128xi32, #tpu.memory_space<hbm>> -> memref<128xi32, #tpu.memory_space<hbm>>
        tpu.wait_dma2 semaphore(%arg14 : memref<!tpu.dma_semaphore, #tpu.memory_space<semaphore_mem>>) src(%dma_wait3A_134 : memref<128xi32, #tpu.memory_space<hbm>>) dst(%arg7 : memref<128xi32, #tpu.memory_space<vmem>>)
        %dma_start3A_135 = arith.constant 0 : i32
        %dma_start3A_136 = arith.constant 0 : i32
        %dma_start3A_137 = tpu.memref_slice %arg11[%dma_start3A_135, %dma_start3A_136] : memref<10240x128xf32, #tpu.memory_space<vmem_shared>> -> memref<10240x128xf32, #tpu.memory_space<vmem_shared>>
        tpu.enqueue_indirect_dma source(%arg9 : memref<128x128xf32, #tpu.memory_space<vmem>>) target(%dma_start3A_137 : memref<10240x128xf32, #tpu.memory_space<vmem_shared>>) offsets(%arg7 : memref<128xi32, #tpu.memory_space<vmem>>) semaphore(%arg16 : memref<!tpu.dma_semaphore, #tpu.memory_space<semaphore_mem>>) {add = true}
        %dma_wait3A_138 = arith.constant 0 : i32
        %dma_wait3A_139 = arith.constant 0 : i32
        %dma_wait3A_140 = tpu.memref_slice %arg11[%dma_wait3A_138, %dma_wait3A_139] : memref<10240x128xf32, #tpu.memory_space<vmem_shared>> -> memref<10240x128xf32, #tpu.memory_space<vmem_shared>>
        tpu.wait_indirect_dma semaphore(%arg16 : memref<!tpu.dma_semaphore, #tpu.memory_space<semaphore_mem>>) src(%arg9 : memref<128x128xf32, #tpu.memory_space<vmem>>) dst(%dma_wait3A_140 : memref<10240x128xf32, #tpu.memory_space<vmem_shared>>)
        %mul3A_141 = arith.constant 2 : i32
        %mul3A_142 = arith.muli %mul3A_141, %add3A_106 : i32
        %add3A_143 = arith.constant 2 : i32
        %add3A_144 = arith.addi %mul3A_142, %add3A_143 : i32
        %mul3A_145 = arith.constant 128 : i32
        %mul3A_146 = arith.muli %add3A_144, %mul3A_145 : i32
        %dma_start3A_147 = tpu.memref_slice %arg6[%mul3A_146] : memref<2560xi32, #tpu.memory_space<vmem>> -> memref<128xi32, #tpu.memory_space<vmem>>
        %dma_start3A_148 = arith.constant 0 : i32
        %dma_start3A_149 = arith.constant 0 : i32
        %dma_start3A_150 = tpu.memref_slice %arg2[%dma_start3A_148, %dma_start3A_149] : memref<10240x128xf32, #tpu.memory_space<hbm>> -> memref<10240x128xf32, #tpu.memory_space<hbm>>
        tpu.enqueue_indirect_dma source(%dma_start3A_150 : memref<10240x128xf32, #tpu.memory_space<hbm>>) target(%arg9 : memref<128x128xf32, #tpu.memory_space<vmem>>) offsets(%dma_start3A_147 : memref<128xi32, #tpu.memory_space<vmem>>) semaphore(%arg12 : memref<!tpu.dma_semaphore, #tpu.memory_space<semaphore_mem>>)
        %add3A_151 = arith.addi %add3A_32, %add3A_144 : i32
        %dma_start3A_152 = arith.constant 0 : i32
        %dma_start3A_153 = tpu.memref_slice %arg4[%add3A_151, %dma_start3A_152] : memref<1280x128xi32, #tpu.memory_space<hbm>> -> memref<1x128xi32, #tpu.memory_space<hbm>>
        %dma_start3A_154 = tpu.memref_squeeze %dma_start3A_153 : memref<1x128xi32, #tpu.memory_space<hbm>> -> memref<128xi32, #tpu.memory_space<hbm>>
        %dma_start3A_155 = arith.constant 0 : i32
        %dma_start3A_156 = tpu.memref_slice %arg4[%add3A_151, %dma_start3A_155] : memref<1280x128xi32, #tpu.memory_space<hbm>> -> memref<1x128xi32, #tpu.memory_space<hbm>>
        %dma_start3A_157 = tpu.memref_squeeze %dma_start3A_156 : memref<1x128xi32, #tpu.memory_space<hbm>> -> memref<128xi32, #tpu.memory_space<hbm>>
        tpu.enqueue_dma source(%dma_start3A_157 : memref<128xi32, #tpu.memory_space<hbm>>) target(%arg7 : memref<128xi32, #tpu.memory_space<vmem>>) target_semaphore(%arg14 : memref<!tpu.dma_semaphore, #tpu.memory_space<semaphore_mem>>)
        %dma_wait3A_158 = arith.constant 0 : i32
        %dma_wait3A_159 = tpu.memref_slice %arg6[%dma_wait3A_158] : memref<2560xi32, #tpu.memory_space<vmem>> -> memref<128xi32, #tpu.memory_space<vmem>>
        %dma_wait3A_160 = arith.constant 0 : i32
        %dma_wait3A_161 = arith.constant 0 : i32
        %dma_wait3A_162 = tpu.memref_slice %arg2[%dma_wait3A_160, %dma_wait3A_161] : memref<10240x128xf32, #tpu.memory_space<hbm>> -> memref<10240x128xf32, #tpu.memory_space<hbm>>
        tpu.wait_indirect_dma semaphore(%arg13 : memref<!tpu.dma_semaphore, #tpu.memory_space<semaphore_mem>>) src(%dma_wait3A_162 : memref<10240x128xf32, #tpu.memory_space<hbm>>) dst(%arg10 : memref<128x128xf32, #tpu.memory_space<vmem>>)
        %dma_wait3A_163 = arith.constant 0 : i32
        %dma_wait3A_164 = tpu.memref_slice %arg4[%add3A_32, %dma_wait3A_163] : memref<1280x128xi32, #tpu.memory_space<hbm>> -> memref<1x128xi32, #tpu.memory_space<hbm>>
        %dma_wait3A_165 = tpu.memref_squeeze %dma_wait3A_164 : memref<1x128xi32, #tpu.memory_space<hbm>> -> memref<128xi32, #tpu.memory_space<hbm>>
        %dma_wait3A_166 = arith.constant 0 : i32
        %dma_wait3A_167 = tpu.memref_slice %arg4[%add3A_32, %dma_wait3A_166] : memref<1280x128xi32, #tpu.memory_space<hbm>> -> memref<1x128xi32, #tpu.memory_space<hbm>>
        %dma_wait3A_168 = tpu.memref_squeeze %dma_wait3A_167 : memref<1x128xi32, #tpu.memory_space<hbm>> -> memref<128xi32, #tpu.memory_space<hbm>>
        tpu.wait_dma2 semaphore(%arg15 : memref<!tpu.dma_semaphore, #tpu.memory_space<semaphore_mem>>) src(%dma_wait3A_168 : memref<128xi32, #tpu.memory_space<hbm>>) dst(%arg8 : memref<128xi32, #tpu.memory_space<vmem>>)
        %dma_start3A_169 = arith.constant 0 : i32
        %dma_start3A_170 = arith.constant 0 : i32
        %dma_start3A_171 = tpu.memref_slice %arg11[%dma_start3A_169, %dma_start3A_170] : memref<10240x128xf32, #tpu.memory_space<vmem_shared>> -> memref<10240x128xf32, #tpu.memory_space<vmem_shared>>
        tpu.enqueue_indirect_dma source(%arg10 : memref<128x128xf32, #tpu.memory_space<vmem>>) target(%dma_start3A_171 : memref<10240x128xf32, #tpu.memory_space<vmem_shared>>) offsets(%arg8 : memref<128xi32, #tpu.memory_space<vmem>>) semaphore(%arg16 : memref<!tpu.dma_semaphore, #tpu.memory_space<semaphore_mem>>) {add = true}
        %dma_wait3A_172 = arith.constant 0 : i32
        %dma_wait3A_173 = arith.constant 0 : i32
        %dma_wait3A_174 = tpu.memref_slice %arg11[%dma_wait3A_172, %dma_wait3A_173] : memref<10240x128xf32, #tpu.memory_space<vmem_shared>> -> memref<10240x128xf32, #tpu.memory_space<vmem_shared>>
        tpu.wait_indirect_dma semaphore(%arg16 : memref<!tpu.dma_semaphore, #tpu.memory_space<semaphore_mem>>) src(%arg10 : memref<128x128xf32, #tpu.memory_space<vmem>>) dst(%dma_wait3A_174 : memref<10240x128xf32, #tpu.memory_space<vmem_shared>>)
      }
      %scan3A_54 = arith.constant 9 : i32
      %dma_start3A_55 = arith.constant 2432 : i32
      %dma_start3A_56 = tpu.memref_slice %arg6[%dma_start3A_55] : memref<2560xi32, #tpu.memory_space<vmem>> -> memref<128xi32, #tpu.memory_space<vmem>>
      %dma_start3A_57 = arith.constant 0 : i32
      %dma_start3A_58 = arith.constant 0 : i32
      %dma_start3A_59 = tpu.memref_slice %arg2[%dma_start3A_57, %dma_start3A_58] : memref<10240x128xf32, #tpu.memory_space<hbm>> -> memref<10240x128xf32, #tpu.memory_space<hbm>>
      tpu.enqueue_indirect_dma source(%dma_start3A_59 : memref<10240x128xf32, #tpu.memory_space<hbm>>) target(%arg10 : memref<128x128xf32, #tpu.memory_space<vmem>>) offsets(%dma_start3A_56 : memref<128xi32, #tpu.memory_space<vmem>>) semaphore(%arg13 : memref<!tpu.dma_semaphore, #tpu.memory_space<semaphore_mem>>)
      %add3A_60 = arith.constant 19 : i32
      %add3A_61 = arith.addi %add3A_32, %add3A_60 : i32
      %dma_start3A_62 = arith.constant 0 : i32
      %dma_start3A_63 = tpu.memref_slice %arg4[%add3A_61, %dma_start3A_62] : memref<1280x128xi32, #tpu.memory_space<hbm>> -> memref<1x128xi32, #tpu.memory_space<hbm>>
      %dma_start3A_64 = tpu.memref_squeeze %dma_start3A_63 : memref<1x128xi32, #tpu.memory_space<hbm>> -> memref<128xi32, #tpu.memory_space<hbm>>
      %dma_start3A_65 = arith.constant 0 : i32
      %dma_start3A_66 = tpu.memref_slice %arg4[%add3A_61, %dma_start3A_65] : memref<1280x128xi32, #tpu.memory_space<hbm>> -> memref<1x128xi32, #tpu.memory_space<hbm>>
      %dma_start3A_67 = tpu.memref_squeeze %dma_start3A_66 : memref<1x128xi32, #tpu.memory_space<hbm>> -> memref<128xi32, #tpu.memory_space<hbm>>
      tpu.enqueue_dma source(%dma_start3A_67 : memref<128xi32, #tpu.memory_space<hbm>>) target(%arg8 : memref<128xi32, #tpu.memory_space<vmem>>) target_semaphore(%arg15 : memref<!tpu.dma_semaphore, #tpu.memory_space<semaphore_mem>>)
      %dma_wait3A_68 = arith.constant 0 : i32
      %dma_wait3A_69 = tpu.memref_slice %arg6[%dma_wait3A_68] : memref<2560xi32, #tpu.memory_space<vmem>> -> memref<128xi32, #tpu.memory_space<vmem>>
      %dma_wait3A_70 = arith.constant 0 : i32
      %dma_wait3A_71 = arith.constant 0 : i32
      %dma_wait3A_72 = tpu.memref_slice %arg2[%dma_wait3A_70, %dma_wait3A_71] : memref<10240x128xf32, #tpu.memory_space<hbm>> -> memref<10240x128xf32, #tpu.memory_space<hbm>>
      tpu.wait_indirect_dma semaphore(%arg12 : memref<!tpu.dma_semaphore, #tpu.memory_space<semaphore_mem>>) src(%dma_wait3A_72 : memref<10240x128xf32, #tpu.memory_space<hbm>>) dst(%arg9 : memref<128x128xf32, #tpu.memory_space<vmem>>)
      %dma_wait3A_73 = arith.constant 0 : i32
      %dma_wait3A_74 = tpu.memref_slice %arg4[%add3A_32, %dma_wait3A_73] : memref<1280x128xi32, #tpu.memory_space<hbm>> -> memref<1x128xi32, #tpu.memory_space<hbm>>
      %dma_wait3A_75 = tpu.memref_squeeze %dma_wait3A_74 : memref<1x128xi32, #tpu.memory_space<hbm>> -> memref<128xi32, #tpu.memory_space<hbm>>
      %dma_wait3A_76 = arith.constant 0 : i32
      %dma_wait3A_77 = tpu.memref_slice %arg4[%add3A_32, %dma_wait3A_76] : memref<1280x128xi32, #tpu.memory_space<hbm>> -> memref<1x128xi32, #tpu.memory_space<hbm>>
      %dma_wait3A_78 = tpu.memref_squeeze %dma_wait3A_77 : memref<1x128xi32, #tpu.memory_space<hbm>> -> memref<128xi32, #tpu.memory_space<hbm>>
      tpu.wait_dma2 semaphore(%arg14 : memref<!tpu.dma_semaphore, #tpu.memory_space<semaphore_mem>>) src(%dma_wait3A_78 : memref<128xi32, #tpu.memory_space<hbm>>) dst(%arg7 : memref<128xi32, #tpu.memory_space<vmem>>)
      %dma_start3A_79 = arith.constant 0 : i32
      %dma_start3A_80 = arith.constant 0 : i32
      %dma_start3A_81 = tpu.memref_slice %arg11[%dma_start3A_79, %dma_start3A_80] : memref<10240x128xf32, #tpu.memory_space<vmem_shared>> -> memref<10240x128xf32, #tpu.memory_space<vmem_shared>>
      tpu.enqueue_indirect_dma source(%arg9 : memref<128x128xf32, #tpu.memory_space<vmem>>) target(%dma_start3A_81 : memref<10240x128xf32, #tpu.memory_space<vmem_shared>>) offsets(%arg7 : memref<128xi32, #tpu.memory_space<vmem>>) semaphore(%arg16 : memref<!tpu.dma_semaphore, #tpu.memory_space<semaphore_mem>>) {add = true}
      %dma_wait3A_82 = arith.constant 0 : i32
      %dma_wait3A_83 = arith.constant 0 : i32
      %dma_wait3A_84 = tpu.memref_slice %arg11[%dma_wait3A_82, %dma_wait3A_83] : memref<10240x128xf32, #tpu.memory_space<vmem_shared>> -> memref<10240x128xf32, #tpu.memory_space<vmem_shared>>
      tpu.wait_indirect_dma semaphore(%arg16 : memref<!tpu.dma_semaphore, #tpu.memory_space<semaphore_mem>>) src(%arg9 : memref<128x128xf32, #tpu.memory_space<vmem>>) dst(%dma_wait3A_84 : memref<10240x128xf32, #tpu.memory_space<vmem_shared>>)
      %dma_wait3A_85 = arith.constant 0 : i32
      %dma_wait3A_86 = tpu.memref_slice %arg6[%dma_wait3A_85] : memref<2560xi32, #tpu.memory_space<vmem>> -> memref<128xi32, #tpu.memory_space<vmem>>
      %dma_wait3A_87 = arith.constant 0 : i32
      %dma_wait3A_88 = arith.constant 0 : i32
      %dma_wait3A_89 = tpu.memref_slice %arg2[%dma_wait3A_87, %dma_wait3A_88] : memref<10240x128xf32, #tpu.memory_space<hbm>> -> memref<10240x128xf32, #tpu.memory_space<hbm>>
      tpu.wait_indirect_dma semaphore(%arg13 : memref<!tpu.dma_semaphore, #tpu.memory_space<semaphore_mem>>) src(%dma_wait3A_89 : memref<10240x128xf32, #tpu.memory_space<hbm>>) dst(%arg10 : memref<128x128xf32, #tpu.memory_space<vmem>>)
      %dma_wait3A_90 = arith.constant 0 : i32
      %dma_wait3A_91 = tpu.memref_slice %arg4[%add3A_32, %dma_wait3A_90] : memref<1280x128xi32, #tpu.memory_space<hbm>> -> memref<1x128xi32, #tpu.memory_space<hbm>>
      %dma_wait3A_92 = tpu.memref_squeeze %dma_wait3A_91 : memref<1x128xi32, #tpu.memory_space<hbm>> -> memref<128xi32, #tpu.memory_space<hbm>>
      %dma_wait3A_93 = arith.constant 0 : i32
      %dma_wait3A_94 = tpu.memref_slice %arg4[%add3A_32, %dma_wait3A_93] : memref<1280x128xi32, #tpu.memory_space<hbm>> -> memref<1x128xi32, #tpu.memory_space<hbm>>
      %dma_wait3A_95 = tpu.memref_squeeze %dma_wait3A_94 : memref<1x128xi32, #tpu.memory_space<hbm>> -> memref<128xi32, #tpu.memory_space<hbm>>
      tpu.wait_dma2 semaphore(%arg15 : memref<!tpu.dma_semaphore, #tpu.memory_space<semaphore_mem>>) src(%dma_wait3A_95 : memref<128xi32, #tpu.memory_space<hbm>>) dst(%arg8 : memref<128xi32, #tpu.memory_space<vmem>>)
      %dma_start3A_96 = arith.constant 0 : i32
      %dma_start3A_97 = arith.constant 0 : i32
      %dma_start3A_98 = tpu.memref_slice %arg11[%dma_start3A_96, %dma_start3A_97] : memref<10240x128xf32, #tpu.memory_space<vmem_shared>> -> memref<10240x128xf32, #tpu.memory_space<vmem_shared>>
      tpu.enqueue_indirect_dma source(%arg10 : memref<128x128xf32, #tpu.memory_space<vmem>>) target(%dma_start3A_98 : memref<10240x128xf32, #tpu.memory_space<vmem_shared>>) offsets(%arg8 : memref<128xi32, #tpu.memory_space<vmem>>) semaphore(%arg16 : memref<!tpu.dma_semaphore, #tpu.memory_space<semaphore_mem>>) {add = true}
      %dma_wait3A_99 = arith.constant 0 : i32
      %dma_wait3A_100 = arith.constant 0 : i32
      %dma_wait3A_101 = tpu.memref_slice %arg11[%dma_wait3A_99, %dma_wait3A_100] : memref<10240x128xf32, #tpu.memory_space<vmem_shared>> -> memref<10240x128xf32, #tpu.memory_space<vmem_shared>>
      tpu.wait_indirect_dma semaphore(%arg16 : memref<!tpu.dma_semaphore, #tpu.memory_space<semaphore_mem>>) src(%arg10 : memref<128x128xf32, #tpu.memory_space<vmem>>) dst(%dma_wait3A_101 : memref<10240x128xf32, #tpu.memory_space<vmem_shared>>)
    }
    %scan3A_18 = arith.constant 2 : i32
    %barrier3A_19 = arith.constant 0 : index
    tpu.barrier barrier_id(%barrier3A_19)
    %scan3A_20 = arith.constant 0 : i32
    %scan3A_21 = arith.constant 5 : i32
    %scan3A_22 = arith.addi %scan3A_20, %scan3A_21 : i32
    %scan3A_23 = arith.constant 1 : i32
    scf.for %scan3A_25 = %scan3A_20 to %scan3A_22 step %scan3A_23  : i32 {
      %mul3A_26 = arith.constant 1 : i32
      %mul3A_27 = arith.muli %scan3A_25, %mul3A_26 : i32
      %add3A_28 = arith.constant 0 : i32
      %add3A_29 = arith.addi %add3A_28, %mul3A_27 : i32
      %mul3A_30 = arith.constant 640 : i32
      %mul3A_31 = arith.muli %arg1, %mul3A_30 : i32
      %mul3A_32 = arith.constant 128 : i32
      %mul3A_33 = arith.muli %add3A_29, %mul3A_32 : i32
      %add3A_34 = arith.addi %mul3A_31, %mul3A_33 : i32
      %dma_start3A = arith.constant 0 : i32
      %dma_start3A_35 = tpu.memref_slice %arg11[%add3A_34, %dma_start3A] : memref<10240x128xf32, #tpu.memory_space<vmem_shared>> -> memref<128x128xf32, #tpu.memory_space<vmem_shared>>
      %dma_start3A_36 = arith.constant 0 : i32
      %dma_start3A_37 = tpu.memref_slice %arg11[%add3A_34, %dma_start3A_36] : memref<10240x128xf32, #tpu.memory_space<vmem_shared>> -> memref<128x128xf32, #tpu.memory_space<vmem_shared>>
      tpu.enqueue_dma source(%dma_start3A_37 : memref<128x128xf32, #tpu.memory_space<vmem_shared>>) target(%arg9 : memref<128x128xf32, #tpu.memory_space<vmem>>) target_semaphore(%arg16 : memref<!tpu.dma_semaphore, #tpu.memory_space<semaphore_mem>>)
      %dma_wait3A = arith.constant 0 : i32
      %dma_wait3A_38 = tpu.memref_slice %arg11[%add3A_34, %dma_wait3A] : memref<10240x128xf32, #tpu.memory_space<vmem_shared>> -> memref<128x128xf32, #tpu.memory_space<vmem_shared>>
      %dma_wait3A_39 = arith.constant 0 : i32
      %dma_wait3A_40 = tpu.memref_slice %arg11[%add3A_34, %dma_wait3A_39] : memref<10240x128xf32, #tpu.memory_space<vmem_shared>> -> memref<128x128xf32, #tpu.memory_space<vmem_shared>>
      tpu.wait_dma2 semaphore(%arg16 : memref<!tpu.dma_semaphore, #tpu.memory_space<semaphore_mem>>) src(%dma_wait3A_40 : memref<128x128xf32, #tpu.memory_space<vmem_shared>>) dst(%arg9 : memref<128x128xf32, #tpu.memory_space<vmem>>)
      %dma_start3A_41 = arith.constant 0 : i32
      %dma_start3A_42 = tpu.memref_slice %arg5[%arg0, %add3A_34, %dma_start3A_41] : memref<2x10240x128xf32, #tpu.memory_space<hbm>> -> memref<1x128x128xf32, #tpu.memory_space<hbm>>
      %dma_start3A_43 = tpu.memref_squeeze %dma_start3A_42 : memref<1x128x128xf32, #tpu.memory_space<hbm>> -> memref<128x128xf32, #tpu.memory_space<hbm>>
      %dma_start3A_44 = arith.constant 0 : i32
      %dma_start3A_45 = tpu.memref_slice %arg5[%arg0, %add3A_34, %dma_start3A_44] : memref<2x10240x128xf32, #tpu.memory_space<hbm>> -> memref<1x128x128xf32, #tpu.memory_space<hbm>>
      %dma_start3A_46 = tpu.memref_squeeze %dma_start3A_45 : memref<1x128x128xf32, #tpu.memory_space<hbm>> -> memref<128x128xf32, #tpu.memory_space<hbm>>
      tpu.enqueue_dma source(%arg9 : memref<128x128xf32, #tpu.memory_space<vmem>>) target(%dma_start3A_46 : memref<128x128xf32, #tpu.memory_space<hbm>>) target_semaphore(%arg16 : memref<!tpu.dma_semaphore, #tpu.memory_space<semaphore_mem>>)
      %dma_wait3A_47 = arith.constant 0 : i32
      %dma_wait3A_48 = tpu.memref_slice %arg5[%arg0, %add3A_34, %dma_wait3A_47] : memref<2x10240x128xf32, #tpu.memory_space<hbm>> -> memref<1x128x128xf32, #tpu.memory_space<hbm>>
      %dma_wait3A_49 = tpu.memref_squeeze %dma_wait3A_48 : memref<1x128x128xf32, #tpu.memory_space<hbm>> -> memref<128x128xf32, #tpu.memory_space<hbm>>
      %dma_wait3A_50 = arith.constant 0 : i32
      %dma_wait3A_51 = tpu.memref_slice %arg5[%arg0, %add3A_34, %dma_wait3A_50] : memref<2x10240x128xf32, #tpu.memory_space<hbm>> -> memref<1x128x128xf32, #tpu.memory_space<hbm>>
      %dma_wait3A_52 = tpu.memref_squeeze %dma_wait3A_51 : memref<1x128x128xf32, #tpu.memory_space<hbm>> -> memref<128x128xf32, #tpu.memory_space<hbm>>
      tpu.wait_dma2 semaphore(%arg16 : memref<!tpu.dma_semaphore, #tpu.memory_space<semaphore_mem>>) src(%arg9 : memref<128x128xf32, #tpu.memory_space<vmem>>) dst(%dma_wait3A_52 : memref<128x128xf32, #tpu.memory_space<hbm>>)
    }
    %scan3A_24 = arith.constant 5 : i32
    return
  }
}

#map = affine_map<(d0, d1) -> (0, 0)>
#map1 = affine_map<(d0, d1) -> (0)>
#map2 = affine_map<(d0, d1) -> (0, 0, 0)>
module attributes {stable_mosaic.version = 14 : i64} {
  func.func @_seg_body(%arg0: i32, %arg1: i32, %arg2: memref<10240x128xf32, #tpu.memory_space<hbm>>, %arg3: memref<163840xi32, #tpu.memory_space<hbm>>, %arg4: memref<1280x128xi32, #tpu.memory_space<hbm>>, %arg5: memref<2x10240x128xf32, #tpu.memory_space<hbm>>, %arg6: memref<2560xi32, #tpu.memory_space<vmem>>, %arg7: memref<128xi32, #tpu.memory_space<vmem>>, %arg8: memref<128xi32, #tpu.memory_space<vmem>>, %arg9: memref<128x128xf32, #tpu.memory_space<vmem>>, %arg10: memref<128x128xf32, #tpu.memory_space<vmem>>, %arg11: memref<10240x128xf32, #tpu.memory_space<vmem_shared>>, %arg12: memref<!tpu.dma_semaphore, #tpu.memory_space<semaphore_mem>>, %arg13: memref<!tpu.dma_semaphore, #tpu.memory_space<semaphore_mem>>, %arg14: memref<!tpu.dma_semaphore, #tpu.memory_space<semaphore_mem>>, %arg15: memref<!tpu.dma_semaphore, #tpu.memory_space<semaphore_mem>>, %arg16: memref<!tpu.dma_semaphore, #tpu.memory_space<semaphore_mem>>) attributes {dimension_semantics = [#tpu.dimension_semantics<core_parallel>, #tpu.dimension_semantics<subcore_parallel>], iteration_bounds = array<i64: 2, 16>, scalar_prefetch = 0 : i64, scratch_operands = 11 : i64, tpu.core_type = #tpu.core_type<sc_vector_subcore>, window_params = [{transform_indices = #map}, {transform_indices = #map1}, {transform_indices = #map}, {transform_indices = #map2}]} {
    %mul3A = arith.constant 2 : i32
    %mul3A_0 = arith.muli %arg1, %mul3A : i32
    %add3A = arith.addi %mul3A_0, %arg0 : i32
    %broadcast_in_dim3A = arith.constant 0.000000e+00 : f32
    %broadcast_in_dim3A_1 = vector.broadcast %broadcast_in_dim3A : f32 to vector<16xf32>
    %scan3A = arith.constant 0 : i32
    %scan3A_2 = arith.constant 0 : i32
    %scan3A_3 = arith.constant 1024 : i32
    %scan3A_4 = arith.addi %scan3A_2, %scan3A_3 : i32
    %scan3A_5 = arith.constant 1 : i32
    scf.for %scan3A_25 = %scan3A_2 to %scan3A_4 step %scan3A_5  : i32 {
      %jit3A = arith.constant 8 : i32
      %div3A = arith.divsi %scan3A_25, %jit3A : i32
      %sign3A = arith.constant 0 : i32
      %sign3A_26 = arith.cmpi sgt, %scan3A_25, %sign3A : i32
      %sign3A_27 = arith.extui %sign3A_26 : i1 to i32
      %sign3A_28 = arith.constant 0 : i32
      %sign3A_29 = arith.cmpi slt, %scan3A_25, %sign3A_28 : i32
      %sign3A_30 = arith.extui %sign3A_29 : i1 to i32
      %sign3A_31 = arith.subi %sign3A_27, %sign3A_30 : i32
      %sign3A_32 = arith.constant 0 : i32
      %sign3A_33 = arith.cmpi sgt, %jit3A, %sign3A_32 : i32
      %sign3A_34 = arith.extui %sign3A_33 : i1 to i32
      %sign3A_35 = arith.constant 0 : i32
      %sign3A_36 = arith.cmpi slt, %jit3A, %sign3A_35 : i32
      %sign3A_37 = arith.extui %sign3A_36 : i1 to i32
      %sign3A_38 = arith.subi %sign3A_34, %sign3A_37 : i32
      %ne3A = arith.cmpi ne, %sign3A_31, %sign3A_38 : i32
      %rem3A = arith.remsi %scan3A_25, %jit3A : i32
      %ne3A_39 = arith.constant 0 : i32
      %ne3A_40 = arith.cmpi ne, %rem3A, %ne3A_39 : i32
      %and3A = arith.andi %ne3A, %ne3A_40 : i1
      %sub3A = arith.constant 1 : i32
      %sub3A_41 = arith.subi %div3A, %sub3A : i32
      %select_n3A = arith.select %and3A, %sub3A_41, %div3A : i32
      %jit3A_42 = arith.constant 8 : i32
      %eq3A = arith.constant 0 : i32
      %eq3A_43 = arith.cmpi eq, %jit3A_42, %eq3A : i32
      %jit3A_44 = arith.constant 1 : i32
      %select_n3A_45 = arith.select %eq3A_43, %jit3A_44, %jit3A_42 : i32
      %rem3A_46 = arith.remsi %scan3A_25, %select_n3A_45 : i32
      %ne3A_47 = arith.constant 0 : i32
      %ne3A_48 = arith.cmpi ne, %rem3A_46, %ne3A_47 : i32
      %lt3A = arith.constant 0 : i32
      %lt3A_49 = arith.cmpi slt, %rem3A_46, %lt3A : i32
      %lt3A_50 = arith.constant 0 : i32
      %lt3A_51 = arith.cmpi slt, %select_n3A_45, %lt3A_50 : i32
      %ne3A_52 = arith.xori %lt3A_49, %lt3A_51 : i1
      %and3A_53 = arith.andi %ne3A_52, %ne3A_48 : i1
      %add3A_54 = arith.addi %rem3A_46, %select_n3A_45 : i32
      %select_n3A_55 = arith.select %and3A_53, %add3A_54, %rem3A_46 : i32
      %mul3A_56 = arith.constant 16 : i32
      %mul3A_57 = arith.muli %select_n3A_55, %mul3A_56 : i32
      %swap3A = arith.index_cast %select_n3A : i32 to index
      %swap3A_58 = arith.index_cast %mul3A_57 : i32 to index
      %swap3A_59 = tpu.vector_load %arg9[%swap3A, %swap3A_58] {strides = array<i32>} : memref<128x128xf32, #tpu.memory_space<vmem>>, vector<1x16xf32>,
      %swap3A_60 = vector.shape_cast %swap3A_59 : vector<1x16xf32> to vector<16xf32>
      %swap3A_61 = vector.shape_cast %broadcast_in_dim3A_1 : vector<16xf32> to vector<1x16xf32>
      tpu.vector_store %arg9[%swap3A, %swap3A_58], %swap3A_61 {strides = array<i32>} : memref<128x128xf32, #tpu.memory_space<vmem>>, vector<1x16xf32>,
    }
    %scan3A_6 = arith.constant 1024 : i32
    %scan3A_7 = arith.constant 0 : i32
    %scan3A_8 = arith.constant 5 : i32
    %scan3A_9 = arith.addi %scan3A_7, %scan3A_8 : i32
    %scan3A_10 = arith.constant 1 : i32
    scf.for %scan3A_25 = %scan3A_7 to %scan3A_9 step %scan3A_10  : i32 {
      %mul3A_26 = arith.constant 1 : i32
      %mul3A_27 = arith.muli %scan3A_25, %mul3A_26 : i32
      %add3A_28 = arith.constant 0 : i32
      %add3A_29 = arith.addi %add3A_28, %mul3A_27 : i32
      %mul3A_30 = arith.constant 640 : i32
      %mul3A_31 = arith.muli %arg1, %mul3A_30 : i32
      %mul3A_32 = arith.constant 128 : i32
      %mul3A_33 = arith.muli %add3A_29, %mul3A_32 : i32
      %add3A_34 = arith.addi %mul3A_31, %mul3A_33 : i32
      %dma_start3A = arith.constant 0 : i32
      %dma_start3A_35 = tpu.memref_slice %arg11[%add3A_34, %dma_start3A] : memref<10240x128xf32, #tpu.memory_space<vmem_shared>> -> memref<128x128xf32, #tpu.memory_space<vmem_shared>>
      %dma_start3A_36 = arith.constant 0 : i32
      %dma_start3A_37 = tpu.memref_slice %arg11[%add3A_34, %dma_start3A_36] : memref<10240x128xf32, #tpu.memory_space<vmem_shared>> -> memref<128x128xf32, #tpu.memory_space<vmem_shared>>
      tpu.enqueue_dma source(%arg9 : memref<128x128xf32, #tpu.memory_space<vmem>>) target(%dma_start3A_37 : memref<128x128xf32, #tpu.memory_space<vmem_shared>>) target_semaphore(%arg16 : memref<!tpu.dma_semaphore, #tpu.memory_space<semaphore_mem>>)
      %dma_wait3A = arith.constant 0 : i32
      %dma_wait3A_38 = tpu.memref_slice %arg11[%add3A_34, %dma_wait3A] : memref<10240x128xf32, #tpu.memory_space<vmem_shared>> -> memref<128x128xf32, #tpu.memory_space<vmem_shared>>
      %dma_wait3A_39 = arith.constant 0 : i32
      %dma_wait3A_40 = tpu.memref_slice %arg11[%add3A_34, %dma_wait3A_39] : memref<10240x128xf32, #tpu.memory_space<vmem_shared>> -> memref<128x128xf32, #tpu.memory_space<vmem_shared>>
      tpu.wait_dma2 semaphore(%arg16 : memref<!tpu.dma_semaphore, #tpu.memory_space<semaphore_mem>>) src(%arg9 : memref<128x128xf32, #tpu.memory_space<vmem>>) dst(%dma_wait3A_40 : memref<128x128xf32, #tpu.memory_space<vmem_shared>>)
    }
    %scan3A_11 = arith.constant 5 : i32
    %barrier3A = arith.constant 0 : index
    tpu.barrier barrier_id(%barrier3A)
    %mul3A_12 = arith.constant 40 : i32
    %mul3A_13 = arith.muli %add3A, %mul3A_12 : i32
    %scan3A_14 = arith.constant 0 : i32
    %scan3A_15 = arith.constant 2 : i32
    %scan3A_16 = arith.addi %scan3A_14, %scan3A_15 : i32
    %scan3A_17 = arith.constant 1 : i32
    scf.for %scan3A_25 = %scan3A_14 to %scan3A_16 step %scan3A_17  : i32 {
      %mul3A_26 = arith.constant 1 : i32
      %mul3A_27 = arith.muli %scan3A_25, %mul3A_26 : i32
      %add3A_28 = arith.constant 0 : i32
      %add3A_29 = arith.addi %add3A_28, %mul3A_27 : i32
      %mul3A_30 = arith.constant 20 : i32
      %mul3A_31 = arith.muli %add3A_29, %mul3A_30 : i32
      %add3A_32 = arith.addi %mul3A_13, %mul3A_31 : i32
      %mul3A_33 = arith.constant 128 : i32
      %mul3A_34 = arith.muli %add3A_32, %mul3A_33 : i32
      %dma_start3A = tpu.memref_slice %arg3[%mul3A_34] : memref<163840xi32, #tpu.memory_space<hbm>> -> memref<2560xi32, #tpu.memory_space<hbm>>
      %dma_start3A_35 = tpu.memref_slice %arg3[%mul3A_34] : memref<163840xi32, #tpu.memory_space<hbm>> -> memref<2560xi32, #tpu.memory_space<hbm>>
      tpu.enqueue_dma source(%dma_start3A_35 : memref<2560xi32, #tpu.memory_space<hbm>>) target(%arg6 : memref<2560xi32, #tpu.memory_space<vmem>>) target_semaphore(%arg16 : memref<!tpu.dma_semaphore, #tpu.memory_space<semaphore_mem>>)
      %dma_wait3A = tpu.memref_slice %arg3[%mul3A_34] : memref<163840xi32, #tpu.memory_space<hbm>> -> memref<2560xi32, #tpu.memory_space<hbm>>
      %dma_wait3A_36 = tpu.memref_slice %arg3[%mul3A_34] : memref<163840xi32, #tpu.memory_space<hbm>> -> memref<2560xi32, #tpu.memory_space<hbm>>
      tpu.wait_dma2 semaphore(%arg16 : memref<!tpu.dma_semaphore, #tpu.memory_space<semaphore_mem>>) src(%dma_wait3A_36 : memref<2560xi32, #tpu.memory_space<hbm>>) dst(%arg6 : memref<2560xi32, #tpu.memory_space<vmem>>)
      %dma_start3A_37 = arith.constant 0 : i32
      %dma_start3A_38 = tpu.memref_slice %arg6[%dma_start3A_37] : memref<2560xi32, #tpu.memory_space<vmem>> -> memref<128xi32, #tpu.memory_space<vmem>>
      %dma_start3A_39 = arith.constant 0 : i32
      %dma_start3A_40 = arith.constant 0 : i32
      %dma_start3A_41 = tpu.memref_slice %arg2[%dma_start3A_39, %dma_start3A_40] : memref<10240x128xf32, #tpu.memory_space<hbm>> -> memref<10240x128xf32, #tpu.memory_space<hbm>>
      tpu.enqueue_indirect_dma source(%dma_start3A_41 : memref<10240x128xf32, #tpu.memory_space<hbm>>) target(%arg9 : memref<128x128xf32, #tpu.memory_space<vmem>>) offsets(%dma_start3A_38 : memref<128xi32, #tpu.memory_space<vmem>>) semaphore(%arg12 : memref<!tpu.dma_semaphore, #tpu.memory_space<semaphore_mem>>)
      %add3A_42 = arith.constant 0 : i32
      %add3A_43 = arith.addi %add3A_32, %add3A_42 : i32
      %dma_start3A_44 = arith.constant 0 : i32
      %dma_start3A_45 = tpu.memref_slice %arg4[%add3A_43, %dma_start3A_44] : memref<1280x128xi32, #tpu.memory_space<hbm>> -> memref<1x128xi32, #tpu.memory_space<hbm>>
      %dma_start3A_46 = tpu.memref_squeeze %dma_start3A_45 : memref<1x128xi32, #tpu.memory_space<hbm>> -> memref<128xi32, #tpu.memory_space<hbm>>
      %dma_start3A_47 = arith.constant 0 : i32
      %dma_start3A_48 = tpu.memref_slice %arg4[%add3A_43, %dma_start3A_47] : memref<1280x128xi32, #tpu.memory_space<hbm>> -> memref<1x128xi32, #tpu.memory_space<hbm>>
      %dma_start3A_49 = tpu.memref_squeeze %dma_start3A_48 : memref<1x128xi32, #tpu.memory_space<hbm>> -> memref<128xi32, #tpu.memory_space<hbm>>
      tpu.enqueue_dma source(%dma_start3A_49 : memref<128xi32, #tpu.memory_space<hbm>>) target(%arg7 : memref<128xi32, #tpu.memory_space<vmem>>) target_semaphore(%arg14 : memref<!tpu.dma_semaphore, #tpu.memory_space<semaphore_mem>>)
      %scan3A_50 = arith.constant 0 : i32
      %scan3A_51 = arith.constant 9 : i32
      %scan3A_52 = arith.addi %scan3A_50, %scan3A_51 : i32
      %scan3A_53 = arith.constant 1 : i32
      scf.for %scan3A_102 = %scan3A_50 to %scan3A_52 step %scan3A_53  : i32 {
        %mul3A_103 = arith.constant 1 : i32
        %mul3A_104 = arith.muli %scan3A_102, %mul3A_103 : i32
        %add3A_105 = arith.constant 0 : i32
        %add3A_106 = arith.addi %add3A_105, %mul3A_104 : i32
        %mul3A_107 = arith.constant 2 : i32
        %mul3A_108 = arith.muli %mul3A_107, %add3A_106 : i32
        %add3A_109 = arith.constant 1 : i32
        %add3A_110 = arith.addi %mul3A_108, %add3A_109 : i32
        %mul3A_111 = arith.constant 128 : i32
        %mul3A_112 = arith.muli %add3A_110, %mul3A_111 : i32
        %dma_start3A_113 = tpu.memref_slice %arg6[%mul3A_112] : memref<2560xi32, #tpu.memory_space<vmem>> -> memref<128xi32, #tpu.memory_space<vmem>>
        %dma_start3A_114 = arith.constant 0 : i32
        %dma_start3A_115 = arith.constant 0 : i32
        %dma_start3A_116 = tpu.memref_slice %arg2[%dma_start3A_114, %dma_start3A_115] : memref<10240x128xf32, #tpu.memory_space<hbm>> -> memref<10240x128xf32, #tpu.memory_space<hbm>>
        tpu.enqueue_indirect_dma source(%dma_start3A_116 : memref<10240x128xf32, #tpu.memory_space<hbm>>) target(%arg10 : memref<128x128xf32, #tpu.memory_space<vmem>>) offsets(%dma_start3A_113 : memref<128xi32, #tpu.memory_space<vmem>>) semaphore(%arg13 : memref<!tpu.dma_semaphore, #tpu.memory_space<semaphore_mem>>)
        %add3A_117 = arith.addi %add3A_32, %add3A_110 : i32
        %dma_start3A_118 = arith.constant 0 : i32
        %dma_start3A_119 = tpu.memref_slice %arg4[%add3A_117, %dma_start3A_118] : memref<1280x128xi32, #tpu.memory_space<hbm>> -> memref<1x128xi32, #tpu.memory_space<hbm>>
        %dma_start3A_120 = tpu.memref_squeeze %dma_start3A_119 : memref<1x128xi32, #tpu.memory_space<hbm>> -> memref<128xi32, #tpu.memory_space<hbm>>
        %dma_start3A_121 = arith.constant 0 : i32
        %dma_start3A_122 = tpu.memref_slice %arg4[%add3A_117, %dma_start3A_121] : memref<1280x128xi32, #tpu.memory_space<hbm>> -> memref<1x128xi32, #tpu.memory_space<hbm>>
        %dma_start3A_123 = tpu.memref_squeeze %dma_start3A_122 : memref<1x128xi32, #tpu.memory_space<hbm>> -> memref<128xi32, #tpu.memory_space<hbm>>
        tpu.enqueue_dma source(%dma_start3A_123 : memref<128xi32, #tpu.memory_space<hbm>>) target(%arg8 : memref<128xi32, #tpu.memory_space<vmem>>) target_semaphore(%arg15 : memref<!tpu.dma_semaphore, #tpu.memory_space<semaphore_mem>>)
        %dma_wait3A_124 = arith.constant 0 : i32
        %dma_wait3A_125 = tpu.memref_slice %arg6[%dma_wait3A_124] : memref<2560xi32, #tpu.memory_space<vmem>> -> memref<128xi32, #tpu.memory_space<vmem>>
        %dma_wait3A_126 = arith.constant 0 : i32
        %dma_wait3A_127 = arith.constant 0 : i32
        %dma_wait3A_128 = tpu.memref_slice %arg2[%dma_wait3A_126, %dma_wait3A_127] : memref<10240x128xf32, #tpu.memory_space<hbm>> -> memref<10240x128xf32, #tpu.memory_space<hbm>>
        tpu.wait_indirect_dma semaphore(%arg12 : memref<!tpu.dma_semaphore, #tpu.memory_space<semaphore_mem>>) src(%dma_wait3A_128 : memref<10240x128xf32, #tpu.memory_space<hbm>>) dst(%arg9 : memref<128x128xf32, #tpu.memory_space<vmem>>)
        %dma_wait3A_129 = arith.constant 0 : i32
        %dma_wait3A_130 = tpu.memref_slice %arg4[%add3A_32, %dma_wait3A_129] : memref<1280x128xi32, #tpu.memory_space<hbm>> -> memref<1x128xi32, #tpu.memory_space<hbm>>
        %dma_wait3A_131 = tpu.memref_squeeze %dma_wait3A_130 : memref<1x128xi32, #tpu.memory_space<hbm>> -> memref<128xi32, #tpu.memory_space<hbm>>
        %dma_wait3A_132 = arith.constant 0 : i32
        %dma_wait3A_133 = tpu.memref_slice %arg4[%add3A_32, %dma_wait3A_132] : memref<1280x128xi32, #tpu.memory_space<hbm>> -> memref<1x128xi32, #tpu.memory_space<hbm>>
        %dma_wait3A_134 = tpu.memref_squeeze %dma_wait3A_133 : memref<1x128xi32, #tpu.memory_space<hbm>> -> memref<128xi32, #tpu.memory_space<hbm>>
        tpu.wait_dma2 semaphore(%arg14 : memref<!tpu.dma_semaphore, #tpu.memory_space<semaphore_mem>>) src(%dma_wait3A_134 : memref<128xi32, #tpu.memory_space<hbm>>) dst(%arg7 : memref<128xi32, #tpu.memory_space<vmem>>)
        %dma_start3A_135 = arith.constant 0 : i32
        %dma_start3A_136 = arith.constant 0 : i32
        %dma_start3A_137 = tpu.memref_slice %arg11[%dma_start3A_135, %dma_start3A_136] : memref<10240x128xf32, #tpu.memory_space<vmem_shared>> -> memref<10240x128xf32, #tpu.memory_space<vmem_shared>>
        tpu.enqueue_indirect_dma source(%arg9 : memref<128x128xf32, #tpu.memory_space<vmem>>) target(%dma_start3A_137 : memref<10240x128xf32, #tpu.memory_space<vmem_shared>>) offsets(%arg7 : memref<128xi32, #tpu.memory_space<vmem>>) semaphore(%arg16 : memref<!tpu.dma_semaphore, #tpu.memory_space<semaphore_mem>>) {add = true}
        %dma_wait3A_138 = arith.constant 0 : i32
        %dma_wait3A_139 = arith.constant 0 : i32
        %dma_wait3A_140 = tpu.memref_slice %arg11[%dma_wait3A_138, %dma_wait3A_139] : memref<10240x128xf32, #tpu.memory_space<vmem_shared>> -> memref<10240x128xf32, #tpu.memory_space<vmem_shared>>
        tpu.wait_indirect_dma semaphore(%arg16 : memref<!tpu.dma_semaphore, #tpu.memory_space<semaphore_mem>>) src(%arg9 : memref<128x128xf32, #tpu.memory_space<vmem>>) dst(%dma_wait3A_140 : memref<10240x128xf32, #tpu.memory_space<vmem_shared>>)
        %mul3A_141 = arith.constant 2 : i32
        %mul3A_142 = arith.muli %mul3A_141, %add3A_106 : i32
        %add3A_143 = arith.constant 2 : i32
        %add3A_144 = arith.addi %mul3A_142, %add3A_143 : i32
        %mul3A_145 = arith.constant 128 : i32
        %mul3A_146 = arith.muli %add3A_144, %mul3A_145 : i32
        %dma_start3A_147 = tpu.memref_slice %arg6[%mul3A_146] : memref<2560xi32, #tpu.memory_space<vmem>> -> memref<128xi32, #tpu.memory_space<vmem>>
        %dma_start3A_148 = arith.constant 0 : i32
        %dma_start3A_149 = arith.constant 0 : i32
        %dma_start3A_150 = tpu.memref_slice %arg2[%dma_start3A_148, %dma_start3A_149] : memref<10240x128xf32, #tpu.memory_space<hbm>> -> memref<10240x128xf32, #tpu.memory_space<hbm>>
        tpu.enqueue_indirect_dma source(%dma_start3A_150 : memref<10240x128xf32, #tpu.memory_space<hbm>>) target(%arg9 : memref<128x128xf32, #tpu.memory_space<vmem>>) offsets(%dma_start3A_147 : memref<128xi32, #tpu.memory_space<vmem>>) semaphore(%arg12 : memref<!tpu.dma_semaphore, #tpu.memory_space<semaphore_mem>>)
        %add3A_151 = arith.addi %add3A_32, %add3A_144 : i32
        %dma_start3A_152 = arith.constant 0 : i32
        %dma_start3A_153 = tpu.memref_slice %arg4[%add3A_151, %dma_start3A_152] : memref<1280x128xi32, #tpu.memory_space<hbm>> -> memref<1x128xi32, #tpu.memory_space<hbm>>
        %dma_start3A_154 = tpu.memref_squeeze %dma_start3A_153 : memref<1x128xi32, #tpu.memory_space<hbm>> -> memref<128xi32, #tpu.memory_space<hbm>>
        %dma_start3A_155 = arith.constant 0 : i32
        %dma_start3A_156 = tpu.memref_slice %arg4[%add3A_151, %dma_start3A_155] : memref<1280x128xi32, #tpu.memory_space<hbm>> -> memref<1x128xi32, #tpu.memory_space<hbm>>
        %dma_start3A_157 = tpu.memref_squeeze %dma_start3A_156 : memref<1x128xi32, #tpu.memory_space<hbm>> -> memref<128xi32, #tpu.memory_space<hbm>>
        tpu.enqueue_dma source(%dma_start3A_157 : memref<128xi32, #tpu.memory_space<hbm>>) target(%arg7 : memref<128xi32, #tpu.memory_space<vmem>>) target_semaphore(%arg14 : memref<!tpu.dma_semaphore, #tpu.memory_space<semaphore_mem>>)
        %dma_wait3A_158 = arith.constant 0 : i32
        %dma_wait3A_159 = tpu.memref_slice %arg6[%dma_wait3A_158] : memref<2560xi32, #tpu.memory_space<vmem>> -> memref<128xi32, #tpu.memory_space<vmem>>
        %dma_wait3A_160 = arith.constant 0 : i32
        %dma_wait3A_161 = arith.constant 0 : i32
        %dma_wait3A_162 = tpu.memref_slice %arg2[%dma_wait3A_160, %dma_wait3A_161] : memref<10240x128xf32, #tpu.memory_space<hbm>> -> memref<10240x128xf32, #tpu.memory_space<hbm>>
        tpu.wait_indirect_dma semaphore(%arg13 : memref<!tpu.dma_semaphore, #tpu.memory_space<semaphore_mem>>) src(%dma_wait3A_162 : memref<10240x128xf32, #tpu.memory_space<hbm>>) dst(%arg10 : memref<128x128xf32, #tpu.memory_space<vmem>>)
        %dma_wait3A_163 = arith.constant 0 : i32
        %dma_wait3A_164 = tpu.memref_slice %arg4[%add3A_32, %dma_wait3A_163] : memref<1280x128xi32, #tpu.memory_space<hbm>> -> memref<1x128xi32, #tpu.memory_space<hbm>>
        %dma_wait3A_165 = tpu.memref_squeeze %dma_wait3A_164 : memref<1x128xi32, #tpu.memory_space<hbm>> -> memref<128xi32, #tpu.memory_space<hbm>>
        %dma_wait3A_166 = arith.constant 0 : i32
        %dma_wait3A_167 = tpu.memref_slice %arg4[%add3A_32, %dma_wait3A_166] : memref<1280x128xi32, #tpu.memory_space<hbm>> -> memref<1x128xi32, #tpu.memory_space<hbm>>
        %dma_wait3A_168 = tpu.memref_squeeze %dma_wait3A_167 : memref<1x128xi32, #tpu.memory_space<hbm>> -> memref<128xi32, #tpu.memory_space<hbm>>
        tpu.wait_dma2 semaphore(%arg15 : memref<!tpu.dma_semaphore, #tpu.memory_space<semaphore_mem>>) src(%dma_wait3A_168 : memref<128xi32, #tpu.memory_space<hbm>>) dst(%arg8 : memref<128xi32, #tpu.memory_space<vmem>>)
        %dma_start3A_169 = arith.constant 0 : i32
        %dma_start3A_170 = arith.constant 0 : i32
        %dma_start3A_171 = tpu.memref_slice %arg11[%dma_start3A_169, %dma_start3A_170] : memref<10240x128xf32, #tpu.memory_space<vmem_shared>> -> memref<10240x128xf32, #tpu.memory_space<vmem_shared>>
        tpu.enqueue_indirect_dma source(%arg10 : memref<128x128xf32, #tpu.memory_space<vmem>>) target(%dma_start3A_171 : memref<10240x128xf32, #tpu.memory_space<vmem_shared>>) offsets(%arg8 : memref<128xi32, #tpu.memory_space<vmem>>) semaphore(%arg16 : memref<!tpu.dma_semaphore, #tpu.memory_space<semaphore_mem>>) {add = true}
        %dma_wait3A_172 = arith.constant 0 : i32
        %dma_wait3A_173 = arith.constant 0 : i32
        %dma_wait3A_174 = tpu.memref_slice %arg11[%dma_wait3A_172, %dma_wait3A_173] : memref<10240x128xf32, #tpu.memory_space<vmem_shared>> -> memref<10240x128xf32, #tpu.memory_space<vmem_shared>>
        tpu.wait_indirect_dma semaphore(%arg16 : memref<!tpu.dma_semaphore, #tpu.memory_space<semaphore_mem>>) src(%arg10 : memref<128x128xf32, #tpu.memory_space<vmem>>) dst(%dma_wait3A_174 : memref<10240x128xf32, #tpu.memory_space<vmem_shared>>)
      }
      %scan3A_54 = arith.constant 9 : i32
      %dma_start3A_55 = arith.constant 2432 : i32
      %dma_start3A_56 = tpu.memref_slice %arg6[%dma_start3A_55] : memref<2560xi32, #tpu.memory_space<vmem>> -> memref<128xi32, #tpu.memory_space<vmem>>
      %dma_start3A_57 = arith.constant 0 : i32
      %dma_start3A_58 = arith.constant 0 : i32
      %dma_start3A_59 = tpu.memref_slice %arg2[%dma_start3A_57, %dma_start3A_58] : memref<10240x128xf32, #tpu.memory_space<hbm>> -> memref<10240x128xf32, #tpu.memory_space<hbm>>
      tpu.enqueue_indirect_dma source(%dma_start3A_59 : memref<10240x128xf32, #tpu.memory_space<hbm>>) target(%arg10 : memref<128x128xf32, #tpu.memory_space<vmem>>) offsets(%dma_start3A_56 : memref<128xi32, #tpu.memory_space<vmem>>) semaphore(%arg13 : memref<!tpu.dma_semaphore, #tpu.memory_space<semaphore_mem>>)
      %add3A_60 = arith.constant 19 : i32
      %add3A_61 = arith.addi %add3A_32, %add3A_60 : i32
      %dma_start3A_62 = arith.constant 0 : i32
      %dma_start3A_63 = tpu.memref_slice %arg4[%add3A_61, %dma_start3A_62] : memref<1280x128xi32, #tpu.memory_space<hbm>> -> memref<1x128xi32, #tpu.memory_space<hbm>>
      %dma_start3A_64 = tpu.memref_squeeze %dma_start3A_63 : memref<1x128xi32, #tpu.memory_space<hbm>> -> memref<128xi32, #tpu.memory_space<hbm>>
      %dma_start3A_65 = arith.constant 0 : i32
      %dma_start3A_66 = tpu.memref_slice %arg4[%add3A_61, %dma_start3A_65] : memref<1280x128xi32, #tpu.memory_space<hbm>> -> memref<1x128xi32, #tpu.memory_space<hbm>>
      %dma_start3A_67 = tpu.memref_squeeze %dma_start3A_66 : memref<1x128xi32, #tpu.memory_space<hbm>> -> memref<128xi32, #tpu.memory_space<hbm>>
      tpu.enqueue_dma source(%dma_start3A_67 : memref<128xi32, #tpu.memory_space<hbm>>) target(%arg8 : memref<128xi32, #tpu.memory_space<vmem>>) target_semaphore(%arg15 : memref<!tpu.dma_semaphore, #tpu.memory_space<semaphore_mem>>)
      %dma_wait3A_68 = arith.constant 0 : i32
      %dma_wait3A_69 = tpu.memref_slice %arg6[%dma_wait3A_68] : memref<2560xi32, #tpu.memory_space<vmem>> -> memref<128xi32, #tpu.memory_space<vmem>>
      %dma_wait3A_70 = arith.constant 0 : i32
      %dma_wait3A_71 = arith.constant 0 : i32
      %dma_wait3A_72 = tpu.memref_slice %arg2[%dma_wait3A_70, %dma_wait3A_71] : memref<10240x128xf32, #tpu.memory_space<hbm>> -> memref<10240x128xf32, #tpu.memory_space<hbm>>
      tpu.wait_indirect_dma semaphore(%arg12 : memref<!tpu.dma_semaphore, #tpu.memory_space<semaphore_mem>>) src(%dma_wait3A_72 : memref<10240x128xf32, #tpu.memory_space<hbm>>) dst(%arg9 : memref<128x128xf32, #tpu.memory_space<vmem>>)
      %dma_wait3A_73 = arith.constant 0 : i32
      %dma_wait3A_74 = tpu.memref_slice %arg4[%add3A_32, %dma_wait3A_73] : memref<1280x128xi32, #tpu.memory_space<hbm>> -> memref<1x128xi32, #tpu.memory_space<hbm>>
      %dma_wait3A_75 = tpu.memref_squeeze %dma_wait3A_74 : memref<1x128xi32, #tpu.memory_space<hbm>> -> memref<128xi32, #tpu.memory_space<hbm>>
      %dma_wait3A_76 = arith.constant 0 : i32
      %dma_wait3A_77 = tpu.memref_slice %arg4[%add3A_32, %dma_wait3A_76] : memref<1280x128xi32, #tpu.memory_space<hbm>> -> memref<1x128xi32, #tpu.memory_space<hbm>>
      %dma_wait3A_78 = tpu.memref_squeeze %dma_wait3A_77 : memref<1x128xi32, #tpu.memory_space<hbm>> -> memref<128xi32, #tpu.memory_space<hbm>>
      tpu.wait_dma2 semaphore(%arg14 : memref<!tpu.dma_semaphore, #tpu.memory_space<semaphore_mem>>) src(%dma_wait3A_78 : memref<128xi32, #tpu.memory_space<hbm>>) dst(%arg7 : memref<128xi32, #tpu.memory_space<vmem>>)
      %dma_start3A_79 = arith.constant 0 : i32
      %dma_start3A_80 = arith.constant 0 : i32
      %dma_start3A_81 = tpu.memref_slice %arg11[%dma_start3A_79, %dma_start3A_80] : memref<10240x128xf32, #tpu.memory_space<vmem_shared>> -> memref<10240x128xf32, #tpu.memory_space<vmem_shared>>
      tpu.enqueue_indirect_dma source(%arg9 : memref<128x128xf32, #tpu.memory_space<vmem>>) target(%dma_start3A_81 : memref<10240x128xf32, #tpu.memory_space<vmem_shared>>) offsets(%arg7 : memref<128xi32, #tpu.memory_space<vmem>>) semaphore(%arg16 : memref<!tpu.dma_semaphore, #tpu.memory_space<semaphore_mem>>) {add = true}
      %dma_wait3A_82 = arith.constant 0 : i32
      %dma_wait3A_83 = arith.constant 0 : i32
      %dma_wait3A_84 = tpu.memref_slice %arg11[%dma_wait3A_82, %dma_wait3A_83] : memref<10240x128xf32, #tpu.memory_space<vmem_shared>> -> memref<10240x128xf32, #tpu.memory_space<vmem_shared>>
      tpu.wait_indirect_dma semaphore(%arg16 : memref<!tpu.dma_semaphore, #tpu.memory_space<semaphore_mem>>) src(%arg9 : memref<128x128xf32, #tpu.memory_space<vmem>>) dst(%dma_wait3A_84 : memref<10240x128xf32, #tpu.memory_space<vmem_shared>>)
      %dma_wait3A_85 = arith.constant 0 : i32
      %dma_wait3A_86 = tpu.memref_slice %arg6[%dma_wait3A_85] : memref<2560xi32, #tpu.memory_space<vmem>> -> memref<128xi32, #tpu.memory_space<vmem>>
      %dma_wait3A_87 = arith.constant 0 : i32
      %dma_wait3A_88 = arith.constant 0 : i32
      %dma_wait3A_89 = tpu.memref_slice %arg2[%dma_wait3A_87, %dma_wait3A_88] : memref<10240x128xf32, #tpu.memory_space<hbm>> -> memref<10240x128xf32, #tpu.memory_space<hbm>>
      tpu.wait_indirect_dma semaphore(%arg13 : memref<!tpu.dma_semaphore, #tpu.memory_space<semaphore_mem>>) src(%dma_wait3A_89 : memref<10240x128xf32, #tpu.memory_space<hbm>>) dst(%arg10 : memref<128x128xf32, #tpu.memory_space<vmem>>)
      %dma_wait3A_90 = arith.constant 0 : i32
      %dma_wait3A_91 = tpu.memref_slice %arg4[%add3A_32, %dma_wait3A_90] : memref<1280x128xi32, #tpu.memory_space<hbm>> -> memref<1x128xi32, #tpu.memory_space<hbm>>
      %dma_wait3A_92 = tpu.memref_squeeze %dma_wait3A_91 : memref<1x128xi32, #tpu.memory_space<hbm>> -> memref<128xi32, #tpu.memory_space<hbm>>
      %dma_wait3A_93 = arith.constant 0 : i32
      %dma_wait3A_94 = tpu.memref_slice %arg4[%add3A_32, %dma_wait3A_93] : memref<1280x128xi32, #tpu.memory_space<hbm>> -> memref<1x128xi32, #tpu.memory_space<hbm>>
      %dma_wait3A_95 = tpu.memref_squeeze %dma_wait3A_94 : memref<1x128xi32, #tpu.memory_space<hbm>> -> memref<128xi32, #tpu.memory_space<hbm>>
      tpu.wait_dma2 semaphore(%arg15 : memref<!tpu.dma_semaphore, #tpu.memory_space<semaphore_mem>>) src(%dma_wait3A_95 : memref<128xi32, #tpu.memory_space<hbm>>) dst(%arg8 : memref<128xi32, #tpu.memory_space<vmem>>)
      %dma_start3A_96 = arith.constant 0 : i32
      %dma_start3A_97 = arith.constant 0 : i32
      %dma_start3A_98 = tpu.memref_slice %arg11[%dma_start3A_96, %dma_start3A_97] : memref<10240x128xf32, #tpu.memory_space<vmem_shared>> -> memref<10240x128xf32, #tpu.memory_space<vmem_shared>>
      tpu.enqueue_indirect_dma source(%arg10 : memref<128x128xf32, #tpu.memory_space<vmem>>) target(%dma_start3A_98 : memref<10240x128xf32, #tpu.memory_space<vmem_shared>>) offsets(%arg8 : memref<128xi32, #tpu.memory_space<vmem>>) semaphore(%arg16 : memref<!tpu.dma_semaphore, #tpu.memory_space<semaphore_mem>>) {add = true}
      %dma_wait3A_99 = arith.constant 0 : i32
      %dma_wait3A_100 = arith.constant 0 : i32
      %dma_wait3A_101 = tpu.memref_slice %arg11[%dma_wait3A_99, %dma_wait3A_100] : memref<10240x128xf32, #tpu.memory_space<vmem_shared>> -> memref<10240x128xf32, #tpu.memory_space<vmem_shared>>
      tpu.wait_indirect_dma semaphore(%arg16 : memref<!tpu.dma_semaphore, #tpu.memory_space<semaphore_mem>>) src(%arg10 : memref<128x128xf32, #tpu.memory_space<vmem>>) dst(%dma_wait3A_101 : memref<10240x128xf32, #tpu.memory_space<vmem_shared>>)
    }
    %scan3A_18 = arith.constant 2 : i32
    %barrier3A_19 = arith.constant 0 : index
    tpu.barrier barrier_id(%barrier3A_19)
    %scan3A_20 = arith.constant 0 : i32
    %scan3A_21 = arith.constant 5 : i32
    %scan3A_22 = arith.addi %scan3A_20, %scan3A_21 : i32
    %scan3A_23 = arith.constant 1 : i32
    scf.for %scan3A_25 = %scan3A_20 to %scan3A_22 step %scan3A_23  : i32 {
      %mul3A_26 = arith.constant 1 : i32
      %mul3A_27 = arith.muli %scan3A_25, %mul3A_26 : i32
      %add3A_28 = arith.constant 0 : i32
      %add3A_29 = arith.addi %add3A_28, %mul3A_27 : i32
      %mul3A_30 = arith.constant 640 : i32
      %mul3A_31 = arith.muli %arg1, %mul3A_30 : i32
      %mul3A_32 = arith.constant 128 : i32
      %mul3A_33 = arith.muli %add3A_29, %mul3A_32 : i32
      %add3A_34 = arith.addi %mul3A_31, %mul3A_33 : i32
      %dma_start3A = arith.constant 0 : i32
      %dma_start3A_35 = tpu.memref_slice %arg11[%add3A_34, %dma_start3A] : memref<10240x128xf32, #tpu.memory_space<vmem_shared>> -> memref<128x128xf32, #tpu.memory_space<vmem_shared>>
      %dma_start3A_36 = arith.constant 0 : i32
      %dma_start3A_37 = tpu.memref_slice %arg11[%add3A_34, %dma_start3A_36] : memref<10240x128xf32, #tpu.memory_space<vmem_shared>> -> memref<128x128xf32, #tpu.memory_space<vmem_shared>>
      tpu.enqueue_dma source(%dma_start3A_37 : memref<128x128xf32, #tpu.memory_space<vmem_shared>>) target(%arg9 : memref<128x128xf32, #tpu.memory_space<vmem>>) target_semaphore(%arg16 : memref<!tpu.dma_semaphore, #tpu.memory_space<semaphore_mem>>)
      %dma_wait3A = arith.constant 0 : i32
      %dma_wait3A_38 = tpu.memref_slice %arg11[%add3A_34, %dma_wait3A] : memref<10240x128xf32, #tpu.memory_space<vmem_shared>> -> memref<128x128xf32, #tpu.memory_space<vmem_shared>>
      %dma_wait3A_39 = arith.constant 0 : i32
      %dma_wait3A_40 = tpu.memref_slice %arg11[%add3A_34, %dma_wait3A_39] : memref<10240x128xf32, #tpu.memory_space<vmem_shared>> -> memref<128x128xf32, #tpu.memory_space<vmem_shared>>
      tpu.wait_dma2 semaphore(%arg16 : memref<!tpu.dma_semaphore, #tpu.memory_space<semaphore_mem>>) src(%dma_wait3A_40 : memref<128x128xf32, #tpu.memory_space<vmem_shared>>) dst(%arg9 : memref<128x128xf32, #tpu.memory_space<vmem>>)
      %dma_start3A_41 = arith.constant 0 : i32
      %dma_start3A_42 = tpu.memref_slice %arg5[%arg0, %add3A_34, %dma_start3A_41] : memref<2x10240x128xf32, #tpu.memory_space<hbm>> -> memref<1x128x128xf32, #tpu.memory_space<hbm>>
      %dma_start3A_43 = tpu.memref_squeeze %dma_start3A_42 : memref<1x128x128xf32, #tpu.memory_space<hbm>> -> memref<128x128xf32, #tpu.memory_space<hbm>>
      %dma_start3A_44 = arith.constant 0 : i32
      %dma_start3A_45 = tpu.memref_slice %arg5[%arg0, %add3A_34, %dma_start3A_44] : memref<2x10240x128xf32, #tpu.memory_space<hbm>> -> memref<1x128x128xf32, #tpu.memory_space<hbm>>
      %dma_start3A_46 = tpu.memref_squeeze %dma_start3A_45 : memref<1x128x128xf32, #tpu.memory_space<hbm>> -> memref<128x128xf32, #tpu.memory_space<hbm>>
      tpu.enqueue_dma source(%arg9 : memref<128x128xf32, #tpu.memory_space<vmem>>) target(%dma_start3A_46 : memref<128x128xf32, #tpu.memory_space<hbm>>) target_semaphore(%arg16 : memref<!tpu.dma_semaphore, #tpu.memory_space<semaphore_mem>>)
      %dma_wait3A_47 = arith.constant 0 : i32
      %dma_wait3A_48 = tpu.memref_slice %arg5[%arg0, %add3A_34, %dma_wait3A_47] : memref<2x10240x128xf32, #tpu.memory_space<hbm>> -> memref<1x128x128xf32, #tpu.memory_space<hbm>>
      %dma_wait3A_49 = tpu.memref_squeeze %dma_wait3A_48 : memref<1x128x128xf32, #tpu.memory_space<hbm>> -> memref<128x128xf32, #tpu.memory_space<hbm>>
      %dma_wait3A_50 = arith.constant 0 : i32
      %dma_wait3A_51 = tpu.memref_slice %arg5[%arg0, %add3A_34, %dma_wait3A_50] : memref<2x10240x128xf32, #tpu.memory_space<hbm>> -> memref<1x128x128xf32, #tpu.memory_space<hbm>>
      %dma_wait3A_52 = tpu.memref_squeeze %dma_wait3A_51 : memref<1x128x128xf32, #tpu.memory_space<hbm>> -> memref<128x128xf32, #tpu.memory_space<hbm>>
      tpu.wait_dma2 semaphore(%arg16 : memref<!tpu.dma_semaphore, #tpu.memory_space<semaphore_mem>>) src(%arg9 : memref<128x128xf32, #tpu.memory_space<vmem>>) dst(%dma_wait3A_52 : memref<128x128xf32, #tpu.memory_space<hbm>>)
    }
    %scan3A_24 = arith.constant 5 : i32
    return
  }
}

#map = affine_map<(d0, d1) -> (0, 0)>
#map1 = affine_map<(d0, d1) -> (0)>
#map2 = affine_map<(d0, d1) -> (0, 0, 0)>
module attributes {stable_mosaic.version = 14 : i64} {
  func.func @_seg_body(%arg0: i32, %arg1: i32, %arg2: memref<10240x128xf32, #tpu.memory_space<hbm>>, %arg3: memref<323584xi32, #tpu.memory_space<hbm>>, %arg4: memref<2528x128xi32, #tpu.memory_space<hbm>>, %arg5: memref<2x10240x128xf32, #tpu.memory_space<hbm>>, %arg6: memref<4992xi32, #tpu.memory_space<vmem>>, %arg7: memref<128xi32, #tpu.memory_space<vmem>>, %arg8: memref<128xi32, #tpu.memory_space<vmem>>, %arg9: memref<128x128xf32, #tpu.memory_space<vmem>>, %arg10: memref<128x128xf32, #tpu.memory_space<vmem>>, %arg11: memref<10240x128xf32, #tpu.memory_space<vmem_shared>>, %arg12: memref<!tpu.dma_semaphore, #tpu.memory_space<semaphore_mem>>, %arg13: memref<!tpu.dma_semaphore, #tpu.memory_space<semaphore_mem>>, %arg14: memref<!tpu.dma_semaphore, #tpu.memory_space<semaphore_mem>>, %arg15: memref<!tpu.dma_semaphore, #tpu.memory_space<semaphore_mem>>, %arg16: memref<!tpu.dma_semaphore, #tpu.memory_space<semaphore_mem>>) attributes {dimension_semantics = [#tpu.dimension_semantics<core_parallel>, #tpu.dimension_semantics<subcore_parallel>], iteration_bounds = array<i64: 2, 16>, scalar_prefetch = 0 : i64, scratch_operands = 11 : i64, tpu.core_type = #tpu.core_type<sc_vector_subcore>, window_params = [{transform_indices = #map}, {transform_indices = #map1}, {transform_indices = #map}, {transform_indices = #map2}]} {
    %mul3A = arith.constant 2 : i32
    %mul3A_0 = arith.muli %arg1, %mul3A : i32
    %add3A = arith.addi %mul3A_0, %arg0 : i32
    %broadcast_in_dim3A = arith.constant 0.000000e+00 : f32
    %broadcast_in_dim3A_1 = vector.broadcast %broadcast_in_dim3A : f32 to vector<16xf32>
    %scan3A = arith.constant 0 : i32
    %scan3A_2 = arith.constant 0 : i32
    %scan3A_3 = arith.constant 1024 : i32
    %scan3A_4 = arith.addi %scan3A_2, %scan3A_3 : i32
    %scan3A_5 = arith.constant 1 : i32
    scf.for %scan3A_25 = %scan3A_2 to %scan3A_4 step %scan3A_5  : i32 {
      %jit3A = arith.constant 8 : i32
      %div3A = arith.divsi %scan3A_25, %jit3A : i32
      %sign3A = arith.constant 0 : i32
      %sign3A_26 = arith.cmpi sgt, %scan3A_25, %sign3A : i32
      %sign3A_27 = arith.extui %sign3A_26 : i1 to i32
      %sign3A_28 = arith.constant 0 : i32
      %sign3A_29 = arith.cmpi slt, %scan3A_25, %sign3A_28 : i32
      %sign3A_30 = arith.extui %sign3A_29 : i1 to i32
      %sign3A_31 = arith.subi %sign3A_27, %sign3A_30 : i32
      %sign3A_32 = arith.constant 0 : i32
      %sign3A_33 = arith.cmpi sgt, %jit3A, %sign3A_32 : i32
      %sign3A_34 = arith.extui %sign3A_33 : i1 to i32
      %sign3A_35 = arith.constant 0 : i32
      %sign3A_36 = arith.cmpi slt, %jit3A, %sign3A_35 : i32
      %sign3A_37 = arith.extui %sign3A_36 : i1 to i32
      %sign3A_38 = arith.subi %sign3A_34, %sign3A_37 : i32
      %ne3A = arith.cmpi ne, %sign3A_31, %sign3A_38 : i32
      %rem3A = arith.remsi %scan3A_25, %jit3A : i32
      %ne3A_39 = arith.constant 0 : i32
      %ne3A_40 = arith.cmpi ne, %rem3A, %ne3A_39 : i32
      %and3A = arith.andi %ne3A, %ne3A_40 : i1
      %sub3A = arith.constant 1 : i32
      %sub3A_41 = arith.subi %div3A, %sub3A : i32
      %select_n3A = arith.select %and3A, %sub3A_41, %div3A : i32
      %jit3A_42 = arith.constant 8 : i32
      %eq3A = arith.constant 0 : i32
      %eq3A_43 = arith.cmpi eq, %jit3A_42, %eq3A : i32
      %jit3A_44 = arith.constant 1 : i32
      %select_n3A_45 = arith.select %eq3A_43, %jit3A_44, %jit3A_42 : i32
      %rem3A_46 = arith.remsi %scan3A_25, %select_n3A_45 : i32
      %ne3A_47 = arith.constant 0 : i32
      %ne3A_48 = arith.cmpi ne, %rem3A_46, %ne3A_47 : i32
      %lt3A = arith.constant 0 : i32
      %lt3A_49 = arith.cmpi slt, %rem3A_46, %lt3A : i32
      %lt3A_50 = arith.constant 0 : i32
      %lt3A_51 = arith.cmpi slt, %select_n3A_45, %lt3A_50 : i32
      %ne3A_52 = arith.xori %lt3A_49, %lt3A_51 : i1
      %and3A_53 = arith.andi %ne3A_52, %ne3A_48 : i1
      %add3A_54 = arith.addi %rem3A_46, %select_n3A_45 : i32
      %select_n3A_55 = arith.select %and3A_53, %add3A_54, %rem3A_46 : i32
      %mul3A_56 = arith.constant 16 : i32
      %mul3A_57 = arith.muli %select_n3A_55, %mul3A_56 : i32
      %swap3A = arith.index_cast %select_n3A : i32 to index
      %swap3A_58 = arith.index_cast %mul3A_57 : i32 to index
      %swap3A_59 = tpu.vector_load %arg9[%swap3A, %swap3A_58] {strides = array<i32>} : memref<128x128xf32, #tpu.memory_space<vmem>>, vector<1x16xf32>,
      %swap3A_60 = vector.shape_cast %swap3A_59 : vector<1x16xf32> to vector<16xf32>
      %swap3A_61 = vector.shape_cast %broadcast_in_dim3A_1 : vector<16xf32> to vector<1x16xf32>
      tpu.vector_store %arg9[%swap3A, %swap3A_58], %swap3A_61 {strides = array<i32>} : memref<128x128xf32, #tpu.memory_space<vmem>>, vector<1x16xf32>,
    }
    %scan3A_6 = arith.constant 1024 : i32
    %scan3A_7 = arith.constant 0 : i32
    %scan3A_8 = arith.constant 5 : i32
    %scan3A_9 = arith.addi %scan3A_7, %scan3A_8 : i32
    %scan3A_10 = arith.constant 1 : i32
    scf.for %scan3A_25 = %scan3A_7 to %scan3A_9 step %scan3A_10  : i32 {
      %mul3A_26 = arith.constant 1 : i32
      %mul3A_27 = arith.muli %scan3A_25, %mul3A_26 : i32
      %add3A_28 = arith.constant 0 : i32
      %add3A_29 = arith.addi %add3A_28, %mul3A_27 : i32
      %mul3A_30 = arith.constant 640 : i32
      %mul3A_31 = arith.muli %arg1, %mul3A_30 : i32
      %mul3A_32 = arith.constant 128 : i32
      %mul3A_33 = arith.muli %add3A_29, %mul3A_32 : i32
      %add3A_34 = arith.addi %mul3A_31, %mul3A_33 : i32
      %dma_start3A = arith.constant 0 : i32
      %dma_start3A_35 = tpu.memref_slice %arg11[%add3A_34, %dma_start3A] : memref<10240x128xf32, #tpu.memory_space<vmem_shared>> -> memref<128x128xf32, #tpu.memory_space<vmem_shared>>
      %dma_start3A_36 = arith.constant 0 : i32
      %dma_start3A_37 = tpu.memref_slice %arg11[%add3A_34, %dma_start3A_36] : memref<10240x128xf32, #tpu.memory_space<vmem_shared>> -> memref<128x128xf32, #tpu.memory_space<vmem_shared>>
      tpu.enqueue_dma source(%arg9 : memref<128x128xf32, #tpu.memory_space<vmem>>) target(%dma_start3A_37 : memref<128x128xf32, #tpu.memory_space<vmem_shared>>) target_semaphore(%arg16 : memref<!tpu.dma_semaphore, #tpu.memory_space<semaphore_mem>>)
      %dma_wait3A = arith.constant 0 : i32
      %dma_wait3A_38 = tpu.memref_slice %arg11[%add3A_34, %dma_wait3A] : memref<10240x128xf32, #tpu.memory_space<vmem_shared>> -> memref<128x128xf32, #tpu.memory_space<vmem_shared>>
      %dma_wait3A_39 = arith.constant 0 : i32
      %dma_wait3A_40 = tpu.memref_slice %arg11[%add3A_34, %dma_wait3A_39] : memref<10240x128xf32, #tpu.memory_space<vmem_shared>> -> memref<128x128xf32, #tpu.memory_space<vmem_shared>>
      tpu.wait_dma2 semaphore(%arg16 : memref<!tpu.dma_semaphore, #tpu.memory_space<semaphore_mem>>) src(%arg9 : memref<128x128xf32, #tpu.memory_space<vmem>>) dst(%dma_wait3A_40 : memref<128x128xf32, #tpu.memory_space<vmem_shared>>)
    }
    %scan3A_11 = arith.constant 5 : i32
    %barrier3A = arith.constant 0 : index
    tpu.barrier barrier_id(%barrier3A)
    %mul3A_12 = arith.constant 79 : i32
    %mul3A_13 = arith.muli %add3A, %mul3A_12 : i32
    %scan3A_14 = arith.constant 0 : i32
    %scan3A_15 = arith.constant 2 : i32
    %scan3A_16 = arith.addi %scan3A_14, %scan3A_15 : i32
    %scan3A_17 = arith.constant 1 : i32
    scf.for %scan3A_25 = %scan3A_14 to %scan3A_16 step %scan3A_17  : i32 {
      %mul3A_26 = arith.constant 1 : i32
      %mul3A_27 = arith.muli %scan3A_25, %mul3A_26 : i32
      %add3A_28 = arith.constant 0 : i32
      %add3A_29 = arith.addi %add3A_28, %mul3A_27 : i32
      %mul3A_30 = arith.constant 39 : i32
      %mul3A_31 = arith.muli %add3A_29, %mul3A_30 : i32
      %add3A_32 = arith.addi %mul3A_13, %mul3A_31 : i32
      %mul3A_33 = arith.constant 128 : i32
      %mul3A_34 = arith.muli %add3A_32, %mul3A_33 : i32
      %dma_start3A = tpu.memref_slice %arg3[%mul3A_34] : memref<323584xi32, #tpu.memory_space<hbm>> -> memref<4992xi32, #tpu.memory_space<hbm>>
      %dma_start3A_35 = tpu.memref_slice %arg3[%mul3A_34] : memref<323584xi32, #tpu.memory_space<hbm>> -> memref<4992xi32, #tpu.memory_space<hbm>>
      tpu.enqueue_dma source(%dma_start3A_35 : memref<4992xi32, #tpu.memory_space<hbm>>) target(%arg6 : memref<4992xi32, #tpu.memory_space<vmem>>) target_semaphore(%arg16 : memref<!tpu.dma_semaphore, #tpu.memory_space<semaphore_mem>>)
      %dma_wait3A = tpu.memref_slice %arg3[%mul3A_34] : memref<323584xi32, #tpu.memory_space<hbm>> -> memref<4992xi32, #tpu.memory_space<hbm>>
      %dma_wait3A_36 = tpu.memref_slice %arg3[%mul3A_34] : memref<323584xi32, #tpu.memory_space<hbm>> -> memref<4992xi32, #tpu.memory_space<hbm>>
      tpu.wait_dma2 semaphore(%arg16 : memref<!tpu.dma_semaphore, #tpu.memory_space<semaphore_mem>>) src(%dma_wait3A_36 : memref<4992xi32, #tpu.memory_space<hbm>>) dst(%arg6 : memref<4992xi32, #tpu.memory_space<vmem>>)
      %dma_start3A_37 = arith.constant 0 : i32
      %dma_start3A_38 = tpu.memref_slice %arg6[%dma_start3A_37] : memref<4992xi32, #tpu.memory_space<vmem>> -> memref<128xi32, #tpu.memory_space<vmem>>
      %dma_start3A_39 = arith.constant 0 : i32
      %dma_start3A_40 = arith.constant 0 : i32
      %dma_start3A_41 = tpu.memref_slice %arg2[%dma_start3A_39, %dma_start3A_40] : memref<10240x128xf32, #tpu.memory_space<hbm>> -> memref<10240x128xf32, #tpu.memory_space<hbm>>
      tpu.enqueue_indirect_dma source(%dma_start3A_41 : memref<10240x128xf32, #tpu.memory_space<hbm>>) target(%arg9 : memref<128x128xf32, #tpu.memory_space<vmem>>) offsets(%dma_start3A_38 : memref<128xi32, #tpu.memory_space<vmem>>) semaphore(%arg12 : memref<!tpu.dma_semaphore, #tpu.memory_space<semaphore_mem>>)
      %add3A_42 = arith.constant 0 : i32
      %add3A_43 = arith.addi %add3A_32, %add3A_42 : i32
      %dma_start3A_44 = arith.constant 0 : i32
      %dma_start3A_45 = tpu.memref_slice %arg4[%add3A_43, %dma_start3A_44] : memref<2528x128xi32, #tpu.memory_space<hbm>> -> memref<1x128xi32, #tpu.memory_space<hbm>>
      %dma_start3A_46 = tpu.memref_squeeze %dma_start3A_45 : memref<1x128xi32, #tpu.memory_space<hbm>> -> memref<128xi32, #tpu.memory_space<hbm>>
      %dma_start3A_47 = arith.constant 0 : i32
      %dma_start3A_48 = tpu.memref_slice %arg4[%add3A_43, %dma_start3A_47] : memref<2528x128xi32, #tpu.memory_space<hbm>> -> memref<1x128xi32, #tpu.memory_space<hbm>>
      %dma_start3A_49 = tpu.memref_squeeze %dma_start3A_48 : memref<1x128xi32, #tpu.memory_space<hbm>> -> memref<128xi32, #tpu.memory_space<hbm>>
      tpu.enqueue_dma source(%dma_start3A_49 : memref<128xi32, #tpu.memory_space<hbm>>) target(%arg7 : memref<128xi32, #tpu.memory_space<vmem>>) target_semaphore(%arg14 : memref<!tpu.dma_semaphore, #tpu.memory_space<semaphore_mem>>)
      %scan3A_50 = arith.constant 0 : i32
      %scan3A_51 = arith.constant 18 : i32
      %scan3A_52 = arith.addi %scan3A_50, %scan3A_51 : i32
      %scan3A_53 = arith.constant 1 : i32
      scf.for %scan3A_102 = %scan3A_50 to %scan3A_52 step %scan3A_53  : i32 {
        %mul3A_103 = arith.constant 1 : i32
        %mul3A_104 = arith.muli %scan3A_102, %mul3A_103 : i32
        %add3A_105 = arith.constant 0 : i32
        %add3A_106 = arith.addi %add3A_105, %mul3A_104 : i32
        %mul3A_107 = arith.constant 2 : i32
        %mul3A_108 = arith.muli %mul3A_107, %add3A_106 : i32
        %add3A_109 = arith.constant 1 : i32
        %add3A_110 = arith.addi %mul3A_108, %add3A_109 : i32
        %mul3A_111 = arith.constant 128 : i32
        %mul3A_112 = arith.muli %add3A_110, %mul3A_111 : i32
        %dma_start3A_113 = tpu.memref_slice %arg6[%mul3A_112] : memref<4992xi32, #tpu.memory_space<vmem>> -> memref<128xi32, #tpu.memory_space<vmem>>
        %dma_start3A_114 = arith.constant 0 : i32
        %dma_start3A_115 = arith.constant 0 : i32
        %dma_start3A_116 = tpu.memref_slice %arg2[%dma_start3A_114, %dma_start3A_115] : memref<10240x128xf32, #tpu.memory_space<hbm>> -> memref<10240x128xf32, #tpu.memory_space<hbm>>
        tpu.enqueue_indirect_dma source(%dma_start3A_116 : memref<10240x128xf32, #tpu.memory_space<hbm>>) target(%arg10 : memref<128x128xf32, #tpu.memory_space<vmem>>) offsets(%dma_start3A_113 : memref<128xi32, #tpu.memory_space<vmem>>) semaphore(%arg13 : memref<!tpu.dma_semaphore, #tpu.memory_space<semaphore_mem>>)
        %add3A_117 = arith.addi %add3A_32, %add3A_110 : i32
        %dma_start3A_118 = arith.constant 0 : i32
        %dma_start3A_119 = tpu.memref_slice %arg4[%add3A_117, %dma_start3A_118] : memref<2528x128xi32, #tpu.memory_space<hbm>> -> memref<1x128xi32, #tpu.memory_space<hbm>>
        %dma_start3A_120 = tpu.memref_squeeze %dma_start3A_119 : memref<1x128xi32, #tpu.memory_space<hbm>> -> memref<128xi32, #tpu.memory_space<hbm>>
        %dma_start3A_121 = arith.constant 0 : i32
        %dma_start3A_122 = tpu.memref_slice %arg4[%add3A_117, %dma_start3A_121] : memref<2528x128xi32, #tpu.memory_space<hbm>> -> memref<1x128xi32, #tpu.memory_space<hbm>>
        %dma_start3A_123 = tpu.memref_squeeze %dma_start3A_122 : memref<1x128xi32, #tpu.memory_space<hbm>> -> memref<128xi32, #tpu.memory_space<hbm>>
        tpu.enqueue_dma source(%dma_start3A_123 : memref<128xi32, #tpu.memory_space<hbm>>) target(%arg8 : memref<128xi32, #tpu.memory_space<vmem>>) target_semaphore(%arg15 : memref<!tpu.dma_semaphore, #tpu.memory_space<semaphore_mem>>)
        %dma_wait3A_124 = arith.constant 0 : i32
        %dma_wait3A_125 = tpu.memref_slice %arg6[%dma_wait3A_124] : memref<4992xi32, #tpu.memory_space<vmem>> -> memref<128xi32, #tpu.memory_space<vmem>>
        %dma_wait3A_126 = arith.constant 0 : i32
        %dma_wait3A_127 = arith.constant 0 : i32
        %dma_wait3A_128 = tpu.memref_slice %arg2[%dma_wait3A_126, %dma_wait3A_127] : memref<10240x128xf32, #tpu.memory_space<hbm>> -> memref<10240x128xf32, #tpu.memory_space<hbm>>
        tpu.wait_indirect_dma semaphore(%arg12 : memref<!tpu.dma_semaphore, #tpu.memory_space<semaphore_mem>>) src(%dma_wait3A_128 : memref<10240x128xf32, #tpu.memory_space<hbm>>) dst(%arg9 : memref<128x128xf32, #tpu.memory_space<vmem>>)
        %dma_wait3A_129 = arith.constant 0 : i32
        %dma_wait3A_130 = tpu.memref_slice %arg4[%add3A_32, %dma_wait3A_129] : memref<2528x128xi32, #tpu.memory_space<hbm>> -> memref<1x128xi32, #tpu.memory_space<hbm>>
        %dma_wait3A_131 = tpu.memref_squeeze %dma_wait3A_130 : memref<1x128xi32, #tpu.memory_space<hbm>> -> memref<128xi32, #tpu.memory_space<hbm>>
        %dma_wait3A_132 = arith.constant 0 : i32
        %dma_wait3A_133 = tpu.memref_slice %arg4[%add3A_32, %dma_wait3A_132] : memref<2528x128xi32, #tpu.memory_space<hbm>> -> memref<1x128xi32, #tpu.memory_space<hbm>>
        %dma_wait3A_134 = tpu.memref_squeeze %dma_wait3A_133 : memref<1x128xi32, #tpu.memory_space<hbm>> -> memref<128xi32, #tpu.memory_space<hbm>>
        tpu.wait_dma2 semaphore(%arg14 : memref<!tpu.dma_semaphore, #tpu.memory_space<semaphore_mem>>) src(%dma_wait3A_134 : memref<128xi32, #tpu.memory_space<hbm>>) dst(%arg7 : memref<128xi32, #tpu.memory_space<vmem>>)
        %dma_start3A_135 = arith.constant 0 : i32
        %dma_start3A_136 = arith.constant 0 : i32
        %dma_start3A_137 = tpu.memref_slice %arg11[%dma_start3A_135, %dma_start3A_136] : memref<10240x128xf32, #tpu.memory_space<vmem_shared>> -> memref<10240x128xf32, #tpu.memory_space<vmem_shared>>
        tpu.enqueue_indirect_dma source(%arg9 : memref<128x128xf32, #tpu.memory_space<vmem>>) target(%dma_start3A_137 : memref<10240x128xf32, #tpu.memory_space<vmem_shared>>) offsets(%arg7 : memref<128xi32, #tpu.memory_space<vmem>>) semaphore(%arg16 : memref<!tpu.dma_semaphore, #tpu.memory_space<semaphore_mem>>) {add = true}
        %dma_wait3A_138 = arith.constant 0 : i32
        %dma_wait3A_139 = arith.constant 0 : i32
        %dma_wait3A_140 = tpu.memref_slice %arg11[%dma_wait3A_138, %dma_wait3A_139] : memref<10240x128xf32, #tpu.memory_space<vmem_shared>> -> memref<10240x128xf32, #tpu.memory_space<vmem_shared>>
        tpu.wait_indirect_dma semaphore(%arg16 : memref<!tpu.dma_semaphore, #tpu.memory_space<semaphore_mem>>) src(%arg9 : memref<128x128xf32, #tpu.memory_space<vmem>>) dst(%dma_wait3A_140 : memref<10240x128xf32, #tpu.memory_space<vmem_shared>>)
        %mul3A_141 = arith.constant 2 : i32
        %mul3A_142 = arith.muli %mul3A_141, %add3A_106 : i32
        %add3A_143 = arith.constant 2 : i32
        %add3A_144 = arith.addi %mul3A_142, %add3A_143 : i32
        %mul3A_145 = arith.constant 128 : i32
        %mul3A_146 = arith.muli %add3A_144, %mul3A_145 : i32
        %dma_start3A_147 = tpu.memref_slice %arg6[%mul3A_146] : memref<4992xi32, #tpu.memory_space<vmem>> -> memref<128xi32, #tpu.memory_space<vmem>>
        %dma_start3A_148 = arith.constant 0 : i32
        %dma_start3A_149 = arith.constant 0 : i32
        %dma_start3A_150 = tpu.memref_slice %arg2[%dma_start3A_148, %dma_start3A_149] : memref<10240x128xf32, #tpu.memory_space<hbm>> -> memref<10240x128xf32, #tpu.memory_space<hbm>>
        tpu.enqueue_indirect_dma source(%dma_start3A_150 : memref<10240x128xf32, #tpu.memory_space<hbm>>) target(%arg9 : memref<128x128xf32, #tpu.memory_space<vmem>>) offsets(%dma_start3A_147 : memref<128xi32, #tpu.memory_space<vmem>>) semaphore(%arg12 : memref<!tpu.dma_semaphore, #tpu.memory_space<semaphore_mem>>)
        %add3A_151 = arith.addi %add3A_32, %add3A_144 : i32
        %dma_start3A_152 = arith.constant 0 : i32
        %dma_start3A_153 = tpu.memref_slice %arg4[%add3A_151, %dma_start3A_152] : memref<2528x128xi32, #tpu.memory_space<hbm>> -> memref<1x128xi32, #tpu.memory_space<hbm>>
        %dma_start3A_154 = tpu.memref_squeeze %dma_start3A_153 : memref<1x128xi32, #tpu.memory_space<hbm>> -> memref<128xi32, #tpu.memory_space<hbm>>
        %dma_start3A_155 = arith.constant 0 : i32
        %dma_start3A_156 = tpu.memref_slice %arg4[%add3A_151, %dma_start3A_155] : memref<2528x128xi32, #tpu.memory_space<hbm>> -> memref<1x128xi32, #tpu.memory_space<hbm>>
        %dma_start3A_157 = tpu.memref_squeeze %dma_start3A_156 : memref<1x128xi32, #tpu.memory_space<hbm>> -> memref<128xi32, #tpu.memory_space<hbm>>
        tpu.enqueue_dma source(%dma_start3A_157 : memref<128xi32, #tpu.memory_space<hbm>>) target(%arg7 : memref<128xi32, #tpu.memory_space<vmem>>) target_semaphore(%arg14 : memref<!tpu.dma_semaphore, #tpu.memory_space<semaphore_mem>>)
        %dma_wait3A_158 = arith.constant 0 : i32
        %dma_wait3A_159 = tpu.memref_slice %arg6[%dma_wait3A_158] : memref<4992xi32, #tpu.memory_space<vmem>> -> memref<128xi32, #tpu.memory_space<vmem>>
        %dma_wait3A_160 = arith.constant 0 : i32
        %dma_wait3A_161 = arith.constant 0 : i32
        %dma_wait3A_162 = tpu.memref_slice %arg2[%dma_wait3A_160, %dma_wait3A_161] : memref<10240x128xf32, #tpu.memory_space<hbm>> -> memref<10240x128xf32, #tpu.memory_space<hbm>>
        tpu.wait_indirect_dma semaphore(%arg13 : memref<!tpu.dma_semaphore, #tpu.memory_space<semaphore_mem>>) src(%dma_wait3A_162 : memref<10240x128xf32, #tpu.memory_space<hbm>>) dst(%arg10 : memref<128x128xf32, #tpu.memory_space<vmem>>)
        %dma_wait3A_163 = arith.constant 0 : i32
        %dma_wait3A_164 = tpu.memref_slice %arg4[%add3A_32, %dma_wait3A_163] : memref<2528x128xi32, #tpu.memory_space<hbm>> -> memref<1x128xi32, #tpu.memory_space<hbm>>
        %dma_wait3A_165 = tpu.memref_squeeze %dma_wait3A_164 : memref<1x128xi32, #tpu.memory_space<hbm>> -> memref<128xi32, #tpu.memory_space<hbm>>
        %dma_wait3A_166 = arith.constant 0 : i32
        %dma_wait3A_167 = tpu.memref_slice %arg4[%add3A_32, %dma_wait3A_166] : memref<2528x128xi32, #tpu.memory_space<hbm>> -> memref<1x128xi32, #tpu.memory_space<hbm>>
        %dma_wait3A_168 = tpu.memref_squeeze %dma_wait3A_167 : memref<1x128xi32, #tpu.memory_space<hbm>> -> memref<128xi32, #tpu.memory_space<hbm>>
        tpu.wait_dma2 semaphore(%arg15 : memref<!tpu.dma_semaphore, #tpu.memory_space<semaphore_mem>>) src(%dma_wait3A_168 : memref<128xi32, #tpu.memory_space<hbm>>) dst(%arg8 : memref<128xi32, #tpu.memory_space<vmem>>)
        %dma_start3A_169 = arith.constant 0 : i32
        %dma_start3A_170 = arith.constant 0 : i32
        %dma_start3A_171 = tpu.memref_slice %arg11[%dma_start3A_169, %dma_start3A_170] : memref<10240x128xf32, #tpu.memory_space<vmem_shared>> -> memref<10240x128xf32, #tpu.memory_space<vmem_shared>>
        tpu.enqueue_indirect_dma source(%arg10 : memref<128x128xf32, #tpu.memory_space<vmem>>) target(%dma_start3A_171 : memref<10240x128xf32, #tpu.memory_space<vmem_shared>>) offsets(%arg8 : memref<128xi32, #tpu.memory_space<vmem>>) semaphore(%arg16 : memref<!tpu.dma_semaphore, #tpu.memory_space<semaphore_mem>>) {add = true}
        %dma_wait3A_172 = arith.constant 0 : i32
        %dma_wait3A_173 = arith.constant 0 : i32
        %dma_wait3A_174 = tpu.memref_slice %arg11[%dma_wait3A_172, %dma_wait3A_173] : memref<10240x128xf32, #tpu.memory_space<vmem_shared>> -> memref<10240x128xf32, #tpu.memory_space<vmem_shared>>
        tpu.wait_indirect_dma semaphore(%arg16 : memref<!tpu.dma_semaphore, #tpu.memory_space<semaphore_mem>>) src(%arg10 : memref<128x128xf32, #tpu.memory_space<vmem>>) dst(%dma_wait3A_174 : memref<10240x128xf32, #tpu.memory_space<vmem_shared>>)
      }
      %scan3A_54 = arith.constant 18 : i32
      %dma_start3A_55 = arith.constant 4864 : i32
      %dma_start3A_56 = tpu.memref_slice %arg6[%dma_start3A_55] : memref<4992xi32, #tpu.memory_space<vmem>> -> memref<128xi32, #tpu.memory_space<vmem>>
      %dma_start3A_57 = arith.constant 0 : i32
      %dma_start3A_58 = arith.constant 0 : i32
      %dma_start3A_59 = tpu.memref_slice %arg2[%dma_start3A_57, %dma_start3A_58] : memref<10240x128xf32, #tpu.memory_space<hbm>> -> memref<10240x128xf32, #tpu.memory_space<hbm>>
      tpu.enqueue_indirect_dma source(%dma_start3A_59 : memref<10240x128xf32, #tpu.memory_space<hbm>>) target(%arg10 : memref<128x128xf32, #tpu.memory_space<vmem>>) offsets(%dma_start3A_56 : memref<128xi32, #tpu.memory_space<vmem>>) semaphore(%arg13 : memref<!tpu.dma_semaphore, #tpu.memory_space<semaphore_mem>>)
      %add3A_60 = arith.constant 38 : i32
      %add3A_61 = arith.addi %add3A_32, %add3A_60 : i32
      %dma_start3A_62 = arith.constant 0 : i32
      %dma_start3A_63 = tpu.memref_slice %arg4[%add3A_61, %dma_start3A_62] : memref<2528x128xi32, #tpu.memory_space<hbm>> -> memref<1x128xi32, #tpu.memory_space<hbm>>
      %dma_start3A_64 = tpu.memref_squeeze %dma_start3A_63 : memref<1x128xi32, #tpu.memory_space<hbm>> -> memref<128xi32, #tpu.memory_space<hbm>>
      %dma_start3A_65 = arith.constant 0 : i32
      %dma_start3A_66 = tpu.memref_slice %arg4[%add3A_61, %dma_start3A_65] : memref<2528x128xi32, #tpu.memory_space<hbm>> -> memref<1x128xi32, #tpu.memory_space<hbm>>
      %dma_start3A_67 = tpu.memref_squeeze %dma_start3A_66 : memref<1x128xi32, #tpu.memory_space<hbm>> -> memref<128xi32, #tpu.memory_space<hbm>>
      tpu.enqueue_dma source(%dma_start3A_67 : memref<128xi32, #tpu.memory_space<hbm>>) target(%arg8 : memref<128xi32, #tpu.memory_space<vmem>>) target_semaphore(%arg15 : memref<!tpu.dma_semaphore, #tpu.memory_space<semaphore_mem>>)
      %dma_wait3A_68 = arith.constant 0 : i32
      %dma_wait3A_69 = tpu.memref_slice %arg6[%dma_wait3A_68] : memref<4992xi32, #tpu.memory_space<vmem>> -> memref<128xi32, #tpu.memory_space<vmem>>
      %dma_wait3A_70 = arith.constant 0 : i32
      %dma_wait3A_71 = arith.constant 0 : i32
      %dma_wait3A_72 = tpu.memref_slice %arg2[%dma_wait3A_70, %dma_wait3A_71] : memref<10240x128xf32, #tpu.memory_space<hbm>> -> memref<10240x128xf32, #tpu.memory_space<hbm>>
      tpu.wait_indirect_dma semaphore(%arg12 : memref<!tpu.dma_semaphore, #tpu.memory_space<semaphore_mem>>) src(%dma_wait3A_72 : memref<10240x128xf32, #tpu.memory_space<hbm>>) dst(%arg9 : memref<128x128xf32, #tpu.memory_space<vmem>>)
      %dma_wait3A_73 = arith.constant 0 : i32
      %dma_wait3A_74 = tpu.memref_slice %arg4[%add3A_32, %dma_wait3A_73] : memref<2528x128xi32, #tpu.memory_space<hbm>> -> memref<1x128xi32, #tpu.memory_space<hbm>>
      %dma_wait3A_75 = tpu.memref_squeeze %dma_wait3A_74 : memref<1x128xi32, #tpu.memory_space<hbm>> -> memref<128xi32, #tpu.memory_space<hbm>>
      %dma_wait3A_76 = arith.constant 0 : i32
      %dma_wait3A_77 = tpu.memref_slice %arg4[%add3A_32, %dma_wait3A_76] : memref<2528x128xi32, #tpu.memory_space<hbm>> -> memref<1x128xi32, #tpu.memory_space<hbm>>
      %dma_wait3A_78 = tpu.memref_squeeze %dma_wait3A_77 : memref<1x128xi32, #tpu.memory_space<hbm>> -> memref<128xi32, #tpu.memory_space<hbm>>
      tpu.wait_dma2 semaphore(%arg14 : memref<!tpu.dma_semaphore, #tpu.memory_space<semaphore_mem>>) src(%dma_wait3A_78 : memref<128xi32, #tpu.memory_space<hbm>>) dst(%arg7 : memref<128xi32, #tpu.memory_space<vmem>>)
      %dma_start3A_79 = arith.constant 0 : i32
      %dma_start3A_80 = arith.constant 0 : i32
      %dma_start3A_81 = tpu.memref_slice %arg11[%dma_start3A_79, %dma_start3A_80] : memref<10240x128xf32, #tpu.memory_space<vmem_shared>> -> memref<10240x128xf32, #tpu.memory_space<vmem_shared>>
      tpu.enqueue_indirect_dma source(%arg9 : memref<128x128xf32, #tpu.memory_space<vmem>>) target(%dma_start3A_81 : memref<10240x128xf32, #tpu.memory_space<vmem_shared>>) offsets(%arg7 : memref<128xi32, #tpu.memory_space<vmem>>) semaphore(%arg16 : memref<!tpu.dma_semaphore, #tpu.memory_space<semaphore_mem>>) {add = true}
      %dma_wait3A_82 = arith.constant 0 : i32
      %dma_wait3A_83 = arith.constant 0 : i32
      %dma_wait3A_84 = tpu.memref_slice %arg11[%dma_wait3A_82, %dma_wait3A_83] : memref<10240x128xf32, #tpu.memory_space<vmem_shared>> -> memref<10240x128xf32, #tpu.memory_space<vmem_shared>>
      tpu.wait_indirect_dma semaphore(%arg16 : memref<!tpu.dma_semaphore, #tpu.memory_space<semaphore_mem>>) src(%arg9 : memref<128x128xf32, #tpu.memory_space<vmem>>) dst(%dma_wait3A_84 : memref<10240x128xf32, #tpu.memory_space<vmem_shared>>)
      %dma_wait3A_85 = arith.constant 0 : i32
      %dma_wait3A_86 = tpu.memref_slice %arg6[%dma_wait3A_85] : memref<4992xi32, #tpu.memory_space<vmem>> -> memref<128xi32, #tpu.memory_space<vmem>>
      %dma_wait3A_87 = arith.constant 0 : i32
      %dma_wait3A_88 = arith.constant 0 : i32
      %dma_wait3A_89 = tpu.memref_slice %arg2[%dma_wait3A_87, %dma_wait3A_88] : memref<10240x128xf32, #tpu.memory_space<hbm>> -> memref<10240x128xf32, #tpu.memory_space<hbm>>
      tpu.wait_indirect_dma semaphore(%arg13 : memref<!tpu.dma_semaphore, #tpu.memory_space<semaphore_mem>>) src(%dma_wait3A_89 : memref<10240x128xf32, #tpu.memory_space<hbm>>) dst(%arg10 : memref<128x128xf32, #tpu.memory_space<vmem>>)
      %dma_wait3A_90 = arith.constant 0 : i32
      %dma_wait3A_91 = tpu.memref_slice %arg4[%add3A_32, %dma_wait3A_90] : memref<2528x128xi32, #tpu.memory_space<hbm>> -> memref<1x128xi32, #tpu.memory_space<hbm>>
      %dma_wait3A_92 = tpu.memref_squeeze %dma_wait3A_91 : memref<1x128xi32, #tpu.memory_space<hbm>> -> memref<128xi32, #tpu.memory_space<hbm>>
      %dma_wait3A_93 = arith.constant 0 : i32
      %dma_wait3A_94 = tpu.memref_slice %arg4[%add3A_32, %dma_wait3A_93] : memref<2528x128xi32, #tpu.memory_space<hbm>> -> memref<1x128xi32, #tpu.memory_space<hbm>>
      %dma_wait3A_95 = tpu.memref_squeeze %dma_wait3A_94 : memref<1x128xi32, #tpu.memory_space<hbm>> -> memref<128xi32, #tpu.memory_space<hbm>>
      tpu.wait_dma2 semaphore(%arg15 : memref<!tpu.dma_semaphore, #tpu.memory_space<semaphore_mem>>) src(%dma_wait3A_95 : memref<128xi32, #tpu.memory_space<hbm>>) dst(%arg8 : memref<128xi32, #tpu.memory_space<vmem>>)
      %dma_start3A_96 = arith.constant 0 : i32
      %dma_start3A_97 = arith.constant 0 : i32
      %dma_start3A_98 = tpu.memref_slice %arg11[%dma_start3A_96, %dma_start3A_97] : memref<10240x128xf32, #tpu.memory_space<vmem_shared>> -> memref<10240x128xf32, #tpu.memory_space<vmem_shared>>
      tpu.enqueue_indirect_dma source(%arg10 : memref<128x128xf32, #tpu.memory_space<vmem>>) target(%dma_start3A_98 : memref<10240x128xf32, #tpu.memory_space<vmem_shared>>) offsets(%arg8 : memref<128xi32, #tpu.memory_space<vmem>>) semaphore(%arg16 : memref<!tpu.dma_semaphore, #tpu.memory_space<semaphore_mem>>) {add = true}
      %dma_wait3A_99 = arith.constant 0 : i32
      %dma_wait3A_100 = arith.constant 0 : i32
      %dma_wait3A_101 = tpu.memref_slice %arg11[%dma_wait3A_99, %dma_wait3A_100] : memref<10240x128xf32, #tpu.memory_space<vmem_shared>> -> memref<10240x128xf32, #tpu.memory_space<vmem_shared>>
      tpu.wait_indirect_dma semaphore(%arg16 : memref<!tpu.dma_semaphore, #tpu.memory_space<semaphore_mem>>) src(%arg10 : memref<128x128xf32, #tpu.memory_space<vmem>>) dst(%dma_wait3A_101 : memref<10240x128xf32, #tpu.memory_space<vmem_shared>>)
    }
    %scan3A_18 = arith.constant 2 : i32
    %barrier3A_19 = arith.constant 0 : index
    tpu.barrier barrier_id(%barrier3A_19)
    %scan3A_20 = arith.constant 0 : i32
    %scan3A_21 = arith.constant 5 : i32
    %scan3A_22 = arith.addi %scan3A_20, %scan3A_21 : i32
    %scan3A_23 = arith.constant 1 : i32
    scf.for %scan3A_25 = %scan3A_20 to %scan3A_22 step %scan3A_23  : i32 {
      %mul3A_26 = arith.constant 1 : i32
      %mul3A_27 = arith.muli %scan3A_25, %mul3A_26 : i32
      %add3A_28 = arith.constant 0 : i32
      %add3A_29 = arith.addi %add3A_28, %mul3A_27 : i32
      %mul3A_30 = arith.constant 640 : i32
      %mul3A_31 = arith.muli %arg1, %mul3A_30 : i32
      %mul3A_32 = arith.constant 128 : i32
      %mul3A_33 = arith.muli %add3A_29, %mul3A_32 : i32
      %add3A_34 = arith.addi %mul3A_31, %mul3A_33 : i32
      %dma_start3A = arith.constant 0 : i32
      %dma_start3A_35 = tpu.memref_slice %arg11[%add3A_34, %dma_start3A] : memref<10240x128xf32, #tpu.memory_space<vmem_shared>> -> memref<128x128xf32, #tpu.memory_space<vmem_shared>>
      %dma_start3A_36 = arith.constant 0 : i32
      %dma_start3A_37 = tpu.memref_slice %arg11[%add3A_34, %dma_start3A_36] : memref<10240x128xf32, #tpu.memory_space<vmem_shared>> -> memref<128x128xf32, #tpu.memory_space<vmem_shared>>
      tpu.enqueue_dma source(%dma_start3A_37 : memref<128x128xf32, #tpu.memory_space<vmem_shared>>) target(%arg9 : memref<128x128xf32, #tpu.memory_space<vmem>>) target_semaphore(%arg16 : memref<!tpu.dma_semaphore, #tpu.memory_space<semaphore_mem>>)
      %dma_wait3A = arith.constant 0 : i32
      %dma_wait3A_38 = tpu.memref_slice %arg11[%add3A_34, %dma_wait3A] : memref<10240x128xf32, #tpu.memory_space<vmem_shared>> -> memref<128x128xf32, #tpu.memory_space<vmem_shared>>
      %dma_wait3A_39 = arith.constant 0 : i32
      %dma_wait3A_40 = tpu.memref_slice %arg11[%add3A_34, %dma_wait3A_39] : memref<10240x128xf32, #tpu.memory_space<vmem_shared>> -> memref<128x128xf32, #tpu.memory_space<vmem_shared>>
      tpu.wait_dma2 semaphore(%arg16 : memref<!tpu.dma_semaphore, #tpu.memory_space<semaphore_mem>>) src(%dma_wait3A_40 : memref<128x128xf32, #tpu.memory_space<vmem_shared>>) dst(%arg9 : memref<128x128xf32, #tpu.memory_space<vmem>>)
      %dma_start3A_41 = arith.constant 0 : i32
      %dma_start3A_42 = tpu.memref_slice %arg5[%arg0, %add3A_34, %dma_start3A_41] : memref<2x10240x128xf32, #tpu.memory_space<hbm>> -> memref<1x128x128xf32, #tpu.memory_space<hbm>>
      %dma_start3A_43 = tpu.memref_squeeze %dma_start3A_42 : memref<1x128x128xf32, #tpu.memory_space<hbm>> -> memref<128x128xf32, #tpu.memory_space<hbm>>
      %dma_start3A_44 = arith.constant 0 : i32
      %dma_start3A_45 = tpu.memref_slice %arg5[%arg0, %add3A_34, %dma_start3A_44] : memref<2x10240x128xf32, #tpu.memory_space<hbm>> -> memref<1x128x128xf32, #tpu.memory_space<hbm>>
      %dma_start3A_46 = tpu.memref_squeeze %dma_start3A_45 : memref<1x128x128xf32, #tpu.memory_space<hbm>> -> memref<128x128xf32, #tpu.memory_space<hbm>>
      tpu.enqueue_dma source(%arg9 : memref<128x128xf32, #tpu.memory_space<vmem>>) target(%dma_start3A_46 : memref<128x128xf32, #tpu.memory_space<hbm>>) target_semaphore(%arg16 : memref<!tpu.dma_semaphore, #tpu.memory_space<semaphore_mem>>)
      %dma_wait3A_47 = arith.constant 0 : i32
      %dma_wait3A_48 = tpu.memref_slice %arg5[%arg0, %add3A_34, %dma_wait3A_47] : memref<2x10240x128xf32, #tpu.memory_space<hbm>> -> memref<1x128x128xf32, #tpu.memory_space<hbm>>
      %dma_wait3A_49 = tpu.memref_squeeze %dma_wait3A_48 : memref<1x128x128xf32, #tpu.memory_space<hbm>> -> memref<128x128xf32, #tpu.memory_space<hbm>>
      %dma_wait3A_50 = arith.constant 0 : i32
      %dma_wait3A_51 = tpu.memref_slice %arg5[%arg0, %add3A_34, %dma_wait3A_50] : memref<2x10240x128xf32, #tpu.memory_space<hbm>> -> memref<1x128x128xf32, #tpu.memory_space<hbm>>
      %dma_wait3A_52 = tpu.memref_squeeze %dma_wait3A_51 : memref<1x128x128xf32, #tpu.memory_space<hbm>> -> memref<128x128xf32, #tpu.memory_space<hbm>>
      tpu.wait_dma2 semaphore(%arg16 : memref<!tpu.dma_semaphore, #tpu.memory_space<semaphore_mem>>) src(%arg9 : memref<128x128xf32, #tpu.memory_space<vmem>>) dst(%dma_wait3A_52 : memref<128x128xf32, #tpu.memory_space<hbm>>)
    }
    %scan3A_24 = arith.constant 5 : i32
    return
  }
}

module attributes {stable_mosaic.version = 14 : i64} {
  func.func @_dinv_body(%arg0: i32, %arg1: memref<2x128x128xf32, #tpu.memory_space<vmem>>, %arg2: memref<128x1xf32, #tpu.memory_space<vmem>>) attributes {dimension_semantics = [#tpu.dimension_semantics<arbitrary>], iteration_bounds = array<i64: 80>, scalar_prefetch = 0 : i64, scratch_operands = 0 : i64, tpu.core_type = #tpu.core_type<tc>, window_params = [{transform_indices = @transform_0, window_bounds = array<i64: 2, 128, 128>}, {transform_indices = @transform_1, window_bounds = array<i64: 128, 1>}]} {
    %get3A = arith.constant 0 : index
    %get3A_0 = arith.constant 0 : index
    %get3A_1 = arith.constant 0 : index
    %get3A_2 = vector.load %arg1[%get3A, %get3A_0, %get3A_1] : memref<2x128x128xf32, #tpu.memory_space<vmem>>, vector<1x128x1xf32>
    %get3A_3 = vector.shape_cast %get3A_2 : vector<1x128x1xf32> to vector<128x1xf32>
    %get3A_4 = arith.constant 1 : index
    %get3A_5 = arith.constant 0 : index
    %get3A_6 = arith.constant 0 : index
    %get3A_7 = vector.load %arg1[%get3A_4, %get3A_5, %get3A_6] : memref<2x128x128xf32, #tpu.memory_space<vmem>>, vector<1x128x1xf32>
    %get3A_8 = vector.shape_cast %get3A_7 : vector<1x128x1xf32> to vector<128x1xf32>
    %add3A = arith.addf %get3A_3, %get3A_8 : vector<128x1xf32>
    %add3A_9 = arith.constant 1.000000e+00 : f32
    %add3A_10 = vector.broadcast %add3A_9 : f32 to vector<128x1xf32>
    %add3A_11 = arith.addf %add3A, %add3A_10 : vector<128x1xf32>
    %rsqrt3A = math.rsqrt %add3A_11 : vector<128x1xf32>
    %swap3A = arith.constant 0 : index
    %swap3A_12 = arith.constant 0 : index
    %swap3A_13 = vector.load %arg2[%swap3A, %swap3A_12] : memref<128x1xf32, #tpu.memory_space<vmem>>, vector<128x1xf32>
    tpu.vector_store %arg2[%swap3A, %swap3A_12], %rsqrt3A {strides = array<i32>} : memref<128x1xf32, #tpu.memory_space<vmem>>, vector<128x1xf32>,
    return
  }
  func.func @transform_0(%arg0: i32) -> (i32, i32, i32) {
    %c0_i32 = arith.constant 0 : i32
    %c0_i32_0 = arith.constant 0 : i32
    %c0_i32_1 = arith.constant 0 : i32
    return %c0_i32, %arg0, %c0_i32_0 : i32, i32, i32
  }
  func.func @transform_1(%arg0: i32) -> (i32, i32) {
    %c0_i32 = arith.constant 0 : i32
    %c0_i32_0 = arith.constant 0 : i32
    return %arg0, %c0_i32 : i32, i32
  }
}

module attributes {stable_mosaic.version = 14 : i64} {
  func.func @_k1_body(%arg0: i32, %arg1: memref<128x128xf32, #tpu.memory_space<vmem>>, %arg2: memref<128x128xf32, #tpu.memory_space<vmem>>, %arg3: memref<128x1xf32, #tpu.memory_space<vmem>>, %arg4: memref<128x128xf32, #tpu.memory_space<vmem>>) attributes {dimension_semantics = [#tpu.dimension_semantics<arbitrary>], iteration_bounds = array<i64: 80>, scalar_prefetch = 0 : i64, scratch_operands = 0 : i64, tpu.core_type = #tpu.core_type<tc>, window_params = [{transform_indices = @transform_0, window_bounds = array<i64: 128, 128>}, {pipeline_mode = #tpu.pipeline_mode<synchronous>, transform_indices = @transform_1, window_bounds = array<i64: 128, 128>}, {transform_indices = @transform_2, window_bounds = array<i64: 128, 1>}, {transform_indices = @transform_3, window_bounds = array<i64: 128, 128>}]} {
    %get3A = arith.constant 0 : index
    %get3A_0 = arith.constant 0 : index
    %get3A_1 = vector.load %arg1[%get3A, %get3A_0] : memref<128x128xf32, #tpu.memory_space<vmem>>, vector<128x128xf32>
    %get3A_2 = arith.constant 0 : index
    %get3A_3 = arith.constant 0 : index
    %get3A_4 = vector.load %arg2[%get3A_2, %get3A_3] : memref<128x128xf32, #tpu.memory_space<vmem>>, vector<128x128xf32>
    %dot_general3A = arith.constant dense<0.000000e+00> : vector<128x128xf32>
    %dot_general3A_5 = tpu.matmul %get3A_1, %get3A_4, %dot_general3A {dimension_numbers = #tpu.dot_dimension_numbers<[1], [0], [0], [1], [0, 0, 1, 1], [], []>, transpose_lhs_hint = false} : vector<128x128xf32>, vector<128x128xf32>, vector<128x128xf32> -> vector<128x128xf32>
    %get3A_6 = arith.constant 0 : index
    %get3A_7 = arith.constant 0 : index
    %get3A_8 = vector.load %arg3[%get3A_6, %get3A_7] : memref<128x1xf32, #tpu.memory_space<vmem>>, vector<128x1xf32>
    %mul3A = vector.broadcast %get3A_8 : vector<128x1xf32> to vector<128x128xf32>
    %mul3A_9 = arith.mulf %dot_general3A_5, %mul3A : vector<128x128xf32>
    %swap3A = arith.constant 0 : index
    %swap3A_10 = arith.constant 0 : index
    %swap3A_11 = vector.load %arg4[%swap3A, %swap3A_10] : memref<128x128xf32, #tpu.memory_space<vmem>>, vector<128x128xf32>
    tpu.vector_store %arg4[%swap3A, %swap3A_10], %mul3A_9 {strides = array<i32>} : memref<128x128xf32, #tpu.memory_space<vmem>>, vector<128x128xf32>,
    return
  }
  func.func @transform_0(%arg0: i32) -> (i32, i32) {
    %c0_i32 = arith.constant 0 : i32
    %c0_i32_0 = arith.constant 0 : i32
    return %arg0, %c0_i32 : i32, i32
  }
  func.func @transform_1(%arg0: i32) -> (i32, i32) {
    %c0_i32 = arith.constant 0 : i32
    %c0_i32_0 = arith.constant 0 : i32
    %c0_i32_1 = arith.constant 0 : i32
    return %c0_i32, %c0_i32_0 : i32, i32
  }
  func.func @transform_2(%arg0: i32) -> (i32, i32) {
    %c0_i32 = arith.constant 0 : i32
    %c0_i32_0 = arith.constant 0 : i32
    return %arg0, %c0_i32 : i32, i32
  }
  func.func @transform_3(%arg0: i32) -> (i32, i32) {
    %c0_i32 = arith.constant 0 : i32
    %c0_i32_0 = arith.constant 0 : i32
    return %arg0, %c0_i32 : i32, i32
  }
}

module attributes {stable_mosaic.version = 14 : i64} {
  func.func @_k2_body(%arg0: i32, %arg1: memref<128x128xf32, #tpu.memory_space<vmem>>, %arg2: memref<2x128x128xf32, #tpu.memory_space<vmem>>, %arg3: memref<128x1xf32, #tpu.memory_space<vmem>>, %arg4: memref<1x128xf32, #tpu.memory_space<vmem>>, %arg5: memref<128x128xf32, #tpu.memory_space<vmem>>, %arg6: memref<128x128xf32, #tpu.memory_space<vmem>>) attributes {dimension_semantics = [#tpu.dimension_semantics<arbitrary>], iteration_bounds = array<i64: 80>, scalar_prefetch = 0 : i64, scratch_operands = 0 : i64, tpu.core_type = #tpu.core_type<tc>, window_params = [{transform_indices = @transform_0, window_bounds = array<i64: 128, 128>}, {transform_indices = @transform_1, window_bounds = array<i64: 2, 128, 128>}, {transform_indices = @transform_2, window_bounds = array<i64: 128, 1>}, {pipeline_mode = #tpu.pipeline_mode<synchronous>, transform_indices = @transform_3, window_bounds = array<i64: 1, 128>}, {pipeline_mode = #tpu.pipeline_mode<synchronous>, transform_indices = @transform_4, window_bounds = array<i64: 128, 128>}, {transform_indices = @transform_5, window_bounds = array<i64: 128, 128>}]} {
    %get3A = arith.constant 0 : index
    %get3A_0 = arith.constant 0 : index
    %get3A_1 = arith.constant 0 : index
    %get3A_2 = vector.load %arg2[%get3A, %get3A_0, %get3A_1] : memref<2x128x128xf32, #tpu.memory_space<vmem>>, vector<1x128x128xf32>
    %get3A_3 = vector.shape_cast %get3A_2 : vector<1x128x128xf32> to vector<128x128xf32>
    %get3A_4 = arith.constant 1 : index
    %get3A_5 = arith.constant 0 : index
    %get3A_6 = arith.constant 0 : index
    %get3A_7 = vector.load %arg2[%get3A_4, %get3A_5, %get3A_6] : memref<2x128x128xf32, #tpu.memory_space<vmem>>, vector<1x128x128xf32>
    %get3A_8 = vector.shape_cast %get3A_7 : vector<1x128x128xf32> to vector<128x128xf32>
    %add3A = arith.addf %get3A_3, %get3A_8 : vector<128x128xf32>
    %get3A_9 = arith.constant 0 : index
    %get3A_10 = arith.constant 0 : index
    %get3A_11 = vector.load %arg3[%get3A_9, %get3A_10] : memref<128x1xf32, #tpu.memory_space<vmem>>, vector<128x1xf32>
    %get3A_12 = arith.constant 0 : index
    %get3A_13 = arith.constant 0 : index
    %get3A_14 = vector.load %arg1[%get3A_12, %get3A_13] : memref<128x128xf32, #tpu.memory_space<vmem>>, vector<128x128xf32>
    %add3A_15 = arith.addf %get3A_14, %add3A : vector<128x128xf32>
    %mul3A = vector.broadcast %get3A_11 : vector<128x1xf32> to vector<128x128xf32>
    %mul3A_16 = arith.mulf %mul3A, %add3A_15 : vector<128x128xf32>
    %get3A_17 = arith.constant 0 : index
    %get3A_18 = arith.constant 0 : index
    %get3A_19 = vector.load %arg4[%get3A_17, %get3A_18] : memref<1x128xf32, #tpu.memory_space<vmem>>, vector<1x128xf32>
    %add3A_20 = vector.broadcast %get3A_19 : vector<1x128xf32> to vector<128x128xf32>
    %add3A_21 = arith.addf %mul3A_16, %add3A_20 : vector<128x128xf32>
    %max3A = arith.constant 0.000000e+00 : f32
    %max3A_22 = vector.broadcast %max3A : f32 to vector<128x128xf32>
    %max3A_23 = arith.maximumf %add3A_21, %max3A_22 : vector<128x128xf32>
    %get3A_24 = arith.constant 0 : index
    %get3A_25 = arith.constant 0 : index
    %get3A_26 = vector.load %arg5[%get3A_24, %get3A_25] : memref<128x128xf32, #tpu.memory_space<vmem>>, vector<128x128xf32>
    %dot_general3A = arith.constant dense<0.000000e+00> : vector<128x128xf32>
    %dot_general3A_27 = tpu.matmul %max3A_23, %get3A_26, %dot_general3A {dimension_numbers = #tpu.dot_dimension_numbers<[1], [0], [0], [1], [0, 0, 1, 1], [], []>, transpose_lhs_hint = false} : vector<128x128xf32>, vector<128x128xf32>, vector<128x128xf32> -> vector<128x128xf32>
    %mul3A_28 = vector.broadcast %get3A_11 : vector<128x1xf32> to vector<128x128xf32>
    %mul3A_29 = arith.mulf %dot_general3A_27, %mul3A_28 : vector<128x128xf32>
    %swap3A = arith.constant 0 : index
    %swap3A_30 = arith.constant 0 : index
    %swap3A_31 = vector.load %arg6[%swap3A, %swap3A_30] : memref<128x128xf32, #tpu.memory_space<vmem>>, vector<128x128xf32>
    tpu.vector_store %arg6[%swap3A, %swap3A_30], %mul3A_29 {strides = array<i32>} : memref<128x128xf32, #tpu.memory_space<vmem>>, vector<128x128xf32>,
    return
  }
  func.func @transform_0(%arg0: i32) -> (i32, i32) {
    %c0_i32 = arith.constant 0 : i32
    %c0_i32_0 = arith.constant 0 : i32
    return %arg0, %c0_i32 : i32, i32
  }
  func.func @transform_1(%arg0: i32) -> (i32, i32, i32) {
    %c0_i32 = arith.constant 0 : i32
    %c0_i32_0 = arith.constant 0 : i32
    %c0_i32_1 = arith.constant 0 : i32
    return %c0_i32, %arg0, %c0_i32_0 : i32, i32, i32
  }
  func.func @transform_2(%arg0: i32) -> (i32, i32) {
    %c0_i32 = arith.constant 0 : i32
    %c0_i32_0 = arith.constant 0 : i32
    return %arg0, %c0_i32 : i32, i32
  }
  func.func @transform_3(%arg0: i32) -> (i32, i32) {
    %c0_i32 = arith.constant 0 : i32
    %c0_i32_0 = arith.constant 0 : i32
    %c0_i32_1 = arith.constant 0 : i32
    return %c0_i32, %c0_i32_0 : i32, i32
  }
  func.func @transform_4(%arg0: i32) -> (i32, i32) {
    %c0_i32 = arith.constant 0 : i32
    %c0_i32_0 = arith.constant 0 : i32
    %c0_i32_1 = arith.constant 0 : i32
    return %c0_i32, %c0_i32_0 : i32, i32
  }
  func.func @transform_5(%arg0: i32) -> (i32, i32) {
    %c0_i32 = arith.constant 0 : i32
    %c0_i32_0 = arith.constant 0 : i32
    return %arg0, %c0_i32 : i32, i32
  }
}

module attributes {stable_mosaic.version = 14 : i64} {
  func.func @_k3_body(%arg0: i32, %arg1: memref<128x128xf32, #tpu.memory_space<vmem>>, %arg2: memref<2x128x128xf32, #tpu.memory_space<vmem>>, %arg3: memref<128x1xf32, #tpu.memory_space<vmem>>, %arg4: memref<1x128xf32, #tpu.memory_space<vmem>>, %arg5: memref<1x128xf32, #tpu.memory_space<vmem>>) attributes {dimension_semantics = [#tpu.dimension_semantics<arbitrary>], iteration_bounds = array<i64: 80>, scalar_prefetch = 0 : i64, scratch_operands = 0 : i64, tpu.core_type = #tpu.core_type<tc>, window_params = [{transform_indices = @transform_0, window_bounds = array<i64: 128, 128>}, {transform_indices = @transform_1, window_bounds = array<i64: 2, 128, 128>}, {transform_indices = @transform_2, window_bounds = array<i64: 128, 1>}, {pipeline_mode = #tpu.pipeline_mode<synchronous>, transform_indices = @transform_3, window_bounds = array<i64: 1, 128>}, {pipeline_mode = #tpu.pipeline_mode<synchronous>, transform_indices = @transform_4, window_bounds = array<i64: 1, 128>}]} {
    %get3A = arith.constant 0 : index
    %get3A_0 = arith.constant 0 : index
    %get3A_1 = arith.constant 0 : index
    %get3A_2 = vector.load %arg2[%get3A, %get3A_0, %get3A_1] : memref<2x128x128xf32, #tpu.memory_space<vmem>>, vector<1x128x128xf32>
    %get3A_3 = vector.shape_cast %get3A_2 : vector<1x128x128xf32> to vector<128x128xf32>
    %get3A_4 = arith.constant 1 : index
    %get3A_5 = arith.constant 0 : index
    %get3A_6 = arith.constant 0 : index
    %get3A_7 = vector.load %arg2[%get3A_4, %get3A_5, %get3A_6] : memref<2x128x128xf32, #tpu.memory_space<vmem>>, vector<1x128x128xf32>
    %get3A_8 = vector.shape_cast %get3A_7 : vector<1x128x128xf32> to vector<128x128xf32>
    %add3A = arith.addf %get3A_3, %get3A_8 : vector<128x128xf32>
    %get3A_9 = arith.constant 0 : index
    %get3A_10 = arith.constant 0 : index
    %get3A_11 = vector.load %arg3[%get3A_9, %get3A_10] : memref<128x1xf32, #tpu.memory_space<vmem>>, vector<128x1xf32>
    %get3A_12 = arith.constant 0 : index
    %get3A_13 = arith.constant 0 : index
    %get3A_14 = vector.load %arg1[%get3A_12, %get3A_13] : memref<128x128xf32, #tpu.memory_space<vmem>>, vector<128x128xf32>
    %add3A_15 = arith.addf %get3A_14, %add3A : vector<128x128xf32>
    %mul3A = vector.broadcast %get3A_11 : vector<128x1xf32> to vector<128x128xf32>
    %mul3A_16 = arith.mulf %mul3A, %add3A_15 : vector<128x128xf32>
    %get3A_17 = arith.constant 0 : index
    %get3A_18 = arith.constant 0 : index
    %get3A_19 = vector.load %arg4[%get3A_17, %get3A_18] : memref<1x128xf32, #tpu.memory_space<vmem>>, vector<1x128xf32>
    %add3A_20 = vector.broadcast %get3A_19 : vector<1x128xf32> to vector<128x128xf32>
    %add3A_21 = arith.addf %mul3A_16, %add3A_20 : vector<128x128xf32>
    %max3A = arith.constant 0.000000e+00 : f32
    %max3A_22 = vector.broadcast %max3A : f32 to vector<128x128xf32>
    %max3A_23 = arith.maximumf %add3A_21, %max3A_22 : vector<128x128xf32>
    %mul3A_24 = arith.constant 128 : i32
    %mul3A_25 = arith.muli %arg0, %mul3A_24 : i32
    %iota3A = tpu.iota {dimensions = array<i32: 0>} : vector<128x1xi32>
    %add3A_26 = vector.broadcast %mul3A_25 : i32 to vector<128x1xi32>
    %add3A_27 = arith.addi %add3A_26, %iota3A : vector<128x1xi32>
    %lt3A = arith.constant 10000 : i32
    %lt3A_28 = vector.broadcast %lt3A : i32 to vector<128x1xi32>
    %lt3A_29 = arith.cmpi slt, %add3A_27, %lt3A_28 : vector<128x1xi32>
    %jit3A = arith.constant 0.000000e+00 : f32
    %broadcast_in_dim3A = vector.shape_cast %lt3A_29 : vector<128x1xi1> to vector<128x1xi1>
    %broadcast_in_dim3A_30 = vector.broadcast %broadcast_in_dim3A : vector<128x1xi1> to vector<128x128xi1>
    %broadcast_in_dim3A_31 = vector.broadcast %jit3A : f32 to vector<128x128xf32>
    %select_n3A = arith.select %broadcast_in_dim3A_30, %max3A_23, %broadcast_in_dim3A_31 : vector<128x128xi1>, vector<128x128xf32>
    %reduce_sum3A = arith.constant dense<0.000000e+00> : vector<128xf32>
    %reduce_sum3A_32 = vector.multi_reduction <add>, %select_n3A, %reduce_sum3A [0] : vector<128x128xf32> to vector<128xf32>
    %broadcast_in_dim3A_33 = vector.shape_cast %reduce_sum3A_32 : vector<128xf32> to vector<1x128xf32>
    %eq3A = arith.constant 0 : i32
    %eq3A_34 = arith.cmpi eq, %arg0, %eq3A : i32
    %convert_element_type3A = arith.extui %eq3A_34 : i1 to i32
    %cond3A = arith.constant 0 : i32
    %cond3A_35 = arith.cmpi ne, %convert_element_type3A, %cond3A : i32
    scf.if %cond3A_35 {
      %swap3A = arith.constant 0 : index
      %swap3A_40 = arith.constant 0 : index
      %swap3A_41 = vector.load %arg5[%swap3A, %swap3A_40] : memref<1x128xf32, #tpu.memory_space<vmem>>, vector<1x128xf32>
      tpu.vector_store %arg5[%swap3A, %swap3A_40], %broadcast_in_dim3A_33 {strides = array<i32>} : memref<1x128xf32, #tpu.memory_space<vmem>>, vector<1x128xf32>,
    } else {
    }
    %gt3A = arith.constant 0 : i32
    %gt3A_36 = arith.cmpi sgt, %arg0, %gt3A : i32
    %convert_element_type3A_37 = arith.extui %gt3A_36 : i1 to i32
    %cond3A_38 = arith.constant 0 : i32
    %cond3A_39 = arith.cmpi ne, %convert_element_type3A_37, %cond3A_38 : i32
    scf.if %cond3A_39 {
      %get3A_40 = arith.constant 0 : index
      %get3A_41 = arith.constant 0 : index
      %get3A_42 = vector.load %arg5[%get3A_40, %get3A_41] : memref<1x128xf32, #tpu.memory_space<vmem>>, vector<1x128xf32>
      %add3A_43 = arith.addf %get3A_42, %broadcast_in_dim3A_33 : vector<1x128xf32>
      %swap3A = arith.constant 0 : index
      %swap3A_44 = arith.constant 0 : index
      %swap3A_45 = vector.load %arg5[%swap3A, %swap3A_44] : memref<1x128xf32, #tpu.memory_space<vmem>>, vector<1x128xf32>
      tpu.vector_store %arg5[%swap3A, %swap3A_44], %add3A_43 {strides = array<i32>} : memref<1x128xf32, #tpu.memory_space<vmem>>, vector<1x128xf32>,
    } else {
    }
    return
  }
  func.func @transform_0(%arg0: i32) -> (i32, i32) {
    %c0_i32 = arith.constant 0 : i32
    %c0_i32_0 = arith.constant 0 : i32
    return %arg0, %c0_i32 : i32, i32
  }
  func.func @transform_1(%arg0: i32) -> (i32, i32, i32) {
    %c0_i32 = arith.constant 0 : i32
    %c0_i32_0 = arith.constant 0 : i32
    %c0_i32_1 = arith.constant 0 : i32
    return %c0_i32, %arg0, %c0_i32_0 : i32, i32, i32
  }
  func.func @transform_2(%arg0: i32) -> (i32, i32) {
    %c0_i32 = arith.constant 0 : i32
    %c0_i32_0 = arith.constant 0 : i32
    return %arg0, %c0_i32 : i32, i32
  }
  func.func @transform_3(%arg0: i32) -> (i32, i32) {
    %c0_i32 = arith.constant 0 : i32
    %c0_i32_0 = arith.constant 0 : i32
    %c0_i32_1 = arith.constant 0 : i32
    return %c0_i32, %c0_i32_0 : i32, i32
  }
  func.func @transform_4(%arg0: i32) -> (i32, i32) {
    %c0_i32 = arith.constant 0 : i32
    %c0_i32_0 = arith.constant 0 : i32
    %c0_i32_1 = arith.constant 0 : i32
    return %c0_i32, %c0_i32_0 : i32, i32
  }
}

module attributes {stable_mosaic.version = 14 : i64} {
  func.func @_k4_body(%arg0: memref<1x128xf32, #tpu.memory_space<vmem>>, %arg1: memref<1x128xf32, #tpu.memory_space<vmem>>, %arg2: memref<2x128x128xf32, #tpu.memory_space<vmem>>, %arg3: memref<1x128xf32, #tpu.memory_space<vmem>>, %arg4: memref<128x1xf32, #tpu.memory_space<vmem>>, %arg5: memref<1x1xf32, #tpu.memory_space<vmem>>, %arg6: memref<1x1xf32, #tpu.memory_space<vmem>>) attributes {dimension_semantics = [], scalar_prefetch = 0 : i64, scratch_operands = 0 : i64, tpu.core_type = #tpu.core_type<tc>} {
    %get3A = arith.constant 0 : index
    %get3A_0 = arith.constant 0 : index
    %get3A_1 = vector.load %arg0[%get3A, %get3A_0] : memref<1x128xf32, #tpu.memory_space<vmem>>, vector<1x128xf32>
    %mul3A = arith.constant 9.99999974E-5 : f32
    %mul3A_2 = vector.broadcast %mul3A : f32 to vector<1x128xf32>
    %mul3A_3 = arith.mulf %get3A_1, %mul3A_2 : vector<1x128xf32>
    %get3A_4 = arith.constant 0 : index
    %get3A_5 = arith.constant 0 : index
    %get3A_6 = arith.constant 0 : index
    %get3A_7 = vector.load %arg2[%get3A_4, %get3A_5, %get3A_6] : memref<2x128x128xf32, #tpu.memory_space<vmem>>, vector<1x128x128xf32>
    %get3A_8 = vector.shape_cast %get3A_7 : vector<1x128x128xf32> to vector<128x128xf32>
    %dot_general3A = arith.constant dense<0.000000e+00> : vector<1x128xf32>
    %dot_general3A_9 = tpu.matmul %mul3A_3, %get3A_8, %dot_general3A {dimension_numbers = #tpu.dot_dimension_numbers<[1], [0], [0], [1], [0, 0, 1, 1], [], []>, transpose_lhs_hint = false} : vector<1x128xf32>, vector<128x128xf32>, vector<1x128xf32> -> vector<1x128xf32>
    %get3A_10 = arith.constant 0 : index
    %get3A_11 = arith.constant 0 : index
    %get3A_12 = vector.load %arg1[%get3A_10, %get3A_11] : memref<1x128xf32, #tpu.memory_space<vmem>>, vector<1x128xf32>
    %mul3A_13 = arith.constant 9.99999974E-5 : f32
    %mul3A_14 = vector.broadcast %mul3A_13 : f32 to vector<1x128xf32>
    %mul3A_15 = arith.mulf %get3A_12, %mul3A_14 : vector<1x128xf32>
    %get3A_16 = arith.constant 1 : index
    %get3A_17 = arith.constant 0 : index
    %get3A_18 = arith.constant 0 : index
    %get3A_19 = vector.load %arg2[%get3A_16, %get3A_17, %get3A_18] : memref<2x128x128xf32, #tpu.memory_space<vmem>>, vector<1x128x128xf32>
    %get3A_20 = vector.shape_cast %get3A_19 : vector<1x128x128xf32> to vector<128x128xf32>
    %dot_general3A_21 = arith.constant dense<0.000000e+00> : vector<1x128xf32>
    %dot_general3A_22 = tpu.matmul %mul3A_15, %get3A_20, %dot_general3A_21 {dimension_numbers = #tpu.dot_dimension_numbers<[1], [0], [0], [1], [0, 0, 1, 1], [], []>, transpose_lhs_hint = false} : vector<1x128xf32>, vector<128x128xf32>, vector<1x128xf32> -> vector<1x128xf32>
    %add3A = arith.addf %dot_general3A_9, %dot_general3A_22 : vector<1x128xf32>
    %get3A_23 = arith.constant 0 : index
    %get3A_24 = arith.constant 0 : index
    %get3A_25 = vector.load %arg3[%get3A_23, %get3A_24] : memref<1x128xf32, #tpu.memory_space<vmem>>, vector<1x128xf32>
    %add3A_26 = arith.addf %add3A, %get3A_25 : vector<1x128xf32>
    %max3A = arith.constant 0.000000e+00 : f32
    %max3A_27 = vector.broadcast %max3A : f32 to vector<1x128xf32>
    %max3A_28 = arith.maximumf %add3A_26, %max3A_27 : vector<1x128xf32>
    %get3A_29 = arith.constant 0 : index
    %get3A_30 = arith.constant 0 : index
    %get3A_31 = vector.load %arg4[%get3A_29, %get3A_30] : memref<128x1xf32, #tpu.memory_space<vmem>>, vector<128x1xf32>
    %dot_general3A_32 = arith.constant dense<0.000000e+00> : vector<1x1xf32>
    %dot_general3A_33 = tpu.matmul %max3A_28, %get3A_31, %dot_general3A_32 {dimension_numbers = #tpu.dot_dimension_numbers<[1], [0], [0], [1], [0, 0, 1, 1], [], []>, transpose_lhs_hint = false} : vector<1x128xf32>, vector<128x1xf32>, vector<1x1xf32> -> vector<1x1xf32>
    %get3A_34 = arith.constant 0 : index
    %get3A_35 = arith.constant 0 : index
    %get3A_36 = vector.load %arg5[%get3A_34, %get3A_35] : memref<1x1xf32, #tpu.memory_space<vmem>>, vector<1x1xf32>
    %add3A_37 = arith.addf %dot_general3A_33, %get3A_36 : vector<1x1xf32>
    %swap3A = arith.constant 0 : index
    %swap3A_38 = arith.constant 0 : index
    %swap3A_39 = vector.load %arg6[%swap3A, %swap3A_38] : memref<1x1xf32, #tpu.memory_space<vmem>>, vector<1x1xf32>
    tpu.vector_store %arg6[%swap3A, %swap3A_38], %add3A_37 {strides = array<i32>} : memref<1x1xf32, #tpu.memory_space<vmem>>, vector<1x1xf32>,
    return
  }
}

</mosaic_0001>

<sc_bundles>
// kernel: kernel.17.cloned.1.call-start
scs
__scs_entry_jumppad:
0x0: {  	(pc) =	sbr.rel $0x88, $3  }
0x1: {  	(tag) =	ssettag $0x0;
	lr =	simm.s32 $0x1  }
0x2: {  	[smem:$0x3F91] =	sst lr;
	_ =	strace $0xD0000000  }
0x3: {  	_ = 	snop  }
0x4: {  	_ = 	snop  }
0x5: {  	_ = 	snop  }
0x6: {  	_ = 	snop  }
0x7: {  	_ = 	snop  }
__scs_overlays_trampoline_lowered:
0x8: {  	[smem:$0x3FA0] =	sst s0  }
0x9: {  	[smem:$0x3FA1] =	sst s1  }
0xa: {  	[smem:$0x3FA2] =	sst s2  }
0xb: {  	[smem:$0x3FA3] =	sst s3  }
0xc: {  	[smem:$0x3FA4] =	sst s4  }
0xd: {  	[smem:$0x3FA5] =	sst s5  }
0xe: {  	[smem:$0x3FA6] =	sst s6  }
0xf: {  	[smem:$0x3FA7] =	sst s7  }
0x10: {  	[smem:$0x3FA8] =	sst s8  }
0x11: {  	[smem:$0x3FA9] =	sst s9;
	s0 =	simm.s32 @!p0 $0x0  }
0x12: {  	s1 =	sld [smem:$0x3F8F];
	s0 =	simm.s32 @p0 $0x1  }
0x13: {  	[smem:$0x3FAA] =	sst s0;
	s0 =	simm.s32 @!p1 $0x0  }
0x14: {  	s2 =	sld [smem:$0x3F8E];
	s0 =	simm.s32 @p1 $0x1  }
0x15: {  	[smem:$0x3FAB] =	sst s0;
	s0 =	simm.s32 @!p2 $0x0  }
0x16: {  	s3 =	sld [smem:$0x3FDB];
	s0 =	simm.s32 @p2 $0x1  }
0x17: {  	s4 =	simm.s32 $0x1BF5;
	[smem:$0x3FAD] =	sst s0  }
0x18: {  	s0 =	sld [smem:$0x3F90];
	_ =	swait.ge [sflag:s4], $0x0  }
0x19: {  	s7 =	sld [smem:$0x3F91]  }
0x1a: {  	s8 =	sadd.s32 $0xFFFFE003, lr  }
0x1b: {  	s9 =	sadd.s32 $0xFFFFFEF7, lr;
	s5 =	simm.s32 $0xFFFFFFFF;
	p2 =	slt.u32 s8, $0xFFFFF086  }
0x1c: {  	p1 =	slt.u32 s9, $0xF7A;
	s5 =	simm.s32 @!p2 $0x0  }
0x1d: {  	s5 =	simm.s32 @p1 $0x1;
	p0 =	seq.s32 s7, s2  }
0x1e: {  	s7 =	smul.u32 @!p0 $0xF7A, s2;
	p2 =	seq.s32 @!p0 s5, $0x0  }
0x1f: {  	s9 =	smul.u32 $0xF7A, s1;
	s8 =	simm.s32 @!p0 $0x1BF5;
	p2 =	por !p2, p0  }
0x20: {  	[sflag:s8] =	ssyncset.s32 @!p0 $0xFFFFF086;
	s6 =	sadd.s32 @!p0 s3, s7;
	s7 =	simm.s32 @!p0 $0x108  }
0x21: {  	s3 =	sadd.s32 s3, s9;
	s6 =	sadd.s32 @!p0 $0x88, s6;
	s7 =	simm.s32 @p2 $0x1082  }
0x22: {  	[simem:s7], [sflag:s8] =	dma.local @!p0 [hbm:s6], $0xF7A  }
0x23: {  	s9 =	sor.u32 $0xD0000000, s2;
	s6 =	simm.s32 $0x108;
	_ =	swait.ge @!p0 [sflag:s8], $0x0  }
0x24: {  	s3 =	sadd.s32 $0x88, s3;
	s6 =	simm.s32 @!p1 $0x1082;
	[sflag:s4] =	ssyncset.s32 $0xFFFFF086  }
0x25: {  	[simem:s6], [sflag:s4] =	dma.local [hbm:s3], $0xF7A  }
0x26: {  	[smem:$0x3F91] =	sst s1;
	(tag) =	ssettag s2;
	_ =	strace s9  }
0x27: {  	s1 =	sld [smem:$0x3FA1]  }
0x28: {  	s2 =	sld [smem:$0x3FA2]  }
0x29: {  	s4 =	sld [smem:$0x3FA4]  }
0x2a: {  	p0 =	seq.s32 s5, $0x0;
	s5 =	sld [smem:$0x3FA5]  }
0x2b: {  	s6 =	sld [smem:$0x3FA6]  }
0x2c: {  	s7 =	sld [smem:$0x3FA7]  }
0x2d: {  	s3 =	simm.s32 $0x108;
	s8 =	sld [smem:$0x3FA8]  }
0x2e: {  	s3 =	simm.s32 @!p0 $0x1082;
	s9 =	sld [smem:$0x3FA9]  }
0x2f: {  	lr =	sadd.s32 s0, s3;
	s0 =	sld [smem:$0x3FA0]  }
0x30: {  	s3 =	sld [smem:$0x3FA3]  }
0x31: {  	[smem:$0x3FAC] =	sst s10  }
0x32: {  	s10 =	sld [smem:$0x3FAA];
	_ =	sdelay $0x3  }
0x33: {  	p0 =	seq.s32 s10, $0x1;
	s10 =	sld [smem:$0x3FAC];
	_ =	sdelay $0x3  }
0x34: {  	[smem:$0x3FAC] =	sst s10  }
0x35: {  	s10 =	sld [smem:$0x3FAB];
	_ =	sdelay $0x3  }
0x36: {  	p1 =	seq.s32 s10, $0x1;
	s10 =	sld [smem:$0x3FAC];
	_ =	sdelay $0x3  }
0x37: {  	[smem:$0x3FAC] =	sst s10  }
0x38: {  	s10 =	sld [smem:$0x3FAD]  }
0x39: {  	_ = 	snop;
	(pc) =	sbr.ind lr, $3  }
0x3a: {  	_ = 	snop  }
0x3b: {  	_ = 	snop  }
0x3c: {  	p2 =	seq.s32 s10, $0x1;
	s10 =	sld [smem:$0x3FAC]  }
0x3d: {  	_ =	shalt  }
0x3e: {  	_ =	shalt  }
0x3f: {  	_ =	shalt  }
0x40: {  	_ =	shalt  }
0x41: {  	_ =	shalt  }
0x42: {  	_ =	shalt  }
0x43: {  	_ =	shalt  }
0x44: {  	_ =	shalt  }
0x45: {  	_ =	shalt  }
0x46: {  	_ =	shalt  }
0x47: {  	_ =	shalt  }
0x48: {  	_ =	shalt  }
0x49: {  	_ =	shalt  }
0x4a: {  	_ =	shalt  }
0x4b: {  	_ =	shalt  }
0x4c: {  	_ =	shalt  }
0x4d: {  	_ =	shalt  }
0x4e: {  	_ =	shalt  }
0x4f: {  	_ =	shalt  }
0x50: {  	_ =	shalt  }
0x51: {  	_ =	shalt  }
0x52: {  	_ =	shalt  }
0x53: {  	_ =	shalt  }
0x54: {  	_ =	shalt  }
0x55: {  	_ =	shalt  }
0x56: {  	_ =	shalt  }
0x57: {  	_ =	shalt  }
0x58: {  	_ =	shalt  }
0x59: {  	_ =	shalt  }
0x5a: {  	_ =	shalt  }
0x5b: {  	_ =	shalt  }
0x5c: {  	_ =	shalt  }
0x5d: {  	_ =	shalt  }
0x5e: {  	_ =	shalt  }
0x5f: {  	_ =	shalt  }
0x60: {  	_ =	shalt  }
0x61: {  	_ =	shalt  }
0x62: {  	_ =	shalt  }
0x63: {  	_ =	shalt  }
0x64: {  	_ =	shalt  }
0x65: {  	_ =	shalt  }
0x66: {  	_ =	shalt  }
0x67: {  	_ =	shalt  }
0x68: {  	_ =	shalt  }
0x69: {  	_ =	shalt  }
0x6a: {  	_ =	shalt  }
0x6b: {  	_ =	shalt  }
0x6c: {  	_ =	shalt  }
0x6d: {  	_ =	shalt  }
0x6e: {  	_ =	shalt  }
0x6f: {  	_ =	shalt  }
0x70: {  	_ =	shalt  }
0x71: {  	_ =	shalt  }
0x72: {  	_ =	shalt  }
0x73: {  	_ =	shalt  }
0x74: {  	_ =	shalt  }
0x75: {  	_ =	shalt  }
0x76: {  	_ =	shalt  }
0x77: {  	_ =	shalt  }
0x78: {  	_ =	shalt  }
0x79: {  	_ =	shalt  }
0x7a: {  	_ =	shalt  }
0x7b: {  	_ =	shalt  }
0x7c: {  	_ =	shalt  }
0x7d: {  	_ =	shalt  }
0x7e: {  	_ =	shalt  }
0x7f: {  	_ =	shalt  }
0x80: {  	_ =	shalt  }
0x81: {  	_ =	shalt  }
0x82: {  	_ =	shalt  }
0x83: {  	_ =	shalt  }
0x84: {  	_ =	shalt  }
0x85: {  	_ =	shalt  }
0x86: {  	_ =	shalt  }
0x87: {  	_ =	shalt  }
.Lfunc_end0:
.L_simem_size_0:
called_computation_lowered:
.L_overlay_start_0:
0x88: {  	s2 =	sld [smem:$0x3FD9]  }
0x89: {  	s3 =	sld [smem:$0x3FFE];
	_ =	sdelay $0x1  }
0x8a: {  	s1 =	srdreg.scid  }
0x8b: {  	s0 =	sand.u32 $0x1, s1  }
0x8c: {  	s17 =	sshll.u32 s0, $0xA;
	s2 =	sadd.s32 s3, s2  }
0x8d: {  	s2 =	sadd.s32 s2, s17  }
0x8e: {  	[smem:$0x3FB8] =	sst s2  }
0x8f: {  	_ = 	snop  }
0x90: {  	(tm) =	ssettm $0x1  }
0x91: {  	s18 =	sld [smem:$0x3FFB];
	_ =	sdelay $0x3  }
0x92: {  	_ =	strace s18  }
0x93: {  	s2 =	sld [smem:$0x3FFC];
	_ =	sdelay $0x3  }
0x94: {  	_ =	strace s2  }
0x95: {  	s2 =	sld [smem:$0x3FFD];
	_ =	sdelay $0x3  }
0x96: {  	_ =	strace s2  }
0x97: {  	_ =	strace $0x8FFFFFFF  }
0x98: {  	s19 =	sld [smem:$0x3FDB];
	_ =	sdelay $0x1  }
0x99: {  	s20 =	simm.s32 $_scs_section_size  }
0x9a: {  	s4 =	simm.s32 $_size__tile_overlayer_lowered;
	s5 =	simm.s32 $_tile_overlayer_lowered  }
0x9b: {  	s6 =	simm.s32 $0x1BFF;
	s21 =	sshll.u32 s5, $0x1;
	s3 =	sadd.s32 s20, s19  }
0x9c: {  	s22 =	simm.s32 $0x0;
	s4 =	sshll.u32 s4, $0x1;
	s5 =	sadd.s32 s21, s3  }
0x9d: {  	[timem:s22], [sflag:s6] =	dma.local [hbm:s5], s4  }
0x9e: {  	_ =	swait.ge [sflag:s6], s4  }
0x9f: {  	s4 =	ssub.s32 $0x0, s4;
	[sflag:s6] =	ssyncset.done $0x0  }
0xa0: {  	[sflag:s6] =	ssyncadd.s32 s4;
	_ =	sdelay $0x1  }
0xa1: {  	s23 =	simm.s32 $0x1B8B  }
0xa2: {  	_ =	swait.ge [sflag:s23], $0x1  }
0xa3: {  	[sflag:s23] =	ssyncset.done $0x0  }
0xa4: {  	[sflag:s23] =	ssyncadd.s32 $0xFFFFFFFF  }
0xa5: {  	s4 =	sld [smem:$0x0]  }
0xa6: {  	s5 =	sand.u32 $0xFFFFFFFE, s1  }
0xa7: {  	p0 =	sne.s32 s1, s5  }
0xa8: {  	s5 =	sshll.u32 @p0 s5, $0xE  }
0xa9: {  	s5 =	sadd.s32 @p0 $0x11B8D, s5;
	s6 =	sshll.u32 @p0 s4, $0x11  }
0xaa: {  	s5 =	sor.u32 @p0 s6, s5  }
0xab: {  	[sflag:s5] =	ssyncadd.remote.s32 @p0 $0x1;
	_ =	sdelay $0x1  }
0xac: {  	s5 =	simm.s32 @p0 $0x1B8D  }
0xad: {  	_ =	swait.eq @p0 [sflag:s5], $0x1  }
0xae: {  	[sflag:s5] =	ssyncadd.s32 @p0 $0xFFFFFFFF  }
0xaf: {  	s6 =	sshll.u32 @!p0 s1, $0xE  }
0xb0: {  	s6 =	sor.u32 @!p0 $0x4000, s6;
	s5 =	simm.s32 @!p0 $0x1B8D  }
0xb1: {  	s4 =	sshll.u32 @!p0 s4, $0x11;
	s6 =	sadd.s32 @!p0 $0x11B8D, s6;
	_ =	swait.eq @!p0 [sflag:s5], $0x1  }
0xb2: {  	s4 =	sor.u32 @!p0 s4, s6;
	[sflag:s5] =	ssyncadd.s32 @!p0 $0xFFFFFFFF  }
0xb3: {  	s25 =	simm.s32 $0x1B8E;
	s24 =	sld [smem:$0x3FFE];
	[sflag:s4] =	ssyncadd.remote.s32 @!p0 $0x1  }
0xb4: {  	s26 =	simm.s32 $execute0_lowered;
	[smem:$0x3FD2] =	sst s25  }
0xb5: {  	s5 =	sshll.u32 s26, $0x1;
	_ =	strace $0x80000049;
	[dreg:$0x1] =	wrdreg $0xFFFFFFFF  }
0xb6: {  	s28 =	simm.s32 $_size_execute0_lowered;
	s3 =	sadd.s32 s3, s5;
	[dreg:$0x0] =	wrdreg $0x0  }
0xb7: {  	s5 =	sshll.u32 s28, $0x1;
	[dreg:$0x2] =	wrdreg s3  }
0xb8: {  	[dreg:$0x3] =	wrdreg s5  }
0xb9: {  	[dreg:$0x4] =	wrdreg $0xC0  }
0xba: {  	_ =	task [dreg:s22], $0x5FFFF  }
0xbb: {  	[dreg:$0x1] =	wrdreg $0xFFFFFFFF  }
0xbc: {  	[dreg:$0x0] =	wrdreg $0x60  }
0xbd: {  	[dreg:$0x2] =	wrdreg s24  }
0xbe: {  	[dreg:$0x3] =	wrdreg $0x94800  }
0xbf: {  	[dreg:$0x4] =	wrdreg $0x9  }
0xc0: {  	_ =	task.clear_ibuf [dreg:s22], $0x5FFFF;
	_ =	strace $0x90000049  }
0xc1: {  	s29 =	simm.s32 $0x9;
	_ =	strace $0x8000004B  }
0xc2: {  	_ =	swait.ge [sflag:s29], $0x1  }
0xc3: {  	[sflag:s29] =	ssyncadd.s32 $0xFFFFFFFF  }
0xc4: {  	_ =	strace $0x9000004B  }
0xc5: {  	_ =	sfence  }
0xc6: {  	s30 =	sld [smem:$0x0];
	_ =	sdelay $0x2  }
0xc7: {  	s31 =	sshll.u32 s1, $0xD;
	s1 =	sshrl.u32 s1, $0x2  }
0xc8: {  	s4 =	sand.u32 $0x4000, s31;
	s1 =	sadd.s32 s1, s30  }
0xc9: {  	s0 =	sor.u32 s4, s0;
	s1 =	sshll.u32 s1, $0x11  }
0xca: {  	s0 =	sor.u32 s1, s0  }
0xcb: {  	s0 =	sadd.s32 $0x8F2B, s0  }
0xcc: {  	[sflag:s0] =	ssyncadd.remote.s32 $0x1  }
0xcd: {  	_ =	sfence.sel $0xFFFF  }
0xce: {  	[dreg:$0x0] =	wrdreg $0xFFFFFFFF;
	(pc) =	sbr.abs _section_cstart, $3  }
0xcf: {  	[dreg:$0x1] =	wrdreg $0xFFFFFFFF  }
0xd0: {  	_ =	task.clear_ibuf [dreg:s22], $0x2FFFF;
	_ =	strace $0x9FFFFFFF  }
0xd1: {  	(tm) =	ssettm $0x7FFFFFFF  }
tec
execute0_lowered:
.L_overlay_start_1:
0x0: {  	(tag) =	ssettag $0x1  }
0x1: {  	s0 =	rddreg [dreg:$0x0]  }
0x2: {  	s1 =	rddreg [dreg:$0x1]  }
0x3: {  	s2 =	simm.s32 $0x0;
	s3 =	srdreg.scid;
	s17 =	stileid.u32  }
0x4: {  	s28 =	simm.s32 $0x1480;
	s29 =	simm.s32 $0x5;
	s30 =	simm.s32 $0x1380  }
0x5: {  	s31 =	simm.s32 $0x80;
	[smem:$0x7FF] =	sst s2;
	s4 =	sadd.s32 $0x10A00, s0  }
0x6: {  	s5 =	sadd.s32 $0x88A00, s0;
	s6 =	sadd.s32 $0x92800, s0;
	s9 =	smul.u32 $0x50000, s17  }
0x7: {  	s3 =	sand.u32 $0x1, s3;
	s7 =	sshll.u32 s17, $0x1;
	s22 =	smul.u32 $0x14000, s17  }
0x8: {  	s10 =	sadd.s32 $0x9C600, s0;
	s17 =	smul.u32 $0x9E, s17;
	s20 =	sadd.s32 $0x92A60, s0  }
0x9: {  	_ =	strace $0x8000004A;
	s8 =	ssub.s32 $0x2, s3;
	s12 =	smul.u32 $0x140000, s3  }
0xa: {  	s7 =	sor.u32 s3, s7;
	s3 =	smul.u32 $0x4F, s3;
	s11 =	sshrl.u32 s8, $0x1  }
0xb: {  	s7 =	smul.u32 $0x4F, s7;
	s21 =	sshrl.u32 s9, $0x2;
	s25 =	sadd.s32 $0x4000, s22  }
0xc: {  	s15 =	sadd.s32 $0x8000, s22;
	s18 =	sadd.s32 $0xC000, s22;
	s11 =	ssub.s32 s8, s11  }
0xd: {  	s9 =	sadd.s32 $0x10000, s22;
	s8 =	sadd.s32 s21, s1;
	s11 =	smax.u32 s11, $0x1  }
0xe: {  	s26 =	sadd.s32 s12, s22;
	s23 =	sadd.s32 $0x4000, s8;
	[dreg:$0x3] =	wrdreg s11  }
0xf: {  	s14 =	sadd.s32 s12, s25;
	s24 =	sadd.s32 $0x8000, s8;
	[dreg:$0x4] =	wrdreg s23  }
0x10: {  	s16 =	sadd.s32 s12, s15;
	s13 =	sadd.s32 $0xC000, s8;
	[dreg:$0x5] =	wrdreg s24  }
0x11: {  	s14 =	sshrl.u32 s14, $0x3;
	s22 =	sadd.s32 $0x10000, s8;
	[dreg:$0x6] =	wrdreg s13  }
0x12: {  	s19 =	sadd.s32 s3, s17;
	s14 =	sadd.s32 s10, s14;
	[dreg:$0xc] =	wrdreg s22  }
0x13: {  	s3 =	simm.s32 $0x1400;
	s23 =	sadd.s32 s25, s1;
	[dreg:$0x8] =	wrdreg s14  }
0x14: {  	s13 =	sshrl.u32 s26, $0x3;
	s24 =	sadd.s32 s15, s1;
	[dreg:$0xd] =	wrdreg s23  }
0x15: {  	s25 =	sadd.s32 s18, s1;
	s26 =	sadd.s32 s9, s1;
	[dreg:$0xe] =	wrdreg s24  }
0x16: {  	s11 =	simm.s32 $0x2;
	s13 =	sadd.s32 s10, s13;
	[dreg:$0xf] =	wrdreg s25  }
0x17: {  	[dreg:$0x10] =	wrdreg s26;
	s25 =	sadd.s32 $0x92820, s0;
	s26 =	sadd.s32 $0x1, s19  }
0x18: {  	s0 =	simm.s32 $0x5480;
	s14 =	simm.s32 $0x0;
	[dreg:$0x7] =	wrdreg s13  }
0x19: {  	s13 =	sshrl.u32 s16, $0x3;
	s16 =	sadd.s32 s12, s18;
	s12 =	sadd.s32 s12, s9  }
0x1a: {  	s9 =	simm.s32 $0x1;
	s16 =	sshrl.u32 s16, $0x3;
	s13 =	sadd.s32 s10, s13  }
0x1b: {  	s12 =	sshrl.u32 s12, $0x3;
	[dreg:$0x9] =	wrdreg s13;
	s21 =	sadd.s32 s10, s16  }
0x1c: {  	s10 =	sadd.s32 s10, s12;
	s12 =	simm.s32 $0x4;
	[dreg:$0xa] =	wrdreg s21  }
0x1d: {  	v0 =	vimm.f32 $0.0e+00;
	s13 =	simm.s32 $0x1300;
	[dreg:$0xb] =	wrdreg s10;
	s10 =	simm.s32 $0x3  }
.LBB2_1:
0x1e: {  	s15 =	sand.u32 $0xFE00, s2  }
0x1f: {  	s16 =	sand.u32 $0x70, s2;
	s17 =	sshrl.u32 s15, $0x2  }
0x20: {  	s15 =	simm.s32 $0x40;
	s17 =	sor.u32 s16, s17;
	s16 =	simm.s32 $0x0  }
.LBB2_2:
0x21: {  	p0 =	sne.s32 s15, $0xFFC0  }
0x22: {  	[tilespmem:s17+$0x1480] =	vst v0;
	s16 =	sadd.s32 $0x10, s16;
	s17 =	smov.u32 s15;
	s15 =	sadd.s32 $0x40, s15  }
.Ltmp0:
0x23: {  	(pc) =	sbr.rel @p0 .LBB2_2-.Ltmp0, $4  }
0x24: {  	_ = 	snop  }
0x25: {  	s17 =	sand.u32 $0xFE00, s17  }
0x26: {  	s18 =	sand.u32 $0x70, s16;
	s17 =	sshrl.u32 s17, $0x2  }
0x27: {  	s17 =	sor.u32 s18, s17  }
0x28: {  	[tilespmem:s17+$0x1480] =	vst v0  }
0x29: {  	[spmem:s8] =	stream.linear.scatter [tilespmem:s28], [sflag:$0x5], $0x4000, $0x38;
	[tilespmem:$0x1D480] =	vst v63  }
0x2a: {  	_ =	swait.ge [sflag:s29], $0x4000  }
0x2b: {  	[sflag:s29] =	ssyncset.done $0x0  }
0x2c: {  	s15 =	rddreg [dreg:$0x4];
	[sflag:s29] =	ssyncadd.s32 $0xFFFFC000  }
0x2d: {  	[spmem:s15] =	stream.linear.scatter [tilespmem:s28], [sflag:$0x5], $0x4000, $0x38;
	[tilespmem:$0x1D480] =	vst v63  }
0x2e: {  	_ =	swait.ge [sflag:s29], $0x4000  }
0x2f: {  	[sflag:s29] =	ssyncset.done $0x0  }
0x30: {  	s22 =	rddreg [dreg:$0x5];
	[sflag:s29] =	ssyncadd.s32 $0xFFFFC000  }
0x31: {  	[spmem:s22] =	stream.linear.scatter [tilespmem:s28], [sflag:$0x5], $0x4000, $0x38;
	[tilespmem:$0x1D480] =	vst v63  }
0x32: {  	_ =	swait.ge [sflag:s29], $0x4000  }
0x33: {  	[sflag:s29] =	ssyncset.done $0x0  }
0x34: {  	s23 =	rddreg [dreg:$0x6];
	[sflag:s29] =	ssyncadd.s32 $0xFFFFC000  }
0x35: {  	[spmem:s23] =	stream.linear.scatter [tilespmem:s28], [sflag:$0x5], $0x4000, $0x38;
	[tilespmem:$0x1D480] =	vst v63  }
0x36: {  	_ =	swait.ge [sflag:s29], $0x4000  }
0x37: {  	[sflag:s29] =	ssyncset.done $0x0  }
0x38: {  	s24 =	rddreg [dreg:$0xc];
	[sflag:s29] =	ssyncadd.s32 $0xFFFFC000  }
0x39: {  	[spmem:s24] =	stream.linear.scatter [tilespmem:s28], [sflag:$0x5], $0x4000, $0x38;
	[tilespmem:$0x1D480] =	vst v63  }
0x3a: {  	_ =	swait.ge [sflag:s29], $0x4000  }
0x3b: {  	[sflag:s29] =	ssyncset.done $0x0  }
0x3c: {  	p1 =	por $0x1, $0x1;
	[sflag:s29] =	ssyncadd.s32 $0xFFFFC000  }
0x3d: {  	s21 =	simm.s32 $0x0;
	s15 =	simm.s32 $0x0;
	[bflag:$0x0] =	sbarrier.arrive $0xFFFF  }
.LBB2_4:
0x3e: {  	s16 =	sadd.s32 s7, s21  }
0x3f: {  	s16 =	sshll.u32 s16, $0x4  }
0x40: {  	s17 =	sadd.s32 s5, s16  }
0x41: {  	[tilespmem:s15], [sflag:$0x5] =	stream.linear.gather [hbm4b:s17+s15], $0x1380, $0x38;
	[tilespmem:$0x1D480] =	vst v63  }
0x42: {  	_ =	swait.ge [sflag:s29], $0x1380  }
0x43: {  	[sflag:s29] =	ssyncset.done $0x0  }
0x44: {  	s17 =	simm.s32 $0x80;
	[sflag:s29] =	ssyncadd.s32 $0xFFFFEC80  }
0x45: {  	[tilespmem:s28], [sflag:$0x1] =	stream.indirect.gather [hbm4b:s4+s17], $0x80, s15, s17, $0xb8;
	[tilespmem:$0x1D480] =	vst v63  }
0x46: {  	s24 =	sadd.s32 s21, s26;
	s18 =	sadd.s32 s6, s16  }
0x47: {  	[tilespmem:s30], [sflag:$0x3] =	stream.linear.gather [hbm4b:s18+s15], $0x80, $0x38;
	[tilespmem:$0x1D480] =	vst v63  }
0x48: {  	s18 =	sshll.u32 s24, $0x4  }
0x49: {  	s18 =	sand.u32 $0xFFFFF0, s18  }
0x4a: {  	s18 =	sadd.s32 s18, s6  }
0x4b: {  	[tilespmem:s0], [sflag:$0x2] =	stream.indirect.gather [hbm4b:s4+s31], $0x80, s17, s31, $0xb8;
	[tilespmem:$0x1D480] =	vst v63  }
0x4c: {  	s22 =	sadd.s32 $0x0, s18  }
0x4d: {  	[tilespmem:s3], [sflag:$0x4] =	stream.linear.gather [hbm4b:s22+s2], $0x80, $0x38;
	[tilespmem:$0x1D480] =	vst v63  }
0x4e: {  	_ =	swait.ge [sflag:s9], $0x4000  }
0x4f: {  	[sflag:s9] =	ssyncset.done $0x0  }
0x50: {  	[sflag:s9] =	ssyncadd.s32 $0xFFFFC000  }
0x51: {  	_ =	swait.ge [sflag:s10], $0x80  }
0x52: {  	[sflag:s10] =	ssyncset.done $0x0  }
0x53: {  	s22 =	sadd.s32 s21, s19;
	[sflag:s10] =	ssyncadd.s32 $0xFFFFFF80  }
0x54: {  	[spmem:s1] =	stream.indirect.scatter.add.f32 [tilespmem:s28], [sflag:$0x5], $0x80, s30, s31, $0xb8;
	[tilespmem:$0x1D480] =	vst v63  }
0x55: {  	s21 =	sand.u32 $0xFFFFFF, s22;
	_ =	swait.ge [sflag:s29], $0x4000  }
0x56: {  	s21 =	sshll.u32 s21, $0x4;
	[sflag:s29] =	ssyncset.done $0x0  }
0x57: {  	s23 =	simm.s32 $0x100;
	s21 =	sadd.s32 s21, s25;
	[sflag:s29] =	ssyncadd.s32 $0xFFFFC000  }
0x58: {  	[tilespmem:s28], [sflag:$0x1] =	stream.indirect.gather [hbm4b:s4+s31], $0x80, s23, s31, $0xb8;
	[tilespmem:$0x1D480] =	vst v63  }
0x59: {  	s24 =	sadd.s32 $0x0, s21  }
0x5a: {  	[tilespmem:s30], [sflag:$0x3] =	stream.linear.gather [hbm4b:s24+s2], $0x80, $0x38;
	[tilespmem:$0x1D480] =	vst v63  }
0x5b: {  	_ =	swait.ge [sflag:s11], $0x4000  }
0x5c: {  	[sflag:s11] =	ssyncset.done $0x0  }
0x5d: {  	[sflag:s11] =	ssyncadd.s32 $0xFFFFC000  }
0x5e: {  	_ =	swait.ge [sflag:s12], $0x80  }
0x5f: {  	[sflag:s12] =	ssyncset.done $0x0  }
0x60: {  	[sflag:s12] =	ssyncadd.s32 $0xFFFFFF80  }
0x61: {  	[spmem:s1] =	stream.indirect.scatter.add.f32 [tilespmem:s0], [sflag:$0x5], $0x80, s3, s31, $0xb8;
	[tilespmem:$0x1D480] =	vst v63  }
0x62: {  	_ =	swait.ge [sflag:s29], $0x4000  }
0x63: {  	p0 =	por p1, p1;
	s22 =	simm.s32 $0x20;
	[sflag:s29] =	ssyncset.done $0x0  }
.LBB2_5:
0x64: {  	p1 =	sne.s32 s22, $0x220;
	[sflag:s29] =	ssyncadd.s32 $0xFFFFC000;
	s17 =	sadd.s32 $0x100, s17  }
0x65: {  	[tilespmem:s0], [sflag:$0x2] =	stream.indirect.gather [hbm4b:s4+s31], $0x80, s17, s31, $0xb8;
	[tilespmem:$0x1D480] =	vst v63  }
0x66: {  	s23 =	sadd.s32 s22, s18;
	s24 =	smov.u32 s22;
	s22 =	sadd.s32 $0x20, s22  }
0x67: {  	[tilespmem:s3], [sflag:$0x4] =	stream.linear.gather [hbm4b:s23+s2], $0x80, $0x38;
	[tilespmem:$0x1D480] =	vst v63  }
0x68: {  	_ =	swait.ge [sflag:s9], $0x4000  }
0x69: {  	[sflag:s9] =	ssyncset.done $0x0  }
0x6a: {  	[sflag:s9] =	ssyncadd.s32 $0xFFFFC000  }
0x6b: {  	_ =	swait.ge [sflag:s10], $0x80  }
0x6c: {  	[sflag:s10] =	ssyncset.done $0x0  }
0x6d: {  	[sflag:s10] =	ssyncadd.s32 $0xFFFFFF80  }
0x6e: {  	[spmem:s1] =	stream.indirect.scatter.add.f32 [tilespmem:s28], [sflag:$0x5], $0x80, s30, s31, $0xb8;
	[tilespmem:$0x1D480] =	vst v63  }
0x6f: {  	_ =	swait.ge [sflag:s29], $0x4000  }
0x70: {  	[sflag:s29] =	ssyncset.done $0x0  }
0x71: {  	s23 =	sadd.s32 $0x80, s17;
	[sflag:s29] =	ssyncadd.s32 $0xFFFFC000  }
0x72: {  	[tilespmem:s28], [sflag:$0x1] =	stream.indirect.gather [hbm4b:s4+s31], $0x80, s23, s31, $0xb8;
	[tilespmem:$0x1D480] =	vst v63  }
0x73: {  	s23 =	sadd.s32 s24, s21  }
0x74: {  	[tilespmem:s30], [sflag:$0x3] =	stream.linear.gather [hbm4b:s23+s2], $0x80, $0x38;
	[tilespmem:$0x1D480] =	vst v63  }
0x75: {  	_ =	swait.ge [sflag:s11], $0x4000  }
0x76: {  	[sflag:s11] =	ssyncset.done $0x0  }
0x77: {  	[sflag:s11] =	ssyncadd.s32 $0xFFFFC000  }
0x78: {  	_ =	swait.ge [sflag:s12], $0x80  }
.Ltmp1:
0x79: {  	[sflag:s12] =	ssyncset.done $0x0;
	(pc) =	sbr.rel @p1 .LBB2_5-.Ltmp1, $4  }
0x7a: {  	[sflag:s12] =	ssyncadd.s32 $0xFFFFFF80  }
0x7b: {  	[spmem:s1] =	stream.indirect.scatter.add.f32 [tilespmem:s0], [sflag:$0x5], $0x80, s3, s31, $0xb8;
	[tilespmem:$0x1D480] =	vst v63  }
0x7c: {  	_ =	swait.ge [sflag:s29], $0x4000  }
0x7d: {  	[sflag:s29] =	ssyncset.done $0x0  }
0x7e: {  	[sflag:s29] =	ssyncadd.s32 $0xFFFFC000  }
0x7f: {  	[tilespmem:s0], [sflag:$0x2] =	stream.indirect.gather [hbm4b:s4+s31], $0x80, s13, s31, $0xb8;
	[tilespmem:$0x1D480] =	vst v63  }
0x80: {  	s16 =	sadd.s32 s20, s16  }
0x81: {  	[tilespmem:s3], [sflag:$0x4] =	stream.linear.gather [hbm4b:s16+s2], $0x80, $0x38;
	[tilespmem:$0x1D480] =	vst v63  }
0x82: {  	_ =	swait.ge [sflag:s9], $0x4000  }
0x83: {  	[sflag:s9] =	ssyncset.done $0x0  }
0x84: {  	[sflag:s9] =	ssyncadd.s32 $0xFFFFC000  }
0x85: {  	_ =	swait.ge [sflag:s10], $0x80  }
0x86: {  	[sflag:s10] =	ssyncset.done $0x0  }
0x87: {  	[sflag:s10] =	ssyncadd.s32 $0xFFFFFF80  }
0x88: {  	[spmem:s1] =	stream.indirect.scatter.add.f32 [tilespmem:s28], [sflag:$0x5], $0x80, s30, s31, $0xb8;
	[tilespmem:$0x1D480] =	vst v63  }
0x89: {  	_ =	swait.ge [sflag:s29], $0x4000  }
0x8a: {  	[sflag:s29] =	ssyncset.done $0x0  }
0x8b: {  	[sflag:s29] =	ssyncadd.s32 $0xFFFFC000  }
0x8c: {  	_ =	swait.ge [sflag:s11], $0x4000  }
0x8d: {  	[sflag:s11] =	ssyncset.done $0x0  }
0x8e: {  	[sflag:s11] =	ssyncadd.s32 $0xFFFFC000  }
0x8f: {  	_ =	swait.ge [sflag:s12], $0x80  }
0x90: {  	[sflag:s12] =	ssyncset.done $0x0  }
.Ltmp2:
0x91: {  	[sflag:s12] =	ssyncadd.s32 $0xFFFFFF80;
	(pc) =	sbr.rel @p0 .LBB2_4-.Ltmp2, $4  }
0x92: {  	[spmem:s1] =	stream.indirect.scatter.add.f32 [tilespmem:s0], [sflag:$0x5], $0x80, s3, s31, $0xb8;
	[tilespmem:$0x1D480] =	vst v63  }
0x93: {  	_ =	swait.ge [sflag:s29], $0x4000  }
0x94: {  	[sflag:s29] =	ssyncset.done $0x0  }
0x95: {  	s21 =	simm.s32 $0x27;
	p1 =	por $0x0, $0x0;
	[sflag:s29] =	ssyncadd.s32 $0xFFFFC000  }
0x96: {  	[bflag:$0x0] =	sbarrier.arrive $0xFFFF  }
0x97: {  	[tilespmem:s28], [sflag:$0x5] =	stream.linear.gather [spmem:s8], $0x4000, $0x38;
	[tilespmem:$0x1D480] =	vst v63  }
0x98: {  	_ =	swait.ge [sflag:s29], $0x4000  }
0x99: {  	[sflag:s29] =	ssyncset.done $0x0  }
0x9a: {  	s15 =	rddreg [dreg:$0x7];
	[sflag:s29] =	ssyncadd.s32 $0xFFFFC000  }
0x9b: {  	[hbm4b:s15+s2] =	stream.linear.scatter [tilespmem:s28], [sflag:$0x5], $0x4000, $0x38;
	[tilespmem:$0x1D480] =	vst v63  }
0x9c: {  	_ =	swait.ge [sflag:s29], $0x4000  }
0x9d: {  	[sflag:s29] =	ssyncset.done $0x0  }
0x9e: {  	s23 =	rddreg [dreg:$0xd];
	[sflag:s29] =	ssyncadd.s32 $0xFFFFC000  }
0x9f: {  	[tilespmem:s28], [sflag:$0x5] =	stream.linear.gather [spmem:s23], $0x4000, $0x38;
	[tilespmem:$0x1D480] =	vst v63  }
0xa0: {  	_ =	swait.ge [sflag:s29], $0x4000  }
0xa1: {  	[sflag:s29] =	ssyncset.done $0x0  }
0xa2: {  	s24 =	rddreg [dreg:$0x8];
	[sflag:s29] =	ssyncadd.s32 $0xFFFFC000  }
0xa3: {  	[hbm4b:s24+s2] =	stream.linear.scatter [tilespmem:s28], [sflag:$0x5], $0x4000, $0x38;
	[tilespmem:$0x1D480] =	vst v63  }
0xa4: {  	_ =	swait.ge [sflag:s29], $0x4000  }
0xa5: {  	[sflag:s29] =	ssyncset.done $0x0  }
0xa6: {  	s16 =	rddreg [dreg:$0xe];
	[sflag:s29] =	ssyncadd.s32 $0xFFFFC000  }
0xa7: {  	[tilespmem:s28], [sflag:$0x5] =	stream.linear.gather [spmem:s16], $0x4000, $0x38;
	[tilespmem:$0x1D480] =	vst v63  }
0xa8: {  	_ =	swait.ge [sflag:s29], $0x4000  }
0xa9: {  	[sflag:s29] =	ssyncset.done $0x0  }
0xaa: {  	s17 =	rddreg [dreg:$0x9];
	[sflag:s29] =	ssyncadd.s32 $0xFFFFC000  }
0xab: {  	[hbm4b:s17+s2] =	stream.linear.scatter [tilespmem:s28], [sflag:$0x5], $0x4000, $0x38;
	[tilespmem:$0x1D480] =	vst v63  }
0xac: {  	_ =	swait.ge [sflag:s29], $0x4000  }
0xad: {  	[sflag:s29] =	ssyncset.done $0x0  }
0xae: {  	s18 =	rddreg [dreg:$0xf];
	[sflag:s29] =	ssyncadd.s32 $0xFFFFC000  }
0xaf: {  	[tilespmem:s28], [sflag:$0x5] =	stream.linear.gather [spmem:s18], $0x4000, $0x38;
	[tilespmem:$0x1D480] =	vst v63  }
0xb0: {  	_ =	swait.ge [sflag:s29], $0x4000  }
0xb1: {  	[sflag:s29] =	ssyncset.done $0x0  }
0xb2: {  	s21 =	rddreg [dreg:$0xa];
	[sflag:s29] =	ssyncadd.s32 $0xFFFFC000  }
0xb3: {  	[hbm4b:s21+s2] =	stream.linear.scatter [tilespmem:s28], [sflag:$0x5], $0x4000, $0x38;
	[tilespmem:$0x1D480] =	vst v63  }
0xb4: {  	_ =	swait.ge [sflag:s29], $0x4000  }
0xb5: {  	[sflag:s29] =	ssyncset.done $0x0  }
0xb6: {  	s22 =	rddreg [dreg:$0x10];
	[sflag:s29] =	ssyncadd.s32 $0xFFFFC000  }
0xb7: {  	[tilespmem:s28], [sflag:$0x5] =	stream.linear.gather [spmem:s22], $0x4000, $0x38;
	[tilespmem:$0x1D480] =	vst v63  }
0xb8: {  	_ =	swait.ge [sflag:s29], $0x4000  }
0xb9: {  	[sflag:s29] =	ssyncset.done $0x0  }
0xba: {  	s23 =	rddreg [dreg:$0xb];
	[sflag:s29] =	ssyncadd.s32 $0xFFFFC000  }
0xbb: {  	[hbm4b:s23+s2] =	stream.linear.scatter [tilespmem:s28], [sflag:$0x5], $0x4000, $0x38;
	[tilespmem:$0x1D480] =	vst v63  }
0xbc: {  	_ =	swait.ge [sflag:s29], $0x4000  }
0xbd: {  	s14 =	sadd.s32 $0x1, s14;
	s24 =	rddreg [dreg:$0x3]  }
0xbe: {  	p0 =	sne.s32 s14, s24  }
.Ltmp3:
0xbf: {  	_ = 	snop;
	(pc) =	sbr.rel @p0 .LBB2_1-.Ltmp3, $3  }
0xc0: {  	_ =	sdelay $0x1  }
0xc1: {  	[sflag:s29] =	ssyncset.done $0x0  }
0xc2: {  	[sflag:s29] =	ssyncadd.s32 $0xFFFFC000  }
0xc3: {  	_ =	sfence.sel $0x180000  }
0xc4: {  	[bflag:$0x0] =	sbarrier.arrive $0xFFFF  }
0xc5: {  	_ =	strace $0x9000004A  }
0xc6: {  	s0 =	stileid.u32;
	[bflag:$0x2] =	sbarrier.arrive $0xFFFF  }
0xc7: {  	p0 =	sne.s32 s0, $0x0;
	s0 =	rddreg [dreg:$0x2]  }
0xc8: {  	s0 =	sadd.s32 @!p0 $0x100000, s0  }
0xc9: {  	[sflag:s0] =	ssyncadd.tile.s32 @!p0 $0x1;
	_ =	shalt  }
.Lfunc_end2:
_tile_overlayer_lowered:
.L_overlay_start_2:
0xca: {  	(tag) =	ssettag $0x2  }
0xcb: {  	s0 =	rddreg [dreg:$0x0];
	s2 =	stileid.u32  }
0xcc: {  	s1 =	rddreg [dreg:$0x1];
	p0 =	sne.s32 s2, $0x0  }
0xcd: {  	s3 =	rddreg [dreg:$0x2];
	[bflag:$0x3] =	sbarrier.arrive $0xFFFF;
	s2 =	simm.s32 @!p0 $0x1C06  }
0xce: {  	[timem:s3], [sflag:s2] =	dma.local @!p0 [hbm:s0], s1  }
0xcf: {  	s0 =	simm.s32 @!p0 $0x6  }
0xd0: {  	_ =	swait.ge @!p0 [sflag:s0], s1  }
0xd1: {  	s1 =	ssub.s32 @!p0 $0x0, s1;
	[sflag:s0] =	ssyncset.done @!p0 $0x0  }
0xd2: {  	[sflag:s0] =	ssyncadd.s32 @!p0 s1  }
0xd3: {  	[bflag:$0x3] =	sbarrier.arrive $0xFFFF  }
0xd4: {  	_ =	shalt  }

// kernel: kernel.20.cloned.1.call-start
scs
__scs_entry_jumppad:
0x0: {  	(pc) =	sbr.rel $0x88, $3  }
0x1: {  	(tag) =	ssettag $0x0;
	lr =	simm.s32 $0x1  }
0x2: {  	[smem:$0x3F91] =	sst lr;
	_ =	strace $0xD0000000  }
0x3: {  	_ = 	snop  }
0x4: {  	_ = 	snop  }
0x5: {  	_ = 	snop  }
0x6: {  	_ = 	snop  }
0x7: {  	_ = 	snop  }
__scs_overlays_trampoline_lowered:
0x8: {  	[smem:$0x3FA0] =	sst s0  }
0x9: {  	[smem:$0x3FA1] =	sst s1  }
0xa: {  	[smem:$0x3FA2] =	sst s2  }
0xb: {  	[smem:$0x3FA3] =	sst s3  }
0xc: {  	[smem:$0x3FA4] =	sst s4  }
0xd: {  	[smem:$0x3FA5] =	sst s5  }
0xe: {  	[smem:$0x3FA6] =	sst s6  }
0xf: {  	[smem:$0x3FA7] =	sst s7  }
0x10: {  	[smem:$0x3FA8] =	sst s8  }
0x11: {  	[smem:$0x3FA9] =	sst s9;
	s0 =	simm.s32 @!p0 $0x0  }
0x12: {  	s1 =	sld [smem:$0x3F8F];
	s0 =	simm.s32 @p0 $0x1  }
0x13: {  	[smem:$0x3FAA] =	sst s0;
	s0 =	simm.s32 @!p1 $0x0  }
0x14: {  	s2 =	sld [smem:$0x3F8E];
	s0 =	simm.s32 @p1 $0x1  }
0x15: {  	[smem:$0x3FAB] =	sst s0;
	s0 =	simm.s32 @!p2 $0x0  }
0x16: {  	s3 =	sld [smem:$0x3FDB];
	s0 =	simm.s32 @p2 $0x1  }
0x17: {  	s4 =	simm.s32 $0x1BF5;
	[smem:$0x3FAD] =	sst s0  }
0x18: {  	s0 =	sld [smem:$0x3F90];
	_ =	swait.ge [sflag:s4], $0x0  }
0x19: {  	s7 =	sld [smem:$0x3F91]  }
0x1a: {  	s8 =	sadd.s32 $0xFFFFE003, lr  }
0x1b: {  	s9 =	sadd.s32 $0xFFFFFEF7, lr;
	s5 =	simm.s32 $0xFFFFFFFF;
	p2 =	slt.u32 s8, $0xFFFFF086  }
0x1c: {  	p1 =	slt.u32 s9, $0xF7A;
	s5 =	simm.s32 @!p2 $0x0  }
0x1d: {  	s5 =	simm.s32 @p1 $0x1;
	p0 =	seq.s32 s7, s2  }
0x1e: {  	s7 =	smul.u32 @!p0 $0xF7A, s2;
	p2 =	seq.s32 @!p0 s5, $0x0  }
0x1f: {  	s9 =	smul.u32 $0xF7A, s1;
	s8 =	simm.s32 @!p0 $0x1BF5;
	p2 =	por !p2, p0  }
0x20: {  	[sflag:s8] =	ssyncset.s32 @!p0 $0xFFFFF086;
	s6 =	sadd.s32 @!p0 s3, s7;
	s7 =	simm.s32 @!p0 $0x108  }
0x21: {  	s3 =	sadd.s32 s3, s9;
	s6 =	sadd.s32 @!p0 $0x88, s6;
	s7 =	simm.s32 @p2 $0x1082  }
0x22: {  	[simem:s7], [sflag:s8] =	dma.local @!p0 [hbm:s6], $0xF7A  }
0x23: {  	s9 =	sor.u32 $0xD0000000, s2;
	s6 =	simm.s32 $0x108;
	_ =	swait.ge @!p0 [sflag:s8], $0x0  }
0x24: {  	s3 =	sadd.s32 $0x88, s3;
	s6 =	simm.s32 @!p1 $0x1082;
	[sflag:s4] =	ssyncset.s32 $0xFFFFF086  }
0x25: {  	[simem:s6], [sflag:s4] =	dma.local [hbm:s3], $0xF7A  }
0x26: {  	[smem:$0x3F91] =	sst s1;
	(tag) =	ssettag s2;
	_ =	strace s9  }
0x27: {  	s1 =	sld [smem:$0x3FA1]  }
0x28: {  	s2 =	sld [smem:$0x3FA2]  }
0x29: {  	s4 =	sld [smem:$0x3FA4]  }
0x2a: {  	p0 =	seq.s32 s5, $0x0;
	s5 =	sld [smem:$0x3FA5]  }
0x2b: {  	s6 =	sld [smem:$0x3FA6]  }
0x2c: {  	s7 =	sld [smem:$0x3FA7]  }
0x2d: {  	s3 =	simm.s32 $0x108;
	s8 =	sld [smem:$0x3FA8]  }
0x2e: {  	s3 =	simm.s32 @!p0 $0x1082;
	s9 =	sld [smem:$0x3FA9]  }
0x2f: {  	lr =	sadd.s32 s0, s3;
	s0 =	sld [smem:$0x3FA0]  }
0x30: {  	s3 =	sld [smem:$0x3FA3]  }
0x31: {  	[smem:$0x3FAC] =	sst s10  }
0x32: {  	s10 =	sld [smem:$0x3FAA];
	_ =	sdelay $0x3  }
0x33: {  	p0 =	seq.s32 s10, $0x1;
	s10 =	sld [smem:$0x3FAC];
	_ =	sdelay $0x3  }
0x34: {  	[smem:$0x3FAC] =	sst s10  }
0x35: {  	s10 =	sld [smem:$0x3FAB];
	_ =	sdelay $0x3  }
0x36: {  	p1 =	seq.s32 s10, $0x1;
	s10 =	sld [smem:$0x3FAC];
	_ =	sdelay $0x3  }
0x37: {  	[smem:$0x3FAC] =	sst s10  }
0x38: {  	s10 =	sld [smem:$0x3FAD]  }
0x39: {  	_ = 	snop;
	(pc) =	sbr.ind lr, $3  }
0x3a: {  	_ = 	snop  }
0x3b: {  	_ = 	snop  }
0x3c: {  	p2 =	seq.s32 s10, $0x1;
	s10 =	sld [smem:$0x3FAC]  }
0x3d: {  	_ =	shalt  }
0x3e: {  	_ =	shalt  }
0x3f: {  	_ =	shalt  }
0x40: {  	_ =	shalt  }
0x41: {  	_ =	shalt  }
0x42: {  	_ =	shalt  }
0x43: {  	_ =	shalt  }
0x44: {  	_ =	shalt  }
0x45: {  	_ =	shalt  }
0x46: {  	_ =	shalt  }
0x47: {  	_ =	shalt  }
0x48: {  	_ =	shalt  }
0x49: {  	_ =	shalt  }
0x4a: {  	_ =	shalt  }
0x4b: {  	_ =	shalt  }
0x4c: {  	_ =	shalt  }
0x4d: {  	_ =	shalt  }
0x4e: {  	_ =	shalt  }
0x4f: {  	_ =	shalt  }
0x50: {  	_ =	shalt  }
0x51: {  	_ =	shalt  }
0x52: {  	_ =	shalt  }
0x53: {  	_ =	shalt  }
0x54: {  	_ =	shalt  }
0x55: {  	_ =	shalt  }
0x56: {  	_ =	shalt  }
0x57: {  	_ =	shalt  }
0x58: {  	_ =	shalt  }
0x59: {  	_ =	shalt  }
0x5a: {  	_ =	shalt  }
0x5b: {  	_ =	shalt  }
0x5c: {  	_ =	shalt  }
0x5d: {  	_ =	shalt  }
0x5e: {  	_ =	shalt  }
0x5f: {  	_ =	shalt  }
0x60: {  	_ =	shalt  }
0x61: {  	_ =	shalt  }
0x62: {  	_ =	shalt  }
0x63: {  	_ =	shalt  }
0x64: {  	_ =	shalt  }
0x65: {  	_ =	shalt  }
0x66: {  	_ =	shalt  }
0x67: {  	_ =	shalt  }
0x68: {  	_ =	shalt  }
0x69: {  	_ =	shalt  }
0x6a: {  	_ =	shalt  }
0x6b: {  	_ =	shalt  }
0x6c: {  	_ =	shalt  }
0x6d: {  	_ =	shalt  }
0x6e: {  	_ =	shalt  }
0x6f: {  	_ =	shalt  }
0x70: {  	_ =	shalt  }
0x71: {  	_ =	shalt  }
0x72: {  	_ =	shalt  }
0x73: {  	_ =	shalt  }
0x74: {  	_ =	shalt  }
0x75: {  	_ =	shalt  }
0x76: {  	_ =	shalt  }
0x77: {  	_ =	shalt  }
0x78: {  	_ =	shalt  }
0x79: {  	_ =	shalt  }
0x7a: {  	_ =	shalt  }
0x7b: {  	_ =	shalt  }
0x7c: {  	_ =	shalt  }
0x7d: {  	_ =	shalt  }
0x7e: {  	_ =	shalt  }
0x7f: {  	_ =	shalt  }
0x80: {  	_ =	shalt  }
0x81: {  	_ =	shalt  }
0x82: {  	_ =	shalt  }
0x83: {  	_ =	shalt  }
0x84: {  	_ =	shalt  }
0x85: {  	_ =	shalt  }
0x86: {  	_ =	shalt  }
0x87: {  	_ =	shalt  }
.Lfunc_end0:
.L_simem_size_0:
called_computation.1_lowered:
.L_overlay_start_0:
0x88: {  	s2 =	sld [smem:$0x3FD9]  }
0x89: {  	s3 =	sld [smem:$0x3FFE];
	_ =	sdelay $0x1  }
0x8a: {  	s1 =	srdreg.scid  }
0x8b: {  	s0 =	sand.u32 $0x1, s1  }
0x8c: {  	s16 =	sshll.u32 s0, $0xA;
	s2 =	sadd.s32 s3, s2  }
0x8d: {  	s2 =	sadd.s32 s2, s16  }
0x8e: {  	[smem:$0x3FB8] =	sst s2  }
0x8f: {  	_ = 	snop  }
0x90: {  	(tm) =	ssettm $0x1  }
0x91: {  	s17 =	sld [smem:$0x3FFB];
	_ =	sdelay $0x3  }
0x92: {  	_ =	strace s17  }
0x93: {  	s2 =	sld [smem:$0x3FFC];
	_ =	sdelay $0x3  }
0x94: {  	_ =	strace s2  }
0x95: {  	s2 =	sld [smem:$0x3FFD];
	_ =	sdelay $0x3  }
0x96: {  	_ =	strace s2  }
0x97: {  	_ =	strace $0x8FFFFFFF  }
0x98: {  	s18 =	sld [smem:$0x3FDB];
	_ =	sdelay $0x1  }
0x99: {  	s19 =	simm.s32 $_scs_section_size  }
0x9a: {  	s4 =	simm.s32 $_size__tile_overlayer_lowered;
	s5 =	simm.s32 $_tile_overlayer_lowered  }
0x9b: {  	s22 =	simm.s32 $0x1BFF;
	s21 =	sshll.u32 s5, $0x1;
	s2 =	sadd.s32 s19, s18  }
0x9c: {  	s6 =	simm.s32 $0x0;
	s20 =	sshll.u32 s4, $0x1;
	s4 =	sadd.s32 s21, s2  }
0x9d: {  	[timem:s6], [sflag:s22] =	dma.local [hbm:s4], s20  }
0x9e: {  	_ =	swait.ge [sflag:s22], s20  }
0x9f: {  	s3 =	ssub.s32 $0x0, s20;
	[sflag:s22] =	ssyncset.done $0x0  }
0xa0: {  	[sflag:s22] =	ssyncadd.s32 s3;
	_ =	sdelay $0x1  }
0xa1: {  	s23 =	simm.s32 $0x1B8B  }
0xa2: {  	_ =	swait.ge [sflag:s23], $0x1  }
0xa3: {  	[sflag:s23] =	ssyncset.done $0x0  }
0xa4: {  	s25 =	simm.s32 $0x1B8E;
	s24 =	sld [smem:$0x3FFE];
	[sflag:s23] =	ssyncadd.s32 $0xFFFFFFFF  }
0xa5: {  	s26 =	simm.s32 $execute0_lowered;
	[smem:$0x3FD2] =	sst s25  }
0xa6: {  	s4 =	sshll.u32 s26, $0x1;
	_ =	strace $0x80000046;
	[dreg:$0x1] =	wrdreg $0xFFFFFFFF  }
0xa7: {  	s28 =	simm.s32 $_size_execute0_lowered;
	s2 =	sadd.s32 s2, s4;
	[dreg:$0x0] =	wrdreg $0x0  }
0xa8: {  	s4 =	sshll.u32 s28, $0x1;
	[dreg:$0x2] =	wrdreg s2  }
0xa9: {  	[dreg:$0x3] =	wrdreg s4  }
0xaa: {  	[dreg:$0x4] =	wrdreg $0xC0  }
0xab: {  	_ =	task [dreg:s6], $0x5FFFF  }
0xac: {  	[dreg:$0x1] =	wrdreg $0xFFFFFFFF  }
0xad: {  	[dreg:$0x0] =	wrdreg $0x60  }
0xae: {  	[dreg:$0x2] =	wrdreg s24  }
0xaf: {  	[dreg:$0x3] =	wrdreg $0x8B000  }
0xb0: {  	[dreg:$0x4] =	wrdreg $0xA  }
0xb1: {  	_ =	task.clear_ibuf [dreg:s6], $0x5FFFF;
	_ =	strace $0x90000046  }
0xb2: {  	s29 =	simm.s32 $0xA;
	_ =	strace $0x80000048  }
0xb3: {  	_ =	swait.ge [sflag:s29], $0x1  }
0xb4: {  	[sflag:s29] =	ssyncadd.s32 $0xFFFFFFFF  }
0xb5: {  	_ =	strace $0x90000048  }
0xb6: {  	_ =	sfence  }
0xb7: {  	s30 =	sld [smem:$0x0];
	_ =	sdelay $0x2  }
0xb8: {  	s31 =	sshll.u32 s1, $0xD;
	s1 =	sshrl.u32 s1, $0x2  }
0xb9: {  	s3 =	sand.u32 $0x4000, s31;
	s1 =	sadd.s32 s1, s30  }
0xba: {  	s0 =	sor.u32 s3, s0;
	s1 =	sshll.u32 s1, $0x11  }
0xbb: {  	s0 =	sor.u32 s1, s0  }
0xbc: {  	s0 =	sadd.s32 $0x8F2B, s0  }
0xbd: {  	[sflag:s0] =	ssyncadd.remote.s32 $0x1  }
0xbe: {  	_ =	sfence.sel $0xFFFF  }
0xbf: {  	[dreg:$0x0] =	wrdreg $0xFFFFFFFF;
	(pc) =	sbr.abs _section_cstart, $3  }
0xc0: {  	[dreg:$0x1] =	wrdreg $0xFFFFFFFF  }
0xc1: {  	_ =	task.clear_ibuf [dreg:s6], $0x2FFFF;
	_ =	strace $0x9FFFFFFF  }
0xc2: {  	(tm) =	ssettm $0x7FFFFFFF  }
0xc3: {  	_ =	shalt  }
tec
execute0_lowered:
.L_overlay_start_1:
0x0: {  	(tag) =	ssettag $0x1  }
0x1: {  	s0 =	rddreg [dreg:$0x0]  }
0x2: {  	s1 =	rddreg [dreg:$0x1]  }
0x3: {  	s2 =	simm.s32 $0x0;
	s3 =	srdreg.scid;
	s17 =	stileid.u32  }
0x4: {  	s28 =	simm.s32 $0xB00;
	s29 =	simm.s32 $0x5;
	s30 =	simm.s32 $0xA00  }
0x5: {  	s31 =	simm.s32 $0x80;
	[smem:$0x7FF] =	sst s2;
	s4 =	sadd.s32 $0x10A00, s0  }
0x6: {  	s5 =	sadd.s32 $0xBA00, s0;
	s6 =	sadd.s32 $0x6A00, s0;
	s9 =	smul.u32 $0x50000, s17  }
0x7: {  	s3 =	sand.u32 $0x1, s3;
	s7 =	sshll.u32 s17, $0x1;
	s22 =	smul.u32 $0x14000, s17  }
0x8: {  	s10 =	sadd.s32 $0x38A00, s0;
	s17 =	smul.u32 $0x50, s17;
	s20 =	sadd.s32 $0x6B30, s0  }
0x9: {  	_ =	strace $0x80000047;
	s8 =	ssub.s32 $0x2, s3;
	s12 =	smul.u32 $0x140000, s3  }
0xa: {  	s7 =	sor.u32 s3, s7;
	s3 =	smul.u32 $0x28, s3;
	s11 =	sshrl.u32 s8, $0x1  }
0xb: {  	s7 =	smul.u32 $0x28, s7;
	s21 =	sshrl.u32 s9, $0x2;
	s25 =	sadd.s32 $0x4000, s22  }
0xc: {  	s15 =	sadd.s32 $0x8000, s22;
	s18 =	sadd.s32 $0xC000, s22;
	s11 =	ssub.s32 s8, s11  }
0xd: {  	s9 =	sadd.s32 $0x10000, s22;
	s8 =	sadd.s32 s21, s1;
	s11 =	smax.u32 s11, $0x1  }
0xe: {  	s26 =	sadd.s32 s12, s22;
	s23 =	sadd.s32 $0x4000, s8;
	[dreg:$0x3] =	wrdreg s11  }
0xf: {  	s14 =	sadd.s32 s12, s25;
	s24 =	sadd.s32 $0x8000, s8;
	[dreg:$0x4] =	wrdreg s23  }
0x10: {  	s16 =	sadd.s32 s12, s15;
	s13 =	sadd.s32 $0xC000, s8;
	[dreg:$0x5] =	wrdreg s24  }
0x11: {  	s14 =	sshrl.u32 s14, $0x3;
	s22 =	sadd.s32 $0x10000, s8;
	[dreg:$0x6] =	wrdreg s13  }
0x12: {  	s19 =	sadd.s32 s3, s17;
	s14 =	sadd.s32 s10, s14;
	[dreg:$0xc] =	wrdreg s22  }
0x13: {  	s3 =	simm.s32 $0xA80;
	s23 =	sadd.s32 s25, s1;
	[dreg:$0x8] =	wrdreg s14  }
0x14: {  	s13 =	sshrl.u32 s26, $0x3;
	s24 =	sadd.s32 s15, s1;
	[dreg:$0xd] =	wrdreg s23  }
0x15: {  	s25 =	sadd.s32 s18, s1;
	s26 =	sadd.s32 s9, s1;
	[dreg:$0xe] =	wrdreg s24  }
0x16: {  	s11 =	simm.s32 $0x2;
	s13 =	sadd.s32 s10, s13;
	[dreg:$0xf] =	wrdreg s25  }
0x17: {  	[dreg:$0x10] =	wrdreg s26;
	s25 =	sadd.s32 $0x6A10, s0;
	s26 =	sor.u32 $0x2, s19  }
0x18: {  	s0 =	simm.s32 $0x4B00;
	s14 =	simm.s32 $0x0;
	[dreg:$0x7] =	wrdreg s13  }
0x19: {  	s13 =	sshrl.u32 s16, $0x3;
	s16 =	sadd.s32 s12, s18;
	s12 =	sadd.s32 s12, s9  }
0x1a: {  	s9 =	simm.s32 $0x1;
	s16 =	sshrl.u32 s16, $0x3;
	s13 =	sadd.s32 s10, s13  }
0x1b: {  	s12 =	sshrl.u32 s12, $0x3;
	[dreg:$0x9] =	wrdreg s13;
	s21 =	sadd.s32 s10, s16  }
0x1c: {  	s10 =	sadd.s32 s10, s12;
	s12 =	simm.s32 $0x4;
	[dreg:$0xa] =	wrdreg s21  }
0x1d: {  	v0 =	vimm.f32 $0.0e+00;
	s13 =	simm.s32 $0x980;
	[dreg:$0xb] =	wrdreg s10;
	s10 =	simm.s32 $0x3  }
.LBB2_1:
0x1e: {  	s15 =	sand.u32 $0xFE00, s2  }
0x1f: {  	s16 =	sand.u32 $0x70, s2;
	s17 =	sshrl.u32 s15, $0x2  }
0x20: {  	s15 =	simm.s32 $0x40;
	s17 =	sor.u32 s16, s17;
	s16 =	simm.s32 $0x0  }
.LBB2_2:
0x21: {  	p0 =	sne.s32 s15, $0xFFC0  }
0x22: {  	[tilespmem:s17+$0xB00] =	vst v0;
	s16 =	sadd.s32 $0x10, s16;
	s17 =	smov.u32 s15;
	s15 =	sadd.s32 $0x40, s15  }
.Ltmp0:
0x23: {  	(pc) =	sbr.rel @p0 .LBB2_2-.Ltmp0, $4  }
0x24: {  	_ = 	snop  }
0x25: {  	s17 =	sand.u32 $0xFE00, s17  }
0x26: {  	s18 =	sand.u32 $0x70, s16;
	s17 =	sshrl.u32 s17, $0x2  }
0x27: {  	s17 =	sor.u32 s18, s17  }
0x28: {  	[tilespmem:s17+$0xB00] =	vst v0  }
0x29: {  	[spmem:s8] =	stream.linear.scatter [tilespmem:s28], [sflag:$0x5], $0x4000, $0x38;
	[tilespmem:$0x1CB00] =	vst v63  }
0x2a: {  	_ =	swait.ge [sflag:s29], $0x4000  }
0x2b: {  	[sflag:s29] =	ssyncset.done $0x0  }
0x2c: {  	s15 =	rddreg [dreg:$0x4];
	[sflag:s29] =	ssyncadd.s32 $0xFFFFC000  }
0x2d: {  	[spmem:s15] =	stream.linear.scatter [tilespmem:s28], [sflag:$0x5], $0x4000, $0x38;
	[tilespmem:$0x1CB00] =	vst v63  }
0x2e: {  	_ =	swait.ge [sflag:s29], $0x4000  }
0x2f: {  	[sflag:s29] =	ssyncset.done $0x0  }
0x30: {  	s22 =	rddreg [dreg:$0x5];
	[sflag:s29] =	ssyncadd.s32 $0xFFFFC000  }
0x31: {  	[spmem:s22] =	stream.linear.scatter [tilespmem:s28], [sflag:$0x5], $0x4000, $0x38;
	[tilespmem:$0x1CB00] =	vst v63  }
0x32: {  	_ =	swait.ge [sflag:s29], $0x4000  }
0x33: {  	[sflag:s29] =	ssyncset.done $0x0  }
0x34: {  	s23 =	rddreg [dreg:$0x6];
	[sflag:s29] =	ssyncadd.s32 $0xFFFFC000  }
0x35: {  	[spmem:s23] =	stream.linear.scatter [tilespmem:s28], [sflag:$0x5], $0x4000, $0x38;
	[tilespmem:$0x1CB00] =	vst v63  }
0x36: {  	_ =	swait.ge [sflag:s29], $0x4000  }
0x37: {  	[sflag:s29] =	ssyncset.done $0x0  }
0x38: {  	s24 =	rddreg [dreg:$0xc];
	[sflag:s29] =	ssyncadd.s32 $0xFFFFC000  }
0x39: {  	[spmem:s24] =	stream.linear.scatter [tilespmem:s28], [sflag:$0x5], $0x4000, $0x38;
	[tilespmem:$0x1CB00] =	vst v63  }
0x3a: {  	_ =	swait.ge [sflag:s29], $0x4000  }
0x3b: {  	[sflag:s29] =	ssyncset.done $0x0  }
0x3c: {  	p1 =	por $0x1, $0x1;
	[sflag:s29] =	ssyncadd.s32 $0xFFFFC000  }
0x3d: {  	s18 =	simm.s32 $0x0;
	s15 =	simm.s32 $0x0;
	[bflag:$0x0] =	sbarrier.arrive $0xFFFF  }
.LBB2_4:
0x3e: {  	s21 =	smul.u32 $0x14, s18;
	_ =	sdelay $0x1  }
0x3f: {  	s16 =	sadd.s32 s7, s21  }
0x40: {  	s16 =	sshll.u32 s16, $0x4  }
0x41: {  	s17 =	sadd.s32 s5, s16  }
0x42: {  	[tilespmem:s15], [sflag:$0x5] =	stream.linear.gather [hbm4b:s17+s15], $0xA00, $0x38;
	[tilespmem:$0x1CB00] =	vst v63  }
0x43: {  	s24 =	sshll.u32 s18, $0x6;
	_ =	swait.ge [sflag:s29], $0xA00  }
0x44: {  	s18 =	sadd.s32 s6, s24;
	[sflag:s29] =	ssyncset.done $0x0  }
0x45: {  	s22 =	sand.u32 $0xFFFFF80, s16;
	s17 =	simm.s32 $0x80;
	[sflag:s29] =	ssyncadd.s32 $0xFFFFF600  }
0x46: {  	[tilespmem:s28], [sflag:$0x1] =	stream.indirect.gather [hbm4b:s4+s17], $0x80, s15, s17, $0xb8;
	[tilespmem:$0x1CB00] =	vst v63  }
0x47: {  	s23 =	sadd.s32 s21, s19;
	s18 =	sadd.s32 s22, s18  }
0x48: {  	[tilespmem:s30], [sflag:$0x3] =	stream.linear.gather [hbm4b:s18+s15], $0x80, $0x38;
	[tilespmem:$0x1CB00] =	vst v63  }
0x49: {  	s18 =	sand.u32 $0xFFFFFF, s23  }
0x4a: {  	s18 =	sshll.u32 s18, $0x4  }
0x4b: {  	s18 =	sadd.s32 s18, s25  }
0x4c: {  	[tilespmem:s0], [sflag:$0x2] =	stream.indirect.gather [hbm4b:s4+s31], $0x80, s17, s31, $0xb8;
	[tilespmem:$0x1CB00] =	vst v63  }
0x4d: {  	s24 =	sadd.s32 $0x0, s18  }
0x4e: {  	[tilespmem:s3], [sflag:$0x4] =	stream.linear.gather [hbm4b:s24+s2], $0x80, $0x38;
	[tilespmem:$0x1CB00] =	vst v63  }
0x4f: {  	_ =	swait.ge [sflag:s9], $0x4000  }
0x50: {  	[sflag:s9] =	ssyncset.done $0x0  }
0x51: {  	[sflag:s9] =	ssyncadd.s32 $0xFFFFC000  }
0x52: {  	_ =	swait.ge [sflag:s10], $0x80  }
0x53: {  	[sflag:s10] =	ssyncset.done $0x0  }
0x54: {  	s21 =	sadd.s32 s21, s26;
	[sflag:s10] =	ssyncadd.s32 $0xFFFFFF80  }
0x55: {  	[spmem:s1] =	stream.indirect.scatter.add.f32 [tilespmem:s28], [sflag:$0x5], $0x80, s30, s31, $0xb8;
	[tilespmem:$0x1CB00] =	vst v63  }
0x56: {  	s21 =	sshll.u32 s21, $0x4;
	_ =	swait.ge [sflag:s29], $0x4000  }
0x57: {  	s21 =	sand.u32 $0xFFFFFFE0, s21;
	[sflag:s29] =	ssyncset.done $0x0  }
0x58: {  	s21 =	sadd.s32 s21, s6;
	s23 =	simm.s32 $0x100;
	[sflag:s29] =	ssyncadd.s32 $0xFFFFC000  }
0x59: {  	[tilespmem:s28], [sflag:$0x1] =	stream.indirect.gather [hbm4b:s4+s31], $0x80, s23, s31, $0xb8;
	[tilespmem:$0x1CB00] =	vst v63  }
0x5a: {  	s24 =	sadd.s32 $0x0, s21  }
0x5b: {  	[tilespmem:s30], [sflag:$0x3] =	stream.linear.gather [hbm4b:s24+s2], $0x80, $0x38;
	[tilespmem:$0x1CB00] =	vst v63  }
0x5c: {  	_ =	swait.ge [sflag:s11], $0x4000  }
0x5d: {  	[sflag:s11] =	ssyncset.done $0x0  }
0x5e: {  	[sflag:s11] =	ssyncadd.s32 $0xFFFFC000  }
0x5f: {  	_ =	swait.ge [sflag:s12], $0x80  }
0x60: {  	[sflag:s12] =	ssyncset.done $0x0  }
0x61: {  	[sflag:s12] =	ssyncadd.s32 $0xFFFFFF80  }
0x62: {  	[spmem:s1] =	stream.indirect.scatter.add.f32 [tilespmem:s0], [sflag:$0x5], $0x80, s3, s31, $0xb8;
	[tilespmem:$0x1CB00] =	vst v63  }
0x63: {  	_ =	swait.ge [sflag:s29], $0x4000  }
0x64: {  	p0 =	por p1, p1;
	s22 =	simm.s32 $0x20;
	[sflag:s29] =	ssyncset.done $0x0  }
.LBB2_5:
0x65: {  	p1 =	sne.s32 s22, $0x100;
	[sflag:s29] =	ssyncadd.s32 $0xFFFFC000;
	s17 =	sadd.s32 $0x100, s17  }
0x66: {  	[tilespmem:s0], [sflag:$0x2] =	stream.indirect.gather [hbm4b:s4+s31], $0x80, s17, s31, $0xb8;
	[tilespmem:$0x1CB00] =	vst v63  }
0x67: {  	s23 =	sadd.s32 s22, s18;
	s24 =	smov.u32 s22;
	s22 =	sadd.s32 $0x20, s22  }
0x68: {  	[tilespmem:s3], [sflag:$0x4] =	stream.linear.gather [hbm4b:s23+s2], $0x80, $0x38;
	[tilespmem:$0x1CB00] =	vst v63  }
0x69: {  	_ =	swait.ge [sflag:s9], $0x4000  }
0x6a: {  	[sflag:s9] =	ssyncset.done $0x0  }
0x6b: {  	[sflag:s9] =	ssyncadd.s32 $0xFFFFC000  }
0x6c: {  	_ =	swait.ge [sflag:s10], $0x80  }
0x6d: {  	[sflag:s10] =	ssyncset.done $0x0  }
0x6e: {  	[sflag:s10] =	ssyncadd.s32 $0xFFFFFF80  }
0x6f: {  	[spmem:s1] =	stream.indirect.scatter.add.f32 [tilespmem:s28], [sflag:$0x5], $0x80, s30, s31, $0xb8;
	[tilespmem:$0x1CB00] =	vst v63  }
0x70: {  	_ =	swait.ge [sflag:s29], $0x4000  }
0x71: {  	[sflag:s29] =	ssyncset.done $0x0  }
0x72: {  	s23 =	sadd.s32 $0x80, s17;
	[sflag:s29] =	ssyncadd.s32 $0xFFFFC000  }
0x73: {  	[tilespmem:s28], [sflag:$0x1] =	stream.indirect.gather [hbm4b:s4+s31], $0x80, s23, s31, $0xb8;
	[tilespmem:$0x1CB00] =	vst v63  }
0x74: {  	s23 =	sadd.s32 s24, s21  }
0x75: {  	[tilespmem:s30], [sflag:$0x3] =	stream.linear.gather [hbm4b:s23+s2], $0x80, $0x38;
	[tilespmem:$0x1CB00] =	vst v63  }
0x76: {  	_ =	swait.ge [sflag:s11], $0x4000  }
0x77: {  	[sflag:s11] =	ssyncset.done $0x0  }
0x78: {  	[sflag:s11] =	ssyncadd.s32 $0xFFFFC000  }
0x79: {  	_ =	swait.ge [sflag:s12], $0x80  }
.Ltmp1:
0x7a: {  	[sflag:s12] =	ssyncset.done $0x0;
	(pc) =	sbr.rel @p1 .LBB2_5-.Ltmp1, $4  }
0x7b: {  	[sflag:s12] =	ssyncadd.s32 $0xFFFFFF80  }
0x7c: {  	[spmem:s1] =	stream.indirect.scatter.add.f32 [tilespmem:s0], [sflag:$0x5], $0x80, s3, s31, $0xb8;
	[tilespmem:$0x1CB00] =	vst v63  }
0x7d: {  	_ =	swait.ge [sflag:s29], $0x4000  }
0x7e: {  	[sflag:s29] =	ssyncset.done $0x0  }
0x7f: {  	[sflag:s29] =	ssyncadd.s32 $0xFFFFC000  }
0x80: {  	[tilespmem:s0], [sflag:$0x2] =	stream.indirect.gather [hbm4b:s4+s31], $0x80, s13, s31, $0xb8;
	[tilespmem:$0x1CB00] =	vst v63  }
0x81: {  	s16 =	sadd.s32 s20, s16;
	s18 =	simm.s32 $0x1  }
0x82: {  	[tilespmem:s3], [sflag:$0x4] =	stream.linear.gather [hbm4b:s16+s2], $0x80, $0x38;
	[tilespmem:$0x1CB00] =	vst v63  }
0x83: {  	_ =	swait.ge [sflag:s18], $0x4000  }
0x84: {  	[sflag:s18] =	ssyncset.done $0x0  }
0x85: {  	[sflag:s18] =	ssyncadd.s32 $0xFFFFC000  }
0x86: {  	_ =	swait.ge [sflag:s10], $0x80  }
0x87: {  	[sflag:s10] =	ssyncset.done $0x0  }
0x88: {  	[sflag:s10] =	ssyncadd.s32 $0xFFFFFF80  }
0x89: {  	[spmem:s1] =	stream.indirect.scatter.add.f32 [tilespmem:s28], [sflag:$0x5], $0x80, s30, s31, $0xb8;
	[tilespmem:$0x1CB00] =	vst v63  }
0x8a: {  	_ =	swait.ge [sflag:s29], $0x4000  }
0x8b: {  	[sflag:s29] =	ssyncset.done $0x0  }
0x8c: {  	[sflag:s29] =	ssyncadd.s32 $0xFFFFC000  }
0x8d: {  	_ =	swait.ge [sflag:s11], $0x4000  }
0x8e: {  	[sflag:s11] =	ssyncset.done $0x0  }
0x8f: {  	[sflag:s11] =	ssyncadd.s32 $0xFFFFC000  }
0x90: {  	_ =	swait.ge [sflag:s12], $0x80  }
0x91: {  	[sflag:s12] =	ssyncset.done $0x0  }
.Ltmp2:
0x92: {  	[sflag:s12] =	ssyncadd.s32 $0xFFFFFF80;
	(pc) =	sbr.rel @p0 .LBB2_4-.Ltmp2, $4  }
0x93: {  	[spmem:s1] =	stream.indirect.scatter.add.f32 [tilespmem:s0], [sflag:$0x5], $0x80, s3, s31, $0xb8;
	[tilespmem:$0x1CB00] =	vst v63  }
0x94: {  	_ =	swait.ge [sflag:s29], $0x4000  }
0x95: {  	[sflag:s29] =	ssyncset.done $0x0  }
0x96: {  	p1 =	por $0x0, $0x0;
	[sflag:s29] =	ssyncadd.s32 $0xFFFFC000  }
0x97: {  	[bflag:$0x0] =	sbarrier.arrive $0xFFFF  }
0x98: {  	[tilespmem:s28], [sflag:$0x5] =	stream.linear.gather [spmem:s8], $0x4000, $0x38;
	[tilespmem:$0x1CB00] =	vst v63  }
0x99: {  	_ =	swait.ge [sflag:s29], $0x4000  }
0x9a: {  	[sflag:s29] =	ssyncset.done $0x0  }
0x9b: {  	s15 =	rddreg [dreg:$0x7];
	[sflag:s29] =	ssyncadd.s32 $0xFFFFC000  }
0x9c: {  	[hbm4b:s15+s2] =	stream.linear.scatter [tilespmem:s28], [sflag:$0x5], $0x4000, $0x38;
	[tilespmem:$0x1CB00] =	vst v63  }
0x9d: {  	_ =	swait.ge [sflag:s29], $0x4000  }
0x9e: {  	[sflag:s29] =	ssyncset.done $0x0  }
0x9f: {  	s23 =	rddreg [dreg:$0xd];
	[sflag:s29] =	ssyncadd.s32 $0xFFFFC000  }
0xa0: {  	[tilespmem:s28], [sflag:$0x5] =	stream.linear.gather [spmem:s23], $0x4000, $0x38;
	[tilespmem:$0x1CB00] =	vst v63  }
0xa1: {  	_ =	swait.ge [sflag:s29], $0x4000  }
0xa2: {  	[sflag:s29] =	ssyncset.done $0x0  }
0xa3: {  	s24 =	rddreg [dreg:$0x8];
	[sflag:s29] =	ssyncadd.s32 $0xFFFFC000  }
0xa4: {  	[hbm4b:s24+s2] =	stream.linear.scatter [tilespmem:s28], [sflag:$0x5], $0x4000, $0x38;
	[tilespmem:$0x1CB00] =	vst v63  }
0xa5: {  	_ =	swait.ge [sflag:s29], $0x4000  }
0xa6: {  	[sflag:s29] =	ssyncset.done $0x0  }
0xa7: {  	s16 =	rddreg [dreg:$0xe];
	[sflag:s29] =	ssyncadd.s32 $0xFFFFC000  }
0xa8: {  	[tilespmem:s28], [sflag:$0x5] =	stream.linear.gather [spmem:s16], $0x4000, $0x38;
	[tilespmem:$0x1CB00] =	vst v63  }
0xa9: {  	_ =	swait.ge [sflag:s29], $0x4000  }
0xaa: {  	[sflag:s29] =	ssyncset.done $0x0  }
0xab: {  	s17 =	rddreg [dreg:$0x9];
	[sflag:s29] =	ssyncadd.s32 $0xFFFFC000  }
0xac: {  	[hbm4b:s17+s2] =	stream.linear.scatter [tilespmem:s28], [sflag:$0x5], $0x4000, $0x38;
	[tilespmem:$0x1CB00] =	vst v63  }
0xad: {  	_ =	swait.ge [sflag:s29], $0x4000  }
0xae: {  	[sflag:s29] =	ssyncset.done $0x0  }
0xaf: {  	s18 =	rddreg [dreg:$0xf];
	[sflag:s29] =	ssyncadd.s32 $0xFFFFC000  }
0xb0: {  	[tilespmem:s28], [sflag:$0x5] =	stream.linear.gather [spmem:s18], $0x4000, $0x38;
	[tilespmem:$0x1CB00] =	vst v63  }
0xb1: {  	_ =	swait.ge [sflag:s29], $0x4000  }
0xb2: {  	[sflag:s29] =	ssyncset.done $0x0  }
0xb3: {  	s21 =	rddreg [dreg:$0xa];
	[sflag:s29] =	ssyncadd.s32 $0xFFFFC000  }
0xb4: {  	[hbm4b:s21+s2] =	stream.linear.scatter [tilespmem:s28], [sflag:$0x5], $0x4000, $0x38;
	[tilespmem:$0x1CB00] =	vst v63  }
0xb5: {  	_ =	swait.ge [sflag:s29], $0x4000  }
0xb6: {  	[sflag:s29] =	ssyncset.done $0x0  }
0xb7: {  	s22 =	rddreg [dreg:$0x10];
	[sflag:s29] =	ssyncadd.s32 $0xFFFFC000  }
0xb8: {  	[tilespmem:s28], [sflag:$0x5] =	stream.linear.gather [spmem:s22], $0x4000, $0x38;
	[tilespmem:$0x1CB00] =	vst v63  }
0xb9: {  	_ =	swait.ge [sflag:s29], $0x4000  }
0xba: {  	[sflag:s29] =	ssyncset.done $0x0  }
0xbb: {  	s23 =	rddreg [dreg:$0xb];
	[sflag:s29] =	ssyncadd.s32 $0xFFFFC000  }
0xbc: {  	[hbm4b:s23+s2] =	stream.linear.scatter [tilespmem:s28], [sflag:$0x5], $0x4000, $0x38;
	[tilespmem:$0x1CB00] =	vst v63  }
0xbd: {  	_ =	swait.ge [sflag:s29], $0x4000  }
0xbe: {  	s14 =	sadd.s32 $0x1, s14;
	s24 =	rddreg [dreg:$0x3]  }
0xbf: {  	p0 =	sne.s32 s14, s24  }
.Ltmp3:
0xc0: {  	_ = 	snop;
	(pc) =	sbr.rel @p0 .LBB2_1-.Ltmp3, $3  }
0xc1: {  	_ =	sdelay $0x1  }
0xc2: {  	[sflag:s29] =	ssyncset.done $0x0  }
0xc3: {  	[sflag:s29] =	ssyncadd.s32 $0xFFFFC000  }
0xc4: {  	_ =	sfence.sel $0x180000  }
0xc5: {  	[bflag:$0x0] =	sbarrier.arrive $0xFFFF  }
0xc6: {  	_ =	strace $0x90000047  }
0xc7: {  	s0 =	stileid.u32;
	[bflag:$0x2] =	sbarrier.arrive $0xFFFF  }
0xc8: {  	p0 =	sne.s32 s0, $0x0;
	s0 =	rddreg [dreg:$0x2]  }
0xc9: {  	s0 =	sadd.s32 @!p0 $0x100000, s0  }
0xca: {  	[sflag:s0] =	ssyncadd.tile.s32 @!p0 $0x1;
	_ =	shalt  }
.Lfunc_end2:
_tile_overlayer_lowered:
.L_overlay_start_2:
0xcb: {  	(tag) =	ssettag $0x2  }
0xcc: {  	s0 =	rddreg [dreg:$0x0];
	s2 =	stileid.u32  }
0xcd: {  	s1 =	rddreg [dreg:$0x1];
	p0 =	sne.s32 s2, $0x0  }
0xce: {  	s3 =	rddreg [dreg:$0x2];
	[bflag:$0x3] =	sbarrier.arrive $0xFFFF;
	s2 =	simm.s32 @!p0 $0x1C06  }
0xcf: {  	[timem:s3], [sflag:s2] =	dma.local @!p0 [hbm:s0], s1  }
0xd0: {  	s0 =	simm.s32 @!p0 $0x6  }
0xd1: {  	_ =	swait.ge @!p0 [sflag:s0], s1  }
0xd2: {  	s1 =	ssub.s32 @!p0 $0x0, s1;
	[sflag:s0] =	ssyncset.done @!p0 $0x0  }
0xd3: {  	[sflag:s0] =	ssyncadd.s32 @!p0 s1  }
0xd4: {  	[bflag:$0x3] =	sbarrier.arrive $0xFFFF  }
0xd5: {  	_ =	shalt  }

// kernel: kernel.23.cloned.1.call-start
scs
__scs_entry_jumppad:
0x0: {  	(pc) =	sbr.rel $0x88, $3  }
0x1: {  	(tag) =	ssettag $0x0;
	lr =	simm.s32 $0x1  }
0x2: {  	[smem:$0x3F91] =	sst lr;
	_ =	strace $0xD0000000  }
0x3: {  	_ = 	snop  }
0x4: {  	_ = 	snop  }
0x5: {  	_ = 	snop  }
0x6: {  	_ = 	snop  }
0x7: {  	_ = 	snop  }
__scs_overlays_trampoline_lowered:
0x8: {  	[smem:$0x3FA0] =	sst s0  }
0x9: {  	[smem:$0x3FA1] =	sst s1  }
0xa: {  	[smem:$0x3FA2] =	sst s2  }
0xb: {  	[smem:$0x3FA3] =	sst s3  }
0xc: {  	[smem:$0x3FA4] =	sst s4  }
0xd: {  	[smem:$0x3FA5] =	sst s5  }
0xe: {  	[smem:$0x3FA6] =	sst s6  }
0xf: {  	[smem:$0x3FA7] =	sst s7  }
0x10: {  	[smem:$0x3FA8] =	sst s8  }
0x11: {  	[smem:$0x3FA9] =	sst s9;
	s0 =	simm.s32 @!p0 $0x0  }
0x12: {  	s1 =	sld [smem:$0x3F8F];
	s0 =	simm.s32 @p0 $0x1  }
0x13: {  	[smem:$0x3FAA] =	sst s0;
	s0 =	simm.s32 @!p1 $0x0  }
0x14: {  	s2 =	sld [smem:$0x3F8E];
	s0 =	simm.s32 @p1 $0x1  }
0x15: {  	[smem:$0x3FAB] =	sst s0;
	s0 =	simm.s32 @!p2 $0x0  }
0x16: {  	s3 =	sld [smem:$0x3FDB];
	s0 =	simm.s32 @p2 $0x1  }
0x17: {  	s4 =	simm.s32 $0x1BF5;
	[smem:$0x3FAD] =	sst s0  }
0x18: {  	s0 =	sld [smem:$0x3F90];
	_ =	swait.ge [sflag:s4], $0x0  }
0x19: {  	s7 =	sld [smem:$0x3F91]  }
0x1a: {  	s8 =	sadd.s32 $0xFFFFE003, lr  }
0x1b: {  	s9 =	sadd.s32 $0xFFFFFEF7, lr;
	s5 =	simm.s32 $0xFFFFFFFF;
	p2 =	slt.u32 s8, $0xFFFFF086  }
0x1c: {  	p1 =	slt.u32 s9, $0xF7A;
	s5 =	simm.s32 @!p2 $0x0  }
0x1d: {  	s5 =	simm.s32 @p1 $0x1;
	p0 =	seq.s32 s7, s2  }
0x1e: {  	s7 =	smul.u32 @!p0 $0xF7A, s2;
	p2 =	seq.s32 @!p0 s5, $0x0  }
0x1f: {  	s9 =	smul.u32 $0xF7A, s1;
	s8 =	simm.s32 @!p0 $0x1BF5;
	p2 =	por !p2, p0  }
0x20: {  	[sflag:s8] =	ssyncset.s32 @!p0 $0xFFFFF086;
	s6 =	sadd.s32 @!p0 s3, s7;
	s7 =	simm.s32 @!p0 $0x108  }
0x21: {  	s3 =	sadd.s32 s3, s9;
	s6 =	sadd.s32 @!p0 $0x88, s6;
	s7 =	simm.s32 @p2 $0x1082  }
0x22: {  	[simem:s7], [sflag:s8] =	dma.local @!p0 [hbm:s6], $0xF7A  }
0x23: {  	s9 =	sor.u32 $0xD0000000, s2;
	s6 =	simm.s32 $0x108;
	_ =	swait.ge @!p0 [sflag:s8], $0x0  }
0x24: {  	s3 =	sadd.s32 $0x88, s3;
	s6 =	simm.s32 @!p1 $0x1082;
	[sflag:s4] =	ssyncset.s32 $0xFFFFF086  }
0x25: {  	[simem:s6], [sflag:s4] =	dma.local [hbm:s3], $0xF7A  }
0x26: {  	[smem:$0x3F91] =	sst s1;
	(tag) =	ssettag s2;
	_ =	strace s9  }
0x27: {  	s1 =	sld [smem:$0x3FA1]  }
0x28: {  	s2 =	sld [smem:$0x3FA2]  }
0x29: {  	s4 =	sld [smem:$0x3FA4]  }
0x2a: {  	p0 =	seq.s32 s5, $0x0;
	s5 =	sld [smem:$0x3FA5]  }
0x2b: {  	s6 =	sld [smem:$0x3FA6]  }
0x2c: {  	s7 =	sld [smem:$0x3FA7]  }
0x2d: {  	s3 =	simm.s32 $0x108;
	s8 =	sld [smem:$0x3FA8]  }
0x2e: {  	s3 =	simm.s32 @!p0 $0x1082;
	s9 =	sld [smem:$0x3FA9]  }
0x2f: {  	lr =	sadd.s32 s0, s3;
	s0 =	sld [smem:$0x3FA0]  }
0x30: {  	s3 =	sld [smem:$0x3FA3]  }
0x31: {  	[smem:$0x3FAC] =	sst s10  }
0x32: {  	s10 =	sld [smem:$0x3FAA];
	_ =	sdelay $0x3  }
0x33: {  	p0 =	seq.s32 s10, $0x1;
	s10 =	sld [smem:$0x3FAC];
	_ =	sdelay $0x3  }
0x34: {  	[smem:$0x3FAC] =	sst s10  }
0x35: {  	s10 =	sld [smem:$0x3FAB];
	_ =	sdelay $0x3  }
0x36: {  	p1 =	seq.s32 s10, $0x1;
	s10 =	sld [smem:$0x3FAC];
	_ =	sdelay $0x3  }
0x37: {  	[smem:$0x3FAC] =	sst s10  }
0x38: {  	s10 =	sld [smem:$0x3FAD]  }
0x39: {  	_ = 	snop;
	(pc) =	sbr.ind lr, $3  }
0x3a: {  	_ = 	snop  }
0x3b: {  	_ = 	snop  }
0x3c: {  	p2 =	seq.s32 s10, $0x1;
	s10 =	sld [smem:$0x3FAC]  }
0x3d: {  	_ =	shalt  }
0x3e: {  	_ =	shalt  }
0x3f: {  	_ =	shalt  }
0x40: {  	_ =	shalt  }
0x41: {  	_ =	shalt  }
0x42: {  	_ =	shalt  }
0x43: {  	_ =	shalt  }
0x44: {  	_ =	shalt  }
0x45: {  	_ =	shalt  }
0x46: {  	_ =	shalt  }
0x47: {  	_ =	shalt  }
0x48: {  	_ =	shalt  }
0x49: {  	_ =	shalt  }
0x4a: {  	_ =	shalt  }
0x4b: {  	_ =	shalt  }
0x4c: {  	_ =	shalt  }
0x4d: {  	_ =	shalt  }
0x4e: {  	_ =	shalt  }
0x4f: {  	_ =	shalt  }
0x50: {  	_ =	shalt  }
0x51: {  	_ =	shalt  }
0x52: {  	_ =	shalt  }
0x53: {  	_ =	shalt  }
0x54: {  	_ =	shalt  }
0x55: {  	_ =	shalt  }
0x56: {  	_ =	shalt  }
0x57: {  	_ =	shalt  }
0x58: {  	_ =	shalt  }
0x59: {  	_ =	shalt  }
0x5a: {  	_ =	shalt  }
0x5b: {  	_ =	shalt  }
0x5c: {  	_ =	shalt  }
0x5d: {  	_ =	shalt  }
0x5e: {  	_ =	shalt  }
0x5f: {  	_ =	shalt  }
0x60: {  	_ =	shalt  }
0x61: {  	_ =	shalt  }
0x62: {  	_ =	shalt  }
0x63: {  	_ =	shalt  }
0x64: {  	_ =	shalt  }
0x65: {  	_ =	shalt  }
0x66: {  	_ =	shalt  }
0x67: {  	_ =	shalt  }
0x68: {  	_ =	shalt  }
0x69: {  	_ =	shalt  }
0x6a: {  	_ =	shalt  }
0x6b: {  	_ =	shalt  }
0x6c: {  	_ =	shalt  }
0x6d: {  	_ =	shalt  }
0x6e: {  	_ =	shalt  }
0x6f: {  	_ =	shalt  }
0x70: {  	_ =	shalt  }
0x71: {  	_ =	shalt  }
0x72: {  	_ =	shalt  }
0x73: {  	_ =	shalt  }
0x74: {  	_ =	shalt  }
0x75: {  	_ =	shalt  }
0x76: {  	_ =	shalt  }
0x77: {  	_ =	shalt  }
0x78: {  	_ =	shalt  }
0x79: {  	_ =	shalt  }
0x7a: {  	_ =	shalt  }
0x7b: {  	_ =	shalt  }
0x7c: {  	_ =	shalt  }
0x7d: {  	_ =	shalt  }
0x7e: {  	_ =	shalt  }
0x7f: {  	_ =	shalt  }
0x80: {  	_ =	shalt  }
0x81: {  	_ =	shalt  }
0x82: {  	_ =	shalt  }
0x83: {  	_ =	shalt  }
0x84: {  	_ =	shalt  }
0x85: {  	_ =	shalt  }
0x86: {  	_ =	shalt  }
0x87: {  	_ =	shalt  }
.Lfunc_end0:
.L_simem_size_0:
called_computation.2_lowered:
.L_overlay_start_0:
0x88: {  	s2 =	sld [smem:$0x3FD9]  }
0x89: {  	s3 =	sld [smem:$0x3FFE];
	_ =	sdelay $0x1  }
0x8a: {  	s1 =	srdreg.scid  }
0x8b: {  	s0 =	sand.u32 $0x1, s1  }
0x8c: {  	s17 =	sshll.u32 s0, $0xA;
	s2 =	sadd.s32 s3, s2  }
0x8d: {  	s2 =	sadd.s32 s2, s17  }
0x8e: {  	[smem:$0x3FB8] =	sst s2  }
0x8f: {  	_ = 	snop  }
0x90: {  	(tm) =	ssettm $0x1  }
0x91: {  	s18 =	sld [smem:$0x3FFB];
	_ =	sdelay $0x3  }
0x92: {  	_ =	strace s18  }
0x93: {  	s2 =	sld [smem:$0x3FFC];
	_ =	sdelay $0x3  }
0x94: {  	_ =	strace s2  }
0x95: {  	s2 =	sld [smem:$0x3FFD];
	_ =	sdelay $0x3  }
0x96: {  	_ =	strace s2  }
0x97: {  	_ =	strace $0x8FFFFFFF  }
0x98: {  	s19 =	sld [smem:$0x3FDB];
	_ =	sdelay $0x1  }
0x99: {  	s20 =	simm.s32 $_scs_section_size  }
0x9a: {  	s4 =	simm.s32 $_size__tile_overlayer_lowered;
	s5 =	simm.s32 $_tile_overlayer_lowered  }
0x9b: {  	s6 =	simm.s32 $0x1BFF;
	s21 =	sshll.u32 s5, $0x1;
	s3 =	sadd.s32 s20, s19  }
0x9c: {  	s22 =	simm.s32 $0x0;
	s4 =	sshll.u32 s4, $0x1;
	s5 =	sadd.s32 s21, s3  }
0x9d: {  	[timem:s22], [sflag:s6] =	dma.local [hbm:s5], s4  }
0x9e: {  	_ =	swait.ge [sflag:s6], s4  }
0x9f: {  	s4 =	ssub.s32 $0x0, s4;
	[sflag:s6] =	ssyncset.done $0x0  }
0xa0: {  	[sflag:s6] =	ssyncadd.s32 s4;
	_ =	sdelay $0x1  }
0xa1: {  	s23 =	simm.s32 $0x1B8B  }
0xa2: {  	_ =	swait.ge [sflag:s23], $0x1  }
0xa3: {  	[sflag:s23] =	ssyncset.done $0x0  }
0xa4: {  	[sflag:s23] =	ssyncadd.s32 $0xFFFFFFFF  }
0xa5: {  	s4 =	sld [smem:$0x0]  }
0xa6: {  	s5 =	sand.u32 $0xFFFFFFFE, s1  }
0xa7: {  	p0 =	sne.s32 s1, s5  }
0xa8: {  	s5 =	sshll.u32 @p0 s5, $0xE  }
0xa9: {  	s5 =	sadd.s32 @p0 $0x11B8D, s5;
	s6 =	sshll.u32 @p0 s4, $0x11  }
0xaa: {  	s5 =	sor.u32 @p0 s6, s5  }
0xab: {  	[sflag:s5] =	ssyncadd.remote.s32 @p0 $0x1;
	_ =	sdelay $0x1  }
0xac: {  	s5 =	simm.s32 @p0 $0x1B8D  }
0xad: {  	_ =	swait.eq @p0 [sflag:s5], $0x1  }
0xae: {  	[sflag:s5] =	ssyncadd.s32 @p0 $0xFFFFFFFF  }
0xaf: {  	s6 =	sshll.u32 @!p0 s1, $0xE  }
0xb0: {  	s6 =	sor.u32 @!p0 $0x4000, s6;
	s5 =	simm.s32 @!p0 $0x1B8D  }
0xb1: {  	s4 =	sshll.u32 @!p0 s4, $0x11;
	s6 =	sadd.s32 @!p0 $0x11B8D, s6;
	_ =	swait.eq @!p0 [sflag:s5], $0x1  }
0xb2: {  	s4 =	sor.u32 @!p0 s4, s6;
	[sflag:s5] =	ssyncadd.s32 @!p0 $0xFFFFFFFF  }
0xb3: {  	s25 =	simm.s32 $0x1B8E;
	s24 =	sld [smem:$0x3FFE];
	[sflag:s4] =	ssyncadd.remote.s32 @!p0 $0x1  }
0xb4: {  	s26 =	simm.s32 $execute0_lowered;
	[smem:$0x3FD2] =	sst s25  }
0xb5: {  	s5 =	sshll.u32 s26, $0x1;
	_ =	strace $0x8000004F;
	[dreg:$0x1] =	wrdreg $0xFFFFFFFF  }
0xb6: {  	s28 =	simm.s32 $_size_execute0_lowered;
	s3 =	sadd.s32 s3, s5;
	[dreg:$0x0] =	wrdreg $0x0  }
0xb7: {  	s5 =	sshll.u32 s28, $0x1;
	[dreg:$0x2] =	wrdreg s3  }
0xb8: {  	[dreg:$0x3] =	wrdreg s5  }
0xb9: {  	[dreg:$0x4] =	wrdreg $0xC0  }
0xba: {  	_ =	task [dreg:s22], $0x5FFFF  }
0xbb: {  	[dreg:$0x1] =	wrdreg $0xFFFFFFFF  }
0xbc: {  	[dreg:$0x0] =	wrdreg $0x60  }
0xbd: {  	[dreg:$0x2] =	wrdreg s24  }
0xbe: {  	[dreg:$0x3] =	wrdreg $0x94800  }
0xbf: {  	[dreg:$0x4] =	wrdreg $0x9  }
0xc0: {  	_ =	task.clear_ibuf [dreg:s22], $0x5FFFF;
	_ =	strace $0x9000004F  }
0xc1: {  	s29 =	simm.s32 $0x9;
	_ =	strace $0x80000051  }
0xc2: {  	_ =	swait.ge [sflag:s29], $0x1  }
0xc3: {  	[sflag:s29] =	ssyncadd.s32 $0xFFFFFFFF  }
0xc4: {  	_ =	strace $0x90000051  }
0xc5: {  	_ =	sfence  }
0xc6: {  	s30 =	sld [smem:$0x0];
	_ =	sdelay $0x2  }
0xc7: {  	s31 =	sshll.u32 s1, $0xD;
	s1 =	sshrl.u32 s1, $0x2  }
0xc8: {  	s4 =	sand.u32 $0x4000, s31;
	s1 =	sadd.s32 s1, s30  }
0xc9: {  	s0 =	sor.u32 s4, s0;
	s1 =	sshll.u32 s1, $0x11  }
0xca: {  	s0 =	sor.u32 s1, s0  }
0xcb: {  	s0 =	sadd.s32 $0x8F2B, s0  }
0xcc: {  	[sflag:s0] =	ssyncadd.remote.s32 $0x1  }
0xcd: {  	_ =	sfence.sel $0xFFFF  }
0xce: {  	[dreg:$0x0] =	wrdreg $0xFFFFFFFF;
	(pc) =	sbr.abs _section_cstart, $3  }
0xcf: {  	[dreg:$0x1] =	wrdreg $0xFFFFFFFF  }
0xd0: {  	_ =	task.clear_ibuf [dreg:s22], $0x2FFFF;
	_ =	strace $0x9FFFFFFF  }
0xd1: {  	(tm) =	ssettm $0x7FFFFFFF  }
tec
execute0_lowered:
.L_overlay_start_1:
0x0: {  	(tag) =	ssettag $0x1  }
0x1: {  	s0 =	rddreg [dreg:$0x0]  }
0x2: {  	s1 =	rddreg [dreg:$0x1]  }
0x3: {  	s2 =	simm.s32 $0x0;
	s3 =	srdreg.scid;
	s17 =	stileid.u32  }
0x4: {  	s28 =	simm.s32 $0x1480;
	s29 =	simm.s32 $0x5;
	s30 =	simm.s32 $0x1380  }
0x5: {  	s31 =	simm.s32 $0x80;
	[smem:$0x7FF] =	sst s2;
	s4 =	sadd.s32 $0x60A00, s0  }
0x6: {  	s5 =	sadd.s32 $0x88A00, s0;
	s6 =	sadd.s32 $0x92800, s0;
	s9 =	smul.u32 $0x50000, s17  }
0x7: {  	s3 =	sand.u32 $0x1, s3;
	s7 =	sshll.u32 s17, $0x1;
	s22 =	smul.u32 $0x14000, s17  }
0x8: {  	s10 =	sadd.s32 $0x9C600, s0;
	s17 =	smul.u32 $0x9E, s17;
	s20 =	sadd.s32 $0x92A60, s0  }
0x9: {  	_ =	strace $0x80000050;
	s8 =	ssub.s32 $0x2, s3;
	s12 =	smul.u32 $0x140000, s3  }
0xa: {  	s7 =	sor.u32 s3, s7;
	s3 =	smul.u32 $0x4F, s3;
	s11 =	sshrl.u32 s8, $0x1  }
0xb: {  	s7 =	smul.u32 $0x4F, s7;
	s21 =	sshrl.u32 s9, $0x2;
	s25 =	sadd.s32 $0x4000, s22  }
0xc: {  	s15 =	sadd.s32 $0x8000, s22;
	s18 =	sadd.s32 $0xC000, s22;
	s11 =	ssub.s32 s8, s11  }
0xd: {  	s9 =	sadd.s32 $0x10000, s22;
	s8 =	sadd.s32 s21, s1;
	s11 =	smax.u32 s11, $0x1  }
0xe: {  	s26 =	sadd.s32 s12, s22;
	s23 =	sadd.s32 $0x4000, s8;
	[dreg:$0x3] =	wrdreg s11  }
0xf: {  	s14 =	sadd.s32 s12, s25;
	s24 =	sadd.s32 $0x8000, s8;
	[dreg:$0x4] =	wrdreg s23  }
0x10: {  	s16 =	sadd.s32 s12, s15;
	s13 =	sadd.s32 $0xC000, s8;
	[dreg:$0x5] =	wrdreg s24  }
0x11: {  	s14 =	sshrl.u32 s14, $0x3;
	s22 =	sadd.s32 $0x10000, s8;
	[dreg:$0x6] =	wrdreg s13  }
0x12: {  	s19 =	sadd.s32 s3, s17;
	s14 =	sadd.s32 s10, s14;
	[dreg:$0xc] =	wrdreg s22  }
0x13: {  	s3 =	simm.s32 $0x1400;
	s23 =	sadd.s32 s25, s1;
	[dreg:$0x8] =	wrdreg s14  }
0x14: {  	s13 =	sshrl.u32 s26, $0x3;
	s24 =	sadd.s32 s15, s1;
	[dreg:$0xd] =	wrdreg s23  }
0x15: {  	s25 =	sadd.s32 s18, s1;
	s26 =	sadd.s32 s9, s1;
	[dreg:$0xe] =	wrdreg s24  }
0x16: {  	s11 =	simm.s32 $0x2;
	s13 =	sadd.s32 s10, s13;
	[dreg:$0xf] =	wrdreg s25  }
0x17: {  	[dreg:$0x10] =	wrdreg s26;
	s25 =	sadd.s32 $0x92820, s0;
	s26 =	sadd.s32 $0x1, s19  }
0x18: {  	s0 =	simm.s32 $0x5480;
	s14 =	simm.s32 $0x0;
	[dreg:$0x7] =	wrdreg s13  }
0x19: {  	s13 =	sshrl.u32 s16, $0x3;
	s16 =	sadd.s32 s12, s18;
	s12 =	sadd.s32 s12, s9  }
0x1a: {  	s9 =	simm.s32 $0x1;
	s16 =	sshrl.u32 s16, $0x3;
	s13 =	sadd.s32 s10, s13  }
0x1b: {  	s12 =	sshrl.u32 s12, $0x3;
	[dreg:$0x9] =	wrdreg s13;
	s21 =	sadd.s32 s10, s16  }
0x1c: {  	s10 =	sadd.s32 s10, s12;
	s12 =	simm.s32 $0x4;
	[dreg:$0xa] =	wrdreg s21  }
0x1d: {  	v0 =	vimm.f32 $0.0e+00;
	s13 =	simm.s32 $0x1300;
	[dreg:$0xb] =	wrdreg s10;
	s10 =	simm.s32 $0x3  }
.LBB2_1:
0x1e: {  	s15 =	sand.u32 $0xFE00, s2  }
0x1f: {  	s16 =	sand.u32 $0x70, s2;
	s17 =	sshrl.u32 s15, $0x2  }
0x20: {  	s15 =	simm.s32 $0x40;
	s17 =	sor.u32 s16, s17;
	s16 =	simm.s32 $0x0  }
.LBB2_2:
0x21: {  	p0 =	sne.s32 s15, $0xFFC0  }
0x22: {  	[tilespmem:s17+$0x1480] =	vst v0;
	s16 =	sadd.s32 $0x10, s16;
	s17 =	smov.u32 s15;
	s15 =	sadd.s32 $0x40, s15  }
.Ltmp0:
0x23: {  	(pc) =	sbr.rel @p0 .LBB2_2-.Ltmp0, $4  }
0x24: {  	_ = 	snop  }
0x25: {  	s17 =	sand.u32 $0xFE00, s17  }
0x26: {  	s18 =	sand.u32 $0x70, s16;
	s17 =	sshrl.u32 s17, $0x2  }
0x27: {  	s17 =	sor.u32 s18, s17  }
0x28: {  	[tilespmem:s17+$0x1480] =	vst v0  }
0x29: {  	[spmem:s8] =	stream.linear.scatter [tilespmem:s28], [sflag:$0x5], $0x4000, $0x38;
	[tilespmem:$0x1D480] =	vst v63  }
0x2a: {  	_ =	swait.ge [sflag:s29], $0x4000  }
0x2b: {  	[sflag:s29] =	ssyncset.done $0x0  }
0x2c: {  	s15 =	rddreg [dreg:$0x4];
	[sflag:s29] =	ssyncadd.s32 $0xFFFFC000  }
0x2d: {  	[spmem:s15] =	stream.linear.scatter [tilespmem:s28], [sflag:$0x5], $0x4000, $0x38;
	[tilespmem:$0x1D480] =	vst v63  }
0x2e: {  	_ =	swait.ge [sflag:s29], $0x4000  }
0x2f: {  	[sflag:s29] =	ssyncset.done $0x0  }
0x30: {  	s22 =	rddreg [dreg:$0x5];
	[sflag:s29] =	ssyncadd.s32 $0xFFFFC000  }
0x31: {  	[spmem:s22] =	stream.linear.scatter [tilespmem:s28], [sflag:$0x5], $0x4000, $0x38;
	[tilespmem:$0x1D480] =	vst v63  }
0x32: {  	_ =	swait.ge [sflag:s29], $0x4000  }
0x33: {  	[sflag:s29] =	ssyncset.done $0x0  }
0x34: {  	s23 =	rddreg [dreg:$0x6];
	[sflag:s29] =	ssyncadd.s32 $0xFFFFC000  }
0x35: {  	[spmem:s23] =	stream.linear.scatter [tilespmem:s28], [sflag:$0x5], $0x4000, $0x38;
	[tilespmem:$0x1D480] =	vst v63  }
0x36: {  	_ =	swait.ge [sflag:s29], $0x4000  }
0x37: {  	[sflag:s29] =	ssyncset.done $0x0  }
0x38: {  	s24 =	rddreg [dreg:$0xc];
	[sflag:s29] =	ssyncadd.s32 $0xFFFFC000  }
0x39: {  	[spmem:s24] =	stream.linear.scatter [tilespmem:s28], [sflag:$0x5], $0x4000, $0x38;
	[tilespmem:$0x1D480] =	vst v63  }
0x3a: {  	_ =	swait.ge [sflag:s29], $0x4000  }
0x3b: {  	[sflag:s29] =	ssyncset.done $0x0  }
0x3c: {  	p1 =	por $0x1, $0x1;
	[sflag:s29] =	ssyncadd.s32 $0xFFFFC000  }
0x3d: {  	s21 =	simm.s32 $0x0;
	s15 =	simm.s32 $0x0;
	[bflag:$0x0] =	sbarrier.arrive $0xFFFF  }
.LBB2_4:
0x3e: {  	s16 =	sadd.s32 s7, s21  }
0x3f: {  	s16 =	sshll.u32 s16, $0x4  }
0x40: {  	s17 =	sadd.s32 s5, s16  }
0x41: {  	[tilespmem:s15], [sflag:$0x5] =	stream.linear.gather [hbm4b:s17+s15], $0x1380, $0x38;
	[tilespmem:$0x1D480] =	vst v63  }
0x42: {  	_ =	swait.ge [sflag:s29], $0x1380  }
0x43: {  	[sflag:s29] =	ssyncset.done $0x0  }
0x44: {  	s17 =	simm.s32 $0x80;
	[sflag:s29] =	ssyncadd.s32 $0xFFFFEC80  }
0x45: {  	[tilespmem:s28], [sflag:$0x1] =	stream.indirect.gather [hbm4b:s4+s17], $0x80, s15, s17, $0xb8;
	[tilespmem:$0x1D480] =	vst v63  }
0x46: {  	s24 =	sadd.s32 s21, s26;
	s18 =	sadd.s32 s6, s16  }
0x47: {  	[tilespmem:s30], [sflag:$0x3] =	stream.linear.gather [hbm4b:s18+s15], $0x80, $0x38;
	[tilespmem:$0x1D480] =	vst v63  }
0x48: {  	s18 =	sshll.u32 s24, $0x4  }
0x49: {  	s18 =	sand.u32 $0xFFFFF0, s18  }
0x4a: {  	s18 =	sadd.s32 s18, s6  }
0x4b: {  	[tilespmem:s0], [sflag:$0x2] =	stream.indirect.gather [hbm4b:s4+s31], $0x80, s17, s31, $0xb8;
	[tilespmem:$0x1D480] =	vst v63  }
0x4c: {  	s22 =	sadd.s32 $0x0, s18  }
0x4d: {  	[tilespmem:s3], [sflag:$0x4] =	stream.linear.gather [hbm4b:s22+s2], $0x80, $0x38;
	[tilespmem:$0x1D480] =	vst v63  }
0x4e: {  	_ =	swait.ge [sflag:s9], $0x4000  }
0x4f: {  	[sflag:s9] =	ssyncset.done $0x0  }
0x50: {  	[sflag:s9] =	ssyncadd.s32 $0xFFFFC000  }
0x51: {  	_ =	swait.ge [sflag:s10], $0x80  }
0x52: {  	[sflag:s10] =	ssyncset.done $0x0  }
0x53: {  	s22 =	sadd.s32 s21, s19;
	[sflag:s10] =	ssyncadd.s32 $0xFFFFFF80  }
0x54: {  	[spmem:s1] =	stream.indirect.scatter.add.f32 [tilespmem:s28], [sflag:$0x5], $0x80, s30, s31, $0xb8;
	[tilespmem:$0x1D480] =	vst v63  }
0x55: {  	s21 =	sand.u32 $0xFFFFFF, s22;
	_ =	swait.ge [sflag:s29], $0x4000  }
0x56: {  	s21 =	sshll.u32 s21, $0x4;
	[sflag:s29] =	ssyncset.done $0x0  }
0x57: {  	s23 =	simm.s32 $0x100;
	s21 =	sadd.s32 s21, s25;
	[sflag:s29] =	ssyncadd.s32 $0xFFFFC000  }
0x58: {  	[tilespmem:s28], [sflag:$0x1] =	stream.indirect.gather [hbm4b:s4+s31], $0x80, s23, s31, $0xb8;
	[tilespmem:$0x1D480] =	vst v63  }
0x59: {  	s24 =	sadd.s32 $0x0, s21  }
0x5a: {  	[tilespmem:s30], [sflag:$0x3] =	stream.linear.gather [hbm4b:s24+s2], $0x80, $0x38;
	[tilespmem:$0x1D480] =	vst v63  }
0x5b: {  	_ =	swait.ge [sflag:s11], $0x4000  }
0x5c: {  	[sflag:s11] =	ssyncset.done $0x0  }
0x5d: {  	[sflag:s11] =	ssyncadd.s32 $0xFFFFC000  }
0x5e: {  	_ =	swait.ge [sflag:s12], $0x80  }
0x5f: {  	[sflag:s12] =	ssyncset.done $0x0  }
0x60: {  	[sflag:s12] =	ssyncadd.s32 $0xFFFFFF80  }
0x61: {  	[spmem:s1] =	stream.indirect.scatter.add.f32 [tilespmem:s0], [sflag:$0x5], $0x80, s3, s31, $0xb8;
	[tilespmem:$0x1D480] =	vst v63  }
0x62: {  	_ =	swait.ge [sflag:s29], $0x4000  }
0x63: {  	p0 =	por p1, p1;
	s22 =	simm.s32 $0x20;
	[sflag:s29] =	ssyncset.done $0x0  }
.LBB2_5:
0x64: {  	p1 =	sne.s32 s22, $0x220;
	[sflag:s29] =	ssyncadd.s32 $0xFFFFC000;
	s17 =	sadd.s32 $0x100, s17  }
0x65: {  	[tilespmem:s0], [sflag:$0x2] =	stream.indirect.gather [hbm4b:s4+s31], $0x80, s17, s31, $0xb8;
	[tilespmem:$0x1D480] =	vst v63  }
0x66: {  	s23 =	sadd.s32 s22, s18;
	s24 =	smov.u32 s22;
	s22 =	sadd.s32 $0x20, s22  }
0x67: {  	[tilespmem:s3], [sflag:$0x4] =	stream.linear.gather [hbm4b:s23+s2], $0x80, $0x38;
	[tilespmem:$0x1D480] =	vst v63  }
0x68: {  	_ =	swait.ge [sflag:s9], $0x4000  }
0x69: {  	[sflag:s9] =	ssyncset.done $0x0  }
0x6a: {  	[sflag:s9] =	ssyncadd.s32 $0xFFFFC000  }
0x6b: {  	_ =	swait.ge [sflag:s10], $0x80  }
0x6c: {  	[sflag:s10] =	ssyncset.done $0x0  }
0x6d: {  	[sflag:s10] =	ssyncadd.s32 $0xFFFFFF80  }
0x6e: {  	[spmem:s1] =	stream.indirect.scatter.add.f32 [tilespmem:s28], [sflag:$0x5], $0x80, s30, s31, $0xb8;
	[tilespmem:$0x1D480] =	vst v63  }
0x6f: {  	_ =	swait.ge [sflag:s29], $0x4000  }
0x70: {  	[sflag:s29] =	ssyncset.done $0x0  }
0x71: {  	s23 =	sadd.s32 $0x80, s17;
	[sflag:s29] =	ssyncadd.s32 $0xFFFFC000  }
0x72: {  	[tilespmem:s28], [sflag:$0x1] =	stream.indirect.gather [hbm4b:s4+s31], $0x80, s23, s31, $0xb8;
	[tilespmem:$0x1D480] =	vst v63  }
0x73: {  	s23 =	sadd.s32 s24, s21  }
0x74: {  	[tilespmem:s30], [sflag:$0x3] =	stream.linear.gather [hbm4b:s23+s2], $0x80, $0x38;
	[tilespmem:$0x1D480] =	vst v63  }
0x75: {  	_ =	swait.ge [sflag:s11], $0x4000  }
0x76: {  	[sflag:s11] =	ssyncset.done $0x0  }
0x77: {  	[sflag:s11] =	ssyncadd.s32 $0xFFFFC000  }
0x78: {  	_ =	swait.ge [sflag:s12], $0x80  }
.Ltmp1:
0x79: {  	[sflag:s12] =	ssyncset.done $0x0;
	(pc) =	sbr.rel @p1 .LBB2_5-.Ltmp1, $4  }
0x7a: {  	[sflag:s12] =	ssyncadd.s32 $0xFFFFFF80  }
0x7b: {  	[spmem:s1] =	stream.indirect.scatter.add.f32 [tilespmem:s0], [sflag:$0x5], $0x80, s3, s31, $0xb8;
	[tilespmem:$0x1D480] =	vst v63  }
0x7c: {  	_ =	swait.ge [sflag:s29], $0x4000  }
0x7d: {  	[sflag:s29] =	ssyncset.done $0x0  }
0x7e: {  	[sflag:s29] =	ssyncadd.s32 $0xFFFFC000  }
0x7f: {  	[tilespmem:s0], [sflag:$0x2] =	stream.indirect.gather [hbm4b:s4+s31], $0x80, s13, s31, $0xb8;
	[tilespmem:$0x1D480] =	vst v63  }
0x80: {  	s16 =	sadd.s32 s20, s16  }
0x81: {  	[tilespmem:s3], [sflag:$0x4] =	stream.linear.gather [hbm4b:s16+s2], $0x80, $0x38;
	[tilespmem:$0x1D480] =	vst v63  }
0x82: {  	_ =	swait.ge [sflag:s9], $0x4000  }
0x83: {  	[sflag:s9] =	ssyncset.done $0x0  }
0x84: {  	[sflag:s9] =	ssyncadd.s32 $0xFFFFC000  }
0x85: {  	_ =	swait.ge [sflag:s10], $0x80  }
0x86: {  	[sflag:s10] =	ssyncset.done $0x0  }
0x87: {  	[sflag:s10] =	ssyncadd.s32 $0xFFFFFF80  }
0x88: {  	[spmem:s1] =	stream.indirect.scatter.add.f32 [tilespmem:s28], [sflag:$0x5], $0x80, s30, s31, $0xb8;
	[tilespmem:$0x1D480] =	vst v63  }
0x89: {  	_ =	swait.ge [sflag:s29], $0x4000  }
0x8a: {  	[sflag:s29] =	ssyncset.done $0x0  }
0x8b: {  	[sflag:s29] =	ssyncadd.s32 $0xFFFFC000  }
0x8c: {  	_ =	swait.ge [sflag:s11], $0x4000  }
0x8d: {  	[sflag:s11] =	ssyncset.done $0x0  }
0x8e: {  	[sflag:s11] =	ssyncadd.s32 $0xFFFFC000  }
0x8f: {  	_ =	swait.ge [sflag:s12], $0x80  }
0x90: {  	[sflag:s12] =	ssyncset.done $0x0  }
.Ltmp2:
0x91: {  	[sflag:s12] =	ssyncadd.s32 $0xFFFFFF80;
	(pc) =	sbr.rel @p0 .LBB2_4-.Ltmp2, $4  }
0x92: {  	[spmem:s1] =	stream.indirect.scatter.add.f32 [tilespmem:s0], [sflag:$0x5], $0x80, s3, s31, $0xb8;
	[tilespmem:$0x1D480] =	vst v63  }
0x93: {  	_ =	swait.ge [sflag:s29], $0x4000  }
0x94: {  	[sflag:s29] =	ssyncset.done $0x0  }
0x95: {  	s21 =	simm.s32 $0x27;
	p1 =	por $0x0, $0x0;
	[sflag:s29] =	ssyncadd.s32 $0xFFFFC000  }
0x96: {  	[bflag:$0x0] =	sbarrier.arrive $0xFFFF  }
0x97: {  	[tilespmem:s28], [sflag:$0x5] =	stream.linear.gather [spmem:s8], $0x4000, $0x38;
	[tilespmem:$0x1D480] =	vst v63  }
0x98: {  	_ =	swait.ge [sflag:s29], $0x4000  }
0x99: {  	[sflag:s29] =	ssyncset.done $0x0  }
0x9a: {  	s15 =	rddreg [dreg:$0x7];
	[sflag:s29] =	ssyncadd.s32 $0xFFFFC000  }
0x9b: {  	[hbm4b:s15+s2] =	stream.linear.scatter [tilespmem:s28], [sflag:$0x5], $0x4000, $0x38;
	[tilespmem:$0x1D480] =	vst v63  }
0x9c: {  	_ =	swait.ge [sflag:s29], $0x4000  }
0x9d: {  	[sflag:s29] =	ssyncset.done $0x0  }
0x9e: {  	s23 =	rddreg [dreg:$0xd];
	[sflag:s29] =	ssyncadd.s32 $0xFFFFC000  }
0x9f: {  	[tilespmem:s28], [sflag:$0x5] =	stream.linear.gather [spmem:s23], $0x4000, $0x38;
	[tilespmem:$0x1D480] =	vst v63  }
0xa0: {  	_ =	swait.ge [sflag:s29], $0x4000  }
0xa1: {  	[sflag:s29] =	ssyncset.done $0x0  }
0xa2: {  	s24 =	rddreg [dreg:$0x8];
	[sflag:s29] =	ssyncadd.s32 $0xFFFFC000  }
0xa3: {  	[hbm4b:s24+s2] =	stream.linear.scatter [tilespmem:s28], [sflag:$0x5], $0x4000, $0x38;
	[tilespmem:$0x1D480] =	vst v63  }
0xa4: {  	_ =	swait.ge [sflag:s29], $0x4000  }
0xa5: {  	[sflag:s29] =	ssyncset.done $0x0  }
0xa6: {  	s16 =	rddreg [dreg:$0xe];
	[sflag:s29] =	ssyncadd.s32 $0xFFFFC000  }
0xa7: {  	[tilespmem:s28], [sflag:$0x5] =	stream.linear.gather [spmem:s16], $0x4000, $0x38;
	[tilespmem:$0x1D480] =	vst v63  }
0xa8: {  	_ =	swait.ge [sflag:s29], $0x4000  }
0xa9: {  	[sflag:s29] =	ssyncset.done $0x0  }
0xaa: {  	s17 =	rddreg [dreg:$0x9];
	[sflag:s29] =	ssyncadd.s32 $0xFFFFC000  }
0xab: {  	[hbm4b:s17+s2] =	stream.linear.scatter [tilespmem:s28], [sflag:$0x5], $0x4000, $0x38;
	[tilespmem:$0x1D480] =	vst v63  }
0xac: {  	_ =	swait.ge [sflag:s29], $0x4000  }
0xad: {  	[sflag:s29] =	ssyncset.done $0x0  }
0xae: {  	s18 =	rddreg [dreg:$0xf];
	[sflag:s29] =	ssyncadd.s32 $0xFFFFC000  }
0xaf: {  	[tilespmem:s28], [sflag:$0x5] =	stream.linear.gather [spmem:s18], $0x4000, $0x38;
	[tilespmem:$0x1D480] =	vst v63  }
0xb0: {  	_ =	swait.ge [sflag:s29], $0x4000  }
0xb1: {  	[sflag:s29] =	ssyncset.done $0x0  }
0xb2: {  	s21 =	rddreg [dreg:$0xa];
	[sflag:s29] =	ssyncadd.s32 $0xFFFFC000  }
0xb3: {  	[hbm4b:s21+s2] =	stream.linear.scatter [tilespmem:s28], [sflag:$0x5], $0x4000, $0x38;
	[tilespmem:$0x1D480] =	vst v63  }
0xb4: {  	_ =	swait.ge [sflag:s29], $0x4000  }
0xb5: {  	[sflag:s29] =	ssyncset.done $0x0  }
0xb6: {  	s22 =	rddreg [dreg:$0x10];
	[sflag:s29] =	ssyncadd.s32 $0xFFFFC000  }
0xb7: {  	[tilespmem:s28], [sflag:$0x5] =	stream.linear.gather [spmem:s22], $0x4000, $0x38;
	[tilespmem:$0x1D480] =	vst v63  }
0xb8: {  	_ =	swait.ge [sflag:s29], $0x4000  }
0xb9: {  	[sflag:s29] =	ssyncset.done $0x0  }
0xba: {  	s23 =	rddreg [dreg:$0xb];
	[sflag:s29] =	ssyncadd.s32 $0xFFFFC000  }
0xbb: {  	[hbm4b:s23+s2] =	stream.linear.scatter [tilespmem:s28], [sflag:$0x5], $0x4000, $0x38;
	[tilespmem:$0x1D480] =	vst v63  }
0xbc: {  	_ =	swait.ge [sflag:s29], $0x4000  }
0xbd: {  	s14 =	sadd.s32 $0x1, s14;
	s24 =	rddreg [dreg:$0x3]  }
0xbe: {  	p0 =	sne.s32 s14, s24  }
.Ltmp3:
0xbf: {  	_ = 	snop;
	(pc) =	sbr.rel @p0 .LBB2_1-.Ltmp3, $3  }
0xc0: {  	_ =	sdelay $0x1  }
0xc1: {  	[sflag:s29] =	ssyncset.done $0x0  }
0xc2: {  	[sflag:s29] =	ssyncadd.s32 $0xFFFFC000  }
0xc3: {  	_ =	sfence.sel $0x180000  }
0xc4: {  	[bflag:$0x0] =	sbarrier.arrive $0xFFFF  }
0xc5: {  	_ =	strace $0x90000050  }
0xc6: {  	s0 =	stileid.u32;
	[bflag:$0x2] =	sbarrier.arrive $0xFFFF  }
0xc7: {  	p0 =	sne.s32 s0, $0x0;
	s0 =	rddreg [dreg:$0x2]  }
0xc8: {  	s0 =	sadd.s32 @!p0 $0x100000, s0  }
0xc9: {  	[sflag:s0] =	ssyncadd.tile.s32 @!p0 $0x1;
	_ =	shalt  }
.Lfunc_end2:
_tile_overlayer_lowered:
.L_overlay_start_2:
0xca: {  	(tag) =	ssettag $0x2  }
0xcb: {  	s0 =	rddreg [dreg:$0x0];
	s2 =	stileid.u32  }
0xcc: {  	s1 =	rddreg [dreg:$0x1];
	p0 =	sne.s32 s2, $0x0  }
0xcd: {  	s3 =	rddreg [dreg:$0x2];
	[bflag:$0x3] =	sbarrier.arrive $0xFFFF;
	s2 =	simm.s32 @!p0 $0x1C06  }
0xce: {  	[timem:s3], [sflag:s2] =	dma.local @!p0 [hbm:s0], s1  }
0xcf: {  	s0 =	simm.s32 @!p0 $0x6  }
0xd0: {  	_ =	swait.ge @!p0 [sflag:s0], s1  }
0xd1: {  	s1 =	ssub.s32 @!p0 $0x0, s1;
	[sflag:s0] =	ssyncset.done @!p0 $0x0  }
0xd2: {  	[sflag:s0] =	ssyncadd.s32 @!p0 s1  }
0xd3: {  	[bflag:$0x3] =	sbarrier.arrive $0xFFFF  }
0xd4: {  	_ =	shalt  }

// kernel: kernel.26.cloned.1.call-start
scs
__scs_entry_jumppad:
0x0: {  	(pc) =	sbr.rel $0x88, $3  }
0x1: {  	(tag) =	ssettag $0x0;
	lr =	simm.s32 $0x1  }
0x2: {  	[smem:$0x3F91] =	sst lr;
	_ =	strace $0xD0000000  }
0x3: {  	_ = 	snop  }
0x4: {  	_ = 	snop  }
0x5: {  	_ = 	snop  }
0x6: {  	_ = 	snop  }
0x7: {  	_ = 	snop  }
__scs_overlays_trampoline_lowered:
0x8: {  	[smem:$0x3FA0] =	sst s0  }
0x9: {  	[smem:$0x3FA1] =	sst s1  }
0xa: {  	[smem:$0x3FA2] =	sst s2  }
0xb: {  	[smem:$0x3FA3] =	sst s3  }
0xc: {  	[smem:$0x3FA4] =	sst s4  }
0xd: {  	[smem:$0x3FA5] =	sst s5  }
0xe: {  	[smem:$0x3FA6] =	sst s6  }
0xf: {  	[smem:$0x3FA7] =	sst s7  }
0x10: {  	[smem:$0x3FA8] =	sst s8  }
0x11: {  	[smem:$0x3FA9] =	sst s9;
	s0 =	simm.s32 @!p0 $0x0  }
0x12: {  	s1 =	sld [smem:$0x3F8F];
	s0 =	simm.s32 @p0 $0x1  }
0x13: {  	[smem:$0x3FAA] =	sst s0;
	s0 =	simm.s32 @!p1 $0x0  }
0x14: {  	s2 =	sld [smem:$0x3F8E];
	s0 =	simm.s32 @p1 $0x1  }
0x15: {  	[smem:$0x3FAB] =	sst s0;
	s0 =	simm.s32 @!p2 $0x0  }
0x16: {  	s3 =	sld [smem:$0x3FDB];
	s0 =	simm.s32 @p2 $0x1  }
0x17: {  	s4 =	simm.s32 $0x1BF5;
	[smem:$0x3FAD] =	sst s0  }
0x18: {  	s0 =	sld [smem:$0x3F90];
	_ =	swait.ge [sflag:s4], $0x0  }
0x19: {  	s7 =	sld [smem:$0x3F91]  }
0x1a: {  	s8 =	sadd.s32 $0xFFFFE003, lr  }
0x1b: {  	s9 =	sadd.s32 $0xFFFFFEF7, lr;
	s5 =	simm.s32 $0xFFFFFFFF;
	p2 =	slt.u32 s8, $0xFFFFF086  }
0x1c: {  	p1 =	slt.u32 s9, $0xF7A;
	s5 =	simm.s32 @!p2 $0x0  }
0x1d: {  	s5 =	simm.s32 @p1 $0x1;
	p0 =	seq.s32 s7, s2  }
0x1e: {  	s7 =	smul.u32 @!p0 $0xF7A, s2;
	p2 =	seq.s32 @!p0 s5, $0x0  }
0x1f: {  	s9 =	smul.u32 $0xF7A, s1;
	s8 =	simm.s32 @!p0 $0x1BF5;
	p2 =	por !p2, p0  }
0x20: {  	[sflag:s8] =	ssyncset.s32 @!p0 $0xFFFFF086;
	s6 =	sadd.s32 @!p0 s3, s7;
	s7 =	simm.s32 @!p0 $0x108  }
0x21: {  	s3 =	sadd.s32 s3, s9;
	s6 =	sadd.s32 @!p0 $0x88, s6;
	s7 =	simm.s32 @p2 $0x1082  }
0x22: {  	[simem:s7], [sflag:s8] =	dma.local @!p0 [hbm:s6], $0xF7A  }
0x23: {  	s9 =	sor.u32 $0xD0000000, s2;
	s6 =	simm.s32 $0x108;
	_ =	swait.ge @!p0 [sflag:s8], $0x0  }
0x24: {  	s3 =	sadd.s32 $0x88, s3;
	s6 =	simm.s32 @!p1 $0x1082;
	[sflag:s4] =	ssyncset.s32 $0xFFFFF086  }
0x25: {  	[simem:s6], [sflag:s4] =	dma.local [hbm:s3], $0xF7A  }
0x26: {  	[smem:$0x3F91] =	sst s1;
	(tag) =	ssettag s2;
	_ =	strace s9  }
0x27: {  	s1 =	sld [smem:$0x3FA1]  }
0x28: {  	s2 =	sld [smem:$0x3FA2]  }
0x29: {  	s4 =	sld [smem:$0x3FA4]  }
0x2a: {  	p0 =	seq.s32 s5, $0x0;
	s5 =	sld [smem:$0x3FA5]  }
0x2b: {  	s6 =	sld [smem:$0x3FA6]  }
0x2c: {  	s7 =	sld [smem:$0x3FA7]  }
0x2d: {  	s3 =	simm.s32 $0x108;
	s8 =	sld [smem:$0x3FA8]  }
0x2e: {  	s3 =	simm.s32 @!p0 $0x1082;
	s9 =	sld [smem:$0x3FA9]  }
0x2f: {  	lr =	sadd.s32 s0, s3;
	s0 =	sld [smem:$0x3FA0]  }
0x30: {  	s3 =	sld [smem:$0x3FA3]  }
0x31: {  	[smem:$0x3FAC] =	sst s10  }
0x32: {  	s10 =	sld [smem:$0x3FAA];
	_ =	sdelay $0x3  }
0x33: {  	p0 =	seq.s32 s10, $0x1;
	s10 =	sld [smem:$0x3FAC];
	_ =	sdelay $0x3  }
0x34: {  	[smem:$0x3FAC] =	sst s10  }
0x35: {  	s10 =	sld [smem:$0x3FAB];
	_ =	sdelay $0x3  }
0x36: {  	p1 =	seq.s32 s10, $0x1;
	s10 =	sld [smem:$0x3FAC];
	_ =	sdelay $0x3  }
0x37: {  	[smem:$0x3FAC] =	sst s10  }
0x38: {  	s10 =	sld [smem:$0x3FAD]  }
0x39: {  	_ = 	snop;
	(pc) =	sbr.ind lr, $3  }
0x3a: {  	_ = 	snop  }
0x3b: {  	_ = 	snop  }
0x3c: {  	p2 =	seq.s32 s10, $0x1;
	s10 =	sld [smem:$0x3FAC]  }
0x3d: {  	_ =	shalt  }
0x3e: {  	_ =	shalt  }
0x3f: {  	_ =	shalt  }
0x40: {  	_ =	shalt  }
0x41: {  	_ =	shalt  }
0x42: {  	_ =	shalt  }
0x43: {  	_ =	shalt  }
0x44: {  	_ =	shalt  }
0x45: {  	_ =	shalt  }
0x46: {  	_ =	shalt  }
0x47: {  	_ =	shalt  }
0x48: {  	_ =	shalt  }
0x49: {  	_ =	shalt  }
0x4a: {  	_ =	shalt  }
0x4b: {  	_ =	shalt  }
0x4c: {  	_ =	shalt  }
0x4d: {  	_ =	shalt  }
0x4e: {  	_ =	shalt  }
0x4f: {  	_ =	shalt  }
0x50: {  	_ =	shalt  }
0x51: {  	_ =	shalt  }
0x52: {  	_ =	shalt  }
0x53: {  	_ =	shalt  }
0x54: {  	_ =	shalt  }
0x55: {  	_ =	shalt  }
0x56: {  	_ =	shalt  }
0x57: {  	_ =	shalt  }
0x58: {  	_ =	shalt  }
0x59: {  	_ =	shalt  }
0x5a: {  	_ =	shalt  }
0x5b: {  	_ =	shalt  }
0x5c: {  	_ =	shalt  }
0x5d: {  	_ =	shalt  }
0x5e: {  	_ =	shalt  }
0x5f: {  	_ =	shalt  }
0x60: {  	_ =	shalt  }
0x61: {  	_ =	shalt  }
0x62: {  	_ =	shalt  }
0x63: {  	_ =	shalt  }
0x64: {  	_ =	shalt  }
0x65: {  	_ =	shalt  }
0x66: {  	_ =	shalt  }
0x67: {  	_ =	shalt  }
0x68: {  	_ =	shalt  }
0x69: {  	_ =	shalt  }
0x6a: {  	_ =	shalt  }
0x6b: {  	_ =	shalt  }
0x6c: {  	_ =	shalt  }
0x6d: {  	_ =	shalt  }
0x6e: {  	_ =	shalt  }
0x6f: {  	_ =	shalt  }
0x70: {  	_ =	shalt  }
0x71: {  	_ =	shalt  }
0x72: {  	_ =	shalt  }
0x73: {  	_ =	shalt  }
0x74: {  	_ =	shalt  }
0x75: {  	_ =	shalt  }
0x76: {  	_ =	shalt  }
0x77: {  	_ =	shalt  }
0x78: {  	_ =	shalt  }
0x79: {  	_ =	shalt  }
0x7a: {  	_ =	shalt  }
0x7b: {  	_ =	shalt  }
0x7c: {  	_ =	shalt  }
0x7d: {  	_ =	shalt  }
0x7e: {  	_ =	shalt  }
0x7f: {  	_ =	shalt  }
0x80: {  	_ =	shalt  }
0x81: {  	_ =	shalt  }
0x82: {  	_ =	shalt  }
0x83: {  	_ =	shalt  }
0x84: {  	_ =	shalt  }
0x85: {  	_ =	shalt  }
0x86: {  	_ =	shalt  }
0x87: {  	_ =	shalt  }
.Lfunc_end0:
.L_simem_size_0:
called_computation.3_lowered:
.L_overlay_start_0:
0x88: {  	s2 =	sld [smem:$0x3FD9]  }
0x89: {  	s3 =	sld [smem:$0x3FFE];
	_ =	sdelay $0x1  }
0x8a: {  	s1 =	srdreg.scid  }
0x8b: {  	s0 =	sand.u32 $0x1, s1  }
0x8c: {  	s17 =	sshll.u32 s0, $0xA;
	s2 =	sadd.s32 s3, s2  }
0x8d: {  	s2 =	sadd.s32 s2, s17  }
0x8e: {  	[smem:$0x3FB8] =	sst s2  }
0x8f: {  	_ = 	snop  }
0x90: {  	(tm) =	ssettm $0x1  }
0x91: {  	s18 =	sld [smem:$0x3FFB];
	_ =	sdelay $0x3  }
0x92: {  	_ =	strace s18  }
0x93: {  	s2 =	sld [smem:$0x3FFC];
	_ =	sdelay $0x3  }
0x94: {  	_ =	strace s2  }
0x95: {  	s2 =	sld [smem:$0x3FFD];
	_ =	sdelay $0x3  }
0x96: {  	_ =	strace s2  }
0x97: {  	_ =	strace $0x8FFFFFFF  }
0x98: {  	s19 =	sld [smem:$0x3FDB];
	_ =	sdelay $0x1  }
0x99: {  	s20 =	simm.s32 $_scs_section_size  }
0x9a: {  	s4 =	simm.s32 $_size__tile_overlayer_lowered;
	s5 =	simm.s32 $_tile_overlayer_lowered  }
0x9b: {  	s6 =	simm.s32 $0x1BFF;
	s21 =	sshll.u32 s5, $0x1;
	s3 =	sadd.s32 s20, s19  }
0x9c: {  	s22 =	simm.s32 $0x0;
	s4 =	sshll.u32 s4, $0x1;
	s5 =	sadd.s32 s21, s3  }
0x9d: {  	[timem:s22], [sflag:s6] =	dma.local [hbm:s5], s4  }
0x9e: {  	_ =	swait.ge [sflag:s6], s4  }
0x9f: {  	s4 =	ssub.s32 $0x0, s4;
	[sflag:s6] =	ssyncset.done $0x0  }
0xa0: {  	[sflag:s6] =	ssyncadd.s32 s4;
	_ =	sdelay $0x1  }
0xa1: {  	s23 =	simm.s32 $0x1B8B  }
0xa2: {  	_ =	swait.ge [sflag:s23], $0x1  }
0xa3: {  	[sflag:s23] =	ssyncset.done $0x0  }
0xa4: {  	[sflag:s23] =	ssyncadd.s32 $0xFFFFFFFF  }
0xa5: {  	s4 =	sld [smem:$0x0]  }
0xa6: {  	s5 =	sand.u32 $0xFFFFFFFE, s1  }
0xa7: {  	p0 =	sne.s32 s1, s5  }
0xa8: {  	s5 =	sshll.u32 @p0 s5, $0xE  }
0xa9: {  	s5 =	sadd.s32 @p0 $0x11B8D, s5;
	s6 =	sshll.u32 @p0 s4, $0x11  }
0xaa: {  	s5 =	sor.u32 @p0 s6, s5  }
0xab: {  	[sflag:s5] =	ssyncadd.remote.s32 @p0 $0x1;
	_ =	sdelay $0x1  }
0xac: {  	s5 =	simm.s32 @p0 $0x1B8D  }
0xad: {  	_ =	swait.eq @p0 [sflag:s5], $0x1  }
0xae: {  	[sflag:s5] =	ssyncadd.s32 @p0 $0xFFFFFFFF  }
0xaf: {  	s6 =	sshll.u32 @!p0 s1, $0xE  }
0xb0: {  	s6 =	sor.u32 @!p0 $0x4000, s6;
	s5 =	simm.s32 @!p0 $0x1B8D  }
0xb1: {  	s4 =	sshll.u32 @!p0 s4, $0x11;
	s6 =	sadd.s32 @!p0 $0x11B8D, s6;
	_ =	swait.eq @!p0 [sflag:s5], $0x1  }
0xb2: {  	s4 =	sor.u32 @!p0 s4, s6;
	[sflag:s5] =	ssyncadd.s32 @!p0 $0xFFFFFFFF  }
0xb3: {  	s25 =	simm.s32 $0x1B8E;
	s24 =	sld [smem:$0x3FFE];
	[sflag:s4] =	ssyncadd.remote.s32 @!p0 $0x1  }
0xb4: {  	s26 =	simm.s32 $execute0_lowered;
	[smem:$0x3FD2] =	sst s25  }
0xb5: {  	s5 =	sshll.u32 s26, $0x1;
	_ =	strace $0x80000055;
	[dreg:$0x1] =	wrdreg $0xFFFFFFFF  }
0xb6: {  	s28 =	simm.s32 $_size_execute0_lowered;
	s3 =	sadd.s32 s3, s5;
	[dreg:$0x0] =	wrdreg $0x0  }
0xb7: {  	s5 =	sshll.u32 s28, $0x1;
	[dreg:$0x2] =	wrdreg s3  }
0xb8: {  	[dreg:$0x3] =	wrdreg s5  }
0xb9: {  	[dreg:$0x4] =	wrdreg $0xC0  }
0xba: {  	_ =	task [dreg:s22], $0x5FFFF  }
0xbb: {  	[dreg:$0x1] =	wrdreg $0xFFFFFFFF  }
0xbc: {  	[dreg:$0x0] =	wrdreg $0x60  }
0xbd: {  	[dreg:$0x2] =	wrdreg s24  }
0xbe: {  	[dreg:$0x3] =	wrdreg $0x94800  }
0xbf: {  	[dreg:$0x4] =	wrdreg $0x9  }
0xc0: {  	_ =	task.clear_ibuf [dreg:s22], $0x5FFFF;
	_ =	strace $0x90000055  }
0xc1: {  	s29 =	simm.s32 $0x9;
	_ =	strace $0x80000057  }
0xc2: {  	_ =	swait.ge [sflag:s29], $0x1  }
0xc3: {  	[sflag:s29] =	ssyncadd.s32 $0xFFFFFFFF  }
0xc4: {  	_ =	strace $0x90000057  }
0xc5: {  	_ =	sfence  }
0xc6: {  	s30 =	sld [smem:$0x0];
	_ =	sdelay $0x2  }
0xc7: {  	s31 =	sshll.u32 s1, $0xD;
	s1 =	sshrl.u32 s1, $0x2  }
0xc8: {  	s4 =	sand.u32 $0x4000, s31;
	s1 =	sadd.s32 s1, s30  }
0xc9: {  	s0 =	sor.u32 s4, s0;
	s1 =	sshll.u32 s1, $0x11  }
0xca: {  	s0 =	sor.u32 s1, s0  }
0xcb: {  	s0 =	sadd.s32 $0x8F2B, s0  }
0xcc: {  	[sflag:s0] =	ssyncadd.remote.s32 $0x1  }
0xcd: {  	_ =	sfence.sel $0xFFFF  }
0xce: {  	[dreg:$0x0] =	wrdreg $0xFFFFFFFF;
	(pc) =	sbr.abs _section_cstart, $3  }
0xcf: {  	[dreg:$0x1] =	wrdreg $0xFFFFFFFF  }
0xd0: {  	_ =	task.clear_ibuf [dreg:s22], $0x2FFFF;
	_ =	strace $0x9FFFFFFF  }
0xd1: {  	(tm) =	ssettm $0x7FFFFFFF  }
tec
execute0_lowered:
.L_overlay_start_1:
0x0: {  	(tag) =	ssettag $0x1  }
0x1: {  	s0 =	rddreg [dreg:$0x0]  }
0x2: {  	s1 =	rddreg [dreg:$0x1]  }
0x3: {  	s2 =	simm.s32 $0x0;
	s3 =	srdreg.scid;
	s17 =	stileid.u32  }
0x4: {  	s28 =	simm.s32 $0x1480;
	s29 =	simm.s32 $0x5;
	s30 =	simm.s32 $0x1380  }
0x5: {  	s31 =	simm.s32 $0x80;
	[smem:$0x7FF] =	sst s2;
	s4 =	sadd.s32 $0x60A00, s0  }
0x6: {  	s5 =	sadd.s32 $0x88A00, s0;
	s6 =	sadd.s32 $0x92800, s0;
	s9 =	smul.u32 $0x50000, s17  }
0x7: {  	s3 =	sand.u32 $0x1, s3;
	s7 =	sshll.u32 s17, $0x1;
	s22 =	smul.u32 $0x14000, s17  }
0x8: {  	s10 =	sadd.s32 $0x9C600, s0;
	s17 =	smul.u32 $0x9E, s17;
	s20 =	sadd.s32 $0x92A60, s0  }
0x9: {  	_ =	strace $0x80000056;
	s8 =	ssub.s32 $0x2, s3;
	s12 =	smul.u32 $0x140000, s3  }
0xa: {  	s7 =	sor.u32 s3, s7;
	s3 =	smul.u32 $0x4F, s3;
	s11 =	sshrl.u32 s8, $0x1  }
0xb: {  	s7 =	smul.u32 $0x4F, s7;
	s21 =	sshrl.u32 s9, $0x2;
	s25 =	sadd.s32 $0x4000, s22  }
0xc: {  	s15 =	sadd.s32 $0x8000, s22;
	s18 =	sadd.s32 $0xC000, s22;
	s11 =	ssub.s32 s8, s11  }
0xd: {  	s9 =	sadd.s32 $0x10000, s22;
	s8 =	sadd.s32 s21, s1;
	s11 =	smax.u32 s11, $0x1  }
0xe: {  	s26 =	sadd.s32 s12, s22;
	s23 =	sadd.s32 $0x4000, s8;
	[dreg:$0x3] =	wrdreg s11  }
0xf: {  	s14 =	sadd.s32 s12, s25;
	s24 =	sadd.s32 $0x8000, s8;
	[dreg:$0x4] =	wrdreg s23  }
0x10: {  	s16 =	sadd.s32 s12, s15;
	s13 =	sadd.s32 $0xC000, s8;
	[dreg:$0x5] =	wrdreg s24  }
0x11: {  	s14 =	sshrl.u32 s14, $0x3;
	s22 =	sadd.s32 $0x10000, s8;
	[dreg:$0x6] =	wrdreg s13  }
0x12: {  	s19 =	sadd.s32 s3, s17;
	s14 =	sadd.s32 s10, s14;
	[dreg:$0xc] =	wrdreg s22  }
0x13: {  	s3 =	simm.s32 $0x1400;
	s23 =	sadd.s32 s25, s1;
	[dreg:$0x8] =	wrdreg s14  }
0x14: {  	s13 =	sshrl.u32 s26, $0x3;
	s24 =	sadd.s32 s15, s1;
	[dreg:$0xd] =	wrdreg s23  }
0x15: {  	s25 =	sadd.s32 s18, s1;
	s26 =	sadd.s32 s9, s1;
	[dreg:$0xe] =	wrdreg s24  }
0x16: {  	s11 =	simm.s32 $0x2;
	s13 =	sadd.s32 s10, s13;
	[dreg:$0xf] =	wrdreg s25  }
0x17: {  	[dreg:$0x10] =	wrdreg s26;
	s25 =	sadd.s32 $0x92820, s0;
	s26 =	sadd.s32 $0x1, s19  }
0x18: {  	s0 =	simm.s32 $0x5480;
	s14 =	simm.s32 $0x0;
	[dreg:$0x7] =	wrdreg s13  }
0x19: {  	s13 =	sshrl.u32 s16, $0x3;
	s16 =	sadd.s32 s12, s18;
	s12 =	sadd.s32 s12, s9  }
0x1a: {  	s9 =	simm.s32 $0x1;
	s16 =	sshrl.u32 s16, $0x3;
	s13 =	sadd.s32 s10, s13  }
0x1b: {  	s12 =	sshrl.u32 s12, $0x3;
	[dreg:$0x9] =	wrdreg s13;
	s21 =	sadd.s32 s10, s16  }
0x1c: {  	s10 =	sadd.s32 s10, s12;
	s12 =	simm.s32 $0x4;
	[dreg:$0xa] =	wrdreg s21  }
0x1d: {  	v0 =	vimm.f32 $0.0e+00;
	s13 =	simm.s32 $0x1300;
	[dreg:$0xb] =	wrdreg s10;
	s10 =	simm.s32 $0x3  }
.LBB2_1:
0x1e: {  	s15 =	sand.u32 $0xFE00, s2  }
0x1f: {  	s16 =	sand.u32 $0x70, s2;
	s17 =	sshrl.u32 s15, $0x2  }
0x20: {  	s15 =	simm.s32 $0x40;
	s17 =	sor.u32 s16, s17;
	s16 =	simm.s32 $0x0  }
.LBB2_2:
0x21: {  	p0 =	sne.s32 s15, $0xFFC0  }
0x22: {  	[tilespmem:s17+$0x1480] =	vst v0;
	s16 =	sadd.s32 $0x10, s16;
	s17 =	smov.u32 s15;
	s15 =	sadd.s32 $0x40, s15  }
.Ltmp0:
0x23: {  	(pc) =	sbr.rel @p0 .LBB2_2-.Ltmp0, $4  }
0x24: {  	_ = 	snop  }
0x25: {  	s17 =	sand.u32 $0xFE00, s17  }
0x26: {  	s18 =	sand.u32 $0x70, s16;
	s17 =	sshrl.u32 s17, $0x2  }
0x27: {  	s17 =	sor.u32 s18, s17  }
0x28: {  	[tilespmem:s17+$0x1480] =	vst v0  }
0x29: {  	[spmem:s8] =	stream.linear.scatter [tilespmem:s28], [sflag:$0x5], $0x4000, $0x38;
	[tilespmem:$0x1D480] =	vst v63  }
0x2a: {  	_ =	swait.ge [sflag:s29], $0x4000  }
0x2b: {  	[sflag:s29] =	ssyncset.done $0x0  }
0x2c: {  	s15 =	rddreg [dreg:$0x4];
	[sflag:s29] =	ssyncadd.s32 $0xFFFFC000  }
0x2d: {  	[spmem:s15] =	stream.linear.scatter [tilespmem:s28], [sflag:$0x5], $0x4000, $0x38;
	[tilespmem:$0x1D480] =	vst v63  }
0x2e: {  	_ =	swait.ge [sflag:s29], $0x4000  }
0x2f: {  	[sflag:s29] =	ssyncset.done $0x0  }
0x30: {  	s22 =	rddreg [dreg:$0x5];
	[sflag:s29] =	ssyncadd.s32 $0xFFFFC000  }
0x31: {  	[spmem:s22] =	stream.linear.scatter [tilespmem:s28], [sflag:$0x5], $0x4000, $0x38;
	[tilespmem:$0x1D480] =	vst v63  }
0x32: {  	_ =	swait.ge [sflag:s29], $0x4000  }
0x33: {  	[sflag:s29] =	ssyncset.done $0x0  }
0x34: {  	s23 =	rddreg [dreg:$0x6];
	[sflag:s29] =	ssyncadd.s32 $0xFFFFC000  }
0x35: {  	[spmem:s23] =	stream.linear.scatter [tilespmem:s28], [sflag:$0x5], $0x4000, $0x38;
	[tilespmem:$0x1D480] =	vst v63  }
0x36: {  	_ =	swait.ge [sflag:s29], $0x4000  }
0x37: {  	[sflag:s29] =	ssyncset.done $0x0  }
0x38: {  	s24 =	rddreg [dreg:$0xc];
	[sflag:s29] =	ssyncadd.s32 $0xFFFFC000  }
0x39: {  	[spmem:s24] =	stream.linear.scatter [tilespmem:s28], [sflag:$0x5], $0x4000, $0x38;
	[tilespmem:$0x1D480] =	vst v63  }
0x3a: {  	_ =	swait.ge [sflag:s29], $0x4000  }
0x3b: {  	[sflag:s29] =	ssyncset.done $0x0  }
0x3c: {  	p1 =	por $0x1, $0x1;
	[sflag:s29] =	ssyncadd.s32 $0xFFFFC000  }
0x3d: {  	s21 =	simm.s32 $0x0;
	s15 =	simm.s32 $0x0;
	[bflag:$0x0] =	sbarrier.arrive $0xFFFF  }
.LBB2_4:
0x3e: {  	s16 =	sadd.s32 s7, s21  }
0x3f: {  	s16 =	sshll.u32 s16, $0x4  }
0x40: {  	s17 =	sadd.s32 s5, s16  }
0x41: {  	[tilespmem:s15], [sflag:$0x5] =	stream.linear.gather [hbm4b:s17+s15], $0x1380, $0x38;
	[tilespmem:$0x1D480] =	vst v63  }
0x42: {  	_ =	swait.ge [sflag:s29], $0x1380  }
0x43: {  	[sflag:s29] =	ssyncset.done $0x0  }
0x44: {  	s17 =	simm.s32 $0x80;
	[sflag:s29] =	ssyncadd.s32 $0xFFFFEC80  }
0x45: {  	[tilespmem:s28], [sflag:$0x1] =	stream.indirect.gather [hbm4b:s4+s17], $0x80, s15, s17, $0xb8;
	[tilespmem:$0x1D480] =	vst v63  }
0x46: {  	s24 =	sadd.s32 s21, s26;
	s18 =	sadd.s32 s6, s16  }
0x47: {  	[tilespmem:s30], [sflag:$0x3] =	stream.linear.gather [hbm4b:s18+s15], $0x80, $0x38;
	[tilespmem:$0x1D480] =	vst v63  }
0x48: {  	s18 =	sshll.u32 s24, $0x4  }
0x49: {  	s18 =	sand.u32 $0xFFFFF0, s18  }
0x4a: {  	s18 =	sadd.s32 s18, s6  }
0x4b: {  	[tilespmem:s0], [sflag:$0x2] =	stream.indirect.gather [hbm4b:s4+s31], $0x80, s17, s31, $0xb8;
	[tilespmem:$0x1D480] =	vst v63  }
0x4c: {  	s22 =	sadd.s32 $0x0, s18  }
0x4d: {  	[tilespmem:s3], [sflag:$0x4] =	stream.linear.gather [hbm4b:s22+s2], $0x80, $0x38;
	[tilespmem:$0x1D480] =	vst v63  }
0x4e: {  	_ =	swait.ge [sflag:s9], $0x4000  }
0x4f: {  	[sflag:s9] =	ssyncset.done $0x0  }
0x50: {  	[sflag:s9] =	ssyncadd.s32 $0xFFFFC000  }
0x51: {  	_ =	swait.ge [sflag:s10], $0x80  }
0x52: {  	[sflag:s10] =	ssyncset.done $0x0  }
0x53: {  	s22 =	sadd.s32 s21, s19;
	[sflag:s10] =	ssyncadd.s32 $0xFFFFFF80  }
0x54: {  	[spmem:s1] =	stream.indirect.scatter.add.f32 [tilespmem:s28], [sflag:$0x5], $0x80, s30, s31, $0xb8;
	[tilespmem:$0x1D480] =	vst v63  }
0x55: {  	s21 =	sand.u32 $0xFFFFFF, s22;
	_ =	swait.ge [sflag:s29], $0x4000  }
0x56: {  	s21 =	sshll.u32 s21, $0x4;
	[sflag:s29] =	ssyncset.done $0x0  }
0x57: {  	s23 =	simm.s32 $0x100;
	s21 =	sadd.s32 s21, s25;
	[sflag:s29] =	ssyncadd.s32 $0xFFFFC000  }
0x58: {  	[tilespmem:s28], [sflag:$0x1] =	stream.indirect.gather [hbm4b:s4+s31], $0x80, s23, s31, $0xb8;
	[tilespmem:$0x1D480] =	vst v63  }
0x59: {  	s24 =	sadd.s32 $0x0, s21  }
0x5a: {  	[tilespmem:s30], [sflag:$0x3] =	stream.linear.gather [hbm4b:s24+s2], $0x80, $0x38;
	[tilespmem:$0x1D480] =	vst v63  }
0x5b: {  	_ =	swait.ge [sflag:s11], $0x4000  }
0x5c: {  	[sflag:s11] =	ssyncset.done $0x0  }
0x5d: {  	[sflag:s11] =	ssyncadd.s32 $0xFFFFC000  }
0x5e: {  	_ =	swait.ge [sflag:s12], $0x80  }
0x5f: {  	[sflag:s12] =	ssyncset.done $0x0  }
0x60: {  	[sflag:s12] =	ssyncadd.s32 $0xFFFFFF80  }
0x61: {  	[spmem:s1] =	stream.indirect.scatter.add.f32 [tilespmem:s0], [sflag:$0x5], $0x80, s3, s31, $0xb8;
	[tilespmem:$0x1D480] =	vst v63  }
0x62: {  	_ =	swait.ge [sflag:s29], $0x4000  }
0x63: {  	p0 =	por p1, p1;
	s22 =	simm.s32 $0x20;
	[sflag:s29] =	ssyncset.done $0x0  }
.LBB2_5:
0x64: {  	p1 =	sne.s32 s22, $0x220;
	[sflag:s29] =	ssyncadd.s32 $0xFFFFC000;
	s17 =	sadd.s32 $0x100, s17  }
0x65: {  	[tilespmem:s0], [sflag:$0x2] =	stream.indirect.gather [hbm4b:s4+s31], $0x80, s17, s31, $0xb8;
	[tilespmem:$0x1D480] =	vst v63  }
0x66: {  	s23 =	sadd.s32 s22, s18;
	s24 =	smov.u32 s22;
	s22 =	sadd.s32 $0x20, s22  }
0x67: {  	[tilespmem:s3], [sflag:$0x4] =	stream.linear.gather [hbm4b:s23+s2], $0x80, $0x38;
	[tilespmem:$0x1D480] =	vst v63  }
0x68: {  	_ =	swait.ge [sflag:s9], $0x4000  }
0x69: {  	[sflag:s9] =	ssyncset.done $0x0  }
0x6a: {  	[sflag:s9] =	ssyncadd.s32 $0xFFFFC000  }
0x6b: {  	_ =	swait.ge [sflag:s10], $0x80  }
0x6c: {  	[sflag:s10] =	ssyncset.done $0x0  }
0x6d: {  	[sflag:s10] =	ssyncadd.s32 $0xFFFFFF80  }
0x6e: {  	[spmem:s1] =	stream.indirect.scatter.add.f32 [tilespmem:s28], [sflag:$0x5], $0x80, s30, s31, $0xb8;
	[tilespmem:$0x1D480] =	vst v63  }
0x6f: {  	_ =	swait.ge [sflag:s29], $0x4000  }
0x70: {  	[sflag:s29] =	ssyncset.done $0x0  }
0x71: {  	s23 =	sadd.s32 $0x80, s17;
	[sflag:s29] =	ssyncadd.s32 $0xFFFFC000  }
0x72: {  	[tilespmem:s28], [sflag:$0x1] =	stream.indirect.gather [hbm4b:s4+s31], $0x80, s23, s31, $0xb8;
	[tilespmem:$0x1D480] =	vst v63  }
0x73: {  	s23 =	sadd.s32 s24, s21  }
0x74: {  	[tilespmem:s30], [sflag:$0x3] =	stream.linear.gather [hbm4b:s23+s2], $0x80, $0x38;
	[tilespmem:$0x1D480] =	vst v63  }
0x75: {  	_ =	swait.ge [sflag:s11], $0x4000  }
0x76: {  	[sflag:s11] =	ssyncset.done $0x0  }
0x77: {  	[sflag:s11] =	ssyncadd.s32 $0xFFFFC000  }
0x78: {  	_ =	swait.ge [sflag:s12], $0x80  }
.Ltmp1:
0x79: {  	[sflag:s12] =	ssyncset.done $0x0;
	(pc) =	sbr.rel @p1 .LBB2_5-.Ltmp1, $4  }
0x7a: {  	[sflag:s12] =	ssyncadd.s32 $0xFFFFFF80  }
0x7b: {  	[spmem:s1] =	stream.indirect.scatter.add.f32 [tilespmem:s0], [sflag:$0x5], $0x80, s3, s31, $0xb8;
	[tilespmem:$0x1D480] =	vst v63  }
0x7c: {  	_ =	swait.ge [sflag:s29], $0x4000  }
0x7d: {  	[sflag:s29] =	ssyncset.done $0x0  }
0x7e: {  	[sflag:s29] =	ssyncadd.s32 $0xFFFFC000  }
0x7f: {  	[tilespmem:s0], [sflag:$0x2] =	stream.indirect.gather [hbm4b:s4+s31], $0x80, s13, s31, $0xb8;
	[tilespmem:$0x1D480] =	vst v63  }
0x80: {  	s16 =	sadd.s32 s20, s16  }
0x81: {  	[tilespmem:s3], [sflag:$0x4] =	stream.linear.gather [hbm4b:s16+s2], $0x80, $0x38;
	[tilespmem:$0x1D480] =	vst v63  }
0x82: {  	_ =	swait.ge [sflag:s9], $0x4000  }
0x83: {  	[sflag:s9] =	ssyncset.done $0x0  }
0x84: {  	[sflag:s9] =	ssyncadd.s32 $0xFFFFC000  }
0x85: {  	_ =	swait.ge [sflag:s10], $0x80  }
0x86: {  	[sflag:s10] =	ssyncset.done $0x0  }
0x87: {  	[sflag:s10] =	ssyncadd.s32 $0xFFFFFF80  }
0x88: {  	[spmem:s1] =	stream.indirect.scatter.add.f32 [tilespmem:s28], [sflag:$0x5], $0x80, s30, s31, $0xb8;
	[tilespmem:$0x1D480] =	vst v63  }
0x89: {  	_ =	swait.ge [sflag:s29], $0x4000  }
0x8a: {  	[sflag:s29] =	ssyncset.done $0x0  }
0x8b: {  	[sflag:s29] =	ssyncadd.s32 $0xFFFFC000  }
0x8c: {  	_ =	swait.ge [sflag:s11], $0x4000  }
0x8d: {  	[sflag:s11] =	ssyncset.done $0x0  }
0x8e: {  	[sflag:s11] =	ssyncadd.s32 $0xFFFFC000  }
0x8f: {  	_ =	swait.ge [sflag:s12], $0x80  }
0x90: {  	[sflag:s12] =	ssyncset.done $0x0  }
.Ltmp2:
0x91: {  	[sflag:s12] =	ssyncadd.s32 $0xFFFFFF80;
	(pc) =	sbr.rel @p0 .LBB2_4-.Ltmp2, $4  }
0x92: {  	[spmem:s1] =	stream.indirect.scatter.add.f32 [tilespmem:s0], [sflag:$0x5], $0x80, s3, s31, $0xb8;
	[tilespmem:$0x1D480] =	vst v63  }
0x93: {  	_ =	swait.ge [sflag:s29], $0x4000  }
0x94: {  	[sflag:s29] =	ssyncset.done $0x0  }
0x95: {  	s21 =	simm.s32 $0x27;
	p1 =	por $0x0, $0x0;
	[sflag:s29] =	ssyncadd.s32 $0xFFFFC000  }
0x96: {  	[bflag:$0x0] =	sbarrier.arrive $0xFFFF  }
0x97: {  	[tilespmem:s28], [sflag:$0x5] =	stream.linear.gather [spmem:s8], $0x4000, $0x38;
	[tilespmem:$0x1D480] =	vst v63  }
0x98: {  	_ =	swait.ge [sflag:s29], $0x4000  }
0x99: {  	[sflag:s29] =	ssyncset.done $0x0  }
0x9a: {  	s15 =	rddreg [dreg:$0x7];
	[sflag:s29] =	ssyncadd.s32 $0xFFFFC000  }
0x9b: {  	[hbm4b:s15+s2] =	stream.linear.scatter [tilespmem:s28], [sflag:$0x5], $0x4000, $0x38;
	[tilespmem:$0x1D480] =	vst v63  }
0x9c: {  	_ =	swait.ge [sflag:s29], $0x4000  }
0x9d: {  	[sflag:s29] =	ssyncset.done $0x0  }
0x9e: {  	s23 =	rddreg [dreg:$0xd];
	[sflag:s29] =	ssyncadd.s32 $0xFFFFC000  }
0x9f: {  	[tilespmem:s28], [sflag:$0x5] =	stream.linear.gather [spmem:s23], $0x4000, $0x38;
	[tilespmem:$0x1D480] =	vst v63  }
0xa0: {  	_ =	swait.ge [sflag:s29], $0x4000  }
0xa1: {  	[sflag:s29] =	ssyncset.done $0x0  }
0xa2: {  	s24 =	rddreg [dreg:$0x8];
	[sflag:s29] =	ssyncadd.s32 $0xFFFFC000  }
0xa3: {  	[hbm4b:s24+s2] =	stream.linear.scatter [tilespmem:s28], [sflag:$0x5], $0x4000, $0x38;
	[tilespmem:$0x1D480] =	vst v63  }
0xa4: {  	_ =	swait.ge [sflag:s29], $0x4000  }
0xa5: {  	[sflag:s29] =	ssyncset.done $0x0  }
0xa6: {  	s16 =	rddreg [dreg:$0xe];
	[sflag:s29] =	ssyncadd.s32 $0xFFFFC000  }
0xa7: {  	[tilespmem:s28], [sflag:$0x5] =	stream.linear.gather [spmem:s16], $0x4000, $0x38;
	[tilespmem:$0x1D480] =	vst v63  }
0xa8: {  	_ =	swait.ge [sflag:s29], $0x4000  }
0xa9: {  	[sflag:s29] =	ssyncset.done $0x0  }
0xaa: {  	s17 =	rddreg [dreg:$0x9];
	[sflag:s29] =	ssyncadd.s32 $0xFFFFC000  }
0xab: {  	[hbm4b:s17+s2] =	stream.linear.scatter [tilespmem:s28], [sflag:$0x5], $0x4000, $0x38;
	[tilespmem:$0x1D480] =	vst v63  }
0xac: {  	_ =	swait.ge [sflag:s29], $0x4000  }
0xad: {  	[sflag:s29] =	ssyncset.done $0x0  }
0xae: {  	s18 =	rddreg [dreg:$0xf];
	[sflag:s29] =	ssyncadd.s32 $0xFFFFC000  }
0xaf: {  	[tilespmem:s28], [sflag:$0x5] =	stream.linear.gather [spmem:s18], $0x4000, $0x38;
	[tilespmem:$0x1D480] =	vst v63  }
0xb0: {  	_ =	swait.ge [sflag:s29], $0x4000  }
0xb1: {  	[sflag:s29] =	ssyncset.done $0x0  }
0xb2: {  	s21 =	rddreg [dreg:$0xa];
	[sflag:s29] =	ssyncadd.s32 $0xFFFFC000  }
0xb3: {  	[hbm4b:s21+s2] =	stream.linear.scatter [tilespmem:s28], [sflag:$0x5], $0x4000, $0x38;
	[tilespmem:$0x1D480] =	vst v63  }
0xb4: {  	_ =	swait.ge [sflag:s29], $0x4000  }
0xb5: {  	[sflag:s29] =	ssyncset.done $0x0  }
0xb6: {  	s22 =	rddreg [dreg:$0x10];
	[sflag:s29] =	ssyncadd.s32 $0xFFFFC000  }
0xb7: {  	[tilespmem:s28], [sflag:$0x5] =	stream.linear.gather [spmem:s22], $0x4000, $0x38;
	[tilespmem:$0x1D480] =	vst v63  }
0xb8: {  	_ =	swait.ge [sflag:s29], $0x4000  }
0xb9: {  	[sflag:s29] =	ssyncset.done $0x0  }
0xba: {  	s23 =	rddreg [dreg:$0xb];
	[sflag:s29] =	ssyncadd.s32 $0xFFFFC000  }
0xbb: {  	[hbm4b:s23+s2] =	stream.linear.scatter [tilespmem:s28], [sflag:$0x5], $0x4000, $0x38;
	[tilespmem:$0x1D480] =	vst v63  }
0xbc: {  	_ =	swait.ge [sflag:s29], $0x4000  }
0xbd: {  	s14 =	sadd.s32 $0x1, s14;
	s24 =	rddreg [dreg:$0x3]  }
0xbe: {  	p0 =	sne.s32 s14, s24  }
.Ltmp3:
0xbf: {  	_ = 	snop;
	(pc) =	sbr.rel @p0 .LBB2_1-.Ltmp3, $3  }
0xc0: {  	_ =	sdelay $0x1  }
0xc1: {  	[sflag:s29] =	ssyncset.done $0x0  }
0xc2: {  	[sflag:s29] =	ssyncadd.s32 $0xFFFFC000  }
0xc3: {  	_ =	sfence.sel $0x180000  }
0xc4: {  	[bflag:$0x0] =	sbarrier.arrive $0xFFFF  }
0xc5: {  	_ =	strace $0x90000056  }
0xc6: {  	s0 =	stileid.u32;
	[bflag:$0x2] =	sbarrier.arrive $0xFFFF  }
0xc7: {  	p0 =	sne.s32 s0, $0x0;
	s0 =	rddreg [dreg:$0x2]  }
0xc8: {  	s0 =	sadd.s32 @!p0 $0x100000, s0  }
0xc9: {  	[sflag:s0] =	ssyncadd.tile.s32 @!p0 $0x1;
	_ =	shalt  }
.Lfunc_end2:
_tile_overlayer_lowered:
.L_overlay_start_2:
0xca: {  	(tag) =	ssettag $0x2  }
0xcb: {  	s0 =	rddreg [dreg:$0x0];
	s2 =	stileid.u32  }
0xcc: {  	s1 =	rddreg [dreg:$0x1];
	p0 =	sne.s32 s2, $0x0  }
0xcd: {  	s3 =	rddreg [dreg:$0x2];
	[bflag:$0x3] =	sbarrier.arrive $0xFFFF;
	s2 =	simm.s32 @!p0 $0x1C06  }
0xce: {  	[timem:s3], [sflag:s2] =	dma.local @!p0 [hbm:s0], s1  }
0xcf: {  	s0 =	simm.s32 @!p0 $0x6  }
0xd0: {  	_ =	swait.ge @!p0 [sflag:s0], s1  }
0xd1: {  	s1 =	ssub.s32 @!p0 $0x0, s1;
	[sflag:s0] =	ssyncset.done @!p0 $0x0  }
0xd2: {  	[sflag:s0] =	ssyncadd.s32 @!p0 s1  }
0xd3: {  	[bflag:$0x3] =	sbarrier.arrive $0xFFFF  }
0xd4: {  	_ =	shalt  }

// kernel: kernel.29.cloned.1.call-start
scs
__scs_entry_jumppad:
0x0: {  	(pc) =	sbr.rel $0x88, $3  }
0x1: {  	(tag) =	ssettag $0x0;
	lr =	simm.s32 $0x1  }
0x2: {  	[smem:$0x3F91] =	sst lr;
	_ =	strace $0xD0000000  }
0x3: {  	_ = 	snop  }
0x4: {  	_ = 	snop  }
0x5: {  	_ = 	snop  }
0x6: {  	_ = 	snop  }
0x7: {  	_ = 	snop  }
__scs_overlays_trampoline_lowered:
0x8: {  	[smem:$0x3FA0] =	sst s0  }
0x9: {  	[smem:$0x3FA1] =	sst s1  }
0xa: {  	[smem:$0x3FA2] =	sst s2  }
0xb: {  	[smem:$0x3FA3] =	sst s3  }
0xc: {  	[smem:$0x3FA4] =	sst s4  }
0xd: {  	[smem:$0x3FA5] =	sst s5  }
0xe: {  	[smem:$0x3FA6] =	sst s6  }
0xf: {  	[smem:$0x3FA7] =	sst s7  }
0x10: {  	[smem:$0x3FA8] =	sst s8  }
0x11: {  	[smem:$0x3FA9] =	sst s9;
	s0 =	simm.s32 @!p0 $0x0  }
0x12: {  	s1 =	sld [smem:$0x3F8F];
	s0 =	simm.s32 @p0 $0x1  }
0x13: {  	[smem:$0x3FAA] =	sst s0;
	s0 =	simm.s32 @!p1 $0x0  }
0x14: {  	s2 =	sld [smem:$0x3F8E];
	s0 =	simm.s32 @p1 $0x1  }
0x15: {  	[smem:$0x3FAB] =	sst s0;
	s0 =	simm.s32 @!p2 $0x0  }
0x16: {  	s3 =	sld [smem:$0x3FDB];
	s0 =	simm.s32 @p2 $0x1  }
0x17: {  	s4 =	simm.s32 $0x1BF5;
	[smem:$0x3FAD] =	sst s0  }
0x18: {  	s0 =	sld [smem:$0x3F90];
	_ =	swait.ge [sflag:s4], $0x0  }
0x19: {  	s7 =	sld [smem:$0x3F91]  }
0x1a: {  	s8 =	sadd.s32 $0xFFFFE003, lr  }
0x1b: {  	s9 =	sadd.s32 $0xFFFFFEF7, lr;
	s5 =	simm.s32 $0xFFFFFFFF;
	p2 =	slt.u32 s8, $0xFFFFF086  }
0x1c: {  	p1 =	slt.u32 s9, $0xF7A;
	s5 =	simm.s32 @!p2 $0x0  }
0x1d: {  	s5 =	simm.s32 @p1 $0x1;
	p0 =	seq.s32 s7, s2  }
0x1e: {  	s7 =	smul.u32 @!p0 $0xF7A, s2;
	p2 =	seq.s32 @!p0 s5, $0x0  }
0x1f: {  	s9 =	smul.u32 $0xF7A, s1;
	s8 =	simm.s32 @!p0 $0x1BF5;
	p2 =	por !p2, p0  }
0x20: {  	[sflag:s8] =	ssyncset.s32 @!p0 $0xFFFFF086;
	s6 =	sadd.s32 @!p0 s3, s7;
	s7 =	simm.s32 @!p0 $0x108  }
0x21: {  	s3 =	sadd.s32 s3, s9;
	s6 =	sadd.s32 @!p0 $0x88, s6;
	s7 =	simm.s32 @p2 $0x1082  }
0x22: {  	[simem:s7], [sflag:s8] =	dma.local @!p0 [hbm:s6], $0xF7A  }
0x23: {  	s9 =	sor.u32 $0xD0000000, s2;
	s6 =	simm.s32 $0x108;
	_ =	swait.ge @!p0 [sflag:s8], $0x0  }
0x24: {  	s3 =	sadd.s32 $0x88, s3;
	s6 =	simm.s32 @!p1 $0x1082;
	[sflag:s4] =	ssyncset.s32 $0xFFFFF086  }
0x25: {  	[simem:s6], [sflag:s4] =	dma.local [hbm:s3], $0xF7A  }
0x26: {  	[smem:$0x3F91] =	sst s1;
	(tag) =	ssettag s2;
	_ =	strace s9  }
0x27: {  	s1 =	sld [smem:$0x3FA1]  }
0x28: {  	s2 =	sld [smem:$0x3FA2]  }
0x29: {  	s4 =	sld [smem:$0x3FA4]  }
0x2a: {  	p0 =	seq.s32 s5, $0x0;
	s5 =	sld [smem:$0x3FA5]  }
0x2b: {  	s6 =	sld [smem:$0x3FA6]  }
0x2c: {  	s7 =	sld [smem:$0x3FA7]  }
0x2d: {  	s3 =	simm.s32 $0x108;
	s8 =	sld [smem:$0x3FA8]  }
0x2e: {  	s3 =	simm.s32 @!p0 $0x1082;
	s9 =	sld [smem:$0x3FA9]  }
0x2f: {  	lr =	sadd.s32 s0, s3;
	s0 =	sld [smem:$0x3FA0]  }
0x30: {  	s3 =	sld [smem:$0x3FA3]  }
0x31: {  	[smem:$0x3FAC] =	sst s10  }
0x32: {  	s10 =	sld [smem:$0x3FAA];
	_ =	sdelay $0x3  }
0x33: {  	p0 =	seq.s32 s10, $0x1;
	s10 =	sld [smem:$0x3FAC];
	_ =	sdelay $0x3  }
0x34: {  	[smem:$0x3FAC] =	sst s10  }
0x35: {  	s10 =	sld [smem:$0x3FAB];
	_ =	sdelay $0x3  }
0x36: {  	p1 =	seq.s32 s10, $0x1;
	s10 =	sld [smem:$0x3FAC];
	_ =	sdelay $0x3  }
0x37: {  	[smem:$0x3FAC] =	sst s10  }
0x38: {  	s10 =	sld [smem:$0x3FAD]  }
0x39: {  	_ = 	snop;
	(pc) =	sbr.ind lr, $3  }
0x3a: {  	_ = 	snop  }
0x3b: {  	_ = 	snop  }
0x3c: {  	p2 =	seq.s32 s10, $0x1;
	s10 =	sld [smem:$0x3FAC]  }
0x3d: {  	_ =	shalt  }
0x3e: {  	_ =	shalt  }
0x3f: {  	_ =	shalt  }
0x40: {  	_ =	shalt  }
0x41: {  	_ =	shalt  }
0x42: {  	_ =	shalt  }
0x43: {  	_ =	shalt  }
0x44: {  	_ =	shalt  }
0x45: {  	_ =	shalt  }
0x46: {  	_ =	shalt  }
0x47: {  	_ =	shalt  }
0x48: {  	_ =	shalt  }
0x49: {  	_ =	shalt  }
0x4a: {  	_ =	shalt  }
0x4b: {  	_ =	shalt  }
0x4c: {  	_ =	shalt  }
0x4d: {  	_ =	shalt  }
0x4e: {  	_ =	shalt  }
0x4f: {  	_ =	shalt  }
0x50: {  	_ =	shalt  }
0x51: {  	_ =	shalt  }
0x52: {  	_ =	shalt  }
0x53: {  	_ =	shalt  }
0x54: {  	_ =	shalt  }
0x55: {  	_ =	shalt  }
0x56: {  	_ =	shalt  }
0x57: {  	_ =	shalt  }
0x58: {  	_ =	shalt  }
0x59: {  	_ =	shalt  }
0x5a: {  	_ =	shalt  }
0x5b: {  	_ =	shalt  }
0x5c: {  	_ =	shalt  }
0x5d: {  	_ =	shalt  }
0x5e: {  	_ =	shalt  }
0x5f: {  	_ =	shalt  }
0x60: {  	_ =	shalt  }
0x61: {  	_ =	shalt  }
0x62: {  	_ =	shalt  }
0x63: {  	_ =	shalt  }
0x64: {  	_ =	shalt  }
0x65: {  	_ =	shalt  }
0x66: {  	_ =	shalt  }
0x67: {  	_ =	shalt  }
0x68: {  	_ =	shalt  }
0x69: {  	_ =	shalt  }
0x6a: {  	_ =	shalt  }
0x6b: {  	_ =	shalt  }
0x6c: {  	_ =	shalt  }
0x6d: {  	_ =	shalt  }
0x6e: {  	_ =	shalt  }
0x6f: {  	_ =	shalt  }
0x70: {  	_ =	shalt  }
0x71: {  	_ =	shalt  }
0x72: {  	_ =	shalt  }
0x73: {  	_ =	shalt  }
0x74: {  	_ =	shalt  }
0x75: {  	_ =	shalt  }
0x76: {  	_ =	shalt  }
0x77: {  	_ =	shalt  }
0x78: {  	_ =	shalt  }
0x79: {  	_ =	shalt  }
0x7a: {  	_ =	shalt  }
0x7b: {  	_ =	shalt  }
0x7c: {  	_ =	shalt  }
0x7d: {  	_ =	shalt  }
0x7e: {  	_ =	shalt  }
0x7f: {  	_ =	shalt  }
0x80: {  	_ =	shalt  }
0x81: {  	_ =	shalt  }
0x82: {  	_ =	shalt  }
0x83: {  	_ =	shalt  }
0x84: {  	_ =	shalt  }
0x85: {  	_ =	shalt  }
0x86: {  	_ =	shalt  }
0x87: {  	_ =	shalt  }
.Lfunc_end0:
.L_simem_size_0:
called_computation.4_lowered:
.L_overlay_start_0:
0x88: {  	s2 =	sld [smem:$0x3FD9]  }
0x89: {  	s3 =	sld [smem:$0x3FFE];
	_ =	sdelay $0x1  }
0x8a: {  	s1 =	srdreg.scid  }
0x8b: {  	s0 =	sand.u32 $0x1, s1  }
0x8c: {  	s17 =	sshll.u32 s0, $0xA;
	s2 =	sadd.s32 s3, s2  }
0x8d: {  	s2 =	sadd.s32 s2, s17  }
0x8e: {  	[smem:$0x3FB8] =	sst s2  }
0x8f: {  	_ = 	snop  }
0x90: {  	(tm) =	ssettm $0x1  }
0x91: {  	s18 =	sld [smem:$0x3FFB];
	_ =	sdelay $0x3  }
0x92: {  	_ =	strace s18  }
0x93: {  	s2 =	sld [smem:$0x3FFC];
	_ =	sdelay $0x3  }
0x94: {  	_ =	strace s2  }
0x95: {  	s2 =	sld [smem:$0x3FFD];
	_ =	sdelay $0x3  }
0x96: {  	_ =	strace s2  }
0x97: {  	_ =	strace $0x8FFFFFFF  }
0x98: {  	s19 =	sld [smem:$0x3FDB];
	_ =	sdelay $0x1  }
0x99: {  	s20 =	simm.s32 $_scs_section_size  }
0x9a: {  	s4 =	simm.s32 $_size__tile_overlayer_lowered;
	s5 =	simm.s32 $_tile_overlayer_lowered  }
0x9b: {  	s6 =	simm.s32 $0x1BFF;
	s21 =	sshll.u32 s5, $0x1;
	s3 =	sadd.s32 s20, s19  }
0x9c: {  	s22 =	simm.s32 $0x0;
	s4 =	sshll.u32 s4, $0x1;
	s5 =	sadd.s32 s21, s3  }
0x9d: {  	[timem:s22], [sflag:s6] =	dma.local [hbm:s5], s4  }
0x9e: {  	_ =	swait.ge [sflag:s6], s4  }
0x9f: {  	s4 =	ssub.s32 $0x0, s4;
	[sflag:s6] =	ssyncset.done $0x0  }
0xa0: {  	[sflag:s6] =	ssyncadd.s32 s4;
	_ =	sdelay $0x1  }
0xa1: {  	s23 =	simm.s32 $0x1B8B  }
0xa2: {  	_ =	swait.ge [sflag:s23], $0x1  }
0xa3: {  	[sflag:s23] =	ssyncset.done $0x0  }
0xa4: {  	[sflag:s23] =	ssyncadd.s32 $0xFFFFFFFF  }
0xa5: {  	s4 =	sld [smem:$0x0]  }
0xa6: {  	s5 =	sand.u32 $0xFFFFFFFE, s1  }
0xa7: {  	p0 =	sne.s32 s1, s5  }
0xa8: {  	s5 =	sshll.u32 @p0 s5, $0xE  }
0xa9: {  	s5 =	sadd.s32 @p0 $0x11B8D, s5;
	s6 =	sshll.u32 @p0 s4, $0x11  }
0xaa: {  	s5 =	sor.u32 @p0 s6, s5  }
0xab: {  	[sflag:s5] =	ssyncadd.remote.s32 @p0 $0x1;
	_ =	sdelay $0x1  }
0xac: {  	s5 =	simm.s32 @p0 $0x1B8D  }
0xad: {  	_ =	swait.eq @p0 [sflag:s5], $0x1  }
0xae: {  	[sflag:s5] =	ssyncadd.s32 @p0 $0xFFFFFFFF  }
0xaf: {  	s6 =	sshll.u32 @!p0 s1, $0xE  }
0xb0: {  	s6 =	sor.u32 @!p0 $0x4000, s6;
	s5 =	simm.s32 @!p0 $0x1B8D  }
0xb1: {  	s4 =	sshll.u32 @!p0 s4, $0x11;
	s6 =	sadd.s32 @!p0 $0x11B8D, s6;
	_ =	swait.eq @!p0 [sflag:s5], $0x1  }
0xb2: {  	s4 =	sor.u32 @!p0 s4, s6;
	[sflag:s5] =	ssyncadd.s32 @!p0 $0xFFFFFFFF  }
0xb3: {  	s25 =	simm.s32 $0x1B8E;
	s24 =	sld [smem:$0x3FFE];
	[sflag:s4] =	ssyncadd.remote.s32 @!p0 $0x1  }
0xb4: {  	s26 =	simm.s32 $execute0_lowered;
	[smem:$0x3FD2] =	sst s25  }
0xb5: {  	s5 =	sshll.u32 s26, $0x1;
	_ =	strace $0x8000004C;
	[dreg:$0x1] =	wrdreg $0xFFFFFFFF  }
0xb6: {  	s28 =	simm.s32 $_size_execute0_lowered;
	s3 =	sadd.s32 s3, s5;
	[dreg:$0x0] =	wrdreg $0x0  }
0xb7: {  	s5 =	sshll.u32 s28, $0x1;
	[dreg:$0x2] =	wrdreg s3  }
0xb8: {  	[dreg:$0x3] =	wrdreg s5  }
0xb9: {  	[dreg:$0x4] =	wrdreg $0xC0  }
0xba: {  	_ =	task [dreg:s22], $0x5FFFF  }
0xbb: {  	[dreg:$0x1] =	wrdreg $0xFFFFFFFF  }
0xbc: {  	[dreg:$0x0] =	wrdreg $0x60  }
0xbd: {  	[dreg:$0x2] =	wrdreg s24  }
0xbe: {  	[dreg:$0x3] =	wrdreg $0x8B000  }
0xbf: {  	[dreg:$0x4] =	wrdreg $0xA  }
0xc0: {  	_ =	task.clear_ibuf [dreg:s22], $0x5FFFF;
	_ =	strace $0x9000004C  }
0xc1: {  	s29 =	simm.s32 $0xA;
	_ =	strace $0x8000004E  }
0xc2: {  	_ =	swait.ge [sflag:s29], $0x1  }
0xc3: {  	[sflag:s29] =	ssyncadd.s32 $0xFFFFFFFF  }
0xc4: {  	_ =	strace $0x9000004E  }
0xc5: {  	_ =	sfence  }
0xc6: {  	s30 =	sld [smem:$0x0];
	_ =	sdelay $0x2  }
0xc7: {  	s31 =	sshll.u32 s1, $0xD;
	s1 =	sshrl.u32 s1, $0x2  }
0xc8: {  	s4 =	sand.u32 $0x4000, s31;
	s1 =	sadd.s32 s1, s30  }
0xc9: {  	s0 =	sor.u32 s4, s0;
	s1 =	sshll.u32 s1, $0x11  }
0xca: {  	s0 =	sor.u32 s1, s0  }
0xcb: {  	s0 =	sadd.s32 $0x8F2B, s0  }
0xcc: {  	[sflag:s0] =	ssyncadd.remote.s32 $0x1  }
0xcd: {  	_ =	sfence.sel $0xFFFF  }
0xce: {  	[dreg:$0x0] =	wrdreg $0xFFFFFFFF;
	(pc) =	sbr.abs _section_cstart, $3  }
0xcf: {  	[dreg:$0x1] =	wrdreg $0xFFFFFFFF  }
0xd0: {  	_ =	task.clear_ibuf [dreg:s22], $0x2FFFF;
	_ =	strace $0x9FFFFFFF  }
0xd1: {  	(tm) =	ssettm $0x7FFFFFFF  }
tec
execute0_lowered:
.L_overlay_start_1:
0x0: {  	(tag) =	ssettag $0x1  }
0x1: {  	s0 =	rddreg [dreg:$0x0]  }
0x2: {  	s1 =	rddreg [dreg:$0x1]  }
0x3: {  	s2 =	simm.s32 $0x0;
	s3 =	srdreg.scid;
	s17 =	stileid.u32  }
0x4: {  	s28 =	simm.s32 $0xB00;
	s29 =	simm.s32 $0x5;
	s30 =	simm.s32 $0xA00  }
0x5: {  	s31 =	simm.s32 $0x80;
	[smem:$0x7FF] =	sst s2;
	s4 =	sadd.s32 $0x38A00, s0  }
0x6: {  	s5 =	sadd.s32 $0xBA00, s0;
	s6 =	sadd.s32 $0x6A00, s0;
	s9 =	smul.u32 $0x50000, s17  }
0x7: {  	s3 =	sand.u32 $0x1, s3;
	s7 =	sshll.u32 s17, $0x1;
	s22 =	smul.u32 $0x14000, s17  }
0x8: {  	s10 =	sadd.s32 $0xEC600, s0;
	s17 =	smul.u32 $0x50, s17;
	s20 =	sadd.s32 $0x6B30, s0  }
0x9: {  	_ =	strace $0x8000004D;
	s8 =	ssub.s32 $0x2, s3;
	s12 =	smul.u32 $0x140000, s3  }
0xa: {  	s7 =	sor.u32 s3, s7;
	s3 =	smul.u32 $0x28, s3;
	s11 =	sshrl.u32 s8, $0x1  }
0xb: {  	s7 =	smul.u32 $0x28, s7;
	s21 =	sshrl.u32 s9, $0x2;
	s25 =	sadd.s32 $0x4000, s22  }
0xc: {  	s15 =	sadd.s32 $0x8000, s22;
	s18 =	sadd.s32 $0xC000, s22;
	s11 =	ssub.s32 s8, s11  }
0xd: {  	s9 =	sadd.s32 $0x10000, s22;
	s8 =	sadd.s32 s21, s1;
	s11 =	smax.u32 s11, $0x1  }
0xe: {  	s26 =	sadd.s32 s12, s22;
	s23 =	sadd.s32 $0x4000, s8;
	[dreg:$0x3] =	wrdreg s11  }
0xf: {  	s14 =	sadd.s32 s12, s25;
	s24 =	sadd.s32 $0x8000, s8;
	[dreg:$0x4] =	wrdreg s23  }
0x10: {  	s16 =	sadd.s32 s12, s15;
	s13 =	sadd.s32 $0xC000, s8;
	[dreg:$0x5] =	wrdreg s24  }
0x11: {  	s14 =	sshrl.u32 s14, $0x3;
	s22 =	sadd.s32 $0x10000, s8;
	[dreg:$0x6] =	wrdreg s13  }
0x12: {  	s19 =	sadd.s32 s3, s17;
	s14 =	sadd.s32 s10, s14;
	[dreg:$0xc] =	wrdreg s22  }
0x13: {  	s3 =	simm.s32 $0xA80;
	s23 =	sadd.s32 s25, s1;
	[dreg:$0x8] =	wrdreg s14  }
0x14: {  	s13 =	sshrl.u32 s26, $0x3;
	s24 =	sadd.s32 s15, s1;
	[dreg:$0xd] =	wrdreg s23  }
0x15: {  	s25 =	sadd.s32 s18, s1;
	s26 =	sadd.s32 s9, s1;
	[dreg:$0xe] =	wrdreg s24  }
0x16: {  	s11 =	simm.s32 $0x2;
	s13 =	sadd.s32 s10, s13;
	[dreg:$0xf] =	wrdreg s25  }
0x17: {  	[dreg:$0x10] =	wrdreg s26;
	s25 =	sadd.s32 $0x6A10, s0;
	s26 =	sor.u32 $0x2, s19  }
0x18: {  	s0 =	simm.s32 $0x4B00;
	s14 =	simm.s32 $0x0;
	[dreg:$0x7] =	wrdreg s13  }
0x19: {  	s13 =	sshrl.u32 s16, $0x3;
	s16 =	sadd.s32 s12, s18;
	s12 =	sadd.s32 s12, s9  }
0x1a: {  	s9 =	simm.s32 $0x1;
	s16 =	sshrl.u32 s16, $0x3;
	s13 =	sadd.s32 s10, s13  }
0x1b: {  	s12 =	sshrl.u32 s12, $0x3;
	[dreg:$0x9] =	wrdreg s13;
	s21 =	sadd.s32 s10, s16  }
0x1c: {  	s10 =	sadd.s32 s10, s12;
	s12 =	simm.s32 $0x4;
	[dreg:$0xa] =	wrdreg s21  }
0x1d: {  	v0 =	vimm.f32 $0.0e+00;
	s13 =	simm.s32 $0x980;
	[dreg:$0xb] =	wrdreg s10;
	s10 =	simm.s32 $0x3  }
.LBB2_1:
0x1e: {  	s15 =	sand.u32 $0xFE00, s2  }
0x1f: {  	s16 =	sand.u32 $0x70, s2;
	s17 =	sshrl.u32 s15, $0x2  }
0x20: {  	s15 =	simm.s32 $0x40;
	s17 =	sor.u32 s16, s17;
	s16 =	simm.s32 $0x0  }
.LBB2_2:
0x21: {  	p0 =	sne.s32 s15, $0xFFC0  }
0x22: {  	[tilespmem:s17+$0xB00] =	vst v0;
	s16 =	sadd.s32 $0x10, s16;
	s17 =	smov.u32 s15;
	s15 =	sadd.s32 $0x40, s15  }
.Ltmp0:
0x23: {  	(pc) =	sbr.rel @p0 .LBB2_2-.Ltmp0, $4  }
0x24: {  	_ = 	snop  }
0x25: {  	s17 =	sand.u32 $0xFE00, s17  }
0x26: {  	s18 =	sand.u32 $0x70, s16;
	s17 =	sshrl.u32 s17, $0x2  }
0x27: {  	s17 =	sor.u32 s18, s17  }
0x28: {  	[tilespmem:s17+$0xB00] =	vst v0  }
0x29: {  	[spmem:s8] =	stream.linear.scatter [tilespmem:s28], [sflag:$0x5], $0x4000, $0x38;
	[tilespmem:$0x1CB00] =	vst v63  }
0x2a: {  	_ =	swait.ge [sflag:s29], $0x4000  }
0x2b: {  	[sflag:s29] =	ssyncset.done $0x0  }
0x2c: {  	s15 =	rddreg [dreg:$0x4];
	[sflag:s29] =	ssyncadd.s32 $0xFFFFC000  }
0x2d: {  	[spmem:s15] =	stream.linear.scatter [tilespmem:s28], [sflag:$0x5], $0x4000, $0x38;
	[tilespmem:$0x1CB00] =	vst v63  }
0x2e: {  	_ =	swait.ge [sflag:s29], $0x4000  }
0x2f: {  	[sflag:s29] =	ssyncset.done $0x0  }
0x30: {  	s22 =	rddreg [dreg:$0x5];
	[sflag:s29] =	ssyncadd.s32 $0xFFFFC000  }
0x31: {  	[spmem:s22] =	stream.linear.scatter [tilespmem:s28], [sflag:$0x5], $0x4000, $0x38;
	[tilespmem:$0x1CB00] =	vst v63  }
0x32: {  	_ =	swait.ge [sflag:s29], $0x4000  }
0x33: {  	[sflag:s29] =	ssyncset.done $0x0  }
0x34: {  	s23 =	rddreg [dreg:$0x6];
	[sflag:s29] =	ssyncadd.s32 $0xFFFFC000  }
0x35: {  	[spmem:s23] =	stream.linear.scatter [tilespmem:s28], [sflag:$0x5], $0x4000, $0x38;
	[tilespmem:$0x1CB00] =	vst v63  }
0x36: {  	_ =	swait.ge [sflag:s29], $0x4000  }
0x37: {  	[sflag:s29] =	ssyncset.done $0x0  }
0x38: {  	s24 =	rddreg [dreg:$0xc];
	[sflag:s29] =	ssyncadd.s32 $0xFFFFC000  }
0x39: {  	[spmem:s24] =	stream.linear.scatter [tilespmem:s28], [sflag:$0x5], $0x4000, $0x38;
	[tilespmem:$0x1CB00] =	vst v63  }
0x3a: {  	_ =	swait.ge [sflag:s29], $0x4000  }
0x3b: {  	[sflag:s29] =	ssyncset.done $0x0  }
0x3c: {  	p1 =	por $0x1, $0x1;
	[sflag:s29] =	ssyncadd.s32 $0xFFFFC000  }
0x3d: {  	s18 =	simm.s32 $0x0;
	s15 =	simm.s32 $0x0;
	[bflag:$0x0] =	sbarrier.arrive $0xFFFF  }
.LBB2_4:
0x3e: {  	s21 =	smul.u32 $0x14, s18;
	_ =	sdelay $0x1  }
0x3f: {  	s16 =	sadd.s32 s7, s21  }
0x40: {  	s16 =	sshll.u32 s16, $0x4  }
0x41: {  	s17 =	sadd.s32 s5, s16  }
0x42: {  	[tilespmem:s15], [sflag:$0x5] =	stream.linear.gather [hbm4b:s17+s15], $0xA00, $0x38;
	[tilespmem:$0x1CB00] =	vst v63  }
0x43: {  	s24 =	sshll.u32 s18, $0x6;
	_ =	swait.ge [sflag:s29], $0xA00  }
0x44: {  	s18 =	sadd.s32 s6, s24;
	[sflag:s29] =	ssyncset.done $0x0  }
0x45: {  	s22 =	sand.u32 $0xFFFFF80, s16;
	s17 =	simm.s32 $0x80;
	[sflag:s29] =	ssyncadd.s32 $0xFFFFF600  }
0x46: {  	[tilespmem:s28], [sflag:$0x1] =	stream.indirect.gather [hbm4b:s4+s17], $0x80, s15, s17, $0xb8;
	[tilespmem:$0x1CB00] =	vst v63  }
0x47: {  	s23 =	sadd.s32 s21, s19;
	s18 =	sadd.s32 s22, s18  }
0x48: {  	[tilespmem:s30], [sflag:$0x3] =	stream.linear.gather [hbm4b:s18+s15], $0x80, $0x38;
	[tilespmem:$0x1CB00] =	vst v63  }
0x49: {  	s18 =	sand.u32 $0xFFFFFF, s23  }
0x4a: {  	s18 =	sshll.u32 s18, $0x4  }
0x4b: {  	s18 =	sadd.s32 s18, s25  }
0x4c: {  	[tilespmem:s0], [sflag:$0x2] =	stream.indirect.gather [hbm4b:s4+s31], $0x80, s17, s31, $0xb8;
	[tilespmem:$0x1CB00] =	vst v63  }
0x4d: {  	s24 =	sadd.s32 $0x0, s18  }
0x4e: {  	[tilespmem:s3], [sflag:$0x4] =	stream.linear.gather [hbm4b:s24+s2], $0x80, $0x38;
	[tilespmem:$0x1CB00] =	vst v63  }
0x4f: {  	_ =	swait.ge [sflag:s9], $0x4000  }
0x50: {  	[sflag:s9] =	ssyncset.done $0x0  }
0x51: {  	[sflag:s9] =	ssyncadd.s32 $0xFFFFC000  }
0x52: {  	_ =	swait.ge [sflag:s10], $0x80  }
0x53: {  	[sflag:s10] =	ssyncset.done $0x0  }
0x54: {  	s21 =	sadd.s32 s21, s26;
	[sflag:s10] =	ssyncadd.s32 $0xFFFFFF80  }
0x55: {  	[spmem:s1] =	stream.indirect.scatter.add.f32 [tilespmem:s28], [sflag:$0x5], $0x80, s30, s31, $0xb8;
	[tilespmem:$0x1CB00] =	vst v63  }
0x56: {  	s21 =	sshll.u32 s21, $0x4;
	_ =	swait.ge [sflag:s29], $0x4000  }
0x57: {  	s21 =	sand.u32 $0xFFFFFFE0, s21;
	[sflag:s29] =	ssyncset.done $0x0  }
0x58: {  	s21 =	sadd.s32 s21, s6;
	s23 =	simm.s32 $0x100;
	[sflag:s29] =	ssyncadd.s32 $0xFFFFC000  }
0x59: {  	[tilespmem:s28], [sflag:$0x1] =	stream.indirect.gather [hbm4b:s4+s31], $0x80, s23, s31, $0xb8;
	[tilespmem:$0x1CB00] =	vst v63  }
0x5a: {  	s24 =	sadd.s32 $0x0, s21  }
0x5b: {  	[tilespmem:s30], [sflag:$0x3] =	stream.linear.gather [hbm4b:s24+s2], $0x80, $0x38;
	[tilespmem:$0x1CB00] =	vst v63  }
0x5c: {  	_ =	swait.ge [sflag:s11], $0x4000  }
0x5d: {  	[sflag:s11] =	ssyncset.done $0x0  }
0x5e: {  	[sflag:s11] =	ssyncadd.s32 $0xFFFFC000  }
0x5f: {  	_ =	swait.ge [sflag:s12], $0x80  }
0x60: {  	[sflag:s12] =	ssyncset.done $0x0  }
0x61: {  	[sflag:s12] =	ssyncadd.s32 $0xFFFFFF80  }
0x62: {  	[spmem:s1] =	stream.indirect.scatter.add.f32 [tilespmem:s0], [sflag:$0x5], $0x80, s3, s31, $0xb8;
	[tilespmem:$0x1CB00] =	vst v63  }
0x63: {  	_ =	swait.ge [sflag:s29], $0x4000  }
0x64: {  	p0 =	por p1, p1;
	s22 =	simm.s32 $0x20;
	[sflag:s29] =	ssyncset.done $0x0  }
.LBB2_5:
0x65: {  	p1 =	sne.s32 s22, $0x100;
	[sflag:s29] =	ssyncadd.s32 $0xFFFFC000;
	s17 =	sadd.s32 $0x100, s17  }
0x66: {  	[tilespmem:s0], [sflag:$0x2] =	stream.indirect.gather [hbm4b:s4+s31], $0x80, s17, s31, $0xb8;
	[tilespmem:$0x1CB00] =	vst v63  }
0x67: {  	s23 =	sadd.s32 s22, s18;
	s24 =	smov.u32 s22;
	s22 =	sadd.s32 $0x20, s22  }
0x68: {  	[tilespmem:s3], [sflag:$0x4] =	stream.linear.gather [hbm4b:s23+s2], $0x80, $0x38;
	[tilespmem:$0x1CB00] =	vst v63  }
0x69: {  	_ =	swait.ge [sflag:s9], $0x4000  }
0x6a: {  	[sflag:s9] =	ssyncset.done $0x0  }
0x6b: {  	[sflag:s9] =	ssyncadd.s32 $0xFFFFC000  }
0x6c: {  	_ =	swait.ge [sflag:s10], $0x80  }
0x6d: {  	[sflag:s10] =	ssyncset.done $0x0  }
0x6e: {  	[sflag:s10] =	ssyncadd.s32 $0xFFFFFF80  }
0x6f: {  	[spmem:s1] =	stream.indirect.scatter.add.f32 [tilespmem:s28], [sflag:$0x5], $0x80, s30, s31, $0xb8;
	[tilespmem:$0x1CB00] =	vst v63  }
0x70: {  	_ =	swait.ge [sflag:s29], $0x4000  }
0x71: {  	[sflag:s29] =	ssyncset.done $0x0  }
0x72: {  	s23 =	sadd.s32 $0x80, s17;
	[sflag:s29] =	ssyncadd.s32 $0xFFFFC000  }
0x73: {  	[tilespmem:s28], [sflag:$0x1] =	stream.indirect.gather [hbm4b:s4+s31], $0x80, s23, s31, $0xb8;
	[tilespmem:$0x1CB00] =	vst v63  }
0x74: {  	s23 =	sadd.s32 s24, s21  }
0x75: {  	[tilespmem:s30], [sflag:$0x3] =	stream.linear.gather [hbm4b:s23+s2], $0x80, $0x38;
	[tilespmem:$0x1CB00] =	vst v63  }
0x76: {  	_ =	swait.ge [sflag:s11], $0x4000  }
0x77: {  	[sflag:s11] =	ssyncset.done $0x0  }
0x78: {  	[sflag:s11] =	ssyncadd.s32 $0xFFFFC000  }
0x79: {  	_ =	swait.ge [sflag:s12], $0x80  }
.Ltmp1:
0x7a: {  	[sflag:s12] =	ssyncset.done $0x0;
	(pc) =	sbr.rel @p1 .LBB2_5-.Ltmp1, $4  }
0x7b: {  	[sflag:s12] =	ssyncadd.s32 $0xFFFFFF80  }
0x7c: {  	[spmem:s1] =	stream.indirect.scatter.add.f32 [tilespmem:s0], [sflag:$0x5], $0x80, s3, s31, $0xb8;
	[tilespmem:$0x1CB00] =	vst v63  }
0x7d: {  	_ =	swait.ge [sflag:s29], $0x4000  }
0x7e: {  	[sflag:s29] =	ssyncset.done $0x0  }
0x7f: {  	[sflag:s29] =	ssyncadd.s32 $0xFFFFC000  }
0x80: {  	[tilespmem:s0], [sflag:$0x2] =	stream.indirect.gather [hbm4b:s4+s31], $0x80, s13, s31, $0xb8;
	[tilespmem:$0x1CB00] =	vst v63  }
0x81: {  	s16 =	sadd.s32 s20, s16;
	s18 =	simm.s32 $0x1  }
0x82: {  	[tilespmem:s3], [sflag:$0x4] =	stream.linear.gather [hbm4b:s16+s2], $0x80, $0x38;
	[tilespmem:$0x1CB00] =	vst v63  }
0x83: {  	_ =	swait.ge [sflag:s18], $0x4000  }
0x84: {  	[sflag:s18] =	ssyncset.done $0x0  }
0x85: {  	[sflag:s18] =	ssyncadd.s32 $0xFFFFC000  }
0x86: {  	_ =	swait.ge [sflag:s10], $0x80  }
0x87: {  	[sflag:s10] =	ssyncset.done $0x0  }
0x88: {  	[sflag:s10] =	ssyncadd.s32 $0xFFFFFF80  }
0x89: {  	[spmem:s1] =	stream.indirect.scatter.add.f32 [tilespmem:s28], [sflag:$0x5], $0x80, s30, s31, $0xb8;
	[tilespmem:$0x1CB00] =	vst v63  }
0x8a: {  	_ =	swait.ge [sflag:s29], $0x4000  }
0x8b: {  	[sflag:s29] =	ssyncset.done $0x0  }
0x8c: {  	[sflag:s29] =	ssyncadd.s32 $0xFFFFC000  }
0x8d: {  	_ =	swait.ge [sflag:s11], $0x4000  }
0x8e: {  	[sflag:s11] =	ssyncset.done $0x0  }
0x8f: {  	[sflag:s11] =	ssyncadd.s32 $0xFFFFC000  }
0x90: {  	_ =	swait.ge [sflag:s12], $0x80  }
0x91: {  	[sflag:s12] =	ssyncset.done $0x0  }
.Ltmp2:
0x92: {  	[sflag:s12] =	ssyncadd.s32 $0xFFFFFF80;
	(pc) =	sbr.rel @p0 .LBB2_4-.Ltmp2, $4  }
0x93: {  	[spmem:s1] =	stream.indirect.scatter.add.f32 [tilespmem:s0], [sflag:$0x5], $0x80, s3, s31, $0xb8;
	[tilespmem:$0x1CB00] =	vst v63  }
0x94: {  	_ =	swait.ge [sflag:s29], $0x4000  }
0x95: {  	[sflag:s29] =	ssyncset.done $0x0  }
0x96: {  	p1 =	por $0x0, $0x0;
	[sflag:s29] =	ssyncadd.s32 $0xFFFFC000  }
0x97: {  	[bflag:$0x0] =	sbarrier.arrive $0xFFFF  }
0x98: {  	[tilespmem:s28], [sflag:$0x5] =	stream.linear.gather [spmem:s8], $0x4000, $0x38;
	[tilespmem:$0x1CB00] =	vst v63  }
0x99: {  	_ =	swait.ge [sflag:s29], $0x4000  }
0x9a: {  	[sflag:s29] =	ssyncset.done $0x0  }
0x9b: {  	s15 =	rddreg [dreg:$0x7];
	[sflag:s29] =	ssyncadd.s32 $0xFFFFC000  }
0x9c: {  	[hbm4b:s15+s2] =	stream.linear.scatter [tilespmem:s28], [sflag:$0x5], $0x4000, $0x38;
	[tilespmem:$0x1CB00] =	vst v63  }
0x9d: {  	_ =	swait.ge [sflag:s29], $0x4000  }
0x9e: {  	[sflag:s29] =	ssyncset.done $0x0  }
0x9f: {  	s23 =	rddreg [dreg:$0xd];
	[sflag:s29] =	ssyncadd.s32 $0xFFFFC000  }
0xa0: {  	[tilespmem:s28], [sflag:$0x5] =	stream.linear.gather [spmem:s23], $0x4000, $0x38;
	[tilespmem:$0x1CB00] =	vst v63  }
0xa1: {  	_ =	swait.ge [sflag:s29], $0x4000  }
0xa2: {  	[sflag:s29] =	ssyncset.done $0x0  }
0xa3: {  	s24 =	rddreg [dreg:$0x8];
	[sflag:s29] =	ssyncadd.s32 $0xFFFFC000  }
0xa4: {  	[hbm4b:s24+s2] =	stream.linear.scatter [tilespmem:s28], [sflag:$0x5], $0x4000, $0x38;
	[tilespmem:$0x1CB00] =	vst v63  }
0xa5: {  	_ =	swait.ge [sflag:s29], $0x4000  }
0xa6: {  	[sflag:s29] =	ssyncset.done $0x0  }
0xa7: {  	s16 =	rddreg [dreg:$0xe];
	[sflag:s29] =	ssyncadd.s32 $0xFFFFC000  }
0xa8: {  	[tilespmem:s28], [sflag:$0x5] =	stream.linear.gather [spmem:s16], $0x4000, $0x38;
	[tilespmem:$0x1CB00] =	vst v63  }
0xa9: {  	_ =	swait.ge [sflag:s29], $0x4000  }
0xaa: {  	[sflag:s29] =	ssyncset.done $0x0  }
0xab: {  	s17 =	rddreg [dreg:$0x9];
	[sflag:s29] =	ssyncadd.s32 $0xFFFFC000  }
0xac: {  	[hbm4b:s17+s2] =	stream.linear.scatter [tilespmem:s28], [sflag:$0x5], $0x4000, $0x38;
	[tilespmem:$0x1CB00] =	vst v63  }
0xad: {  	_ =	swait.ge [sflag:s29], $0x4000  }
0xae: {  	[sflag:s29] =	ssyncset.done $0x0  }
0xaf: {  	s18 =	rddreg [dreg:$0xf];
	[sflag:s29] =	ssyncadd.s32 $0xFFFFC000  }
0xb0: {  	[tilespmem:s28], [sflag:$0x5] =	stream.linear.gather [spmem:s18], $0x4000, $0x38;
	[tilespmem:$0x1CB00] =	vst v63  }
0xb1: {  	_ =	swait.ge [sflag:s29], $0x4000  }
0xb2: {  	[sflag:s29] =	ssyncset.done $0x0  }
0xb3: {  	s21 =	rddreg [dreg:$0xa];
	[sflag:s29] =	ssyncadd.s32 $0xFFFFC000  }
0xb4: {  	[hbm4b:s21+s2] =	stream.linear.scatter [tilespmem:s28], [sflag:$0x5], $0x4000, $0x38;
	[tilespmem:$0x1CB00] =	vst v63  }
0xb5: {  	_ =	swait.ge [sflag:s29], $0x4000  }
0xb6: {  	[sflag:s29] =	ssyncset.done $0x0  }
0xb7: {  	s22 =	rddreg [dreg:$0x10];
	[sflag:s29] =	ssyncadd.s32 $0xFFFFC000  }
0xb8: {  	[tilespmem:s28], [sflag:$0x5] =	stream.linear.gather [spmem:s22], $0x4000, $0x38;
	[tilespmem:$0x1CB00] =	vst v63  }
0xb9: {  	_ =	swait.ge [sflag:s29], $0x4000  }
0xba: {  	[sflag:s29] =	ssyncset.done $0x0  }
0xbb: {  	s23 =	rddreg [dreg:$0xb];
	[sflag:s29] =	ssyncadd.s32 $0xFFFFC000  }
0xbc: {  	[hbm4b:s23+s2] =	stream.linear.scatter [tilespmem:s28], [sflag:$0x5], $0x4000, $0x38;
	[tilespmem:$0x1CB00] =	vst v63  }
0xbd: {  	_ =	swait.ge [sflag:s29], $0x4000  }
0xbe: {  	s14 =	sadd.s32 $0x1, s14;
	s24 =	rddreg [dreg:$0x3]  }
0xbf: {  	p0 =	sne.s32 s14, s24  }
.Ltmp3:
0xc0: {  	_ = 	snop;
	(pc) =	sbr.rel @p0 .LBB2_1-.Ltmp3, $3  }
0xc1: {  	_ =	sdelay $0x1  }
0xc2: {  	[sflag:s29] =	ssyncset.done $0x0  }
0xc3: {  	[sflag:s29] =	ssyncadd.s32 $0xFFFFC000  }
0xc4: {  	_ =	sfence.sel $0x180000  }
0xc5: {  	[bflag:$0x0] =	sbarrier.arrive $0xFFFF  }
0xc6: {  	_ =	strace $0x9000004D  }
0xc7: {  	s0 =	stileid.u32;
	[bflag:$0x2] =	sbarrier.arrive $0xFFFF  }
0xc8: {  	p0 =	sne.s32 s0, $0x0;
	s0 =	rddreg [dreg:$0x2]  }
0xc9: {  	s0 =	sadd.s32 @!p0 $0x100000, s0  }
0xca: {  	[sflag:s0] =	ssyncadd.tile.s32 @!p0 $0x1;
	_ =	shalt  }
.Lfunc_end2:
_tile_overlayer_lowered:
.L_overlay_start_2:
0xcb: {  	(tag) =	ssettag $0x2  }
0xcc: {  	s0 =	rddreg [dreg:$0x0];
	s2 =	stileid.u32  }
0xcd: {  	s1 =	rddreg [dreg:$0x1];
	p0 =	sne.s32 s2, $0x0  }
0xce: {  	s3 =	rddreg [dreg:$0x2];
	[bflag:$0x3] =	sbarrier.arrive $0xFFFF;
	s2 =	simm.s32 @!p0 $0x1C06  }
0xcf: {  	[timem:s3], [sflag:s2] =	dma.local @!p0 [hbm:s0], s1  }
0xd0: {  	s0 =	simm.s32 @!p0 $0x6  }
0xd1: {  	_ =	swait.ge @!p0 [sflag:s0], s1  }
0xd2: {  	s1 =	ssub.s32 @!p0 $0x0, s1;
	[sflag:s0] =	ssyncset.done @!p0 $0x0  }
0xd3: {  	[sflag:s0] =	ssyncadd.s32 @!p0 s1  }
0xd4: {  	[bflag:$0x3] =	sbarrier.arrive $0xFFFF  }
0xd5: {  	_ =	shalt  }

// kernel: kernel.32.cloned.1.call-start
scs
__scs_entry_jumppad:
0x0: {  	(pc) =	sbr.rel $0x88, $3  }
0x1: {  	(tag) =	ssettag $0x0;
	lr =	simm.s32 $0x1  }
0x2: {  	[smem:$0x3F91] =	sst lr;
	_ =	strace $0xD0000000  }
0x3: {  	_ = 	snop  }
0x4: {  	_ = 	snop  }
0x5: {  	_ = 	snop  }
0x6: {  	_ = 	snop  }
0x7: {  	_ = 	snop  }
__scs_overlays_trampoline_lowered:
0x8: {  	[smem:$0x3FA0] =	sst s0  }
0x9: {  	[smem:$0x3FA1] =	sst s1  }
0xa: {  	[smem:$0x3FA2] =	sst s2  }
0xb: {  	[smem:$0x3FA3] =	sst s3  }
0xc: {  	[smem:$0x3FA4] =	sst s4  }
0xd: {  	[smem:$0x3FA5] =	sst s5  }
0xe: {  	[smem:$0x3FA6] =	sst s6  }
0xf: {  	[smem:$0x3FA7] =	sst s7  }
0x10: {  	[smem:$0x3FA8] =	sst s8  }
0x11: {  	[smem:$0x3FA9] =	sst s9;
	s0 =	simm.s32 @!p0 $0x0  }
0x12: {  	s1 =	sld [smem:$0x3F8F];
	s0 =	simm.s32 @p0 $0x1  }
0x13: {  	[smem:$0x3FAA] =	sst s0;
	s0 =	simm.s32 @!p1 $0x0  }
0x14: {  	s2 =	sld [smem:$0x3F8E];
	s0 =	simm.s32 @p1 $0x1  }
0x15: {  	[smem:$0x3FAB] =	sst s0;
	s0 =	simm.s32 @!p2 $0x0  }
0x16: {  	s3 =	sld [smem:$0x3FDB];
	s0 =	simm.s32 @p2 $0x1  }
0x17: {  	s4 =	simm.s32 $0x1BF5;
	[smem:$0x3FAD] =	sst s0  }
0x18: {  	s0 =	sld [smem:$0x3F90];
	_ =	swait.ge [sflag:s4], $0x0  }
0x19: {  	s7 =	sld [smem:$0x3F91]  }
0x1a: {  	s8 =	sadd.s32 $0xFFFFE003, lr  }
0x1b: {  	s9 =	sadd.s32 $0xFFFFFEF7, lr;
	s5 =	simm.s32 $0xFFFFFFFF;
	p2 =	slt.u32 s8, $0xFFFFF086  }
0x1c: {  	p1 =	slt.u32 s9, $0xF7A;
	s5 =	simm.s32 @!p2 $0x0  }
0x1d: {  	s5 =	simm.s32 @p1 $0x1;
	p0 =	seq.s32 s7, s2  }
0x1e: {  	s7 =	smul.u32 @!p0 $0xF7A, s2;
	p2 =	seq.s32 @!p0 s5, $0x0  }
0x1f: {  	s9 =	smul.u32 $0xF7A, s1;
	s8 =	simm.s32 @!p0 $0x1BF5;
	p2 =	por !p2, p0  }
0x20: {  	[sflag:s8] =	ssyncset.s32 @!p0 $0xFFFFF086;
	s6 =	sadd.s32 @!p0 s3, s7;
	s7 =	simm.s32 @!p0 $0x108  }
0x21: {  	s3 =	sadd.s32 s3, s9;
	s6 =	sadd.s32 @!p0 $0x88, s6;
	s7 =	simm.s32 @p2 $0x1082  }
0x22: {  	[simem:s7], [sflag:s8] =	dma.local @!p0 [hbm:s6], $0xF7A  }
0x23: {  	s9 =	sor.u32 $0xD0000000, s2;
	s6 =	simm.s32 $0x108;
	_ =	swait.ge @!p0 [sflag:s8], $0x0  }
0x24: {  	s3 =	sadd.s32 $0x88, s3;
	s6 =	simm.s32 @!p1 $0x1082;
	[sflag:s4] =	ssyncset.s32 $0xFFFFF086  }
0x25: {  	[simem:s6], [sflag:s4] =	dma.local [hbm:s3], $0xF7A  }
0x26: {  	[smem:$0x3F91] =	sst s1;
	(tag) =	ssettag s2;
	_ =	strace s9  }
0x27: {  	s1 =	sld [smem:$0x3FA1]  }
0x28: {  	s2 =	sld [smem:$0x3FA2]  }
0x29: {  	s4 =	sld [smem:$0x3FA4]  }
0x2a: {  	p0 =	seq.s32 s5, $0x0;
	s5 =	sld [smem:$0x3FA5]  }
0x2b: {  	s6 =	sld [smem:$0x3FA6]  }
0x2c: {  	s7 =	sld [smem:$0x3FA7]  }
0x2d: {  	s3 =	simm.s32 $0x108;
	s8 =	sld [smem:$0x3FA8]  }
0x2e: {  	s3 =	simm.s32 @!p0 $0x1082;
	s9 =	sld [smem:$0x3FA9]  }
0x2f: {  	lr =	sadd.s32 s0, s3;
	s0 =	sld [smem:$0x3FA0]  }
0x30: {  	s3 =	sld [smem:$0x3FA3]  }
0x31: {  	[smem:$0x3FAC] =	sst s10  }
0x32: {  	s10 =	sld [smem:$0x3FAA];
	_ =	sdelay $0x3  }
0x33: {  	p0 =	seq.s32 s10, $0x1;
	s10 =	sld [smem:$0x3FAC];
	_ =	sdelay $0x3  }
0x34: {  	[smem:$0x3FAC] =	sst s10  }
0x35: {  	s10 =	sld [smem:$0x3FAB];
	_ =	sdelay $0x3  }
0x36: {  	p1 =	seq.s32 s10, $0x1;
	s10 =	sld [smem:$0x3FAC];
	_ =	sdelay $0x3  }
0x37: {  	[smem:$0x3FAC] =	sst s10  }
0x38: {  	s10 =	sld [smem:$0x3FAD]  }
0x39: {  	_ = 	snop;
	(pc) =	sbr.ind lr, $3  }
0x3a: {  	_ = 	snop  }
0x3b: {  	_ = 	snop  }
0x3c: {  	p2 =	seq.s32 s10, $0x1;
	s10 =	sld [smem:$0x3FAC]  }
0x3d: {  	_ =	shalt  }
0x3e: {  	_ =	shalt  }
0x3f: {  	_ =	shalt  }
0x40: {  	_ =	shalt  }
0x41: {  	_ =	shalt  }
0x42: {  	_ =	shalt  }
0x43: {  	_ =	shalt  }
0x44: {  	_ =	shalt  }
0x45: {  	_ =	shalt  }
0x46: {  	_ =	shalt  }
0x47: {  	_ =	shalt  }
0x48: {  	_ =	shalt  }
0x49: {  	_ =	shalt  }
0x4a: {  	_ =	shalt  }
0x4b: {  	_ =	shalt  }
0x4c: {  	_ =	shalt  }
0x4d: {  	_ =	shalt  }
0x4e: {  	_ =	shalt  }
0x4f: {  	_ =	shalt  }
0x50: {  	_ =	shalt  }
0x51: {  	_ =	shalt  }
0x52: {  	_ =	shalt  }
0x53: {  	_ =	shalt  }
0x54: {  	_ =	shalt  }
0x55: {  	_ =	shalt  }
0x56: {  	_ =	shalt  }
0x57: {  	_ =	shalt  }
0x58: {  	_ =	shalt  }
0x59: {  	_ =	shalt  }
0x5a: {  	_ =	shalt  }
0x5b: {  	_ =	shalt  }
0x5c: {  	_ =	shalt  }
0x5d: {  	_ =	shalt  }
0x5e: {  	_ =	shalt  }
0x5f: {  	_ =	shalt  }
0x60: {  	_ =	shalt  }
0x61: {  	_ =	shalt  }
0x62: {  	_ =	shalt  }
0x63: {  	_ =	shalt  }
0x64: {  	_ =	shalt  }
0x65: {  	_ =	shalt  }
0x66: {  	_ =	shalt  }
0x67: {  	_ =	shalt  }
0x68: {  	_ =	shalt  }
0x69: {  	_ =	shalt  }
0x6a: {  	_ =	shalt  }
0x6b: {  	_ =	shalt  }
0x6c: {  	_ =	shalt  }
0x6d: {  	_ =	shalt  }
0x6e: {  	_ =	shalt  }
0x6f: {  	_ =	shalt  }
0x70: {  	_ =	shalt  }
0x71: {  	_ =	shalt  }
0x72: {  	_ =	shalt  }
0x73: {  	_ =	shalt  }
0x74: {  	_ =	shalt  }
0x75: {  	_ =	shalt  }
0x76: {  	_ =	shalt  }
0x77: {  	_ =	shalt  }
0x78: {  	_ =	shalt  }
0x79: {  	_ =	shalt  }
0x7a: {  	_ =	shalt  }
0x7b: {  	_ =	shalt  }
0x7c: {  	_ =	shalt  }
0x7d: {  	_ =	shalt  }
0x7e: {  	_ =	shalt  }
0x7f: {  	_ =	shalt  }
0x80: {  	_ =	shalt  }
0x81: {  	_ =	shalt  }
0x82: {  	_ =	shalt  }
0x83: {  	_ =	shalt  }
0x84: {  	_ =	shalt  }
0x85: {  	_ =	shalt  }
0x86: {  	_ =	shalt  }
0x87: {  	_ =	shalt  }
.Lfunc_end0:
.L_simem_size_0:
called_computation.5_lowered:
.L_overlay_start_0:
0x88: {  	s2 =	sld [smem:$0x3FD9]  }
0x89: {  	s3 =	sld [smem:$0x3FFE];
	_ =	sdelay $0x1  }
0x8a: {  	s1 =	srdreg.scid  }
0x8b: {  	s0 =	sand.u32 $0x1, s1  }
0x8c: {  	s17 =	sshll.u32 s0, $0xA;
	s2 =	sadd.s32 s3, s2  }
0x8d: {  	s2 =	sadd.s32 s2, s17  }
0x8e: {  	[smem:$0x3FB8] =	sst s2  }
0x8f: {  	_ = 	snop  }
0x90: {  	(tm) =	ssettm $0x1  }
0x91: {  	s18 =	sld [smem:$0x3FFB];
	_ =	sdelay $0x3  }
0x92: {  	_ =	strace s18  }
0x93: {  	s2 =	sld [smem:$0x3FFC];
	_ =	sdelay $0x3  }
0x94: {  	_ =	strace s2  }
0x95: {  	s2 =	sld [smem:$0x3FFD];
	_ =	sdelay $0x3  }
0x96: {  	_ =	strace s2  }
0x97: {  	_ =	strace $0x8FFFFFFF  }
0x98: {  	s19 =	sld [smem:$0x3FDB];
	_ =	sdelay $0x1  }
0x99: {  	s20 =	simm.s32 $_scs_section_size  }
0x9a: {  	s4 =	simm.s32 $_size__tile_overlayer_lowered;
	s5 =	simm.s32 $_tile_overlayer_lowered  }
0x9b: {  	s6 =	simm.s32 $0x1BFF;
	s21 =	sshll.u32 s5, $0x1;
	s3 =	sadd.s32 s20, s19  }
0x9c: {  	s22 =	simm.s32 $0x0;
	s4 =	sshll.u32 s4, $0x1;
	s5 =	sadd.s32 s21, s3  }
0x9d: {  	[timem:s22], [sflag:s6] =	dma.local [hbm:s5], s4  }
0x9e: {  	_ =	swait.ge [sflag:s6], s4  }
0x9f: {  	s4 =	ssub.s32 $0x0, s4;
	[sflag:s6] =	ssyncset.done $0x0  }
0xa0: {  	[sflag:s6] =	ssyncadd.s32 s4;
	_ =	sdelay $0x1  }
0xa1: {  	s23 =	simm.s32 $0x1B8B  }
0xa2: {  	_ =	swait.ge [sflag:s23], $0x1  }
0xa3: {  	[sflag:s23] =	ssyncset.done $0x0  }
0xa4: {  	[sflag:s23] =	ssyncadd.s32 $0xFFFFFFFF  }
0xa5: {  	s4 =	sld [smem:$0x0]  }
0xa6: {  	s5 =	sand.u32 $0xFFFFFFFE, s1  }
0xa7: {  	p0 =	sne.s32 s1, s5  }
0xa8: {  	s5 =	sshll.u32 @p0 s5, $0xE  }
0xa9: {  	s5 =	sadd.s32 @p0 $0x11B8D, s5;
	s6 =	sshll.u32 @p0 s4, $0x11  }
0xaa: {  	s5 =	sor.u32 @p0 s6, s5  }
0xab: {  	[sflag:s5] =	ssyncadd.remote.s32 @p0 $0x1;
	_ =	sdelay $0x1  }
0xac: {  	s5 =	simm.s32 @p0 $0x1B8D  }
0xad: {  	_ =	swait.eq @p0 [sflag:s5], $0x1  }
0xae: {  	[sflag:s5] =	ssyncadd.s32 @p0 $0xFFFFFFFF  }
0xaf: {  	s6 =	sshll.u32 @!p0 s1, $0xE  }
0xb0: {  	s6 =	sor.u32 @!p0 $0x4000, s6;
	s5 =	simm.s32 @!p0 $0x1B8D  }
0xb1: {  	s4 =	sshll.u32 @!p0 s4, $0x11;
	s6 =	sadd.s32 @!p0 $0x11B8D, s6;
	_ =	swait.eq @!p0 [sflag:s5], $0x1  }
0xb2: {  	s4 =	sor.u32 @!p0 s4, s6;
	[sflag:s5] =	ssyncadd.s32 @!p0 $0xFFFFFFFF  }
0xb3: {  	s25 =	simm.s32 $0x1B8E;
	s24 =	sld [smem:$0x3FFE];
	[sflag:s4] =	ssyncadd.remote.s32 @!p0 $0x1  }
0xb4: {  	s26 =	simm.s32 $execute0_lowered;
	[smem:$0x3FD2] =	sst s25  }
0xb5: {  	s5 =	sshll.u32 s26, $0x1;
	_ =	strace $0x80000052;
	[dreg:$0x1] =	wrdreg $0xFFFFFFFF  }
0xb6: {  	s28 =	simm.s32 $_size_execute0_lowered;
	s3 =	sadd.s32 s3, s5;
	[dreg:$0x0] =	wrdreg $0x0  }
0xb7: {  	s5 =	sshll.u32 s28, $0x1;
	[dreg:$0x2] =	wrdreg s3  }
0xb8: {  	[dreg:$0x3] =	wrdreg s5  }
0xb9: {  	[dreg:$0x4] =	wrdreg $0xC0  }
0xba: {  	_ =	task [dreg:s22], $0x5FFFF  }
0xbb: {  	[dreg:$0x1] =	wrdreg $0xFFFFFFFF  }
0xbc: {  	[dreg:$0x0] =	wrdreg $0x60  }
0xbd: {  	[dreg:$0x2] =	wrdreg s24  }
0xbe: {  	[dreg:$0x3] =	wrdreg $0x8B000  }
0xbf: {  	[dreg:$0x4] =	wrdreg $0xA  }
0xc0: {  	_ =	task.clear_ibuf [dreg:s22], $0x5FFFF;
	_ =	strace $0x90000052  }
0xc1: {  	s29 =	simm.s32 $0xA;
	_ =	strace $0x80000054  }
0xc2: {  	_ =	swait.ge [sflag:s29], $0x1  }
0xc3: {  	[sflag:s29] =	ssyncadd.s32 $0xFFFFFFFF  }
0xc4: {  	_ =	strace $0x90000054  }
0xc5: {  	_ =	sfence  }
0xc6: {  	s30 =	sld [smem:$0x0];
	_ =	sdelay $0x2  }
0xc7: {  	s31 =	sshll.u32 s1, $0xD;
	s1 =	sshrl.u32 s1, $0x2  }
0xc8: {  	s4 =	sand.u32 $0x4000, s31;
	s1 =	sadd.s32 s1, s30  }
0xc9: {  	s0 =	sor.u32 s4, s0;
	s1 =	sshll.u32 s1, $0x11  }
0xca: {  	s0 =	sor.u32 s1, s0  }
0xcb: {  	s0 =	sadd.s32 $0x8F2B, s0  }
0xcc: {  	[sflag:s0] =	ssyncadd.remote.s32 $0x1  }
0xcd: {  	_ =	sfence.sel $0xFFFF  }
0xce: {  	[dreg:$0x0] =	wrdreg $0xFFFFFFFF;
	(pc) =	sbr.abs _section_cstart, $3  }
0xcf: {  	[dreg:$0x1] =	wrdreg $0xFFFFFFFF  }
0xd0: {  	_ =	task.clear_ibuf [dreg:s22], $0x2FFFF;
	_ =	strace $0x9FFFFFFF  }
0xd1: {  	(tm) =	ssettm $0x7FFFFFFF  }
tec
execute0_lowered:
.L_overlay_start_1:
0x0: {  	(tag) =	ssettag $0x1  }
0x1: {  	s0 =	rddreg [dreg:$0x0]  }
0x2: {  	s1 =	rddreg [dreg:$0x1]  }
0x3: {  	s2 =	simm.s32 $0x0;
	s3 =	srdreg.scid;
	s17 =	stileid.u32  }
0x4: {  	s28 =	simm.s32 $0xB00;
	s29 =	simm.s32 $0x5;
	s30 =	simm.s32 $0xA00  }
0x5: {  	s31 =	simm.s32 $0x80;
	[smem:$0x7FF] =	sst s2;
	s4 =	sadd.s32 $0x38A00, s0  }
0x6: {  	s5 =	sadd.s32 $0xBA00, s0;
	s6 =	sadd.s32 $0x6A00, s0;
	s9 =	smul.u32 $0x50000, s17  }
0x7: {  	s3 =	sand.u32 $0x1, s3;
	s7 =	sshll.u32 s17, $0x1;
	s22 =	smul.u32 $0x14000, s17  }
0x8: {  	s10 =	sadd.s32 $0xEC600, s0;
	s17 =	smul.u32 $0x50, s17;
	s20 =	sadd.s32 $0x6B30, s0  }
0x9: {  	_ =	strace $0x80000053;
	s8 =	ssub.s32 $0x2, s3;
	s12 =	smul.u32 $0x140000, s3  }
0xa: {  	s7 =	sor.u32 s3, s7;
	s3 =	smul.u32 $0x28, s3;
	s11 =	sshrl.u32 s8, $0x1  }
0xb: {  	s7 =	smul.u32 $0x28, s7;
	s21 =	sshrl.u32 s9, $0x2;
	s25 =	sadd.s32 $0x4000, s22  }
0xc: {  	s15 =	sadd.s32 $0x8000, s22;
	s18 =	sadd.s32 $0xC000, s22;
	s11 =	ssub.s32 s8, s11  }
0xd: {  	s9 =	sadd.s32 $0x10000, s22;
	s8 =	sadd.s32 s21, s1;
	s11 =	smax.u32 s11, $0x1  }
0xe: {  	s26 =	sadd.s32 s12, s22;
	s23 =	sadd.s32 $0x4000, s8;
	[dreg:$0x3] =	wrdreg s11  }
0xf: {  	s14 =	sadd.s32 s12, s25;
	s24 =	sadd.s32 $0x8000, s8;
	[dreg:$0x4] =	wrdreg s23  }
0x10: {  	s16 =	sadd.s32 s12, s15;
	s13 =	sadd.s32 $0xC000, s8;
	[dreg:$0x5] =	wrdreg s24  }
0x11: {  	s14 =	sshrl.u32 s14, $0x3;
	s22 =	sadd.s32 $0x10000, s8;
	[dreg:$0x6] =	wrdreg s13  }
0x12: {  	s19 =	sadd.s32 s3, s17;
	s14 =	sadd.s32 s10, s14;
	[dreg:$0xc] =	wrdreg s22  }
0x13: {  	s3 =	simm.s32 $0xA80;
	s23 =	sadd.s32 s25, s1;
	[dreg:$0x8] =	wrdreg s14  }
0x14: {  	s13 =	sshrl.u32 s26, $0x3;
	s24 =	sadd.s32 s15, s1;
	[dreg:$0xd] =	wrdreg s23  }
0x15: {  	s25 =	sadd.s32 s18, s1;
	s26 =	sadd.s32 s9, s1;
	[dreg:$0xe] =	wrdreg s24  }
0x16: {  	s11 =	simm.s32 $0x2;
	s13 =	sadd.s32 s10, s13;
	[dreg:$0xf] =	wrdreg s25  }
0x17: {  	[dreg:$0x10] =	wrdreg s26;
	s25 =	sadd.s32 $0x6A10, s0;
	s26 =	sor.u32 $0x2, s19  }
0x18: {  	s0 =	simm.s32 $0x4B00;
	s14 =	simm.s32 $0x0;
	[dreg:$0x7] =	wrdreg s13  }
0x19: {  	s13 =	sshrl.u32 s16, $0x3;
	s16 =	sadd.s32 s12, s18;
	s12 =	sadd.s32 s12, s9  }
0x1a: {  	s9 =	simm.s32 $0x1;
	s16 =	sshrl.u32 s16, $0x3;
	s13 =	sadd.s32 s10, s13  }
0x1b: {  	s12 =	sshrl.u32 s12, $0x3;
	[dreg:$0x9] =	wrdreg s13;
	s21 =	sadd.s32 s10, s16  }
0x1c: {  	s10 =	sadd.s32 s10, s12;
	s12 =	simm.s32 $0x4;
	[dreg:$0xa] =	wrdreg s21  }
0x1d: {  	v0 =	vimm.f32 $0.0e+00;
	s13 =	simm.s32 $0x980;
	[dreg:$0xb] =	wrdreg s10;
	s10 =	simm.s32 $0x3  }
.LBB2_1:
0x1e: {  	s15 =	sand.u32 $0xFE00, s2  }
0x1f: {  	s16 =	sand.u32 $0x70, s2;
	s17 =	sshrl.u32 s15, $0x2  }
0x20: {  	s15 =	simm.s32 $0x40;
	s17 =	sor.u32 s16, s17;
	s16 =	simm.s32 $0x0  }
.LBB2_2:
0x21: {  	p0 =	sne.s32 s15, $0xFFC0  }
0x22: {  	[tilespmem:s17+$0xB00] =	vst v0;
	s16 =	sadd.s32 $0x10, s16;
	s17 =	smov.u32 s15;
	s15 =	sadd.s32 $0x40, s15  }
.Ltmp0:
0x23: {  	(pc) =	sbr.rel @p0 .LBB2_2-.Ltmp0, $4  }
0x24: {  	_ = 	snop  }
0x25: {  	s17 =	sand.u32 $0xFE00, s17  }
0x26: {  	s18 =	sand.u32 $0x70, s16;
	s17 =	sshrl.u32 s17, $0x2  }
0x27: {  	s17 =	sor.u32 s18, s17  }
0x28: {  	[tilespmem:s17+$0xB00] =	vst v0  }
0x29: {  	[spmem:s8] =	stream.linear.scatter [tilespmem:s28], [sflag:$0x5], $0x4000, $0x38;
	[tilespmem:$0x1CB00] =	vst v63  }
0x2a: {  	_ =	swait.ge [sflag:s29], $0x4000  }
0x2b: {  	[sflag:s29] =	ssyncset.done $0x0  }
0x2c: {  	s15 =	rddreg [dreg:$0x4];
	[sflag:s29] =	ssyncadd.s32 $0xFFFFC000  }
0x2d: {  	[spmem:s15] =	stream.linear.scatter [tilespmem:s28], [sflag:$0x5], $0x4000, $0x38;
	[tilespmem:$0x1CB00] =	vst v63  }
0x2e: {  	_ =	swait.ge [sflag:s29], $0x4000  }
0x2f: {  	[sflag:s29] =	ssyncset.done $0x0  }
0x30: {  	s22 =	rddreg [dreg:$0x5];
	[sflag:s29] =	ssyncadd.s32 $0xFFFFC000  }
0x31: {  	[spmem:s22] =	stream.linear.scatter [tilespmem:s28], [sflag:$0x5], $0x4000, $0x38;
	[tilespmem:$0x1CB00] =	vst v63  }
0x32: {  	_ =	swait.ge [sflag:s29], $0x4000  }
0x33: {  	[sflag:s29] =	ssyncset.done $0x0  }
0x34: {  	s23 =	rddreg [dreg:$0x6];
	[sflag:s29] =	ssyncadd.s32 $0xFFFFC000  }
0x35: {  	[spmem:s23] =	stream.linear.scatter [tilespmem:s28], [sflag:$0x5], $0x4000, $0x38;
	[tilespmem:$0x1CB00] =	vst v63  }
0x36: {  	_ =	swait.ge [sflag:s29], $0x4000  }
0x37: {  	[sflag:s29] =	ssyncset.done $0x0  }
0x38: {  	s24 =	rddreg [dreg:$0xc];
	[sflag:s29] =	ssyncadd.s32 $0xFFFFC000  }
0x39: {  	[spmem:s24] =	stream.linear.scatter [tilespmem:s28], [sflag:$0x5], $0x4000, $0x38;
	[tilespmem:$0x1CB00] =	vst v63  }
0x3a: {  	_ =	swait.ge [sflag:s29], $0x4000  }
0x3b: {  	[sflag:s29] =	ssyncset.done $0x0  }
0x3c: {  	p1 =	por $0x1, $0x1;
	[sflag:s29] =	ssyncadd.s32 $0xFFFFC000  }
0x3d: {  	s18 =	simm.s32 $0x0;
	s15 =	simm.s32 $0x0;
	[bflag:$0x0] =	sbarrier.arrive $0xFFFF  }
.LBB2_4:
0x3e: {  	s21 =	smul.u32 $0x14, s18;
	_ =	sdelay $0x1  }
0x3f: {  	s16 =	sadd.s32 s7, s21  }
0x40: {  	s16 =	sshll.u32 s16, $0x4  }
0x41: {  	s17 =	sadd.s32 s5, s16  }
0x42: {  	[tilespmem:s15], [sflag:$0x5] =	stream.linear.gather [hbm4b:s17+s15], $0xA00, $0x38;
	[tilespmem:$0x1CB00] =	vst v63  }
0x43: {  	s24 =	sshll.u32 s18, $0x6;
	_ =	swait.ge [sflag:s29], $0xA00  }
0x44: {  	s18 =	sadd.s32 s6, s24;
	[sflag:s29] =	ssyncset.done $0x0  }
0x45: {  	s22 =	sand.u32 $0xFFFFF80, s16;
	s17 =	simm.s32 $0x80;
	[sflag:s29] =	ssyncadd.s32 $0xFFFFF600  }
0x46: {  	[tilespmem:s28], [sflag:$0x1] =	stream.indirect.gather [hbm4b:s4+s17], $0x80, s15, s17, $0xb8;
	[tilespmem:$0x1CB00] =	vst v63  }
0x47: {  	s23 =	sadd.s32 s21, s19;
	s18 =	sadd.s32 s22, s18  }
0x48: {  	[tilespmem:s30], [sflag:$0x3] =	stream.linear.gather [hbm4b:s18+s15], $0x80, $0x38;
	[tilespmem:$0x1CB00] =	vst v63  }
0x49: {  	s18 =	sand.u32 $0xFFFFFF, s23  }
0x4a: {  	s18 =	sshll.u32 s18, $0x4  }
0x4b: {  	s18 =	sadd.s32 s18, s25  }
0x4c: {  	[tilespmem:s0], [sflag:$0x2] =	stream.indirect.gather [hbm4b:s4+s31], $0x80, s17, s31, $0xb8;
	[tilespmem:$0x1CB00] =	vst v63  }
0x4d: {  	s24 =	sadd.s32 $0x0, s18  }
0x4e: {  	[tilespmem:s3], [sflag:$0x4] =	stream.linear.gather [hbm4b:s24+s2], $0x80, $0x38;
	[tilespmem:$0x1CB00] =	vst v63  }
0x4f: {  	_ =	swait.ge [sflag:s9], $0x4000  }
0x50: {  	[sflag:s9] =	ssyncset.done $0x0  }
0x51: {  	[sflag:s9] =	ssyncadd.s32 $0xFFFFC000  }
0x52: {  	_ =	swait.ge [sflag:s10], $0x80  }
0x53: {  	[sflag:s10] =	ssyncset.done $0x0  }
0x54: {  	s21 =	sadd.s32 s21, s26;
	[sflag:s10] =	ssyncadd.s32 $0xFFFFFF80  }
0x55: {  	[spmem:s1] =	stream.indirect.scatter.add.f32 [tilespmem:s28], [sflag:$0x5], $0x80, s30, s31, $0xb8;
	[tilespmem:$0x1CB00] =	vst v63  }
0x56: {  	s21 =	sshll.u32 s21, $0x4;
	_ =	swait.ge [sflag:s29], $0x4000  }
0x57: {  	s21 =	sand.u32 $0xFFFFFFE0, s21;
	[sflag:s29] =	ssyncset.done $0x0  }
0x58: {  	s21 =	sadd.s32 s21, s6;
	s23 =	simm.s32 $0x100;
	[sflag:s29] =	ssyncadd.s32 $0xFFFFC000  }
0x59: {  	[tilespmem:s28], [sflag:$0x1] =	stream.indirect.gather [hbm4b:s4+s31], $0x80, s23, s31, $0xb8;
	[tilespmem:$0x1CB00] =	vst v63  }
0x5a: {  	s24 =	sadd.s32 $0x0, s21  }
0x5b: {  	[tilespmem:s30], [sflag:$0x3] =	stream.linear.gather [hbm4b:s24+s2], $0x80, $0x38;
	[tilespmem:$0x1CB00] =	vst v63  }
0x5c: {  	_ =	swait.ge [sflag:s11], $0x4000  }
0x5d: {  	[sflag:s11] =	ssyncset.done $0x0  }
0x5e: {  	[sflag:s11] =	ssyncadd.s32 $0xFFFFC000  }
0x5f: {  	_ =	swait.ge [sflag:s12], $0x80  }
0x60: {  	[sflag:s12] =	ssyncset.done $0x0  }
0x61: {  	[sflag:s12] =	ssyncadd.s32 $0xFFFFFF80  }
0x62: {  	[spmem:s1] =	stream.indirect.scatter.add.f32 [tilespmem:s0], [sflag:$0x5], $0x80, s3, s31, $0xb8;
	[tilespmem:$0x1CB00] =	vst v63  }
0x63: {  	_ =	swait.ge [sflag:s29], $0x4000  }
0x64: {  	p0 =	por p1, p1;
	s22 =	simm.s32 $0x20;
	[sflag:s29] =	ssyncset.done $0x0  }
.LBB2_5:
0x65: {  	p1 =	sne.s32 s22, $0x100;
	[sflag:s29] =	ssyncadd.s32 $0xFFFFC000;
	s17 =	sadd.s32 $0x100, s17  }
0x66: {  	[tilespmem:s0], [sflag:$0x2] =	stream.indirect.gather [hbm4b:s4+s31], $0x80, s17, s31, $0xb8;
	[tilespmem:$0x1CB00] =	vst v63  }
0x67: {  	s23 =	sadd.s32 s22, s18;
	s24 =	smov.u32 s22;
	s22 =	sadd.s32 $0x20, s22  }
0x68: {  	[tilespmem:s3], [sflag:$0x4] =	stream.linear.gather [hbm4b:s23+s2], $0x80, $0x38;
	[tilespmem:$0x1CB00] =	vst v63  }
0x69: {  	_ =	swait.ge [sflag:s9], $0x4000  }
0x6a: {  	[sflag:s9] =	ssyncset.done $0x0  }
0x6b: {  	[sflag:s9] =	ssyncadd.s32 $0xFFFFC000  }
0x6c: {  	_ =	swait.ge [sflag:s10], $0x80  }
0x6d: {  	[sflag:s10] =	ssyncset.done $0x0  }
0x6e: {  	[sflag:s10] =	ssyncadd.s32 $0xFFFFFF80  }
0x6f: {  	[spmem:s1] =	stream.indirect.scatter.add.f32 [tilespmem:s28], [sflag:$0x5], $0x80, s30, s31, $0xb8;
	[tilespmem:$0x1CB00] =	vst v63  }
0x70: {  	_ =	swait.ge [sflag:s29], $0x4000  }
0x71: {  	[sflag:s29] =	ssyncset.done $0x0  }
0x72: {  	s23 =	sadd.s32 $0x80, s17;
	[sflag:s29] =	ssyncadd.s32 $0xFFFFC000  }
0x73: {  	[tilespmem:s28], [sflag:$0x1] =	stream.indirect.gather [hbm4b:s4+s31], $0x80, s23, s31, $0xb8;
	[tilespmem:$0x1CB00] =	vst v63  }
0x74: {  	s23 =	sadd.s32 s24, s21  }
0x75: {  	[tilespmem:s30], [sflag:$0x3] =	stream.linear.gather [hbm4b:s23+s2], $0x80, $0x38;
	[tilespmem:$0x1CB00] =	vst v63  }
0x76: {  	_ =	swait.ge [sflag:s11], $0x4000  }
0x77: {  	[sflag:s11] =	ssyncset.done $0x0  }
0x78: {  	[sflag:s11] =	ssyncadd.s32 $0xFFFFC000  }
0x79: {  	_ =	swait.ge [sflag:s12], $0x80  }
.Ltmp1:
0x7a: {  	[sflag:s12] =	ssyncset.done $0x0;
	(pc) =	sbr.rel @p1 .LBB2_5-.Ltmp1, $4  }
0x7b: {  	[sflag:s12] =	ssyncadd.s32 $0xFFFFFF80  }
0x7c: {  	[spmem:s1] =	stream.indirect.scatter.add.f32 [tilespmem:s0], [sflag:$0x5], $0x80, s3, s31, $0xb8;
	[tilespmem:$0x1CB00] =	vst v63  }
0x7d: {  	_ =	swait.ge [sflag:s29], $0x4000  }
0x7e: {  	[sflag:s29] =	ssyncset.done $0x0  }
0x7f: {  	[sflag:s29] =	ssyncadd.s32 $0xFFFFC000  }
0x80: {  	[tilespmem:s0], [sflag:$0x2] =	stream.indirect.gather [hbm4b:s4+s31], $0x80, s13, s31, $0xb8;
	[tilespmem:$0x1CB00] =	vst v63  }
0x81: {  	s16 =	sadd.s32 s20, s16;
	s18 =	simm.s32 $0x1  }
0x82: {  	[tilespmem:s3], [sflag:$0x4] =	stream.linear.gather [hbm4b:s16+s2], $0x80, $0x38;
	[tilespmem:$0x1CB00] =	vst v63  }
0x83: {  	_ =	swait.ge [sflag:s18], $0x4000  }
0x84: {  	[sflag:s18] =	ssyncset.done $0x0  }
0x85: {  	[sflag:s18] =	ssyncadd.s32 $0xFFFFC000  }
0x86: {  	_ =	swait.ge [sflag:s10], $0x80  }
0x87: {  	[sflag:s10] =	ssyncset.done $0x0  }
0x88: {  	[sflag:s10] =	ssyncadd.s32 $0xFFFFFF80  }
0x89: {  	[spmem:s1] =	stream.indirect.scatter.add.f32 [tilespmem:s28], [sflag:$0x5], $0x80, s30, s31, $0xb8;
	[tilespmem:$0x1CB00] =	vst v63  }
0x8a: {  	_ =	swait.ge [sflag:s29], $0x4000  }
0x8b: {  	[sflag:s29] =	ssyncset.done $0x0  }
0x8c: {  	[sflag:s29] =	ssyncadd.s32 $0xFFFFC000  }
0x8d: {  	_ =	swait.ge [sflag:s11], $0x4000  }
0x8e: {  	[sflag:s11] =	ssyncset.done $0x0  }
0x8f: {  	[sflag:s11] =	ssyncadd.s32 $0xFFFFC000  }
0x90: {  	_ =	swait.ge [sflag:s12], $0x80  }
0x91: {  	[sflag:s12] =	ssyncset.done $0x0  }
.Ltmp2:
0x92: {  	[sflag:s12] =	ssyncadd.s32 $0xFFFFFF80;
	(pc) =	sbr.rel @p0 .LBB2_4-.Ltmp2, $4  }
0x93: {  	[spmem:s1] =	stream.indirect.scatter.add.f32 [tilespmem:s0], [sflag:$0x5], $0x80, s3, s31, $0xb8;
	[tilespmem:$0x1CB00] =	vst v63  }
0x94: {  	_ =	swait.ge [sflag:s29], $0x4000  }
0x95: {  	[sflag:s29] =	ssyncset.done $0x0  }
0x96: {  	p1 =	por $0x0, $0x0;
	[sflag:s29] =	ssyncadd.s32 $0xFFFFC000  }
0x97: {  	[bflag:$0x0] =	sbarrier.arrive $0xFFFF  }
0x98: {  	[tilespmem:s28], [sflag:$0x5] =	stream.linear.gather [spmem:s8], $0x4000, $0x38;
	[tilespmem:$0x1CB00] =	vst v63  }
0x99: {  	_ =	swait.ge [sflag:s29], $0x4000  }
0x9a: {  	[sflag:s29] =	ssyncset.done $0x0  }
0x9b: {  	s15 =	rddreg [dreg:$0x7];
	[sflag:s29] =	ssyncadd.s32 $0xFFFFC000  }
0x9c: {  	[hbm4b:s15+s2] =	stream.linear.scatter [tilespmem:s28], [sflag:$0x5], $0x4000, $0x38;
	[tilespmem:$0x1CB00] =	vst v63  }
0x9d: {  	_ =	swait.ge [sflag:s29], $0x4000  }
0x9e: {  	[sflag:s29] =	ssyncset.done $0x0  }
0x9f: {  	s23 =	rddreg [dreg:$0xd];
	[sflag:s29] =	ssyncadd.s32 $0xFFFFC000  }
0xa0: {  	[tilespmem:s28], [sflag:$0x5] =	stream.linear.gather [spmem:s23], $0x4000, $0x38;
	[tilespmem:$0x1CB00] =	vst v63  }
0xa1: {  	_ =	swait.ge [sflag:s29], $0x4000  }
0xa2: {  	[sflag:s29] =	ssyncset.done $0x0  }
0xa3: {  	s24 =	rddreg [dreg:$0x8];
	[sflag:s29] =	ssyncadd.s32 $0xFFFFC000  }
0xa4: {  	[hbm4b:s24+s2] =	stream.linear.scatter [tilespmem:s28], [sflag:$0x5], $0x4000, $0x38;
	[tilespmem:$0x1CB00] =	vst v63  }
0xa5: {  	_ =	swait.ge [sflag:s29], $0x4000  }
0xa6: {  	[sflag:s29] =	ssyncset.done $0x0  }
0xa7: {  	s16 =	rddreg [dreg:$0xe];
	[sflag:s29] =	ssyncadd.s32 $0xFFFFC000  }
0xa8: {  	[tilespmem:s28], [sflag:$0x5] =	stream.linear.gather [spmem:s16], $0x4000, $0x38;
	[tilespmem:$0x1CB00] =	vst v63  }
0xa9: {  	_ =	swait.ge [sflag:s29], $0x4000  }
0xaa: {  	[sflag:s29] =	ssyncset.done $0x0  }
0xab: {  	s17 =	rddreg [dreg:$0x9];
	[sflag:s29] =	ssyncadd.s32 $0xFFFFC000  }
0xac: {  	[hbm4b:s17+s2] =	stream.linear.scatter [tilespmem:s28], [sflag:$0x5], $0x4000, $0x38;
	[tilespmem:$0x1CB00] =	vst v63  }
0xad: {  	_ =	swait.ge [sflag:s29], $0x4000  }
0xae: {  	[sflag:s29] =	ssyncset.done $0x0  }
0xaf: {  	s18 =	rddreg [dreg:$0xf];
	[sflag:s29] =	ssyncadd.s32 $0xFFFFC000  }
0xb0: {  	[tilespmem:s28], [sflag:$0x5] =	stream.linear.gather [spmem:s18], $0x4000, $0x38;
	[tilespmem:$0x1CB00] =	vst v63  }
0xb1: {  	_ =	swait.ge [sflag:s29], $0x4000  }
0xb2: {  	[sflag:s29] =	ssyncset.done $0x0  }
0xb3: {  	s21 =	rddreg [dreg:$0xa];
	[sflag:s29] =	ssyncadd.s32 $0xFFFFC000  }
0xb4: {  	[hbm4b:s21+s2] =	stream.linear.scatter [tilespmem:s28], [sflag:$0x5], $0x4000, $0x38;
	[tilespmem:$0x1CB00] =	vst v63  }
0xb5: {  	_ =	swait.ge [sflag:s29], $0x4000  }
0xb6: {  	[sflag:s29] =	ssyncset.done $0x0  }
0xb7: {  	s22 =	rddreg [dreg:$0x10];
	[sflag:s29] =	ssyncadd.s32 $0xFFFFC000  }
0xb8: {  	[tilespmem:s28], [sflag:$0x5] =	stream.linear.gather [spmem:s22], $0x4000, $0x38;
	[tilespmem:$0x1CB00] =	vst v63  }
0xb9: {  	_ =	swait.ge [sflag:s29], $0x4000  }
0xba: {  	[sflag:s29] =	ssyncset.done $0x0  }
0xbb: {  	s23 =	rddreg [dreg:$0xb];
	[sflag:s29] =	ssyncadd.s32 $0xFFFFC000  }
0xbc: {  	[hbm4b:s23+s2] =	stream.linear.scatter [tilespmem:s28], [sflag:$0x5], $0x4000, $0x38;
	[tilespmem:$0x1CB00] =	vst v63  }
0xbd: {  	_ =	swait.ge [sflag:s29], $0x4000  }
0xbe: {  	s14 =	sadd.s32 $0x1, s14;
	s24 =	rddreg [dreg:$0x3]  }
0xbf: {  	p0 =	sne.s32 s14, s24  }
.Ltmp3:
0xc0: {  	_ = 	snop;
	(pc) =	sbr.rel @p0 .LBB2_1-.Ltmp3, $3  }
0xc1: {  	_ =	sdelay $0x1  }
0xc2: {  	[sflag:s29] =	ssyncset.done $0x0  }
0xc3: {  	[sflag:s29] =	ssyncadd.s32 $0xFFFFC000  }
0xc4: {  	_ =	sfence.sel $0x180000  }
0xc5: {  	[bflag:$0x0] =	sbarrier.arrive $0xFFFF  }
0xc6: {  	_ =	strace $0x90000053  }
0xc7: {  	s0 =	stileid.u32;
	[bflag:$0x2] =	sbarrier.arrive $0xFFFF  }
0xc8: {  	p0 =	sne.s32 s0, $0x0;
	s0 =	rddreg [dreg:$0x2]  }
0xc9: {  	s0 =	sadd.s32 @!p0 $0x100000, s0  }
0xca: {  	[sflag:s0] =	ssyncadd.tile.s32 @!p0 $0x1;
	_ =	shalt  }
.Lfunc_end2:
_tile_overlayer_lowered:
.L_overlay_start_2:
0xcb: {  	(tag) =	ssettag $0x2  }
0xcc: {  	s0 =	rddreg [dreg:$0x0];
	s2 =	stileid.u32  }
0xcd: {  	s1 =	rddreg [dreg:$0x1];
	p0 =	sne.s32 s2, $0x0  }
0xce: {  	s3 =	rddreg [dreg:$0x2];
	[bflag:$0x3] =	sbarrier.arrive $0xFFFF;
	s2 =	simm.s32 @!p0 $0x1C06  }
0xcf: {  	[timem:s3], [sflag:s2] =	dma.local @!p0 [hbm:s0], s1  }
0xd0: {  	s0 =	simm.s32 @!p0 $0x6  }
0xd1: {  	_ =	swait.ge @!p0 [sflag:s0], s1  }
0xd2: {  	s1 =	ssub.s32 @!p0 $0x0, s1;
	[sflag:s0] =	ssyncset.done @!p0 $0x0  }
0xd3: {  	[sflag:s0] =	ssyncadd.s32 @!p0 s1  }
0xd4: {  	[bflag:$0x3] =	sbarrier.arrive $0xFFFF  }
0xd5: {  	_ =	shalt  }

</sc_bundles>
